<compile_context>
chip_gen: v7x
topology: tpu7x:2x2x1
jax: 0.10.2.dev20260603
libtpu: 0.0.44.dev20260713+nightly
codegen_flags: <defaults>
</compile_context>

<pallas_src>
import jax
import jax.numpy as jnp
from jax import lax
from jax.experimental import pallas as pl
from jax.experimental.pallas import tpu as pltpu
from jax.experimental.pallas import tpu_sc as plsc

_F32 = jnp.float32

_NUM_CORES = 2
_NUM_SUBCORES = 16
_NW = _NUM_CORES * _NUM_SUBCORES
_B = 128


def _mesh():
    return plsc.VectorSubcoreMesh(
        core_axis_name="c", subcore_axis_name="s",
        num_cores=_NUM_CORES, num_subcores=_NUM_SUBCORES)


def _vcopy2(srcb, dstb):
    for j in range(2):
        for t in range(_B // 16):
            dstb[j, pl.ds(16 * t, 16)] = srcb[j, pl.ds(16 * t, 16)]


def _sc_degree(ep0, zeros16, ones_b16, n, np_, e):
    nb = (e // _B) // _NW
    rpt = np_ // _NUM_SUBCORES

    def body(ep_hbm, ones_hbm, zeros_hbm, out_hbm,
             acc, ia, ib, pa, pb, ones, sia, sib, ssa, ssb):
        cid = lax.axis_index("c")
        sid = lax.axis_index("s")
        r0 = sid * rpt
        pltpu.sync_copy(zeros_hbm, acc.at[pl.ds(r0, rpt)])
        pltpu.sync_copy(ones_hbm, ones)
        plsc.subcore_barrier()
        jb = (cid * _NUM_SUBCORES + sid) * nb

        def istart(k, ibuf, sem):
            pltpu.async_copy(ep_hbm.at[jb + k], ibuf, sem)

        def iwait(ibuf, sem):
            pltpu.make_async_copy(ep_hbm.at[jb], ibuf, sem).wait()

        def sstart(pbuf, sem):
            pltpu.async_copy(ones, acc.at[pbuf.at[0]], sem, add=True)

        def swait(pbuf, sem):
            pltpu.make_async_copy(ones, acc.at[pbuf.at[0]], sem).wait()

        istart(0, ia, sia)
        istart(1, ib, sib)
        iwait(ia, sia)
        _vcopy2(ia, pa)
        istart(2, ia, sia)
        sstart(pa, ssa)
        iwait(ib, sib)
        _vcopy2(ib, pb)
        istart(3, ib, sib)

        def pair(g, carry):
            k = 2 * g + 1
            sstart(pb, ssb)
            iwait(ia, sia)
            swait(pa, ssa)
            _vcopy2(ia, pa)
            istart(k + 3, ia, sia)
            sstart(pa, ssa)
            iwait(ib, sib)
            swait(pb, ssb)
            _vcopy2(ib, pb)
            istart(k + 4, ib, sib)
            return carry

        lax.fori_loop(0, (nb - 2) // 2, pair, 0)
        sstart(pb, ssb)
        swait(pa, ssa)
        swait(pb, ssb)
        iwait(ia, sia)
        iwait(ib, sib)
        plsc.subcore_barrier()
        pltpu.sync_copy(acc.at[pl.ds(r0, rpt)], out_hbm.at[cid, pl.ds(r0, rpt)])

    f = pl.kernel(
        body,
        out_type=jax.ShapeDtypeStruct((_NUM_CORES, np_, 16), _F32),
        mesh=_mesh(),
        compiler_params=pltpu.CompilerParams(use_tc_tiling_on_sc=False),
        scratch_types=[
            pltpu.VMEM_SHARED((np_, 16), _F32),
            pltpu.VMEM((2, _B), jnp.int32),
            pltpu.VMEM((2, _B), jnp.int32),
            pltpu.VMEM((2, _B), jnp.int32),
            pltpu.VMEM((2, _B), jnp.int32),
            pltpu.VMEM((_B, 16), _F32),
            pltpu.SemaphoreType.DMA,
            pltpu.SemaphoreType.DMA,
            pltpu.SemaphoreType.DMA,
            pltpu.SemaphoreType.DMA,
        ],
    )
    return f(ep0, ones_b16, zeros16)


def _stream_loop(t_hbm, ep_hbm, acc, ia, ib, pa, pb, b0, b1,
                 sia, sib, sg, ssa, ssb, jb, nb):
    def istart(k, ibuf, sem):
        pltpu.async_copy(ep_hbm.at[jb + k], ibuf, sem)

    def iwait(ibuf, sem):
        pltpu.make_async_copy(ep_hbm.at[jb], ibuf, sem).wait()

    def gstart(pbuf, buf):
        pltpu.async_copy(t_hbm.at[pbuf.at[0]], buf, sg)

    def gwait(pbuf, buf):
        pltpu.make_async_copy(t_hbm.at[pbuf.at[0]], buf, sg).wait()

    def sstart(pbuf, buf, sem):
        pltpu.async_copy(buf, acc.at[pbuf.at[1]], sem, add=True)

    def swait(pbuf, buf, sem):
        pltpu.make_async_copy(buf, acc.at[pbuf.at[1]], sem).wait()

    istart(0, ia, sia)
    istart(1, ib, sib)
    iwait(ia, sia)
    _vcopy2(ia, pa)
    istart(2, ia, sia)
    gstart(pa, b0)
    gwait(pa, b0)
    sstart(pa, b0, ssa)
    iwait(ib, sib)
    _vcopy2(ib, pb)
    istart(3, ib, sib)
    gstart(pb, b1)

    def pair(g, carry):
        k = 2 * g + 1
        gwait(pb, b1)
        sstart(pb, b1, ssb)
        iwait(ia, sia)
        swait(pa, b0, ssa)
        _vcopy2(ia, pa)
        istart(k + 3, ia, sia)
        gstart(pa, b0)
        gwait(pa, b0)
        sstart(pa, b0, ssa)
        iwait(ib, sib)
        swait(pb, b1, ssb)
        _vcopy2(ib, pb)
        istart(k + 4, ib, sib)
        gstart(pb, b1)
        return carry

    lax.fori_loop(0, (nb - 2) // 2, pair, 0)
    gwait(pb, b1)
    sstart(pb, b1, ssb)
    swait(pa, b0, ssa)
    swait(pb, b1, ssb)
    iwait(ia, sia)
    iwait(ib, sib)


def _sc_spmm_main(g0, g1, ep, zeros_w, n, np_, e, w):
    nb = (e // _B) // _NUM_SUBCORES
    rpt = np_ // _NUM_SUBCORES

    def body(g0_hbm, g1_hbm, ep_hbm, zeros_hbm, out_hbm,
             acc, ia, ib, pa, pb, b0, b1, sia, sib, sg, ssa, ssb):
        cid = lax.axis_index("c")
        sid = lax.axis_index("s")
        r0 = sid * rpt
        pltpu.sync_copy(zeros_hbm, acc.at[pl.ds(r0, rpt)])
        plsc.subcore_barrier()
        jb = sid * nb

        @pl.when(cid == 0)
        def _():
            _stream_loop(g0_hbm, ep_hbm, acc, ia, ib, pa, pb, b0, b1,
                         sia, sib, sg, ssa, ssb, jb, nb)

        @pl.when(cid == 1)
        def _():
            _stream_loop(g1_hbm, ep_hbm, acc, ia, ib, pa, pb, b0, b1,
                         sia, sib, sg, ssa, ssb, jb, nb)

        plsc.subcore_barrier()
        pltpu.sync_copy(acc.at[pl.ds(r0, rpt)], out_hbm.at[cid, pl.ds(r0, rpt)])

    f = pl.kernel(
        body,
        out_type=jax.ShapeDtypeStruct((_NUM_CORES, np_, w), _F32),
        mesh=_mesh(),
        compiler_params=pltpu.CompilerParams(use_tc_tiling_on_sc=False),
        scratch_types=[
            pltpu.VMEM_SHARED((np_, w), _F32),
            pltpu.VMEM((2, _B), jnp.int32),
            pltpu.VMEM((2, _B), jnp.int32),
            pltpu.VMEM((2, _B), jnp.int32),
            pltpu.VMEM((2, _B), jnp.int32),
            pltpu.VMEM((_B, w), _F32),
            pltpu.VMEM((_B, w), _F32),
            pltpu.SemaphoreType.DMA,
            pltpu.SemaphoreType.DMA,
            pltpu.SemaphoreType.DMA,
            pltpu.SemaphoreType.DMA,
            pltpu.SemaphoreType.DMA,
        ],
    )
    return f(g0, g1, ep, zeros_w)


def _sc_spmm_small(hw2, ep, zeros16, n, np_, e, c_dim):
    nb = (e // _B) // _NW
    rpt = np_ // _NUM_SUBCORES

    def body(t_hbm, ep_hbm, zeros_hbm, out_hbm,
             acc, ia, ib, pa, pb, b0, b1, sia, sib, sg, ssa, ssb):
        cid = lax.axis_index("c")
        sid = lax.axis_index("s")
        r0 = sid * rpt
        pltpu.sync_copy(zeros_hbm, acc.at[pl.ds(r0, rpt)])
        plsc.subcore_barrier()
        jb = (cid * _NUM_SUBCORES + sid) * nb
        _stream_loop(t_hbm, ep_hbm, acc, ia, ib, pa, pb, b0, b1,
                     sia, sib, sg, ssa, ssb, jb, nb)
        plsc.subcore_barrier()
        pltpu.sync_copy(acc.at[pl.ds(r0, rpt)], out_hbm.at[cid, pl.ds(r0, rpt)])

    f = pl.kernel(
        body,
        out_type=jax.ShapeDtypeStruct((_NUM_CORES, np_, c_dim), _F32),
        mesh=_mesh(),
        compiler_params=pltpu.CompilerParams(use_tc_tiling_on_sc=False),
        scratch_types=[
            pltpu.VMEM_SHARED((np_, c_dim), _F32),
            pltpu.VMEM((2, _B), jnp.int32),
            pltpu.VMEM((2, _B), jnp.int32),
            pltpu.VMEM((2, _B), jnp.int32),
            pltpu.VMEM((2, _B), jnp.int32),
            pltpu.VMEM((_B, c_dim), _F32),
            pltpu.VMEM((_B, c_dim), _F32),
            pltpu.SemaphoreType.DMA,
            pltpu.SemaphoreType.DMA,
            pltpu.SemaphoreType.DMA,
            pltpu.SemaphoreType.DMA,
            pltpu.SemaphoreType.DMA,
        ],
    )
    return f(hw2, ep, zeros16)


def _tc_tables_body(x_ref, m_ref, deg_ref, g0_ref, g1_ref, *, bn, n):
    pid = pl.program_id(0)
    rid = pid * bn + lax.broadcasted_iota(jnp.int32, (bn, 1), 0)
    valid = rid < n
    deg = deg_ref[0, :, 0:1] + deg_ref[1, :, 0:1]
    dis = jnp.where(jnp.logical_and(deg > 0.0, valid),
                    lax.rsqrt(jnp.maximum(deg, 1e-30)), 0.0)
    xb = x_ref[...]
    x0 = jnp.where(jnp.isnan(xb), 0.0, xb)
    mb = m_ref[...]
    g1m = jnp.where(valid, dis * mb, 0.0)
    g0 = jnp.where(valid, g1m * x0, 0.0)
    bsz = g0.shape[0]
    lane16 = lax.broadcasted_iota(jnp.int32, (bsz, 16), 1)
    pad0 = jnp.zeros((bsz, 16), _F32)
    pad1 = jnp.where(lane16 == 0, jnp.broadcast_to(dis, (bsz, 16)), 0.0)
    g0_ref[...] = jnp.concatenate([g0, pad0], axis=1)
    g1_ref[...] = jnp.concatenate([g1m, pad1], axis=1)


def _tc_tables(x, mask, deg16, n, np_, d, w):
    bn = 80
    grid = (np_ // bn,)
    nin = n // bn
    import functools as _ft
    return pl.pallas_call(
        _ft.partial(_tc_tables_body, bn=bn, n=n),
        grid=grid,
        in_specs=[
            pl.BlockSpec((bn, d), lambda i: (jnp.minimum(i, nin - 1), 0)),
            pl.BlockSpec((bn, d), lambda i: (jnp.minimum(i, nin - 1), 0)),
            pl.BlockSpec((_NUM_CORES, bn, 16), lambda i: (0, i, 0)),
        ],
        out_specs=[
            pl.BlockSpec((bn, w), lambda i: (i, 0)),
            pl.BlockSpec((bn, w), lambda i: (i, 0)),
        ],
        out_shape=[
            jax.ShapeDtypeStruct((np_, w), _F32),
            jax.ShapeDtypeStruct((np_, w), _F32),
        ],
    )(x, mask, deg16)


def _tc_mlp_body(p_ref, deg_ref, w1_ref, b1_ref, w2_ref, out_ref, *, bn, n):
    pid = pl.program_id(0)
    rid = pid * bn + lax.broadcasted_iota(jnp.int32, (bn, 1), 0)
    valid = rid < n
    deg = deg_ref[0, :, 0:1] + deg_ref[1, :, 0:1]
    dis = jnp.where(deg > 0.0, lax.rsqrt(jnp.maximum(deg, 1e-30)), 0.0)
    dis2 = lax.rsqrt(deg + 1.0)
    p0 = p_ref[0, :, 0:128]
    p1m = p_ref[1, :, 0:128]
    s1 = p_ref[1, :, 128:129]
    num = (dis * s1) * p0
    ratio = jnp.where(p1m != 0.0, num / jnp.where(p1m != 0.0, p1m, 1.0), 0.0)
    h = jnp.dot(ratio, w1_ref[...], preferred_element_type=_F32) + b1_ref[...]
    h = jnp.maximum(h, 0.0)
    hw = jnp.dot(h, w2_ref[...], preferred_element_type=_F32)
    out_ref[...] = jnp.where(valid, dis2 * hw, 0.0)


def _tc_mlp(p, deg16, w1, b1, w2, n, np_, w, h_dim, c_dim):
    bn = 640
    grid = (np_ // bn,)
    import functools as _ft
    return pl.pallas_call(
        _ft.partial(_tc_mlp_body, bn=bn, n=n),
        grid=grid,
        in_specs=[
            pl.BlockSpec((_NUM_CORES, bn, w), lambda i: (0, i, 0)),
            pl.BlockSpec((_NUM_CORES, bn, 16), lambda i: (0, i, 0)),
            pl.BlockSpec((128, h_dim), lambda i: (0, 0)),
            pl.BlockSpec((1, h_dim), lambda i: (0, 0)),
            pl.BlockSpec((h_dim, c_dim), lambda i: (0, 0)),
        ],
        out_specs=pl.BlockSpec((bn, c_dim), lambda i: (i, 0)),
        out_shape=jax.ShapeDtypeStruct((np_, c_dim), _F32),
    )(p, deg16, w1, b1, w2)


def _tc_final_body(q_ref, hw2_ref, deg_ref, b2_ref, out_ref):
    deg = deg_ref[0, :, 0:1] + deg_ref[1, :, 0:1]
    dis2 = lax.rsqrt(deg + 1.0)
    y = dis2 * (q_ref[0] + q_ref[1] + hw2_ref[...]) + b2_ref[...]
    m = jnp.max(y, axis=1, keepdims=True)
    s = y - m
    out_ref[...] = s - jnp.log(jnp.sum(jnp.exp(s), axis=1, keepdims=True))


def _tc_final(q, hw2, deg16, b2, n, c_dim):
    bn = 1000
    grid = (n // bn,)
    return pl.pallas_call(
        _tc_final_body,
        grid=grid,
        in_specs=[
            pl.BlockSpec((_NUM_CORES, bn, c_dim), lambda i: (0, i, 0)),
            pl.BlockSpec((bn, c_dim), lambda i: (i, 0)),
            pl.BlockSpec((_NUM_CORES, bn, 16), lambda i: (0, i, 0)),
            pl.BlockSpec((1, c_dim), lambda i: (0, 0)),
        ],
        out_specs=pl.BlockSpec((bn, c_dim), lambda i: (i, 0)),
        out_shape=jax.ShapeDtypeStruct((n, c_dim), _F32),
    )(q, hw2, deg16, b2)


def kernel(x, edge_index, mask, W1, b1, W2, b2):
    n, d = x.shape
    e = edge_index.shape[1]
    h_dim = W1.shape[1]
    c_dim = W2.shape[1]
    w = d + 16
    np_ = ((n + _NUM_SUBCORES * 8 - 1) // (_NUM_SUBCORES * 8)) * (_NUM_SUBCORES * 8)
    rpt = np_ // _NUM_SUBCORES

    ep_ = ((e + _NW * 80 * _B - 1) // (_NW * 80 * _B)) * (_NW * 80 * _B)
    npad = ep_ - e
    row = edge_index[0]
    col = edge_index[1]
    nbt = ep_ // _B
    dpad = n + (jnp.arange(npad, dtype=jnp.int32) % (np_ - n))
    cols = jnp.reshape(jnp.concatenate([col, dpad]), (nbt, _B))
    rows = jnp.reshape(jnp.concatenate([row, dpad]), (nbt, _B))
    pad4 = jnp.zeros((4, 2, _B), jnp.int32)
    ep = jnp.concatenate([jnp.stack([cols, rows], axis=1), pad4], axis=0)

    zeros16 = jnp.zeros((rpt, 16), _F32)
    zeros_w = jnp.zeros((rpt, w), _F32)
    ones_b16 = jnp.ones((_B, 16), _F32)

    deg16 = _sc_degree(ep, zeros16, ones_b16, n, np_, ep_)
    g0, g1 = _tc_tables(x, mask, deg16, n, np_, d, w)
    p = _sc_spmm_main(g0, g1, ep, zeros_w, n, np_, ep_, w)
    hw2 = _tc_mlp(p, deg16, W1, jnp.reshape(b1, (1, h_dim)), W2, n, np_, w, h_dim, c_dim)
    q = _sc_spmm_small(hw2, ep, zeros16, n, np_, ep_, c_dim)
    out = _tc_final(q, hw2, deg16, jnp.reshape(b2, (1, c_dim)), n, c_dim)
    return out

# --- scband reference (transcript-rebuilt; emitter-appended) ---
"""Pipeline reference for scband-pa-gnn-78606491452013 (READ-ONLY COPY).

The authoritative reference and input builder live on the scoring server;
editing this copy changes nothing except your own understanding.
"""

import jax, jax.numpy as jnp
import numpy as np

N = 10000
E = 320000
D = 128
H = 128
C = 16


def _spmm(row, col, w, M, num_nodes):
    # sparse.mm(adj, M): out[i] = sum_{e: row_e==i} w_e * M[col_e]
    return jax.ops.segment_sum(w[:, None] * M[col], row, num_segments=num_nodes)


def setup_inputs(seed: int = 0) -> dict:
    key = jax.random.key(seed)
    ks = jax.random.split(key, 8)
    x = jax.random.normal(ks[0], (N, D), dtype=jnp.float32)
    edge_index = jax.random.randint(ks[1], (2, E), 0, N, dtype=jnp.int32)
    # binary feature-observation mask (as float, like torch mask.to(float))
    mask = (jax.random.uniform(ks[2], (N, D)) < 0.8).astype(jnp.float32)
    # PaGNNConv linear: in_features=D -> hidden_dim=H
    W1 = jax.random.normal(ks[3], (D, H), dtype=jnp.float32) * (1.0 / np.sqrt(D))
    b1 = jnp.zeros((H,), dtype=jnp.float32)
    # final GCNConv: hidden_dim=H -> num_classes=C
    W2 = jax.random.normal(ks[4], (H, C), dtype=jnp.float32) * (1.0 / np.sqrt(H))
    b2 = jnp.zeros((C,), dtype=jnp.float32)
    return {"x": x, "edge_index": edge_index, "mask": mask, "W1": W1, "b1": b1, "W2": W2, "b2": b2}


def _sym_norm(edge_index, num_nodes):
    row, col = edge_index[0], edge_index[1]
    ew = jnp.ones((edge_index.shape[1],), dtype=jnp.float32)
    deg = jax.ops.segment_sum(ew, col, num_segments=num_nodes)
    dis = deg ** (-0.5)
    dis = jnp.where(jnp.isinf(dis), 0.0, dis)
    return dis[row] * ew * dis[col]


def reference(x, edge_index, mask, W1, b1, W2, b2):
    num_nodes = x.shape[0]
    row, col = edge_index[0], edge_index[1]
    # ---- PaGNNConv ----
    dad = _sym_norm(edge_index, num_nodes)
    x0 = jnp.nan_to_num(x)  # x[x.isnan()] = 0
    numerator = _spmm(row, col, dad, jnp.ones_like(x0), num_nodes) * _spmm(row, col, dad, mask * x0, num_nodes)
    denominator = _spmm(row, col, dad, mask, num_nodes)
    ratio = jnp.nan_to_num(numerator / denominator)
    h = ratio @ W1 + b1
    h = jax.nn.relu(h)
    # dropout p=0.0 -> identity
    # ---- final GCNConv (standard GCN with self loops) ----
    loops = jnp.arange(num_nodes, dtype=edge_index.dtype)
    row2 = jnp.concatenate([row, loops])
    col2 = jnp.concatenate([col, loops])
    ew2 = jnp.ones((row2.shape[0],), dtype=jnp.float32)
    deg2 = jax.ops.segment_sum(ew2, col2, num_segments=num_nodes)
    dis2 = deg2 ** (-0.5)
    dis2 = jnp.where(jnp.isinf(dis2), 0.0, dis2)
    norm2 = dis2[row2] * dis2[col2]
    hw = h @ W2
    out = jax.ops.segment_sum(norm2[:, None] * hw[col2], row2, num_segments=num_nodes) + b2
    return jax.nn.log_softmax(out, axis=1)

if __name__ == "__main__":
    import jax
    _d = setup_inputs()
    print(jax.jit(kernel)(*tuple(_d.values())))

</pallas_src>

<mosaic_0001>
#map = affine_map<(d0, d1) -> (0, 0)>
#map1 = affine_map<(d0, d1) -> (0, 0, 0)>
module attributes {stable_mosaic.version = 14 : i64} {
  func.func @body(%arg0: i32, %arg1: i32, %arg2: memref<10112x16xf32, #tpu.memory_space<hbm>>, %arg3: memref<2564x2x128xi32, #tpu.memory_space<hbm>>, %arg4: memref<632x16xf32, #tpu.memory_space<hbm>>, %arg5: memref<2x10112x16xf32, #tpu.memory_space<hbm>>, %arg6: memref<10112x16xf32, #tpu.memory_space<vmem_shared>>, %arg7: memref<2x128xi32, #tpu.memory_space<vmem>>, %arg8: memref<2x128xi32, #tpu.memory_space<vmem>>, %arg9: memref<2x128xi32, #tpu.memory_space<vmem>>, %arg10: memref<2x128xi32, #tpu.memory_space<vmem>>, %arg11: memref<128x16xf32, #tpu.memory_space<vmem>>, %arg12: memref<128x16xf32, #tpu.memory_space<vmem>>, %arg13: memref<!tpu.dma_semaphore, #tpu.memory_space<semaphore_mem>>, %arg14: memref<!tpu.dma_semaphore, #tpu.memory_space<semaphore_mem>>, %arg15: memref<!tpu.dma_semaphore, #tpu.memory_space<semaphore_mem>>, %arg16: memref<!tpu.dma_semaphore, #tpu.memory_space<semaphore_mem>>, %arg17: memref<!tpu.dma_semaphore, #tpu.memory_space<semaphore_mem>>) attributes {dimension_semantics = [#tpu.dimension_semantics<core_parallel>, #tpu.dimension_semantics<subcore_parallel>], iteration_bounds = array<i64: 2, 16>, scalar_prefetch = 0 : i64, scratch_operands = 12 : i64, tpu.core_type = #tpu.core_type<sc_vector_subcore>, window_params = [{transform_indices = #map}, {transform_indices = #map1}, {transform_indices = #map}, {transform_indices = #map1}]} {
    %mul3A = arith.constant 632 : i32
    %mul3A_0 = arith.muli %arg1, %mul3A : i32
    "tpu.region"() ({
      %run_scoped3A = tpu.sem_alloc : memref<!tpu.dma_semaphore, #tpu.memory_space<semaphore_mem>>
      %dma_start3A_487 = arith.constant 0 : i32
      %dma_start3A_488 = tpu.memref_slice %arg6[%mul3A_0, %dma_start3A_487] : memref<10112x16xf32, #tpu.memory_space<vmem_shared>> -> memref<632x16xf32, #tpu.memory_space<vmem_shared>>
      tpu.enqueue_dma source(%arg4 : memref<632x16xf32, #tpu.memory_space<hbm>>) target(%dma_start3A_488 : memref<632x16xf32, #tpu.memory_space<vmem_shared>>) target_semaphore(%run_scoped3A : memref<!tpu.dma_semaphore, #tpu.memory_space<semaphore_mem>>)
      %dma_wait3A_489 = arith.constant 0 : i32
      %dma_wait3A_490 = tpu.memref_slice %arg6[%mul3A_0, %dma_wait3A_489] : memref<10112x16xf32, #tpu.memory_space<vmem_shared>> -> memref<632x16xf32, #tpu.memory_space<vmem_shared>>
      tpu.wait_dma2 semaphore(%run_scoped3A : memref<!tpu.dma_semaphore, #tpu.memory_space<semaphore_mem>>) src(%arg4 : memref<632x16xf32, #tpu.memory_space<hbm>>) dst(%dma_wait3A_490 : memref<632x16xf32, #tpu.memory_space<vmem_shared>>)
      tpu.yield
    }) : () -> ()
    %barrier3A = arith.constant 0 : index
    tpu.barrier barrier_id(%barrier3A)
    %mul3A_1 = arith.constant 16 : i32
    %mul3A_2 = arith.muli %arg0, %mul3A_1 : i32
    %add3A = arith.addi %mul3A_2, %arg1 : i32
    %mul3A_3 = arith.constant 80 : i32
    %mul3A_4 = arith.muli %add3A, %mul3A_3 : i32
    %add3A_5 = arith.constant 0 : i32
    %add3A_6 = arith.addi %mul3A_4, %add3A_5 : i32
    %dma_start3A = arith.constant 0 : i32
    %dma_start3A_7 = arith.constant 0 : i32
    %dma_start3A_8 = tpu.memref_slice %arg3[%add3A_6, %dma_start3A, %dma_start3A_7] : memref<2564x2x128xi32, #tpu.memory_space<hbm>> -> memref<1x2x128xi32, #tpu.memory_space<hbm>>
    %dma_start3A_9 = tpu.memref_squeeze %dma_start3A_8 : memref<1x2x128xi32, #tpu.memory_space<hbm>> -> memref<2x128xi32, #tpu.memory_space<hbm>>
    %dma_start3A_10 = arith.constant 0 : i32
    %dma_start3A_11 = arith.constant 0 : i32
    %dma_start3A_12 = tpu.memref_slice %arg3[%add3A_6, %dma_start3A_10, %dma_start3A_11] : memref<2564x2x128xi32, #tpu.memory_space<hbm>> -> memref<1x2x128xi32, #tpu.memory_space<hbm>>
    %dma_start3A_13 = tpu.memref_squeeze %dma_start3A_12 : memref<1x2x128xi32, #tpu.memory_space<hbm>> -> memref<2x128xi32, #tpu.memory_space<hbm>>
    tpu.enqueue_dma source(%dma_start3A_13 : memref<2x128xi32, #tpu.memory_space<hbm>>) target(%arg7 : memref<2x128xi32, #tpu.memory_space<vmem>>) target_semaphore(%arg13 : memref<!tpu.dma_semaphore, #tpu.memory_space<semaphore_mem>>)
    %add3A_14 = arith.constant 1 : i32
    %add3A_15 = arith.addi %mul3A_4, %add3A_14 : i32
    %dma_start3A_16 = arith.constant 0 : i32
    %dma_start3A_17 = arith.constant 0 : i32
    %dma_start3A_18 = tpu.memref_slice %arg3[%add3A_15, %dma_start3A_16, %dma_start3A_17] : memref<2564x2x128xi32, #tpu.memory_space<hbm>> -> memref<1x2x128xi32, #tpu.memory_space<hbm>>
    %dma_start3A_19 = tpu.memref_squeeze %dma_start3A_18 : memref<1x2x128xi32, #tpu.memory_space<hbm>> -> memref<2x128xi32, #tpu.memory_space<hbm>>
    %dma_start3A_20 = arith.constant 0 : i32
    %dma_start3A_21 = arith.constant 0 : i32
    %dma_start3A_22 = tpu.memref_slice %arg3[%add3A_15, %dma_start3A_20, %dma_start3A_21] : memref<2564x2x128xi32, #tpu.memory_space<hbm>> -> memref<1x2x128xi32, #tpu.memory_space<hbm>>
    %dma_start3A_23 = tpu.memref_squeeze %dma_start3A_22 : memref<1x2x128xi32, #tpu.memory_space<hbm>> -> memref<2x128xi32, #tpu.memory_space<hbm>>
    tpu.enqueue_dma source(%dma_start3A_23 : memref<2x128xi32, #tpu.memory_space<hbm>>) target(%arg8 : memref<2x128xi32, #tpu.memory_space<vmem>>) target_semaphore(%arg14 : memref<!tpu.dma_semaphore, #tpu.memory_space<semaphore_mem>>)
    %dma_wait3A = arith.constant 0 : i32
    %dma_wait3A_24 = arith.constant 0 : i32
    %dma_wait3A_25 = tpu.memref_slice %arg3[%mul3A_4, %dma_wait3A, %dma_wait3A_24] : memref<2564x2x128xi32, #tpu.memory_space<hbm>> -> memref<1x2x128xi32, #tpu.memory_space<hbm>>
    %dma_wait3A_26 = tpu.memref_squeeze %dma_wait3A_25 : memref<1x2x128xi32, #tpu.memory_space<hbm>> -> memref<2x128xi32, #tpu.memory_space<hbm>>
    %dma_wait3A_27 = arith.constant 0 : i32
    %dma_wait3A_28 = arith.constant 0 : i32
    %dma_wait3A_29 = tpu.memref_slice %arg3[%mul3A_4, %dma_wait3A_27, %dma_wait3A_28] : memref<2564x2x128xi32, #tpu.memory_space<hbm>> -> memref<1x2x128xi32, #tpu.memory_space<hbm>>
    %dma_wait3A_30 = tpu.memref_squeeze %dma_wait3A_29 : memref<1x2x128xi32, #tpu.memory_space<hbm>> -> memref<2x128xi32, #tpu.memory_space<hbm>>
    tpu.wait_dma2 semaphore(%arg13 : memref<!tpu.dma_semaphore, #tpu.memory_space<semaphore_mem>>) src(%dma_wait3A_30 : memref<2x128xi32, #tpu.memory_space<hbm>>) dst(%arg7 : memref<2x128xi32, #tpu.memory_space<vmem>>)
    %get3A = arith.constant 0 : i32
    %get3A_31 = arith.index_cast %get3A : i32 to index
    %get3A_32 = arith.constant 0 : index
    %get3A_33 = tpu.vector_load %arg7[%get3A_31, %get3A_32] {strides = array<i32>} : memref<2x128xi32, #tpu.memory_space<vmem>>, vector<1x16xi32>,
    %get3A_34 = vector.shape_cast %get3A_33 : vector<1x16xi32> to vector<16xi32>
    %swap3A = arith.constant 0 : i32
    %swap3A_35 = arith.index_cast %swap3A : i32 to index
    %swap3A_36 = arith.constant 0 : index
    %swap3A_37 = tpu.vector_load %arg9[%swap3A_35, %swap3A_36] {strides = array<i32>} : memref<2x128xi32, #tpu.memory_space<vmem>>, vector<1x16xi32>,
    %swap3A_38 = vector.shape_cast %swap3A_37 : vector<1x16xi32> to vector<16xi32>
    %swap3A_39 = vector.shape_cast %get3A_34 : vector<16xi32> to vector<1x16xi32>
    tpu.vector_store %arg9[%swap3A_35, %swap3A_36], %swap3A_39 {strides = array<i32>} : memref<2x128xi32, #tpu.memory_space<vmem>>, vector<1x16xi32>,
    %get3A_40 = arith.constant 0 : i32
    %get3A_41 = arith.index_cast %get3A_40 : i32 to index
    %get3A_42 = arith.constant 16 : index
    %get3A_43 = tpu.vector_load %arg7[%get3A_41, %get3A_42] {strides = array<i32>} : memref<2x128xi32, #tpu.memory_space<vmem>>, vector<1x16xi32>,
    %get3A_44 = vector.shape_cast %get3A_43 : vector<1x16xi32> to vector<16xi32>
    %swap3A_45 = arith.constant 0 : i32
    %swap3A_46 = arith.index_cast %swap3A_45 : i32 to index
    %swap3A_47 = arith.constant 16 : index
    %swap3A_48 = tpu.vector_load %arg9[%swap3A_46, %swap3A_47] {strides = array<i32>} : memref<2x128xi32, #tpu.memory_space<vmem>>, vector<1x16xi32>,
    %swap3A_49 = vector.shape_cast %swap3A_48 : vector<1x16xi32> to vector<16xi32>
    %swap3A_50 = vector.shape_cast %get3A_44 : vector<16xi32> to vector<1x16xi32>
    tpu.vector_store %arg9[%swap3A_46, %swap3A_47], %swap3A_50 {strides = array<i32>} : memref<2x128xi32, #tpu.memory_space<vmem>>, vector<1x16xi32>,
    %get3A_51 = arith.constant 0 : i32
    %get3A_52 = arith.index_cast %get3A_51 : i32 to index
    %get3A_53 = arith.constant 32 : index
    %get3A_54 = tpu.vector_load %arg7[%get3A_52, %get3A_53] {strides = array<i32>} : memref<2x128xi32, #tpu.memory_space<vmem>>, vector<1x16xi32>,
    %get3A_55 = vector.shape_cast %get3A_54 : vector<1x16xi32> to vector<16xi32>
    %swap3A_56 = arith.constant 0 : i32
    %swap3A_57 = arith.index_cast %swap3A_56 : i32 to index
    %swap3A_58 = arith.constant 32 : index
    %swap3A_59 = tpu.vector_load %arg9[%swap3A_57, %swap3A_58] {strides = array<i32>} : memref<2x128xi32, #tpu.memory_space<vmem>>, vector<1x16xi32>,
    %swap3A_60 = vector.shape_cast %swap3A_59 : vector<1x16xi32> to vector<16xi32>
    %swap3A_61 = vector.shape_cast %get3A_55 : vector<16xi32> to vector<1x16xi32>
    tpu.vector_store %arg9[%swap3A_57, %swap3A_58], %swap3A_61 {strides = array<i32>} : memref<2x128xi32, #tpu.memory_space<vmem>>, vector<1x16xi32>,
    %get3A_62 = arith.constant 0 : i32
    %get3A_63 = arith.index_cast %get3A_62 : i32 to index
    %get3A_64 = arith.constant 48 : index
    %get3A_65 = tpu.vector_load %arg7[%get3A_63, %get3A_64] {strides = array<i32>} : memref<2x128xi32, #tpu.memory_space<vmem>>, vector<1x16xi32>,
    %get3A_66 = vector.shape_cast %get3A_65 : vector<1x16xi32> to vector<16xi32>
    %swap3A_67 = arith.constant 0 : i32
    %swap3A_68 = arith.index_cast %swap3A_67 : i32 to index
    %swap3A_69 = arith.constant 48 : index
    %swap3A_70 = tpu.vector_load %arg9[%swap3A_68, %swap3A_69] {strides = array<i32>} : memref<2x128xi32, #tpu.memory_space<vmem>>, vector<1x16xi32>,
    %swap3A_71 = vector.shape_cast %swap3A_70 : vector<1x16xi32> to vector<16xi32>
    %swap3A_72 = vector.shape_cast %get3A_66 : vector<16xi32> to vector<1x16xi32>
    tpu.vector_store %arg9[%swap3A_68, %swap3A_69], %swap3A_72 {strides = array<i32>} : memref<2x128xi32, #tpu.memory_space<vmem>>, vector<1x16xi32>,
    %get3A_73 = arith.constant 0 : i32
    %get3A_74 = arith.index_cast %get3A_73 : i32 to index
    %get3A_75 = arith.constant 64 : index
    %get3A_76 = tpu.vector_load %arg7[%get3A_74, %get3A_75] {strides = array<i32>} : memref<2x128xi32, #tpu.memory_space<vmem>>, vector<1x16xi32>,
    %get3A_77 = vector.shape_cast %get3A_76 : vector<1x16xi32> to vector<16xi32>
    %swap3A_78 = arith.constant 0 : i32
    %swap3A_79 = arith.index_cast %swap3A_78 : i32 to index
    %swap3A_80 = arith.constant 64 : index
    %swap3A_81 = tpu.vector_load %arg9[%swap3A_79, %swap3A_80] {strides = array<i32>} : memref<2x128xi32, #tpu.memory_space<vmem>>, vector<1x16xi32>,
    %swap3A_82 = vector.shape_cast %swap3A_81 : vector<1x16xi32> to vector<16xi32>
    %swap3A_83 = vector.shape_cast %get3A_77 : vector<16xi32> to vector<1x16xi32>
    tpu.vector_store %arg9[%swap3A_79, %swap3A_80], %swap3A_83 {strides = array<i32>} : memref<2x128xi32, #tpu.memory_space<vmem>>, vector<1x16xi32>,
    %get3A_84 = arith.constant 0 : i32
    %get3A_85 = arith.index_cast %get3A_84 : i32 to index
    %get3A_86 = arith.constant 80 : index
    %get3A_87 = tpu.vector_load %arg7[%get3A_85, %get3A_86] {strides = array<i32>} : memref<2x128xi32, #tpu.memory_space<vmem>>, vector<1x16xi32>,
    %get3A_88 = vector.shape_cast %get3A_87 : vector<1x16xi32> to vector<16xi32>
    %swap3A_89 = arith.constant 0 : i32
    %swap3A_90 = arith.index_cast %swap3A_89 : i32 to index
    %swap3A_91 = arith.constant 80 : index
    %swap3A_92 = tpu.vector_load %arg9[%swap3A_90, %swap3A_91] {strides = array<i32>} : memref<2x128xi32, #tpu.memory_space<vmem>>, vector<1x16xi32>,
    %swap3A_93 = vector.shape_cast %swap3A_92 : vector<1x16xi32> to vector<16xi32>
    %swap3A_94 = vector.shape_cast %get3A_88 : vector<16xi32> to vector<1x16xi32>
    tpu.vector_store %arg9[%swap3A_90, %swap3A_91], %swap3A_94 {strides = array<i32>} : memref<2x128xi32, #tpu.memory_space<vmem>>, vector<1x16xi32>,
    %get3A_95 = arith.constant 0 : i32
    %get3A_96 = arith.index_cast %get3A_95 : i32 to index
    %get3A_97 = arith.constant 96 : index
    %get3A_98 = tpu.vector_load %arg7[%get3A_96, %get3A_97] {strides = array<i32>} : memref<2x128xi32, #tpu.memory_space<vmem>>, vector<1x16xi32>,
    %get3A_99 = vector.shape_cast %get3A_98 : vector<1x16xi32> to vector<16xi32>
    %swap3A_100 = arith.constant 0 : i32
    %swap3A_101 = arith.index_cast %swap3A_100 : i32 to index
    %swap3A_102 = arith.constant 96 : index
    %swap3A_103 = tpu.vector_load %arg9[%swap3A_101, %swap3A_102] {strides = array<i32>} : memref<2x128xi32, #tpu.memory_space<vmem>>, vector<1x16xi32>,
    %swap3A_104 = vector.shape_cast %swap3A_103 : vector<1x16xi32> to vector<16xi32>
    %swap3A_105 = vector.shape_cast %get3A_99 : vector<16xi32> to vector<1x16xi32>
    tpu.vector_store %arg9[%swap3A_101, %swap3A_102], %swap3A_105 {strides = array<i32>} : memref<2x128xi32, #tpu.memory_space<vmem>>, vector<1x16xi32>,
    %get3A_106 = arith.constant 0 : i32
    %get3A_107 = arith.index_cast %get3A_106 : i32 to index
    %get3A_108 = arith.constant 112 : index
    %get3A_109 = tpu.vector_load %arg7[%get3A_107, %get3A_108] {strides = array<i32>} : memref<2x128xi32, #tpu.memory_space<vmem>>, vector<1x16xi32>,
    %get3A_110 = vector.shape_cast %get3A_109 : vector<1x16xi32> to vector<16xi32>
    %swap3A_111 = arith.constant 0 : i32
    %swap3A_112 = arith.index_cast %swap3A_111 : i32 to index
    %swap3A_113 = arith.constant 112 : index
    %swap3A_114 = tpu.vector_load %arg9[%swap3A_112, %swap3A_113] {strides = array<i32>} : memref<2x128xi32, #tpu.memory_space<vmem>>, vector<1x16xi32>,
    %swap3A_115 = vector.shape_cast %swap3A_114 : vector<1x16xi32> to vector<16xi32>
    %swap3A_116 = vector.shape_cast %get3A_110 : vector<16xi32> to vector<1x16xi32>
    tpu.vector_store %arg9[%swap3A_112, %swap3A_113], %swap3A_116 {strides = array<i32>} : memref<2x128xi32, #tpu.memory_space<vmem>>, vector<1x16xi32>,
    %get3A_117 = arith.constant 1 : i32
    %get3A_118 = arith.index_cast %get3A_117 : i32 to index
    %get3A_119 = arith.constant 0 : index
    %get3A_120 = tpu.vector_load %arg7[%get3A_118, %get3A_119] {strides = array<i32>} : memref<2x128xi32, #tpu.memory_space<vmem>>, vector<1x16xi32>,
    %get3A_121 = vector.shape_cast %get3A_120 : vector<1x16xi32> to vector<16xi32>
    %swap3A_122 = arith.constant 1 : i32
    %swap3A_123 = arith.index_cast %swap3A_122 : i32 to index
    %swap3A_124 = arith.constant 0 : index
    %swap3A_125 = tpu.vector_load %arg9[%swap3A_123, %swap3A_124] {strides = array<i32>} : memref<2x128xi32, #tpu.memory_space<vmem>>, vector<1x16xi32>,
    %swap3A_126 = vector.shape_cast %swap3A_125 : vector<1x16xi32> to vector<16xi32>
    %swap3A_127 = vector.shape_cast %get3A_121 : vector<16xi32> to vector<1x16xi32>
    tpu.vector_store %arg9[%swap3A_123, %swap3A_124], %swap3A_127 {strides = array<i32>} : memref<2x128xi32, #tpu.memory_space<vmem>>, vector<1x16xi32>,
    %get3A_128 = arith.constant 1 : i32
    %get3A_129 = arith.index_cast %get3A_128 : i32 to index
    %get3A_130 = arith.constant 16 : index
    %get3A_131 = tpu.vector_load %arg7[%get3A_129, %get3A_130] {strides = array<i32>} : memref<2x128xi32, #tpu.memory_space<vmem>>, vector<1x16xi32>,
    %get3A_132 = vector.shape_cast %get3A_131 : vector<1x16xi32> to vector<16xi32>
    %swap3A_133 = arith.constant 1 : i32
    %swap3A_134 = arith.index_cast %swap3A_133 : i32 to index
    %swap3A_135 = arith.constant 16 : index
    %swap3A_136 = tpu.vector_load %arg9[%swap3A_134, %swap3A_135] {strides = array<i32>} : memref<2x128xi32, #tpu.memory_space<vmem>>, vector<1x16xi32>,
    %swap3A_137 = vector.shape_cast %swap3A_136 : vector<1x16xi32> to vector<16xi32>
    %swap3A_138 = vector.shape_cast %get3A_132 : vector<16xi32> to vector<1x16xi32>
    tpu.vector_store %arg9[%swap3A_134, %swap3A_135], %swap3A_138 {strides = array<i32>} : memref<2x128xi32, #tpu.memory_space<vmem>>, vector<1x16xi32>,
    %get3A_139 = arith.constant 1 : i32
    %get3A_140 = arith.index_cast %get3A_139 : i32 to index
    %get3A_141 = arith.constant 32 : index
    %get3A_142 = tpu.vector_load %arg7[%get3A_140, %get3A_141] {strides = array<i32>} : memref<2x128xi32, #tpu.memory_space<vmem>>, vector<1x16xi32>,
    %get3A_143 = vector.shape_cast %get3A_142 : vector<1x16xi32> to vector<16xi32>
    %swap3A_144 = arith.constant 1 : i32
    %swap3A_145 = arith.index_cast %swap3A_144 : i32 to index
    %swap3A_146 = arith.constant 32 : index
    %swap3A_147 = tpu.vector_load %arg9[%swap3A_145, %swap3A_146] {strides = array<i32>} : memref<2x128xi32, #tpu.memory_space<vmem>>, vector<1x16xi32>,
    %swap3A_148 = vector.shape_cast %swap3A_147 : vector<1x16xi32> to vector<16xi32>
    %swap3A_149 = vector.shape_cast %get3A_143 : vector<16xi32> to vector<1x16xi32>
    tpu.vector_store %arg9[%swap3A_145, %swap3A_146], %swap3A_149 {strides = array<i32>} : memref<2x128xi32, #tpu.memory_space<vmem>>, vector<1x16xi32>,
    %get3A_150 = arith.constant 1 : i32
    %get3A_151 = arith.index_cast %get3A_150 : i32 to index
    %get3A_152 = arith.constant 48 : index
    %get3A_153 = tpu.vector_load %arg7[%get3A_151, %get3A_152] {strides = array<i32>} : memref<2x128xi32, #tpu.memory_space<vmem>>, vector<1x16xi32>,
    %get3A_154 = vector.shape_cast %get3A_153 : vector<1x16xi32> to vector<16xi32>
    %swap3A_155 = arith.constant 1 : i32
    %swap3A_156 = arith.index_cast %swap3A_155 : i32 to index
    %swap3A_157 = arith.constant 48 : index
    %swap3A_158 = tpu.vector_load %arg9[%swap3A_156, %swap3A_157] {strides = array<i32>} : memref<2x128xi32, #tpu.memory_space<vmem>>, vector<1x16xi32>,
    %swap3A_159 = vector.shape_cast %swap3A_158 : vector<1x16xi32> to vector<16xi32>
    %swap3A_160 = vector.shape_cast %get3A_154 : vector<16xi32> to vector<1x16xi32>
    tpu.vector_store %arg9[%swap3A_156, %swap3A_157], %swap3A_160 {strides = array<i32>} : memref<2x128xi32, #tpu.memory_space<vmem>>, vector<1x16xi32>,
    %get3A_161 = arith.constant 1 : i32
    %get3A_162 = arith.index_cast %get3A_161 : i32 to index
    %get3A_163 = arith.constant 64 : index
    %get3A_164 = tpu.vector_load %arg7[%get3A_162, %get3A_163] {strides = array<i32>} : memref<2x128xi32, #tpu.memory_space<vmem>>, vector<1x16xi32>,
    %get3A_165 = vector.shape_cast %get3A_164 : vector<1x16xi32> to vector<16xi32>
    %swap3A_166 = arith.constant 1 : i32
    %swap3A_167 = arith.index_cast %swap3A_166 : i32 to index
    %swap3A_168 = arith.constant 64 : index
    %swap3A_169 = tpu.vector_load %arg9[%swap3A_167, %swap3A_168] {strides = array<i32>} : memref<2x128xi32, #tpu.memory_space<vmem>>, vector<1x16xi32>,
    %swap3A_170 = vector.shape_cast %swap3A_169 : vector<1x16xi32> to vector<16xi32>
    %swap3A_171 = vector.shape_cast %get3A_165 : vector<16xi32> to vector<1x16xi32>
    tpu.vector_store %arg9[%swap3A_167, %swap3A_168], %swap3A_171 {strides = array<i32>} : memref<2x128xi32, #tpu.memory_space<vmem>>, vector<1x16xi32>,
    %get3A_172 = arith.constant 1 : i32
    %get3A_173 = arith.index_cast %get3A_172 : i32 to index
    %get3A_174 = arith.constant 80 : index
    %get3A_175 = tpu.vector_load %arg7[%get3A_173, %get3A_174] {strides = array<i32>} : memref<2x128xi32, #tpu.memory_space<vmem>>, vector<1x16xi32>,
    %get3A_176 = vector.shape_cast %get3A_175 : vector<1x16xi32> to vector<16xi32>
    %swap3A_177 = arith.constant 1 : i32
    %swap3A_178 = arith.index_cast %swap3A_177 : i32 to index
    %swap3A_179 = arith.constant 80 : index
    %swap3A_180 = tpu.vector_load %arg9[%swap3A_178, %swap3A_179] {strides = array<i32>} : memref<2x128xi32, #tpu.memory_space<vmem>>, vector<1x16xi32>,
    %swap3A_181 = vector.shape_cast %swap3A_180 : vector<1x16xi32> to vector<16xi32>
    %swap3A_182 = vector.shape_cast %get3A_176 : vector<16xi32> to vector<1x16xi32>
    tpu.vector_store %arg9[%swap3A_178, %swap3A_179], %swap3A_182 {strides = array<i32>} : memref<2x128xi32, #tpu.memory_space<vmem>>, vector<1x16xi32>,
    %get3A_183 = arith.constant 1 : i32
    %get3A_184 = arith.index_cast %get3A_183 : i32 to index
    %get3A_185 = arith.constant 96 : index
    %get3A_186 = tpu.vector_load %arg7[%get3A_184, %get3A_185] {strides = array<i32>} : memref<2x128xi32, #tpu.memory_space<vmem>>, vector<1x16xi32>,
    %get3A_187 = vector.shape_cast %get3A_186 : vector<1x16xi32> to vector<16xi32>
    %swap3A_188 = arith.constant 1 : i32
    %swap3A_189 = arith.index_cast %swap3A_188 : i32 to index
    %swap3A_190 = arith.constant 96 : index
    %swap3A_191 = tpu.vector_load %arg9[%swap3A_189, %swap3A_190] {strides = array<i32>} : memref<2x128xi32, #tpu.memory_space<vmem>>, vector<1x16xi32>,
    %swap3A_192 = vector.shape_cast %swap3A_191 : vector<1x16xi32> to vector<16xi32>
    %swap3A_193 = vector.shape_cast %get3A_187 : vector<16xi32> to vector<1x16xi32>
    tpu.vector_store %arg9[%swap3A_189, %swap3A_190], %swap3A_193 {strides = array<i32>} : memref<2x128xi32, #tpu.memory_space<vmem>>, vector<1x16xi32>,
    %get3A_194 = arith.constant 1 : i32
    %get3A_195 = arith.index_cast %get3A_194 : i32 to index
    %get3A_196 = arith.constant 112 : index
    %get3A_197 = tpu.vector_load %arg7[%get3A_195, %get3A_196] {strides = array<i32>} : memref<2x128xi32, #tpu.memory_space<vmem>>, vector<1x16xi32>,
    %get3A_198 = vector.shape_cast %get3A_197 : vector<1x16xi32> to vector<16xi32>
    %swap3A_199 = arith.constant 1 : i32
    %swap3A_200 = arith.index_cast %swap3A_199 : i32 to index
    %swap3A_201 = arith.constant 112 : index
    %swap3A_202 = tpu.vector_load %arg9[%swap3A_200, %swap3A_201] {strides = array<i32>} : memref<2x128xi32, #tpu.memory_space<vmem>>, vector<1x16xi32>,
    %swap3A_203 = vector.shape_cast %swap3A_202 : vector<1x16xi32> to vector<16xi32>
    %swap3A_204 = vector.shape_cast %get3A_198 : vector<16xi32> to vector<1x16xi32>
    tpu.vector_store %arg9[%swap3A_200, %swap3A_201], %swap3A_204 {strides = array<i32>} : memref<2x128xi32, #tpu.memory_space<vmem>>, vector<1x16xi32>,
    %add3A_205 = arith.constant 2 : i32
    %add3A_206 = arith.addi %mul3A_4, %add3A_205 : i32
    %dma_start3A_207 = arith.constant 0 : i32
    %dma_start3A_208 = arith.constant 0 : i32
    %dma_start3A_209 = tpu.memref_slice %arg3[%add3A_206, %dma_start3A_207, %dma_start3A_208] : memref<2564x2x128xi32, #tpu.memory_space<hbm>> -> memref<1x2x128xi32, #tpu.memory_space<hbm>>
    %dma_start3A_210 = tpu.memref_squeeze %dma_start3A_209 : memref<1x2x128xi32, #tpu.memory_space<hbm>> -> memref<2x128xi32, #tpu.memory_space<hbm>>
    %dma_start3A_211 = arith.constant 0 : i32
    %dma_start3A_212 = arith.constant 0 : i32
    %dma_start3A_213 = tpu.memref_slice %arg3[%add3A_206, %dma_start3A_211, %dma_start3A_212] : memref<2564x2x128xi32, #tpu.memory_space<hbm>> -> memref<1x2x128xi32, #tpu.memory_space<hbm>>
    %dma_start3A_214 = tpu.memref_squeeze %dma_start3A_213 : memref<1x2x128xi32, #tpu.memory_space<hbm>> -> memref<2x128xi32, #tpu.memory_space<hbm>>
    tpu.enqueue_dma source(%dma_start3A_214 : memref<2x128xi32, #tpu.memory_space<hbm>>) target(%arg7 : memref<2x128xi32, #tpu.memory_space<vmem>>) target_semaphore(%arg13 : memref<!tpu.dma_semaphore, #tpu.memory_space<semaphore_mem>>)
    %dma_start3A_215 = arith.constant 0 : i32
    %dma_start3A_216 = arith.constant 0 : i32
    %dma_start3A_217 = tpu.memref_slice %arg9[%dma_start3A_215, %dma_start3A_216] : memref<2x128xi32, #tpu.memory_space<vmem>> -> memref<1x128xi32, #tpu.memory_space<vmem>>
    %dma_start3A_218 = tpu.memref_squeeze %dma_start3A_217 : memref<1x128xi32, #tpu.memory_space<vmem>> -> memref<128xi32, #tpu.memory_space<vmem>>
    %dma_start3A_219 = arith.constant 0 : i32
    %dma_start3A_220 = arith.constant 0 : i32
    %dma_start3A_221 = tpu.memref_slice %arg2[%dma_start3A_219, %dma_start3A_220] : memref<10112x16xf32, #tpu.memory_space<hbm>> -> memref<10112x16xf32, #tpu.memory_space<hbm>>
    tpu.enqueue_indirect_dma source(%dma_start3A_221 : memref<10112x16xf32, #tpu.memory_space<hbm>>) target(%arg11 : memref<128x16xf32, #tpu.memory_space<vmem>>) offsets(%dma_start3A_218 : memref<128xi32, #tpu.memory_space<vmem>>) semaphore(%arg15 : memref<!tpu.dma_semaphore, #tpu.memory_space<semaphore_mem>>)
    %dma_wait3A_222 = arith.constant 0 : i32
    %dma_wait3A_223 = arith.constant 0 : i32
    %dma_wait3A_224 = tpu.memref_slice %arg9[%dma_wait3A_222, %dma_wait3A_223] : memref<2x128xi32, #tpu.memory_space<vmem>> -> memref<1x128xi32, #tpu.memory_space<vmem>>
    %dma_wait3A_225 = tpu.memref_squeeze %dma_wait3A_224 : memref<1x128xi32, #tpu.memory_space<vmem>> -> memref<128xi32, #tpu.memory_space<vmem>>
    %dma_wait3A_226 = arith.constant 0 : i32
    %dma_wait3A_227 = arith.constant 0 : i32
    %dma_wait3A_228 = tpu.memref_slice %arg2[%dma_wait3A_226, %dma_wait3A_227] : memref<10112x16xf32, #tpu.memory_space<hbm>> -> memref<10112x16xf32, #tpu.memory_space<hbm>>
    tpu.wait_indirect_dma semaphore(%arg15 : memref<!tpu.dma_semaphore, #tpu.memory_space<semaphore_mem>>) src(%dma_wait3A_228 : memref<10112x16xf32, #tpu.memory_space<hbm>>) dst(%arg11 : memref<128x16xf32, #tpu.memory_space<vmem>>)
    %dma_start3A_229 = arith.constant 1 : i32
    %dma_start3A_230 = arith.constant 0 : i32
    %dma_start3A_231 = tpu.memref_slice %arg9[%dma_start3A_229, %dma_start3A_230] : memref<2x128xi32, #tpu.memory_space<vmem>> -> memref<1x128xi32, #tpu.memory_space<vmem>>
    %dma_start3A_232 = tpu.memref_squeeze %dma_start3A_231 : memref<1x128xi32, #tpu.memory_space<vmem>> -> memref<128xi32, #tpu.memory_space<vmem>>
    %dma_start3A_233 = arith.constant 0 : i32
    %dma_start3A_234 = arith.constant 0 : i32
    %dma_start3A_235 = tpu.memref_slice %arg6[%dma_start3A_233, %dma_start3A_234] : memref<10112x16xf32, #tpu.memory_space<vmem_shared>> -> memref<10112x16xf32, #tpu.memory_space<vmem_shared>>
    tpu.enqueue_indirect_dma source(%arg11 : memref<128x16xf32, #tpu.memory_space<vmem>>) target(%dma_start3A_235 : memref<10112x16xf32, #tpu.memory_space<vmem_shared>>) offsets(%dma_start3A_232 : memref<128xi32, #tpu.memory_space<vmem>>) semaphore(%arg16 : memref<!tpu.dma_semaphore, #tpu.memory_space<semaphore_mem>>) {add = true}
    %dma_wait3A_236 = arith.constant 0 : i32
    %dma_wait3A_237 = arith.constant 0 : i32
    %dma_wait3A_238 = tpu.memref_slice %arg3[%mul3A_4, %dma_wait3A_236, %dma_wait3A_237] : memref<2564x2x128xi32, #tpu.memory_space<hbm>> -> memref<1x2x128xi32, #tpu.memory_space<hbm>>
    %dma_wait3A_239 = tpu.memref_squeeze %dma_wait3A_238 : memref<1x2x128xi32, #tpu.memory_space<hbm>> -> memref<2x128xi32, #tpu.memory_space<hbm>>
    %dma_wait3A_240 = arith.constant 0 : i32
    %dma_wait3A_241 = arith.constant 0 : i32
    %dma_wait3A_242 = tpu.memref_slice %arg3[%mul3A_4, %dma_wait3A_240, %dma_wait3A_241] : memref<2564x2x128xi32, #tpu.memory_space<hbm>> -> memref<1x2x128xi32, #tpu.memory_space<hbm>>
    %dma_wait3A_243 = tpu.memref_squeeze %dma_wait3A_242 : memref<1x2x128xi32, #tpu.memory_space<hbm>> -> memref<2x128xi32, #tpu.memory_space<hbm>>
    tpu.wait_dma2 semaphore(%arg14 : memref<!tpu.dma_semaphore, #tpu.memory_space<semaphore_mem>>) src(%dma_wait3A_243 : memref<2x128xi32, #tpu.memory_space<hbm>>) dst(%arg8 : memref<2x128xi32, #tpu.memory_space<vmem>>)
    %get3A_244 = arith.constant 0 : i32
    %get3A_245 = arith.index_cast %get3A_244 : i32 to index
    %get3A_246 = arith.constant 0 : index
    %get3A_247 = tpu.vector_load %arg8[%get3A_245, %get3A_246] {strides = array<i32>} : memref<2x128xi32, #tpu.memory_space<vmem>>, vector<1x16xi32>,
    %get3A_248 = vector.shape_cast %get3A_247 : vector<1x16xi32> to vector<16xi32>
    %swap3A_249 = arith.constant 0 : i32
    %swap3A_250 = arith.index_cast %swap3A_249 : i32 to index
    %swap3A_251 = arith.constant 0 : index
    %swap3A_252 = tpu.vector_load %arg10[%swap3A_250, %swap3A_251] {strides = array<i32>} : memref<2x128xi32, #tpu.memory_space<vmem>>, vector<1x16xi32>,
    %swap3A_253 = vector.shape_cast %swap3A_252 : vector<1x16xi32> to vector<16xi32>
    %swap3A_254 = vector.shape_cast %get3A_248 : vector<16xi32> to vector<1x16xi32>
    tpu.vector_store %arg10[%swap3A_250, %swap3A_251], %swap3A_254 {strides = array<i32>} : memref<2x128xi32, #tpu.memory_space<vmem>>, vector<1x16xi32>,
    %get3A_255 = arith.constant 0 : i32
    %get3A_256 = arith.index_cast %get3A_255 : i32 to index
    %get3A_257 = arith.constant 16 : index
    %get3A_258 = tpu.vector_load %arg8[%get3A_256, %get3A_257] {strides = array<i32>} : memref<2x128xi32, #tpu.memory_space<vmem>>, vector<1x16xi32>,
    %get3A_259 = vector.shape_cast %get3A_258 : vector<1x16xi32> to vector<16xi32>
    %swap3A_260 = arith.constant 0 : i32
    %swap3A_261 = arith.index_cast %swap3A_260 : i32 to index
    %swap3A_262 = arith.constant 16 : index
    %swap3A_263 = tpu.vector_load %arg10[%swap3A_261, %swap3A_262] {strides = array<i32>} : memref<2x128xi32, #tpu.memory_space<vmem>>, vector<1x16xi32>,
    %swap3A_264 = vector.shape_cast %swap3A_263 : vector<1x16xi32> to vector<16xi32>
    %swap3A_265 = vector.shape_cast %get3A_259 : vector<16xi32> to vector<1x16xi32>
    tpu.vector_store %arg10[%swap3A_261, %swap3A_262], %swap3A_265 {strides = array<i32>} : memref<2x128xi32, #tpu.memory_space<vmem>>, vector<1x16xi32>,
    %get3A_266 = arith.constant 0 : i32
    %get3A_267 = arith.index_cast %get3A_266 : i32 to index
    %get3A_268 = arith.constant 32 : index
    %get3A_269 = tpu.vector_load %arg8[%get3A_267, %get3A_268] {strides = array<i32>} : memref<2x128xi32, #tpu.memory_space<vmem>>, vector<1x16xi32>,
    %get3A_270 = vector.shape_cast %get3A_269 : vector<1x16xi32> to vector<16xi32>
    %swap3A_271 = arith.constant 0 : i32
    %swap3A_272 = arith.index_cast %swap3A_271 : i32 to index
    %swap3A_273 = arith.constant 32 : index
    %swap3A_274 = tpu.vector_load %arg10[%swap3A_272, %swap3A_273] {strides = array<i32>} : memref<2x128xi32, #tpu.memory_space<vmem>>, vector<1x16xi32>,
    %swap3A_275 = vector.shape_cast %swap3A_274 : vector<1x16xi32> to vector<16xi32>
    %swap3A_276 = vector.shape_cast %get3A_270 : vector<16xi32> to vector<1x16xi32>
    tpu.vector_store %arg10[%swap3A_272, %swap3A_273], %swap3A_276 {strides = array<i32>} : memref<2x128xi32, #tpu.memory_space<vmem>>, vector<1x16xi32>,
    %get3A_277 = arith.constant 0 : i32
    %get3A_278 = arith.index_cast %get3A_277 : i32 to index
    %get3A_279 = arith.constant 48 : index
    %get3A_280 = tpu.vector_load %arg8[%get3A_278, %get3A_279] {strides = array<i32>} : memref<2x128xi32, #tpu.memory_space<vmem>>, vector<1x16xi32>,
    %get3A_281 = vector.shape_cast %get3A_280 : vector<1x16xi32> to vector<16xi32>
    %swap3A_282 = arith.constant 0 : i32
    %swap3A_283 = arith.index_cast %swap3A_282 : i32 to index
    %swap3A_284 = arith.constant 48 : index
    %swap3A_285 = tpu.vector_load %arg10[%swap3A_283, %swap3A_284] {strides = array<i32>} : memref<2x128xi32, #tpu.memory_space<vmem>>, vector<1x16xi32>,
    %swap3A_286 = vector.shape_cast %swap3A_285 : vector<1x16xi32> to vector<16xi32>
    %swap3A_287 = vector.shape_cast %get3A_281 : vector<16xi32> to vector<1x16xi32>
    tpu.vector_store %arg10[%swap3A_283, %swap3A_284], %swap3A_287 {strides = array<i32>} : memref<2x128xi32, #tpu.memory_space<vmem>>, vector<1x16xi32>,
    %get3A_288 = arith.constant 0 : i32
    %get3A_289 = arith.index_cast %get3A_288 : i32 to index
    %get3A_290 = arith.constant 64 : index
    %get3A_291 = tpu.vector_load %arg8[%get3A_289, %get3A_290] {strides = array<i32>} : memref<2x128xi32, #tpu.memory_space<vmem>>, vector<1x16xi32>,
    %get3A_292 = vector.shape_cast %get3A_291 : vector<1x16xi32> to vector<16xi32>
    %swap3A_293 = arith.constant 0 : i32
    %swap3A_294 = arith.index_cast %swap3A_293 : i32 to index
    %swap3A_295 = arith.constant 64 : index
    %swap3A_296 = tpu.vector_load %arg10[%swap3A_294, %swap3A_295] {strides = array<i32>} : memref<2x128xi32, #tpu.memory_space<vmem>>, vector<1x16xi32>,
    %swap3A_297 = vector.shape_cast %swap3A_296 : vector<1x16xi32> to vector<16xi32>
    %swap3A_298 = vector.shape_cast %get3A_292 : vector<16xi32> to vector<1x16xi32>
    tpu.vector_store %arg10[%swap3A_294, %swap3A_295], %swap3A_298 {strides = array<i32>} : memref<2x128xi32, #tpu.memory_space<vmem>>, vector<1x16xi32>,
    %get3A_299 = arith.constant 0 : i32
    %get3A_300 = arith.index_cast %get3A_299 : i32 to index
    %get3A_301 = arith.constant 80 : index
    %get3A_302 = tpu.vector_load %arg8[%get3A_300, %get3A_301] {strides = array<i32>} : memref<2x128xi32, #tpu.memory_space<vmem>>, vector<1x16xi32>,
    %get3A_303 = vector.shape_cast %get3A_302 : vector<1x16xi32> to vector<16xi32>
    %swap3A_304 = arith.constant 0 : i32
    %swap3A_305 = arith.index_cast %swap3A_304 : i32 to index
    %swap3A_306 = arith.constant 80 : index
    %swap3A_307 = tpu.vector_load %arg10[%swap3A_305, %swap3A_306] {strides = array<i32>} : memref<2x128xi32, #tpu.memory_space<vmem>>, vector<1x16xi32>,
    %swap3A_308 = vector.shape_cast %swap3A_307 : vector<1x16xi32> to vector<16xi32>
    %swap3A_309 = vector.shape_cast %get3A_303 : vector<16xi32> to vector<1x16xi32>
    tpu.vector_store %arg10[%swap3A_305, %swap3A_306], %swap3A_309 {strides = array<i32>} : memref<2x128xi32, #tpu.memory_space<vmem>>, vector<1x16xi32>,
    %get3A_310 = arith.constant 0 : i32
    %get3A_311 = arith.index_cast %get3A_310 : i32 to index
    %get3A_312 = arith.constant 96 : index
    %get3A_313 = tpu.vector_load %arg8[%get3A_311, %get3A_312] {strides = array<i32>} : memref<2x128xi32, #tpu.memory_space<vmem>>, vector<1x16xi32>,
    %get3A_314 = vector.shape_cast %get3A_313 : vector<1x16xi32> to vector<16xi32>
    %swap3A_315 = arith.constant 0 : i32
    %swap3A_316 = arith.index_cast %swap3A_315 : i32 to index
    %swap3A_317 = arith.constant 96 : index
    %swap3A_318 = tpu.vector_load %arg10[%swap3A_316, %swap3A_317] {strides = array<i32>} : memref<2x128xi32, #tpu.memory_space<vmem>>, vector<1x16xi32>,
    %swap3A_319 = vector.shape_cast %swap3A_318 : vector<1x16xi32> to vector<16xi32>
    %swap3A_320 = vector.shape_cast %get3A_314 : vector<16xi32> to vector<1x16xi32>
    tpu.vector_store %arg10[%swap3A_316, %swap3A_317], %swap3A_320 {strides = array<i32>} : memref<2x128xi32, #tpu.memory_space<vmem>>, vector<1x16xi32>,
    %get3A_321 = arith.constant 0 : i32
    %get3A_322 = arith.index_cast %get3A_321 : i32 to index
    %get3A_323 = arith.constant 112 : index
    %get3A_324 = tpu.vector_load %arg8[%get3A_322, %get3A_323] {strides = array<i32>} : memref<2x128xi32, #tpu.memory_space<vmem>>, vector<1x16xi32>,
    %get3A_325 = vector.shape_cast %get3A_324 : vector<1x16xi32> to vector<16xi32>
    %swap3A_326 = arith.constant 0 : i32
    %swap3A_327 = arith.index_cast %swap3A_326 : i32 to index
    %swap3A_328 = arith.constant 112 : index
    %swap3A_329 = tpu.vector_load %arg10[%swap3A_327, %swap3A_328] {strides = array<i32>} : memref<2x128xi32, #tpu.memory_space<vmem>>, vector<1x16xi32>,
    %swap3A_330 = vector.shape_cast %swap3A_329 : vector<1x16xi32> to vector<16xi32>
    %swap3A_331 = vector.shape_cast %get3A_325 : vector<16xi32> to vector<1x16xi32>
    tpu.vector_store %arg10[%swap3A_327, %swap3A_328], %swap3A_331 {strides = array<i32>} : memref<2x128xi32, #tpu.memory_space<vmem>>, vector<1x16xi32>,
    %get3A_332 = arith.constant 1 : i32
    %get3A_333 = arith.index_cast %get3A_332 : i32 to index
    %get3A_334 = arith.constant 0 : index
    %get3A_335 = tpu.vector_load %arg8[%get3A_333, %get3A_334] {strides = array<i32>} : memref<2x128xi32, #tpu.memory_space<vmem>>, vector<1x16xi32>,
    %get3A_336 = vector.shape_cast %get3A_335 : vector<1x16xi32> to vector<16xi32>
    %swap3A_337 = arith.constant 1 : i32
    %swap3A_338 = arith.index_cast %swap3A_337 : i32 to index
    %swap3A_339 = arith.constant 0 : index
    %swap3A_340 = tpu.vector_load %arg10[%swap3A_338, %swap3A_339] {strides = array<i32>} : memref<2x128xi32, #tpu.memory_space<vmem>>, vector<1x16xi32>,
    %swap3A_341 = vector.shape_cast %swap3A_340 : vector<1x16xi32> to vector<16xi32>
    %swap3A_342 = vector.shape_cast %get3A_336 : vector<16xi32> to vector<1x16xi32>
    tpu.vector_store %arg10[%swap3A_338, %swap3A_339], %swap3A_342 {strides = array<i32>} : memref<2x128xi32, #tpu.memory_space<vmem>>, vector<1x16xi32>,
    %get3A_343 = arith.constant 1 : i32
    %get3A_344 = arith.index_cast %get3A_343 : i32 to index
    %get3A_345 = arith.constant 16 : index
    %get3A_346 = tpu.vector_load %arg8[%get3A_344, %get3A_345] {strides = array<i32>} : memref<2x128xi32, #tpu.memory_space<vmem>>, vector<1x16xi32>,
    %get3A_347 = vector.shape_cast %get3A_346 : vector<1x16xi32> to vector<16xi32>
    %swap3A_348 = arith.constant 1 : i32
    %swap3A_349 = arith.index_cast %swap3A_348 : i32 to index
    %swap3A_350 = arith.constant 16 : index
    %swap3A_351 = tpu.vector_load %arg10[%swap3A_349, %swap3A_350] {strides = array<i32>} : memref<2x128xi32, #tpu.memory_space<vmem>>, vector<1x16xi32>,
    %swap3A_352 = vector.shape_cast %swap3A_351 : vector<1x16xi32> to vector<16xi32>
    %swap3A_353 = vector.shape_cast %get3A_347 : vector<16xi32> to vector<1x16xi32>
    tpu.vector_store %arg10[%swap3A_349, %swap3A_350], %swap3A_353 {strides = array<i32>} : memref<2x128xi32, #tpu.memory_space<vmem>>, vector<1x16xi32>,
    %get3A_354 = arith.constant 1 : i32
    %get3A_355 = arith.index_cast %get3A_354 : i32 to index
    %get3A_356 = arith.constant 32 : index
    %get3A_357 = tpu.vector_load %arg8[%get3A_355, %get3A_356] {strides = array<i32>} : memref<2x128xi32, #tpu.memory_space<vmem>>, vector<1x16xi32>,
    %get3A_358 = vector.shape_cast %get3A_357 : vector<1x16xi32> to vector<16xi32>
    %swap3A_359 = arith.constant 1 : i32
    %swap3A_360 = arith.index_cast %swap3A_359 : i32 to index
    %swap3A_361 = arith.constant 32 : index
    %swap3A_362 = tpu.vector_load %arg10[%swap3A_360, %swap3A_361] {strides = array<i32>} : memref<2x128xi32, #tpu.memory_space<vmem>>, vector<1x16xi32>,
    %swap3A_363 = vector.shape_cast %swap3A_362 : vector<1x16xi32> to vector<16xi32>
    %swap3A_364 = vector.shape_cast %get3A_358 : vector<16xi32> to vector<1x16xi32>
    tpu.vector_store %arg10[%swap3A_360, %swap3A_361], %swap3A_364 {strides = array<i32>} : memref<2x128xi32, #tpu.memory_space<vmem>>, vector<1x16xi32>,
    %get3A_365 = arith.constant 1 : i32
    %get3A_366 = arith.index_cast %get3A_365 : i32 to index
    %get3A_367 = arith.constant 48 : index
    %get3A_368 = tpu.vector_load %arg8[%get3A_366, %get3A_367] {strides = array<i32>} : memref<2x128xi32, #tpu.memory_space<vmem>>, vector<1x16xi32>,
    %get3A_369 = vector.shape_cast %get3A_368 : vector<1x16xi32> to vector<16xi32>
    %swap3A_370 = arith.constant 1 : i32
    %swap3A_371 = arith.index_cast %swap3A_370 : i32 to index
    %swap3A_372 = arith.constant 48 : index
    %swap3A_373 = tpu.vector_load %arg10[%swap3A_371, %swap3A_372] {strides = array<i32>} : memref<2x128xi32, #tpu.memory_space<vmem>>, vector<1x16xi32>,
    %swap3A_374 = vector.shape_cast %swap3A_373 : vector<1x16xi32> to vector<16xi32>
    %swap3A_375 = vector.shape_cast %get3A_369 : vector<16xi32> to vector<1x16xi32>
    tpu.vector_store %arg10[%swap3A_371, %swap3A_372], %swap3A_375 {strides = array<i32>} : memref<2x128xi32, #tpu.memory_space<vmem>>, vector<1x16xi32>,
    %get3A_376 = arith.constant 1 : i32
    %get3A_377 = arith.index_cast %get3A_376 : i32 to index
    %get3A_378 = arith.constant 64 : index
    %get3A_379 = tpu.vector_load %arg8[%get3A_377, %get3A_378] {strides = array<i32>} : memref<2x128xi32, #tpu.memory_space<vmem>>, vector<1x16xi32>,
    %get3A_380 = vector.shape_cast %get3A_379 : vector<1x16xi32> to vector<16xi32>
    %swap3A_381 = arith.constant 1 : i32
    %swap3A_382 = arith.index_cast %swap3A_381 : i32 to index
    %swap3A_383 = arith.constant 64 : index
    %swap3A_384 = tpu.vector_load %arg10[%swap3A_382, %swap3A_383] {strides = array<i32>} : memref<2x128xi32, #tpu.memory_space<vmem>>, vector<1x16xi32>,
    %swap3A_385 = vector.shape_cast %swap3A_384 : vector<1x16xi32> to vector<16xi32>
    %swap3A_386 = vector.shape_cast %get3A_380 : vector<16xi32> to vector<1x16xi32>
    tpu.vector_store %arg10[%swap3A_382, %swap3A_383], %swap3A_386 {strides = array<i32>} : memref<2x128xi32, #tpu.memory_space<vmem>>, vector<1x16xi32>,
    %get3A_387 = arith.constant 1 : i32
    %get3A_388 = arith.index_cast %get3A_387 : i32 to index
    %get3A_389 = arith.constant 80 : index
    %get3A_390 = tpu.vector_load %arg8[%get3A_388, %get3A_389] {strides = array<i32>} : memref<2x128xi32, #tpu.memory_space<vmem>>, vector<1x16xi32>,
    %get3A_391 = vector.shape_cast %get3A_390 : vector<1x16xi32> to vector<16xi32>
    %swap3A_392 = arith.constant 1 : i32
    %swap3A_393 = arith.index_cast %swap3A_392 : i32 to index
    %swap3A_394 = arith.constant 80 : index
    %swap3A_395 = tpu.vector_load %arg10[%swap3A_393, %swap3A_394] {strides = array<i32>} : memref<2x128xi32, #tpu.memory_space<vmem>>, vector<1x16xi32>,
    %swap3A_396 = vector.shape_cast %swap3A_395 : vector<1x16xi32> to vector<16xi32>
    %swap3A_397 = vector.shape_cast %get3A_391 : vector<16xi32> to vector<1x16xi32>
    tpu.vector_store %arg10[%swap3A_393, %swap3A_394], %swap3A_397 {strides = array<i32>} : memref<2x128xi32, #tpu.memory_space<vmem>>, vector<1x16xi32>,
    %get3A_398 = arith.constant 1 : i32
    %get3A_399 = arith.index_cast %get3A_398 : i32 to index
    %get3A_400 = arith.constant 96 : index
    %get3A_401 = tpu.vector_load %arg8[%get3A_399, %get3A_400] {strides = array<i32>} : memref<2x128xi32, #tpu.memory_space<vmem>>, vector<1x16xi32>,
    %get3A_402 = vector.shape_cast %get3A_401 : vector<1x16xi32> to vector<16xi32>
    %swap3A_403 = arith.constant 1 : i32
    %swap3A_404 = arith.index_cast %swap3A_403 : i32 to index
    %swap3A_405 = arith.constant 96 : index
    %swap3A_406 = tpu.vector_load %arg10[%swap3A_404, %swap3A_405] {strides = array<i32>} : memref<2x128xi32, #tpu.memory_space<vmem>>, vector<1x16xi32>,
    %swap3A_407 = vector.shape_cast %swap3A_406 : vector<1x16xi32> to vector<16xi32>
    %swap3A_408 = vector.shape_cast %get3A_402 : vector<16xi32> to vector<1x16xi32>
    tpu.vector_store %arg10[%swap3A_404, %swap3A_405], %swap3A_408 {strides = array<i32>} : memref<2x128xi32, #tpu.memory_space<vmem>>, vector<1x16xi32>,
    %get3A_409 = arith.constant 1 : i32
    %get3A_410 = arith.index_cast %get3A_409 : i32 to index
    %get3A_411 = arith.constant 112 : index
    %get3A_412 = tpu.vector_load %arg8[%get3A_410, %get3A_411] {strides = array<i32>} : memref<2x128xi32, #tpu.memory_space<vmem>>, vector<1x16xi32>,
    %get3A_413 = vector.shape_cast %get3A_412 : vector<1x16xi32> to vector<16xi32>
    %swap3A_414 = arith.constant 1 : i32
    %swap3A_415 = arith.index_cast %swap3A_414 : i32 to index
    %swap3A_416 = arith.constant 112 : index
    %swap3A_417 = tpu.vector_load %arg10[%swap3A_415, %swap3A_416] {strides = array<i32>} : memref<2x128xi32, #tpu.memory_space<vmem>>, vector<1x16xi32>,
    %swap3A_418 = vector.shape_cast %swap3A_417 : vector<1x16xi32> to vector<16xi32>
    %swap3A_419 = vector.shape_cast %get3A_413 : vector<16xi32> to vector<1x16xi32>
    tpu.vector_store %arg10[%swap3A_415, %swap3A_416], %swap3A_419 {strides = array<i32>} : memref<2x128xi32, #tpu.memory_space<vmem>>, vector<1x16xi32>,
    %add3A_420 = arith.constant 3 : i32
    %add3A_421 = arith.addi %mul3A_4, %add3A_420 : i32
    %dma_start3A_422 = arith.constant 0 : i32
    %dma_start3A_423 = arith.constant 0 : i32
    %dma_start3A_424 = tpu.memref_slice %arg3[%add3A_421, %dma_start3A_422, %dma_start3A_423] : memref<2564x2x128xi32, #tpu.memory_space<hbm>> -> memref<1x2x128xi32, #tpu.memory_space<hbm>>
    %dma_start3A_425 = tpu.memref_squeeze %dma_start3A_424 : memref<1x2x128xi32, #tpu.memory_space<hbm>> -> memref<2x128xi32, #tpu.memory_space<hbm>>
    %dma_start3A_426 = arith.constant 0 : i32
    %dma_start3A_427 = arith.constant 0 : i32
    %dma_start3A_428 = tpu.memref_slice %arg3[%add3A_421, %dma_start3A_426, %dma_start3A_427] : memref<2564x2x128xi32, #tpu.memory_space<hbm>> -> memref<1x2x128xi32, #tpu.memory_space<hbm>>
    %dma_start3A_429 = tpu.memref_squeeze %dma_start3A_428 : memref<1x2x128xi32, #tpu.memory_space<hbm>> -> memref<2x128xi32, #tpu.memory_space<hbm>>
    tpu.enqueue_dma source(%dma_start3A_429 : memref<2x128xi32, #tpu.memory_space<hbm>>) target(%arg8 : memref<2x128xi32, #tpu.memory_space<vmem>>) target_semaphore(%arg14 : memref<!tpu.dma_semaphore, #tpu.memory_space<semaphore_mem>>)
    %dma_start3A_430 = arith.constant 0 : i32
    %dma_start3A_431 = arith.constant 0 : i32
    %dma_start3A_432 = tpu.memref_slice %arg10[%dma_start3A_430, %dma_start3A_431] : memref<2x128xi32, #tpu.memory_space<vmem>> -> memref<1x128xi32, #tpu.memory_space<vmem>>
    %dma_start3A_433 = tpu.memref_squeeze %dma_start3A_432 : memref<1x128xi32, #tpu.memory_space<vmem>> -> memref<128xi32, #tpu.memory_space<vmem>>
    %dma_start3A_434 = arith.constant 0 : i32
    %dma_start3A_435 = arith.constant 0 : i32
    %dma_start3A_436 = tpu.memref_slice %arg2[%dma_start3A_434, %dma_start3A_435] : memref<10112x16xf32, #tpu.memory_space<hbm>> -> memref<10112x16xf32, #tpu.memory_space<hbm>>
    tpu.enqueue_indirect_dma source(%dma_start3A_436 : memref<10112x16xf32, #tpu.memory_space<hbm>>) target(%arg12 : memref<128x16xf32, #tpu.memory_space<vmem>>) offsets(%dma_start3A_433 : memref<128xi32, #tpu.memory_space<vmem>>) semaphore(%arg15 : memref<!tpu.dma_semaphore, #tpu.memory_space<semaphore_mem>>)
    %scan3A = arith.constant 0 : i32
    %scan3A_437 = arith.constant 0 : i32
    %scan3A_438 = arith.constant 39 : i32
    %scan3A_439 = arith.addi %scan3A_437, %scan3A_438 : i32
    %scan3A_440 = arith.constant 1 : i32
    scf.for %scan3A_487 = %scan3A_437 to %scan3A_439 step %scan3A_440  : i32 {
      %mul3A_488 = arith.constant 2 : i32
      %mul3A_489 = arith.muli %mul3A_488, %scan3A_487 : i32
      %add3A_490 = arith.constant 1 : i32
      %add3A_491 = arith.addi %mul3A_489, %add3A_490 : i32
      %dma_wait3A_492 = arith.constant 0 : i32
      %dma_wait3A_493 = arith.constant 0 : i32
      %dma_wait3A_494 = tpu.memref_slice %arg10[%dma_wait3A_492, %dma_wait3A_493] : memref<2x128xi32, #tpu.memory_space<vmem>> -> memref<1x128xi32, #tpu.memory_space<vmem>>
      %dma_wait3A_495 = tpu.memref_squeeze %dma_wait3A_494 : memref<1x128xi32, #tpu.memory_space<vmem>> -> memref<128xi32, #tpu.memory_space<vmem>>
      %dma_wait3A_496 = arith.constant 0 : i32
      %dma_wait3A_497 = arith.constant 0 : i32
      %dma_wait3A_498 = tpu.memref_slice %arg2[%dma_wait3A_496, %dma_wait3A_497] : memref<10112x16xf32, #tpu.memory_space<hbm>> -> memref<10112x16xf32, #tpu.memory_space<hbm>>
      tpu.wait_indirect_dma semaphore(%arg15 : memref<!tpu.dma_semaphore, #tpu.memory_space<semaphore_mem>>) src(%dma_wait3A_498 : memref<10112x16xf32, #tpu.memory_space<hbm>>) dst(%arg12 : memref<128x16xf32, #tpu.memory_space<vmem>>)
      %dma_start3A_499 = arith.constant 1 : i32
      %dma_start3A_500 = arith.constant 0 : i32
      %dma_start3A_501 = tpu.memref_slice %arg10[%dma_start3A_499, %dma_start3A_500] : memref<2x128xi32, #tpu.memory_space<vmem>> -> memref<1x128xi32, #tpu.memory_space<vmem>>
      %dma_start3A_502 = tpu.memref_squeeze %dma_start3A_501 : memref<1x128xi32, #tpu.memory_space<vmem>> -> memref<128xi32, #tpu.memory_space<vmem>>
      %dma_start3A_503 = arith.constant 0 : i32
      %dma_start3A_504 = arith.constant 0 : i32
      %dma_start3A_505 = tpu.memref_slice %arg6[%dma_start3A_503, %dma_start3A_504] : memref<10112x16xf32, #tpu.memory_space<vmem_shared>> -> memref<10112x16xf32, #tpu.memory_space<vmem_shared>>
      tpu.enqueue_indirect_dma source(%arg12 : memref<128x16xf32, #tpu.memory_space<vmem>>) target(%dma_start3A_505 : memref<10112x16xf32, #tpu.memory_space<vmem_shared>>) offsets(%dma_start3A_502 : memref<128xi32, #tpu.memory_space<vmem>>) semaphore(%arg17 : memref<!tpu.dma_semaphore, #tpu.memory_space<semaphore_mem>>) {add = true}
      %dma_wait3A_506 = arith.constant 0 : i32
      %dma_wait3A_507 = arith.constant 0 : i32
      %dma_wait3A_508 = tpu.memref_slice %arg3[%mul3A_4, %dma_wait3A_506, %dma_wait3A_507] : memref<2564x2x128xi32, #tpu.memory_space<hbm>> -> memref<1x2x128xi32, #tpu.memory_space<hbm>>
      %dma_wait3A_509 = tpu.memref_squeeze %dma_wait3A_508 : memref<1x2x128xi32, #tpu.memory_space<hbm>> -> memref<2x128xi32, #tpu.memory_space<hbm>>
      %dma_wait3A_510 = arith.constant 0 : i32
      %dma_wait3A_511 = arith.constant 0 : i32
      %dma_wait3A_512 = tpu.memref_slice %arg3[%mul3A_4, %dma_wait3A_510, %dma_wait3A_511] : memref<2564x2x128xi32, #tpu.memory_space<hbm>> -> memref<1x2x128xi32, #tpu.memory_space<hbm>>
      %dma_wait3A_513 = tpu.memref_squeeze %dma_wait3A_512 : memref<1x2x128xi32, #tpu.memory_space<hbm>> -> memref<2x128xi32, #tpu.memory_space<hbm>>
      tpu.wait_dma2 semaphore(%arg13 : memref<!tpu.dma_semaphore, #tpu.memory_space<semaphore_mem>>) src(%dma_wait3A_513 : memref<2x128xi32, #tpu.memory_space<hbm>>) dst(%arg7 : memref<2x128xi32, #tpu.memory_space<vmem>>)
      %dma_wait3A_514 = arith.constant 1 : i32
      %dma_wait3A_515 = arith.constant 0 : i32
      %dma_wait3A_516 = tpu.memref_slice %arg9[%dma_wait3A_514, %dma_wait3A_515] : memref<2x128xi32, #tpu.memory_space<vmem>> -> memref<1x128xi32, #tpu.memory_space<vmem>>
      %dma_wait3A_517 = tpu.memref_squeeze %dma_wait3A_516 : memref<1x128xi32, #tpu.memory_space<vmem>> -> memref<128xi32, #tpu.memory_space<vmem>>
      %dma_wait3A_518 = arith.constant 0 : i32
      %dma_wait3A_519 = arith.constant 0 : i32
      %dma_wait3A_520 = tpu.memref_slice %arg6[%dma_wait3A_518, %dma_wait3A_519] : memref<10112x16xf32, #tpu.memory_space<vmem_shared>> -> memref<10112x16xf32, #tpu.memory_space<vmem_shared>>
      tpu.wait_indirect_dma semaphore(%arg16 : memref<!tpu.dma_semaphore, #tpu.memory_space<semaphore_mem>>) src(%arg11 : memref<128x16xf32, #tpu.memory_space<vmem>>) dst(%dma_wait3A_520 : memref<10112x16xf32, #tpu.memory_space<vmem_shared>>)
      %get3A_521 = arith.constant 0 : i32
      %get3A_522 = arith.index_cast %get3A_521 : i32 to index
      %get3A_523 = arith.constant 0 : index
      %get3A_524 = tpu.vector_load %arg7[%get3A_522, %get3A_523] {strides = array<i32>} : memref<2x128xi32, #tpu.memory_space<vmem>>, vector<1x16xi32>,
      %get3A_525 = vector.shape_cast %get3A_524 : vector<1x16xi32> to vector<16xi32>
      %swap3A_526 = arith.constant 0 : i32
      %swap3A_527 = arith.index_cast %swap3A_526 : i32 to index
      %swap3A_528 = arith.constant 0 : index
      %swap3A_529 = tpu.vector_load %arg9[%swap3A_527, %swap3A_528] {strides = array<i32>} : memref<2x128xi32, #tpu.memory_space<vmem>>, vector<1x16xi32>,
      %swap3A_530 = vector.shape_cast %swap3A_529 : vector<1x16xi32> to vector<16xi32>
      %swap3A_531 = vector.shape_cast %get3A_525 : vector<16xi32> to vector<1x16xi32>
      tpu.vector_store %arg9[%swap3A_527, %swap3A_528], %swap3A_531 {strides = array<i32>} : memref<2x128xi32, #tpu.memory_space<vmem>>, vector<1x16xi32>,
      %get3A_532 = arith.constant 0 : i32
      %get3A_533 = arith.index_cast %get3A_532 : i32 to index
      %get3A_534 = arith.constant 16 : index
      %get3A_535 = tpu.vector_load %arg7[%get3A_533, %get3A_534] {strides = array<i32>} : memref<2x128xi32, #tpu.memory_space<vmem>>, vector<1x16xi32>,
      %get3A_536 = vector.shape_cast %get3A_535 : vector<1x16xi32> to vector<16xi32>
      %swap3A_537 = arith.constant 0 : i32
      %swap3A_538 = arith.index_cast %swap3A_537 : i32 to index
      %swap3A_539 = arith.constant 16 : index
      %swap3A_540 = tpu.vector_load %arg9[%swap3A_538, %swap3A_539] {strides = array<i32>} : memref<2x128xi32, #tpu.memory_space<vmem>>, vector<1x16xi32>,
      %swap3A_541 = vector.shape_cast %swap3A_540 : vector<1x16xi32> to vector<16xi32>
      %swap3A_542 = vector.shape_cast %get3A_536 : vector<16xi32> to vector<1x16xi32>
      tpu.vector_store %arg9[%swap3A_538, %swap3A_539], %swap3A_542 {strides = array<i32>} : memref<2x128xi32, #tpu.memory_space<vmem>>, vector<1x16xi32>,
      %get3A_543 = arith.constant 0 : i32
      %get3A_544 = arith.index_cast %get3A_543 : i32 to index
      %get3A_545 = arith.constant 32 : index
      %get3A_546 = tpu.vector_load %arg7[%get3A_544, %get3A_545] {strides = array<i32>} : memref<2x128xi32, #tpu.memory_space<vmem>>, vector<1x16xi32>,
      %get3A_547 = vector.shape_cast %get3A_546 : vector<1x16xi32> to vector<16xi32>
      %swap3A_548 = arith.constant 0 : i32
      %swap3A_549 = arith.index_cast %swap3A_548 : i32 to index
      %swap3A_550 = arith.constant 32 : index
      %swap3A_551 = tpu.vector_load %arg9[%swap3A_549, %swap3A_550] {strides = array<i32>} : memref<2x128xi32, #tpu.memory_space<vmem>>, vector<1x16xi32>,
      %swap3A_552 = vector.shape_cast %swap3A_551 : vector<1x16xi32> to vector<16xi32>
      %swap3A_553 = vector.shape_cast %get3A_547 : vector<16xi32> to vector<1x16xi32>
      tpu.vector_store %arg9[%swap3A_549, %swap3A_550], %swap3A_553 {strides = array<i32>} : memref<2x128xi32, #tpu.memory_space<vmem>>, vector<1x16xi32>,
      %get3A_554 = arith.constant 0 : i32
      %get3A_555 = arith.index_cast %get3A_554 : i32 to index
      %get3A_556 = arith.constant 48 : index
      %get3A_557 = tpu.vector_load %arg7[%get3A_555, %get3A_556] {strides = array<i32>} : memref<2x128xi32, #tpu.memory_space<vmem>>, vector<1x16xi32>,
      %get3A_558 = vector.shape_cast %get3A_557 : vector<1x16xi32> to vector<16xi32>
      %swap3A_559 = arith.constant 0 : i32
      %swap3A_560 = arith.index_cast %swap3A_559 : i32 to index
      %swap3A_561 = arith.constant 48 : index
      %swap3A_562 = tpu.vector_load %arg9[%swap3A_560, %swap3A_561] {strides = array<i32>} : memref<2x128xi32, #tpu.memory_space<vmem>>, vector<1x16xi32>,
      %swap3A_563 = vector.shape_cast %swap3A_562 : vector<1x16xi32> to vector<16xi32>
      %swap3A_564 = vector.shape_cast %get3A_558 : vector<16xi32> to vector<1x16xi32>
      tpu.vector_store %arg9[%swap3A_560, %swap3A_561], %swap3A_564 {strides = array<i32>} : memref<2x128xi32, #tpu.memory_space<vmem>>, vector<1x16xi32>,
      %get3A_565 = arith.constant 0 : i32
      %get3A_566 = arith.index_cast %get3A_565 : i32 to index
      %get3A_567 = arith.constant 64 : index
      %get3A_568 = tpu.vector_load %arg7[%get3A_566, %get3A_567] {strides = array<i32>} : memref<2x128xi32, #tpu.memory_space<vmem>>, vector<1x16xi32>,
      %get3A_569 = vector.shape_cast %get3A_568 : vector<1x16xi32> to vector<16xi32>
      %swap3A_570 = arith.constant 0 : i32
      %swap3A_571 = arith.index_cast %swap3A_570 : i32 to index
      %swap3A_572 = arith.constant 64 : index
      %swap3A_573 = tpu.vector_load %arg9[%swap3A_571, %swap3A_572] {strides = array<i32>} : memref<2x128xi32, #tpu.memory_space<vmem>>, vector<1x16xi32>,
      %swap3A_574 = vector.shape_cast %swap3A_573 : vector<1x16xi32> to vector<16xi32>
      %swap3A_575 = vector.shape_cast %get3A_569 : vector<16xi32> to vector<1x16xi32>
      tpu.vector_store %arg9[%swap3A_571, %swap3A_572], %swap3A_575 {strides = array<i32>} : memref<2x128xi32, #tpu.memory_space<vmem>>, vector<1x16xi32>,
      %get3A_576 = arith.constant 0 : i32
      %get3A_577 = arith.index_cast %get3A_576 : i32 to index
      %get3A_578 = arith.constant 80 : index
      %get3A_579 = tpu.vector_load %arg7[%get3A_577, %get3A_578] {strides = array<i32>} : memref<2x128xi32, #tpu.memory_space<vmem>>, vector<1x16xi32>,
      %get3A_580 = vector.shape_cast %get3A_579 : vector<1x16xi32> to vector<16xi32>
      %swap3A_581 = arith.constant 0 : i32
      %swap3A_582 = arith.index_cast %swap3A_581 : i32 to index
      %swap3A_583 = arith.constant 80 : index
      %swap3A_584 = tpu.vector_load %arg9[%swap3A_582, %swap3A_583] {strides = array<i32>} : memref<2x128xi32, #tpu.memory_space<vmem>>, vector<1x16xi32>,
      %swap3A_585 = vector.shape_cast %swap3A_584 : vector<1x16xi32> to vector<16xi32>
      %swap3A_586 = vector.shape_cast %get3A_580 : vector<16xi32> to vector<1x16xi32>
      tpu.vector_store %arg9[%swap3A_582, %swap3A_583], %swap3A_586 {strides = array<i32>} : memref<2x128xi32, #tpu.memory_space<vmem>>, vector<1x16xi32>,
      %get3A_587 = arith.constant 0 : i32
      %get3A_588 = arith.index_cast %get3A_587 : i32 to index
      %get3A_589 = arith.constant 96 : index
      %get3A_590 = tpu.vector_load %arg7[%get3A_588, %get3A_589] {strides = array<i32>} : memref<2x128xi32, #tpu.memory_space<vmem>>, vector<1x16xi32>,
      %get3A_591 = vector.shape_cast %get3A_590 : vector<1x16xi32> to vector<16xi32>
      %swap3A_592 = arith.constant 0 : i32
      %swap3A_593 = arith.index_cast %swap3A_592 : i32 to index
      %swap3A_594 = arith.constant 96 : index
      %swap3A_595 = tpu.vector_load %arg9[%swap3A_593, %swap3A_594] {strides = array<i32>} : memref<2x128xi32, #tpu.memory_space<vmem>>, vector<1x16xi32>,
      %swap3A_596 = vector.shape_cast %swap3A_595 : vector<1x16xi32> to vector<16xi32>
      %swap3A_597 = vector.shape_cast %get3A_591 : vector<16xi32> to vector<1x16xi32>
      tpu.vector_store %arg9[%swap3A_593, %swap3A_594], %swap3A_597 {strides = array<i32>} : memref<2x128xi32, #tpu.memory_space<vmem>>, vector<1x16xi32>,
      %get3A_598 = arith.constant 0 : i32
      %get3A_599 = arith.index_cast %get3A_598 : i32 to index
      %get3A_600 = arith.constant 112 : index
      %get3A_601 = tpu.vector_load %arg7[%get3A_599, %get3A_600] {strides = array<i32>} : memref<2x128xi32, #tpu.memory_space<vmem>>, vector<1x16xi32>,
      %get3A_602 = vector.shape_cast %get3A_601 : vector<1x16xi32> to vector<16xi32>
      %swap3A_603 = arith.constant 0 : i32
      %swap3A_604 = arith.index_cast %swap3A_603 : i32 to index
      %swap3A_605 = arith.constant 112 : index
      %swap3A_606 = tpu.vector_load %arg9[%swap3A_604, %swap3A_605] {strides = array<i32>} : memref<2x128xi32, #tpu.memory_space<vmem>>, vector<1x16xi32>,
      %swap3A_607 = vector.shape_cast %swap3A_606 : vector<1x16xi32> to vector<16xi32>
      %swap3A_608 = vector.shape_cast %get3A_602 : vector<16xi32> to vector<1x16xi32>
      tpu.vector_store %arg9[%swap3A_604, %swap3A_605], %swap3A_608 {strides = array<i32>} : memref<2x128xi32, #tpu.memory_space<vmem>>, vector<1x16xi32>,
      %get3A_609 = arith.constant 1 : i32
      %get3A_610 = arith.index_cast %get3A_609 : i32 to index
      %get3A_611 = arith.constant 0 : index
      %get3A_612 = tpu.vector_load %arg7[%get3A_610, %get3A_611] {strides = array<i32>} : memref<2x128xi32, #tpu.memory_space<vmem>>, vector<1x16xi32>,
      %get3A_613 = vector.shape_cast %get3A_612 : vector<1x16xi32> to vector<16xi32>
      %swap3A_614 = arith.constant 1 : i32
      %swap3A_615 = arith.index_cast %swap3A_614 : i32 to index
      %swap3A_616 = arith.constant 0 : index
      %swap3A_617 = tpu.vector_load %arg9[%swap3A_615, %swap3A_616] {strides = array<i32>} : memref<2x128xi32, #tpu.memory_space<vmem>>, vector<1x16xi32>,
      %swap3A_618 = vector.shape_cast %swap3A_617 : vector<1x16xi32> to vector<16xi32>
      %swap3A_619 = vector.shape_cast %get3A_613 : vector<16xi32> to vector<1x16xi32>
      tpu.vector_store %arg9[%swap3A_615, %swap3A_616], %swap3A_619 {strides = array<i32>} : memref<2x128xi32, #tpu.memory_space<vmem>>, vector<1x16xi32>,
      %get3A_620 = arith.constant 1 : i32
      %get3A_621 = arith.index_cast %get3A_620 : i32 to index
      %get3A_622 = arith.constant 16 : index
      %get3A_623 = tpu.vector_load %arg7[%get3A_621, %get3A_622] {strides = array<i32>} : memref<2x128xi32, #tpu.memory_space<vmem>>, vector<1x16xi32>,
      %get3A_624 = vector.shape_cast %get3A_623 : vector<1x16xi32> to vector<16xi32>
      %swap3A_625 = arith.constant 1 : i32
      %swap3A_626 = arith.index_cast %swap3A_625 : i32 to index
      %swap3A_627 = arith.constant 16 : index
      %swap3A_628 = tpu.vector_load %arg9[%swap3A_626, %swap3A_627] {strides = array<i32>} : memref<2x128xi32, #tpu.memory_space<vmem>>, vector<1x16xi32>,
      %swap3A_629 = vector.shape_cast %swap3A_628 : vector<1x16xi32> to vector<16xi32>
      %swap3A_630 = vector.shape_cast %get3A_624 : vector<16xi32> to vector<1x16xi32>
      tpu.vector_store %arg9[%swap3A_626, %swap3A_627], %swap3A_630 {strides = array<i32>} : memref<2x128xi32, #tpu.memory_space<vmem>>, vector<1x16xi32>,
      %get3A_631 = arith.constant 1 : i32
      %get3A_632 = arith.index_cast %get3A_631 : i32 to index
      %get3A_633 = arith.constant 32 : index
      %get3A_634 = tpu.vector_load %arg7[%get3A_632, %get3A_633] {strides = array<i32>} : memref<2x128xi32, #tpu.memory_space<vmem>>, vector<1x16xi32>,
      %get3A_635 = vector.shape_cast %get3A_634 : vector<1x16xi32> to vector<16xi32>
      %swap3A_636 = arith.constant 1 : i32
      %swap3A_637 = arith.index_cast %swap3A_636 : i32 to index
      %swap3A_638 = arith.constant 32 : index
      %swap3A_639 = tpu.vector_load %arg9[%swap3A_637, %swap3A_638] {strides = array<i32>} : memref<2x128xi32, #tpu.memory_space<vmem>>, vector<1x16xi32>,
      %swap3A_640 = vector.shape_cast %swap3A_639 : vector<1x16xi32> to vector<16xi32>
      %swap3A_641 = vector.shape_cast %get3A_635 : vector<16xi32> to vector<1x16xi32>
      tpu.vector_store %arg9[%swap3A_637, %swap3A_638], %swap3A_641 {strides = array<i32>} : memref<2x128xi32, #tpu.memory_space<vmem>>, vector<1x16xi32>,
      %get3A_642 = arith.constant 1 : i32
      %get3A_643 = arith.index_cast %get3A_642 : i32 to index
      %get3A_644 = arith.constant 48 : index
      %get3A_645 = tpu.vector_load %arg7[%get3A_643, %get3A_644] {strides = array<i32>} : memref<2x128xi32, #tpu.memory_space<vmem>>, vector<1x16xi32>,
      %get3A_646 = vector.shape_cast %get3A_645 : vector<1x16xi32> to vector<16xi32>
      %swap3A_647 = arith.constant 1 : i32
      %swap3A_648 = arith.index_cast %swap3A_647 : i32 to index
      %swap3A_649 = arith.constant 48 : index
      %swap3A_650 = tpu.vector_load %arg9[%swap3A_648, %swap3A_649] {strides = array<i32>} : memref<2x128xi32, #tpu.memory_space<vmem>>, vector<1x16xi32>,
      %swap3A_651 = vector.shape_cast %swap3A_650 : vector<1x16xi32> to vector<16xi32>
      %swap3A_652 = vector.shape_cast %get3A_646 : vector<16xi32> to vector<1x16xi32>
      tpu.vector_store %arg9[%swap3A_648, %swap3A_649], %swap3A_652 {strides = array<i32>} : memref<2x128xi32, #tpu.memory_space<vmem>>, vector<1x16xi32>,
      %get3A_653 = arith.constant 1 : i32
      %get3A_654 = arith.index_cast %get3A_653 : i32 to index
      %get3A_655 = arith.constant 64 : index
      %get3A_656 = tpu.vector_load %arg7[%get3A_654, %get3A_655] {strides = array<i32>} : memref<2x128xi32, #tpu.memory_space<vmem>>, vector<1x16xi32>,
      %get3A_657 = vector.shape_cast %get3A_656 : vector<1x16xi32> to vector<16xi32>
      %swap3A_658 = arith.constant 1 : i32
      %swap3A_659 = arith.index_cast %swap3A_658 : i32 to index
      %swap3A_660 = arith.constant 64 : index
      %swap3A_661 = tpu.vector_load %arg9[%swap3A_659, %swap3A_660] {strides = array<i32>} : memref<2x128xi32, #tpu.memory_space<vmem>>, vector<1x16xi32>,
      %swap3A_662 = vector.shape_cast %swap3A_661 : vector<1x16xi32> to vector<16xi32>
      %swap3A_663 = vector.shape_cast %get3A_657 : vector<16xi32> to vector<1x16xi32>
      tpu.vector_store %arg9[%swap3A_659, %swap3A_660], %swap3A_663 {strides = array<i32>} : memref<2x128xi32, #tpu.memory_space<vmem>>, vector<1x16xi32>,
      %get3A_664 = arith.constant 1 : i32
      %get3A_665 = arith.index_cast %get3A_664 : i32 to index
      %get3A_666 = arith.constant 80 : index
      %get3A_667 = tpu.vector_load %arg7[%get3A_665, %get3A_666] {strides = array<i32>} : memref<2x128xi32, #tpu.memory_space<vmem>>, vector<1x16xi32>,
      %get3A_668 = vector.shape_cast %get3A_667 : vector<1x16xi32> to vector<16xi32>
      %swap3A_669 = arith.constant 1 : i32
      %swap3A_670 = arith.index_cast %swap3A_669 : i32 to index
      %swap3A_671 = arith.constant 80 : index
      %swap3A_672 = tpu.vector_load %arg9[%swap3A_670, %swap3A_671] {strides = array<i32>} : memref<2x128xi32, #tpu.memory_space<vmem>>, vector<1x16xi32>,
      %swap3A_673 = vector.shape_cast %swap3A_672 : vector<1x16xi32> to vector<16xi32>
      %swap3A_674 = vector.shape_cast %get3A_668 : vector<16xi32> to vector<1x16xi32>
      tpu.vector_store %arg9[%swap3A_670, %swap3A_671], %swap3A_674 {strides = array<i32>} : memref<2x128xi32, #tpu.memory_space<vmem>>, vector<1x16xi32>,
      %get3A_675 = arith.constant 1 : i32
      %get3A_676 = arith.index_cast %get3A_675 : i32 to index
      %get3A_677 = arith.constant 96 : index
      %get3A_678 = tpu.vector_load %arg7[%get3A_676, %get3A_677] {strides = array<i32>} : memref<2x128xi32, #tpu.memory_space<vmem>>, vector<1x16xi32>,
      %get3A_679 = vector.shape_cast %get3A_678 : vector<1x16xi32> to vector<16xi32>
      %swap3A_680 = arith.constant 1 : i32
      %swap3A_681 = arith.index_cast %swap3A_680 : i32 to index
      %swap3A_682 = arith.constant 96 : index
      %swap3A_683 = tpu.vector_load %arg9[%swap3A_681, %swap3A_682] {strides = array<i32>} : memref<2x128xi32, #tpu.memory_space<vmem>>, vector<1x16xi32>,
      %swap3A_684 = vector.shape_cast %swap3A_683 : vector<1x16xi32> to vector<16xi32>
      %swap3A_685 = vector.shape_cast %get3A_679 : vector<16xi32> to vector<1x16xi32>
      tpu.vector_store %arg9[%swap3A_681, %swap3A_682], %swap3A_685 {strides = array<i32>} : memref<2x128xi32, #tpu.memory_space<vmem>>, vector<1x16xi32>,
      %get3A_686 = arith.constant 1 : i32
      %get3A_687 = arith.index_cast %get3A_686 : i32 to index
      %get3A_688 = arith.constant 112 : index
      %get3A_689 = tpu.vector_load %arg7[%get3A_687, %get3A_688] {strides = array<i32>} : memref<2x128xi32, #tpu.memory_space<vmem>>, vector<1x16xi32>,
      %get3A_690 = vector.shape_cast %get3A_689 : vector<1x16xi32> to vector<16xi32>
      %swap3A_691 = arith.constant 1 : i32
      %swap3A_692 = arith.index_cast %swap3A_691 : i32 to index
      %swap3A_693 = arith.constant 112 : index
      %swap3A_694 = tpu.vector_load %arg9[%swap3A_692, %swap3A_693] {strides = array<i32>} : memref<2x128xi32, #tpu.memory_space<vmem>>, vector<1x16xi32>,
      %swap3A_695 = vector.shape_cast %swap3A_694 : vector<1x16xi32> to vector<16xi32>
      %swap3A_696 = vector.shape_cast %get3A_690 : vector<16xi32> to vector<1x16xi32>
      tpu.vector_store %arg9[%swap3A_692, %swap3A_693], %swap3A_696 {strides = array<i32>} : memref<2x128xi32, #tpu.memory_space<vmem>>, vector<1x16xi32>,
      %add3A_697 = arith.constant 3 : i32
      %add3A_698 = arith.addi %add3A_491, %add3A_697 : i32
      %add3A_699 = arith.addi %mul3A_4, %add3A_698 : i32
      %dma_start3A_700 = arith.constant 0 : i32
      %dma_start3A_701 = arith.constant 0 : i32
      %dma_start3A_702 = tpu.memref_slice %arg3[%add3A_699, %dma_start3A_700, %dma_start3A_701] : memref<2564x2x128xi32, #tpu.memory_space<hbm>> -> memref<1x2x128xi32, #tpu.memory_space<hbm>>
      %dma_start3A_703 = tpu.memref_squeeze %dma_start3A_702 : memref<1x2x128xi32, #tpu.memory_space<hbm>> -> memref<2x128xi32, #tpu.memory_space<hbm>>
      %dma_start3A_704 = arith.constant 0 : i32
      %dma_start3A_705 = arith.constant 0 : i32
      %dma_start3A_706 = tpu.memref_slice %arg3[%add3A_699, %dma_start3A_704, %dma_start3A_705] : memref<2564x2x128xi32, #tpu.memory_space<hbm>> -> memref<1x2x128xi32, #tpu.memory_space<hbm>>
      %dma_start3A_707 = tpu.memref_squeeze %dma_start3A_706 : memref<1x2x128xi32, #tpu.memory_space<hbm>> -> memref<2x128xi32, #tpu.memory_space<hbm>>
      tpu.enqueue_dma source(%dma_start3A_707 : memref<2x128xi32, #tpu.memory_space<hbm>>) target(%arg7 : memref<2x128xi32, #tpu.memory_space<vmem>>) target_semaphore(%arg13 : memref<!tpu.dma_semaphore, #tpu.memory_space<semaphore_mem>>)
      %dma_start3A_708 = arith.constant 0 : i32
      %dma_start3A_709 = arith.constant 0 : i32
      %dma_start3A_710 = tpu.memref_slice %arg9[%dma_start3A_708, %dma_start3A_709] : memref<2x128xi32, #tpu.memory_space<vmem>> -> memref<1x128xi32, #tpu.memory_space<vmem>>
      %dma_start3A_711 = tpu.memref_squeeze %dma_start3A_710 : memref<1x128xi32, #tpu.memory_space<vmem>> -> memref<128xi32, #tpu.memory_space<vmem>>
      %dma_start3A_712 = arith.constant 0 : i32
      %dma_start3A_713 = arith.constant 0 : i32
      %dma_start3A_714 = tpu.memref_slice %arg2[%dma_start3A_712, %dma_start3A_713] : memref<10112x16xf32, #tpu.memory_space<hbm>> -> memref<10112x16xf32, #tpu.memory_space<hbm>>
      tpu.enqueue_indirect_dma source(%dma_start3A_714 : memref<10112x16xf32, #tpu.memory_space<hbm>>) target(%arg11 : memref<128x16xf32, #tpu.memory_space<vmem>>) offsets(%dma_start3A_711 : memref<128xi32, #tpu.memory_space<vmem>>) semaphore(%arg15 : memref<!tpu.dma_semaphore, #tpu.memory_space<semaphore_mem>>)
      %dma_wait3A_715 = arith.constant 0 : i32
      %dma_wait3A_716 = arith.constant 0 : i32
      %dma_wait3A_717 = tpu.memref_slice %arg9[%dma_wait3A_715, %dma_wait3A_716] : memref<2x128xi32, #tpu.memory_space<vmem>> -> memref<1x128xi32, #tpu.memory_space<vmem>>
      %dma_wait3A_718 = tpu.memref_squeeze %dma_wait3A_717 : memref<1x128xi32, #tpu.memory_space<vmem>> -> memref<128xi32, #tpu.memory_space<vmem>>
      %dma_wait3A_719 = arith.constant 0 : i32
      %dma_wait3A_720 = arith.constant 0 : i32
      %dma_wait3A_721 = tpu.memref_slice %arg2[%dma_wait3A_719, %dma_wait3A_720] : memref<10112x16xf32, #tpu.memory_space<hbm>> -> memref<10112x16xf32, #tpu.memory_space<hbm>>
      tpu.wait_indirect_dma semaphore(%arg15 : memref<!tpu.dma_semaphore, #tpu.memory_space<semaphore_mem>>) src(%dma_wait3A_721 : memref<10112x16xf32, #tpu.memory_space<hbm>>) dst(%arg11 : memref<128x16xf32, #tpu.memory_space<vmem>>)
      %dma_start3A_722 = arith.constant 1 : i32
      %dma_start3A_723 = arith.constant 0 : i32
      %dma_start3A_724 = tpu.memref_slice %arg9[%dma_start3A_722, %dma_start3A_723] : memref<2x128xi32, #tpu.memory_space<vmem>> -> memref<1x128xi32, #tpu.memory_space<vmem>>
      %dma_start3A_725 = tpu.memref_squeeze %dma_start3A_724 : memref<1x128xi32, #tpu.memory_space<vmem>> -> memref<128xi32, #tpu.memory_space<vmem>>
      %dma_start3A_726 = arith.constant 0 : i32
      %dma_start3A_727 = arith.constant 0 : i32
      %dma_start3A_728 = tpu.memref_slice %arg6[%dma_start3A_726, %dma_start3A_727] : memref<10112x16xf32, #tpu.memory_space<vmem_shared>> -> memref<10112x16xf32, #tpu.memory_space<vmem_shared>>
      tpu.enqueue_indirect_dma source(%arg11 : memref<128x16xf32, #tpu.memory_space<vmem>>) target(%dma_start3A_728 : memref<10112x16xf32, #tpu.memory_space<vmem_shared>>) offsets(%dma_start3A_725 : memref<128xi32, #tpu.memory_space<vmem>>) semaphore(%arg16 : memref<!tpu.dma_semaphore, #tpu.memory_space<semaphore_mem>>) {add = true}
      %dma_wait3A_729 = arith.constant 0 : i32
      %dma_wait3A_730 = arith.constant 0 : i32
      %dma_wait3A_731 = tpu.memref_slice %arg3[%mul3A_4, %dma_wait3A_729, %dma_wait3A_730] : memref<2564x2x128xi32, #tpu.memory_space<hbm>> -> memref<1x2x128xi32, #tpu.memory_space<hbm>>
      %dma_wait3A_732 = tpu.memref_squeeze %dma_wait3A_731 : memref<1x2x128xi32, #tpu.memory_space<hbm>> -> memref<2x128xi32, #tpu.memory_space<hbm>>
      %dma_wait3A_733 = arith.constant 0 : i32
      %dma_wait3A_734 = arith.constant 0 : i32
      %dma_wait3A_735 = tpu.memref_slice %arg3[%mul3A_4, %dma_wait3A_733, %dma_wait3A_734] : memref<2564x2x128xi32, #tpu.memory_space<hbm>> -> memref<1x2x128xi32, #tpu.memory_space<hbm>>
      %dma_wait3A_736 = tpu.memref_squeeze %dma_wait3A_735 : memref<1x2x128xi32, #tpu.memory_space<hbm>> -> memref<2x128xi32, #tpu.memory_space<hbm>>
      tpu.wait_dma2 semaphore(%arg14 : memref<!tpu.dma_semaphore, #tpu.memory_space<semaphore_mem>>) src(%dma_wait3A_736 : memref<2x128xi32, #tpu.memory_space<hbm>>) dst(%arg8 : memref<2x128xi32, #tpu.memory_space<vmem>>)
      %dma_wait3A_737 = arith.constant 1 : i32
      %dma_wait3A_738 = arith.constant 0 : i32
      %dma_wait3A_739 = tpu.memref_slice %arg10[%dma_wait3A_737, %dma_wait3A_738] : memref<2x128xi32, #tpu.memory_space<vmem>> -> memref<1x128xi32, #tpu.memory_space<vmem>>
      %dma_wait3A_740 = tpu.memref_squeeze %dma_wait3A_739 : memref<1x128xi32, #tpu.memory_space<vmem>> -> memref<128xi32, #tpu.memory_space<vmem>>
      %dma_wait3A_741 = arith.constant 0 : i32
      %dma_wait3A_742 = arith.constant 0 : i32
      %dma_wait3A_743 = tpu.memref_slice %arg6[%dma_wait3A_741, %dma_wait3A_742] : memref<10112x16xf32, #tpu.memory_space<vmem_shared>> -> memref<10112x16xf32, #tpu.memory_space<vmem_shared>>
      tpu.wait_indirect_dma semaphore(%arg17 : memref<!tpu.dma_semaphore, #tpu.memory_space<semaphore_mem>>) src(%arg12 : memref<128x16xf32, #tpu.memory_space<vmem>>) dst(%dma_wait3A_743 : memref<10112x16xf32, #tpu.memory_space<vmem_shared>>)
      %get3A_744 = arith.constant 0 : i32
      %get3A_745 = arith.index_cast %get3A_744 : i32 to index
      %get3A_746 = arith.constant 0 : index
      %get3A_747 = tpu.vector_load %arg8[%get3A_745, %get3A_746] {strides = array<i32>} : memref<2x128xi32, #tpu.memory_space<vmem>>, vector<1x16xi32>,
      %get3A_748 = vector.shape_cast %get3A_747 : vector<1x16xi32> to vector<16xi32>
      %swap3A_749 = arith.constant 0 : i32
      %swap3A_750 = arith.index_cast %swap3A_749 : i32 to index
      %swap3A_751 = arith.constant 0 : index
      %swap3A_752 = tpu.vector_load %arg10[%swap3A_750, %swap3A_751] {strides = array<i32>} : memref<2x128xi32, #tpu.memory_space<vmem>>, vector<1x16xi32>,
      %swap3A_753 = vector.shape_cast %swap3A_752 : vector<1x16xi32> to vector<16xi32>
      %swap3A_754 = vector.shape_cast %get3A_748 : vector<16xi32> to vector<1x16xi32>
      tpu.vector_store %arg10[%swap3A_750, %swap3A_751], %swap3A_754 {strides = array<i32>} : memref<2x128xi32, #tpu.memory_space<vmem>>, vector<1x16xi32>,
      %get3A_755 = arith.constant 0 : i32
      %get3A_756 = arith.index_cast %get3A_755 : i32 to index
      %get3A_757 = arith.constant 16 : index
      %get3A_758 = tpu.vector_load %arg8[%get3A_756, %get3A_757] {strides = array<i32>} : memref<2x128xi32, #tpu.memory_space<vmem>>, vector<1x16xi32>,
      %get3A_759 = vector.shape_cast %get3A_758 : vector<1x16xi32> to vector<16xi32>
      %swap3A_760 = arith.constant 0 : i32
      %swap3A_761 = arith.index_cast %swap3A_760 : i32 to index
      %swap3A_762 = arith.constant 16 : index
      %swap3A_763 = tpu.vector_load %arg10[%swap3A_761, %swap3A_762] {strides = array<i32>} : memref<2x128xi32, #tpu.memory_space<vmem>>, vector<1x16xi32>,
      %swap3A_764 = vector.shape_cast %swap3A_763 : vector<1x16xi32> to vector<16xi32>
      %swap3A_765 = vector.shape_cast %get3A_759 : vector<16xi32> to vector<1x16xi32>
      tpu.vector_store %arg10[%swap3A_761, %swap3A_762], %swap3A_765 {strides = array<i32>} : memref<2x128xi32, #tpu.memory_space<vmem>>, vector<1x16xi32>,
      %get3A_766 = arith.constant 0 : i32
      %get3A_767 = arith.index_cast %get3A_766 : i32 to index
      %get3A_768 = arith.constant 32 : index
      %get3A_769 = tpu.vector_load %arg8[%get3A_767, %get3A_768] {strides = array<i32>} : memref<2x128xi32, #tpu.memory_space<vmem>>, vector<1x16xi32>,
      %get3A_770 = vector.shape_cast %get3A_769 : vector<1x16xi32> to vector<16xi32>
      %swap3A_771 = arith.constant 0 : i32
      %swap3A_772 = arith.index_cast %swap3A_771 : i32 to index
      %swap3A_773 = arith.constant 32 : index
      %swap3A_774 = tpu.vector_load %arg10[%swap3A_772, %swap3A_773] {strides = array<i32>} : memref<2x128xi32, #tpu.memory_space<vmem>>, vector<1x16xi32>,
      %swap3A_775 = vector.shape_cast %swap3A_774 : vector<1x16xi32> to vector<16xi32>
      %swap3A_776 = vector.shape_cast %get3A_770 : vector<16xi32> to vector<1x16xi32>
      tpu.vector_store %arg10[%swap3A_772, %swap3A_773], %swap3A_776 {strides = array<i32>} : memref<2x128xi32, #tpu.memory_space<vmem>>, vector<1x16xi32>,
      %get3A_777 = arith.constant 0 : i32
      %get3A_778 = arith.index_cast %get3A_777 : i32 to index
      %get3A_779 = arith.constant 48 : index
      %get3A_780 = tpu.vector_load %arg8[%get3A_778, %get3A_779] {strides = array<i32>} : memref<2x128xi32, #tpu.memory_space<vmem>>, vector<1x16xi32>,
      %get3A_781 = vector.shape_cast %get3A_780 : vector<1x16xi32> to vector<16xi32>
      %swap3A_782 = arith.constant 0 : i32
      %swap3A_783 = arith.index_cast %swap3A_782 : i32 to index
      %swap3A_784 = arith.constant 48 : index
      %swap3A_785 = tpu.vector_load %arg10[%swap3A_783, %swap3A_784] {strides = array<i32>} : memref<2x128xi32, #tpu.memory_space<vmem>>, vector<1x16xi32>,
      %swap3A_786 = vector.shape_cast %swap3A_785 : vector<1x16xi32> to vector<16xi32>
      %swap3A_787 = vector.shape_cast %get3A_781 : vector<16xi32> to vector<1x16xi32>
      tpu.vector_store %arg10[%swap3A_783, %swap3A_784], %swap3A_787 {strides = array<i32>} : memref<2x128xi32, #tpu.memory_space<vmem>>, vector<1x16xi32>,
      %get3A_788 = arith.constant 0 : i32
      %get3A_789 = arith.index_cast %get3A_788 : i32 to index
      %get3A_790 = arith.constant 64 : index
      %get3A_791 = tpu.vector_load %arg8[%get3A_789, %get3A_790] {strides = array<i32>} : memref<2x128xi32, #tpu.memory_space<vmem>>, vector<1x16xi32>,
      %get3A_792 = vector.shape_cast %get3A_791 : vector<1x16xi32> to vector<16xi32>
      %swap3A_793 = arith.constant 0 : i32
      %swap3A_794 = arith.index_cast %swap3A_793 : i32 to index
      %swap3A_795 = arith.constant 64 : index
      %swap3A_796 = tpu.vector_load %arg10[%swap3A_794, %swap3A_795] {strides = array<i32>} : memref<2x128xi32, #tpu.memory_space<vmem>>, vector<1x16xi32>,
      %swap3A_797 = vector.shape_cast %swap3A_796 : vector<1x16xi32> to vector<16xi32>
      %swap3A_798 = vector.shape_cast %get3A_792 : vector<16xi32> to vector<1x16xi32>
      tpu.vector_store %arg10[%swap3A_794, %swap3A_795], %swap3A_798 {strides = array<i32>} : memref<2x128xi32, #tpu.memory_space<vmem>>, vector<1x16xi32>,
      %get3A_799 = arith.constant 0 : i32
      %get3A_800 = arith.index_cast %get3A_799 : i32 to index
      %get3A_801 = arith.constant 80 : index
      %get3A_802 = tpu.vector_load %arg8[%get3A_800, %get3A_801] {strides = array<i32>} : memref<2x128xi32, #tpu.memory_space<vmem>>, vector<1x16xi32>,
      %get3A_803 = vector.shape_cast %get3A_802 : vector<1x16xi32> to vector<16xi32>
      %swap3A_804 = arith.constant 0 : i32
      %swap3A_805 = arith.index_cast %swap3A_804 : i32 to index
      %swap3A_806 = arith.constant 80 : index
      %swap3A_807 = tpu.vector_load %arg10[%swap3A_805, %swap3A_806] {strides = array<i32>} : memref<2x128xi32, #tpu.memory_space<vmem>>, vector<1x16xi32>,
      %swap3A_808 = vector.shape_cast %swap3A_807 : vector<1x16xi32> to vector<16xi32>
      %swap3A_809 = vector.shape_cast %get3A_803 : vector<16xi32> to vector<1x16xi32>
      tpu.vector_store %arg10[%swap3A_805, %swap3A_806], %swap3A_809 {strides = array<i32>} : memref<2x128xi32, #tpu.memory_space<vmem>>, vector<1x16xi32>,
      %get3A_810 = arith.constant 0 : i32
      %get3A_811 = arith.index_cast %get3A_810 : i32 to index
      %get3A_812 = arith.constant 96 : index
      %get3A_813 = tpu.vector_load %arg8[%get3A_811, %get3A_812] {strides = array<i32>} : memref<2x128xi32, #tpu.memory_space<vmem>>, vector<1x16xi32>,
      %get3A_814 = vector.shape_cast %get3A_813 : vector<1x16xi32> to vector<16xi32>
      %swap3A_815 = arith.constant 0 : i32
      %swap3A_816 = arith.index_cast %swap3A_815 : i32 to index
      %swap3A_817 = arith.constant 96 : index
      %swap3A_818 = tpu.vector_load %arg10[%swap3A_816, %swap3A_817] {strides = array<i32>} : memref<2x128xi32, #tpu.memory_space<vmem>>, vector<1x16xi32>,
      %swap3A_819 = vector.shape_cast %swap3A_818 : vector<1x16xi32> to vector<16xi32>
      %swap3A_820 = vector.shape_cast %get3A_814 : vector<16xi32> to vector<1x16xi32>
      tpu.vector_store %arg10[%swap3A_816, %swap3A_817], %swap3A_820 {strides = array<i32>} : memref<2x128xi32, #tpu.memory_space<vmem>>, vector<1x16xi32>,
      %get3A_821 = arith.constant 0 : i32
      %get3A_822 = arith.index_cast %get3A_821 : i32 to index
      %get3A_823 = arith.constant 112 : index
      %get3A_824 = tpu.vector_load %arg8[%get3A_822, %get3A_823] {strides = array<i32>} : memref<2x128xi32, #tpu.memory_space<vmem>>, vector<1x16xi32>,
      %get3A_825 = vector.shape_cast %get3A_824 : vector<1x16xi32> to vector<16xi32>
      %swap3A_826 = arith.constant 0 : i32
      %swap3A_827 = arith.index_cast %swap3A_826 : i32 to index
      %swap3A_828 = arith.constant 112 : index
      %swap3A_829 = tpu.vector_load %arg10[%swap3A_827, %swap3A_828] {strides = array<i32>} : memref<2x128xi32, #tpu.memory_space<vmem>>, vector<1x16xi32>,
      %swap3A_830 = vector.shape_cast %swap3A_829 : vector<1x16xi32> to vector<16xi32>
      %swap3A_831 = vector.shape_cast %get3A_825 : vector<16xi32> to vector<1x16xi32>
      tpu.vector_store %arg10[%swap3A_827, %swap3A_828], %swap3A_831 {strides = array<i32>} : memref<2x128xi32, #tpu.memory_space<vmem>>, vector<1x16xi32>,
      %get3A_832 = arith.constant 1 : i32
      %get3A_833 = arith.index_cast %get3A_832 : i32 to index
      %get3A_834 = arith.constant 0 : index
      %get3A_835 = tpu.vector_load %arg8[%get3A_833, %get3A_834] {strides = array<i32>} : memref<2x128xi32, #tpu.memory_space<vmem>>, vector<1x16xi32>,
      %get3A_836 = vector.shape_cast %get3A_835 : vector<1x16xi32> to vector<16xi32>
      %swap3A_837 = arith.constant 1 : i32
      %swap3A_838 = arith.index_cast %swap3A_837 : i32 to index
      %swap3A_839 = arith.constant 0 : index
      %swap3A_840 = tpu.vector_load %arg10[%swap3A_838, %swap3A_839] {strides = array<i32>} : memref<2x128xi32, #tpu.memory_space<vmem>>, vector<1x16xi32>,
      %swap3A_841 = vector.shape_cast %swap3A_840 : vector<1x16xi32> to vector<16xi32>
      %swap3A_842 = vector.shape_cast %get3A_836 : vector<16xi32> to vector<1x16xi32>
      tpu.vector_store %arg10[%swap3A_838, %swap3A_839], %swap3A_842 {strides = array<i32>} : memref<2x128xi32, #tpu.memory_space<vmem>>, vector<1x16xi32>,
      %get3A_843 = arith.constant 1 : i32
      %get3A_844 = arith.index_cast %get3A_843 : i32 to index
      %get3A_845 = arith.constant 16 : index
      %get3A_846 = tpu.vector_load %arg8[%get3A_844, %get3A_845] {strides = array<i32>} : memref<2x128xi32, #tpu.memory_space<vmem>>, vector<1x16xi32>,
      %get3A_847 = vector.shape_cast %get3A_846 : vector<1x16xi32> to vector<16xi32>
      %swap3A_848 = arith.constant 1 : i32
      %swap3A_849 = arith.index_cast %swap3A_848 : i32 to index
      %swap3A_850 = arith.constant 16 : index
      %swap3A_851 = tpu.vector_load %arg10[%swap3A_849, %swap3A_850] {strides = array<i32>} : memref<2x128xi32, #tpu.memory_space<vmem>>, vector<1x16xi32>,
      %swap3A_852 = vector.shape_cast %swap3A_851 : vector<1x16xi32> to vector<16xi32>
      %swap3A_853 = vector.shape_cast %get3A_847 : vector<16xi32> to vector<1x16xi32>
      tpu.vector_store %arg10[%swap3A_849, %swap3A_850], %swap3A_853 {strides = array<i32>} : memref<2x128xi32, #tpu.memory_space<vmem>>, vector<1x16xi32>,
      %get3A_854 = arith.constant 1 : i32
      %get3A_855 = arith.index_cast %get3A_854 : i32 to index
      %get3A_856 = arith.constant 32 : index
      %get3A_857 = tpu.vector_load %arg8[%get3A_855, %get3A_856] {strides = array<i32>} : memref<2x128xi32, #tpu.memory_space<vmem>>, vector<1x16xi32>,
      %get3A_858 = vector.shape_cast %get3A_857 : vector<1x16xi32> to vector<16xi32>
      %swap3A_859 = arith.constant 1 : i32
      %swap3A_860 = arith.index_cast %swap3A_859 : i32 to index
      %swap3A_861 = arith.constant 32 : index
      %swap3A_862 = tpu.vector_load %arg10[%swap3A_860, %swap3A_861] {strides = array<i32>} : memref<2x128xi32, #tpu.memory_space<vmem>>, vector<1x16xi32>,
      %swap3A_863 = vector.shape_cast %swap3A_862 : vector<1x16xi32> to vector<16xi32>
      %swap3A_864 = vector.shape_cast %get3A_858 : vector<16xi32> to vector<1x16xi32>
      tpu.vector_store %arg10[%swap3A_860, %swap3A_861], %swap3A_864 {strides = array<i32>} : memref<2x128xi32, #tpu.memory_space<vmem>>, vector<1x16xi32>,
      %get3A_865 = arith.constant 1 : i32
      %get3A_866 = arith.index_cast %get3A_865 : i32 to index
      %get3A_867 = arith.constant 48 : index
      %get3A_868 = tpu.vector_load %arg8[%get3A_866, %get3A_867] {strides = array<i32>} : memref<2x128xi32, #tpu.memory_space<vmem>>, vector<1x16xi32>,
      %get3A_869 = vector.shape_cast %get3A_868 : vector<1x16xi32> to vector<16xi32>
      %swap3A_870 = arith.constant 1 : i32
      %swap3A_871 = arith.index_cast %swap3A_870 : i32 to index
      %swap3A_872 = arith.constant 48 : index
      %swap3A_873 = tpu.vector_load %arg10[%swap3A_871, %swap3A_872] {strides = array<i32>} : memref<2x128xi32, #tpu.memory_space<vmem>>, vector<1x16xi32>,
      %swap3A_874 = vector.shape_cast %swap3A_873 : vector<1x16xi32> to vector<16xi32>
      %swap3A_875 = vector.shape_cast %get3A_869 : vector<16xi32> to vector<1x16xi32>
      tpu.vector_store %arg10[%swap3A_871, %swap3A_872], %swap3A_875 {strides = array<i32>} : memref<2x128xi32, #tpu.memory_space<vmem>>, vector<1x16xi32>,
      %get3A_876 = arith.constant 1 : i32
      %get3A_877 = arith.index_cast %get3A_876 : i32 to index
      %get3A_878 = arith.constant 64 : index
      %get3A_879 = tpu.vector_load %arg8[%get3A_877, %get3A_878] {strides = array<i32>} : memref<2x128xi32, #tpu.memory_space<vmem>>, vector<1x16xi32>,
      %get3A_880 = vector.shape_cast %get3A_879 : vector<1x16xi32> to vector<16xi32>
      %swap3A_881 = arith.constant 1 : i32
      %swap3A_882 = arith.index_cast %swap3A_881 : i32 to index
      %swap3A_883 = arith.constant 64 : index
      %swap3A_884 = tpu.vector_load %arg10[%swap3A_882, %swap3A_883] {strides = array<i32>} : memref<2x128xi32, #tpu.memory_space<vmem>>, vector<1x16xi32>,
      %swap3A_885 = vector.shape_cast %swap3A_884 : vector<1x16xi32> to vector<16xi32>
      %swap3A_886 = vector.shape_cast %get3A_880 : vector<16xi32> to vector<1x16xi32>
      tpu.vector_store %arg10[%swap3A_882, %swap3A_883], %swap3A_886 {strides = array<i32>} : memref<2x128xi32, #tpu.memory_space<vmem>>, vector<1x16xi32>,
      %get3A_887 = arith.constant 1 : i32
      %get3A_888 = arith.index_cast %get3A_887 : i32 to index
      %get3A_889 = arith.constant 80 : index
      %get3A_890 = tpu.vector_load %arg8[%get3A_888, %get3A_889] {strides = array<i32>} : memref<2x128xi32, #tpu.memory_space<vmem>>, vector<1x16xi32>,
      %get3A_891 = vector.shape_cast %get3A_890 : vector<1x16xi32> to vector<16xi32>
      %swap3A_892 = arith.constant 1 : i32
      %swap3A_893 = arith.index_cast %swap3A_892 : i32 to index
      %swap3A_894 = arith.constant 80 : index
      %swap3A_895 = tpu.vector_load %arg10[%swap3A_893, %swap3A_894] {strides = array<i32>} : memref<2x128xi32, #tpu.memory_space<vmem>>, vector<1x16xi32>,
      %swap3A_896 = vector.shape_cast %swap3A_895 : vector<1x16xi32> to vector<16xi32>
      %swap3A_897 = vector.shape_cast %get3A_891 : vector<16xi32> to vector<1x16xi32>
      tpu.vector_store %arg10[%swap3A_893, %swap3A_894], %swap3A_897 {strides = array<i32>} : memref<2x128xi32, #tpu.memory_space<vmem>>, vector<1x16xi32>,
      %get3A_898 = arith.constant 1 : i32
      %get3A_899 = arith.index_cast %get3A_898 : i32 to index
      %get3A_900 = arith.constant 96 : index
      %get3A_901 = tpu.vector_load %arg8[%get3A_899, %get3A_900] {strides = array<i32>} : memref<2x128xi32, #tpu.memory_space<vmem>>, vector<1x16xi32>,
      %get3A_902 = vector.shape_cast %get3A_901 : vector<1x16xi32> to vector<16xi32>
      %swap3A_903 = arith.constant 1 : i32
      %swap3A_904 = arith.index_cast %swap3A_903 : i32 to index
      %swap3A_905 = arith.constant 96 : index
      %swap3A_906 = tpu.vector_load %arg10[%swap3A_904, %swap3A_905] {strides = array<i32>} : memref<2x128xi32, #tpu.memory_space<vmem>>, vector<1x16xi32>,
      %swap3A_907 = vector.shape_cast %swap3A_906 : vector<1x16xi32> to vector<16xi32>
      %swap3A_908 = vector.shape_cast %get3A_902 : vector<16xi32> to vector<1x16xi32>
      tpu.vector_store %arg10[%swap3A_904, %swap3A_905], %swap3A_908 {strides = array<i32>} : memref<2x128xi32, #tpu.memory_space<vmem>>, vector<1x16xi32>,
      %get3A_909 = arith.constant 1 : i32
      %get3A_910 = arith.index_cast %get3A_909 : i32 to index
      %get3A_911 = arith.constant 112 : index
      %get3A_912 = tpu.vector_load %arg8[%get3A_910, %get3A_911] {strides = array<i32>} : memref<2x128xi32, #tpu.memory_space<vmem>>, vector<1x16xi32>,
      %get3A_913 = vector.shape_cast %get3A_912 : vector<1x16xi32> to vector<16xi32>
      %swap3A_914 = arith.constant 1 : i32
      %swap3A_915 = arith.index_cast %swap3A_914 : i32 to index
      %swap3A_916 = arith.constant 112 : index
      %swap3A_917 = tpu.vector_load %arg10[%swap3A_915, %swap3A_916] {strides = array<i32>} : memref<2x128xi32, #tpu.memory_space<vmem>>, vector<1x16xi32>,
      %swap3A_918 = vector.shape_cast %swap3A_917 : vector<1x16xi32> to vector<16xi32>
      %swap3A_919 = vector.shape_cast %get3A_913 : vector<16xi32> to vector<1x16xi32>
      tpu.vector_store %arg10[%swap3A_915, %swap3A_916], %swap3A_919 {strides = array<i32>} : memref<2x128xi32, #tpu.memory_space<vmem>>, vector<1x16xi32>,
      %add3A_920 = arith.constant 4 : i32
      %add3A_921 = arith.addi %add3A_491, %add3A_920 : i32
      %add3A_922 = arith.addi %mul3A_4, %add3A_921 : i32
      %dma_start3A_923 = arith.constant 0 : i32
      %dma_start3A_924 = arith.constant 0 : i32
      %dma_start3A_925 = tpu.memref_slice %arg3[%add3A_922, %dma_start3A_923, %dma_start3A_924] : memref<2564x2x128xi32, #tpu.memory_space<hbm>> -> memref<1x2x128xi32, #tpu.memory_space<hbm>>
      %dma_start3A_926 = tpu.memref_squeeze %dma_start3A_925 : memref<1x2x128xi32, #tpu.memory_space<hbm>> -> memref<2x128xi32, #tpu.memory_space<hbm>>
      %dma_start3A_927 = arith.constant 0 : i32
      %dma_start3A_928 = arith.constant 0 : i32
      %dma_start3A_929 = tpu.memref_slice %arg3[%add3A_922, %dma_start3A_927, %dma_start3A_928] : memref<2564x2x128xi32, #tpu.memory_space<hbm>> -> memref<1x2x128xi32, #tpu.memory_space<hbm>>
      %dma_start3A_930 = tpu.memref_squeeze %dma_start3A_929 : memref<1x2x128xi32, #tpu.memory_space<hbm>> -> memref<2x128xi32, #tpu.memory_space<hbm>>
      tpu.enqueue_dma source(%dma_start3A_930 : memref<2x128xi32, #tpu.memory_space<hbm>>) target(%arg8 : memref<2x128xi32, #tpu.memory_space<vmem>>) target_semaphore(%arg14 : memref<!tpu.dma_semaphore, #tpu.memory_space<semaphore_mem>>)
      %dma_start3A_931 = arith.constant 0 : i32
      %dma_start3A_932 = arith.constant 0 : i32
      %dma_start3A_933 = tpu.memref_slice %arg10[%dma_start3A_931, %dma_start3A_932] : memref<2x128xi32, #tpu.memory_space<vmem>> -> memref<1x128xi32, #tpu.memory_space<vmem>>
      %dma_start3A_934 = tpu.memref_squeeze %dma_start3A_933 : memref<1x128xi32, #tpu.memory_space<vmem>> -> memref<128xi32, #tpu.memory_space<vmem>>
      %dma_start3A_935 = arith.constant 0 : i32
      %dma_start3A_936 = arith.constant 0 : i32
      %dma_start3A_937 = tpu.memref_slice %arg2[%dma_start3A_935, %dma_start3A_936] : memref<10112x16xf32, #tpu.memory_space<hbm>> -> memref<10112x16xf32, #tpu.memory_space<hbm>>
      tpu.enqueue_indirect_dma source(%dma_start3A_937 : memref<10112x16xf32, #tpu.memory_space<hbm>>) target(%arg12 : memref<128x16xf32, #tpu.memory_space<vmem>>) offsets(%dma_start3A_934 : memref<128xi32, #tpu.memory_space<vmem>>) semaphore(%arg15 : memref<!tpu.dma_semaphore, #tpu.memory_space<semaphore_mem>>)
    }
    %scan3A_441 = arith.constant 39 : i32
    %dma_wait3A_442 = arith.constant 0 : i32
    %dma_wait3A_443 = arith.constant 0 : i32
    %dma_wait3A_444 = tpu.memref_slice %arg10[%dma_wait3A_442, %dma_wait3A_443] : memref<2x128xi32, #tpu.memory_space<vmem>> -> memref<1x128xi32, #tpu.memory_space<vmem>>
    %dma_wait3A_445 = tpu.memref_squeeze %dma_wait3A_444 : memref<1x128xi32, #tpu.memory_space<vmem>> -> memref<128xi32, #tpu.memory_space<vmem>>
    %dma_wait3A_446 = arith.constant 0 : i32
    %dma_wait3A_447 = arith.constant 0 : i32
    %dma_wait3A_448 = tpu.memref_slice %arg2[%dma_wait3A_446, %dma_wait3A_447] : memref<10112x16xf32, #tpu.memory_space<hbm>> -> memref<10112x16xf32, #tpu.memory_space<hbm>>
    tpu.wait_indirect_dma semaphore(%arg15 : memref<!tpu.dma_semaphore, #tpu.memory_space<semaphore_mem>>) src(%dma_wait3A_448 : memref<10112x16xf32, #tpu.memory_space<hbm>>) dst(%arg12 : memref<128x16xf32, #tpu.memory_space<vmem>>)
    %dma_start3A_449 = arith.constant 1 : i32
    %dma_start3A_450 = arith.constant 0 : i32
    %dma_start3A_451 = tpu.memref_slice %arg10[%dma_start3A_449, %dma_start3A_450] : memref<2x128xi32, #tpu.memory_space<vmem>> -> memref<1x128xi32, #tpu.memory_space<vmem>>
    %dma_start3A_452 = tpu.memref_squeeze %dma_start3A_451 : memref<1x128xi32, #tpu.memory_space<vmem>> -> memref<128xi32, #tpu.memory_space<vmem>>
    %dma_start3A_453 = arith.constant 0 : i32
    %dma_start3A_454 = arith.constant 0 : i32
    %dma_start3A_455 = tpu.memref_slice %arg6[%dma_start3A_453, %dma_start3A_454] : memref<10112x16xf32, #tpu.memory_space<vmem_shared>> -> memref<10112x16xf32, #tpu.memory_space<vmem_shared>>
    tpu.enqueue_indirect_dma source(%arg12 : memref<128x16xf32, #tpu.memory_space<vmem>>) target(%dma_start3A_455 : memref<10112x16xf32, #tpu.memory_space<vmem_shared>>) offsets(%dma_start3A_452 : memref<128xi32, #tpu.memory_space<vmem>>) semaphore(%arg17 : memref<!tpu.dma_semaphore, #tpu.memory_space<semaphore_mem>>) {add = true}
    %dma_wait3A_456 = arith.constant 1 : i32
    %dma_wait3A_457 = arith.constant 0 : i32
    %dma_wait3A_458 = tpu.memref_slice %arg9[%dma_wait3A_456, %dma_wait3A_457] : memref<2x128xi32, #tpu.memory_space<vmem>> -> memref<1x128xi32, #tpu.memory_space<vmem>>
    %dma_wait3A_459 = tpu.memref_squeeze %dma_wait3A_458 : memref<1x128xi32, #tpu.memory_space<vmem>> -> memref<128xi32, #tpu.memory_space<vmem>>
    %dma_wait3A_460 = arith.constant 0 : i32
    %dma_wait3A_461 = arith.constant 0 : i32
    %dma_wait3A_462 = tpu.memref_slice %arg6[%dma_wait3A_460, %dma_wait3A_461] : memref<10112x16xf32, #tpu.memory_space<vmem_shared>> -> memref<10112x16xf32, #tpu.memory_space<vmem_shared>>
    tpu.wait_indirect_dma semaphore(%arg16 : memref<!tpu.dma_semaphore, #tpu.memory_space<semaphore_mem>>) src(%arg11 : memref<128x16xf32, #tpu.memory_space<vmem>>) dst(%dma_wait3A_462 : memref<10112x16xf32, #tpu.memory_space<vmem_shared>>)
    %dma_wait3A_463 = arith.constant 1 : i32
    %dma_wait3A_464 = arith.constant 0 : i32
    %dma_wait3A_465 = tpu.memref_slice %arg10[%dma_wait3A_463, %dma_wait3A_464] : memref<2x128xi32, #tpu.memory_space<vmem>> -> memref<1x128xi32, #tpu.memory_space<vmem>>
    %dma_wait3A_466 = tpu.memref_squeeze %dma_wait3A_465 : memref<1x128xi32, #tpu.memory_space<vmem>> -> memref<128xi32, #tpu.memory_space<vmem>>
    %dma_wait3A_467 = arith.constant 0 : i32
    %dma_wait3A_468 = arith.constant 0 : i32
    %dma_wait3A_469 = tpu.memref_slice %arg6[%dma_wait3A_467, %dma_wait3A_468] : memref<10112x16xf32, #tpu.memory_space<vmem_shared>> -> memref<10112x16xf32, #tpu.memory_space<vmem_shared>>
    tpu.wait_indirect_dma semaphore(%arg17 : memref<!tpu.dma_semaphore, #tpu.memory_space<semaphore_mem>>) src(%arg12 : memref<128x16xf32, #tpu.memory_space<vmem>>) dst(%dma_wait3A_469 : memref<10112x16xf32, #tpu.memory_space<vmem_shared>>)
    %dma_wait3A_470 = arith.constant 0 : i32
    %dma_wait3A_471 = arith.constant 0 : i32
    %dma_wait3A_472 = tpu.memref_slice %arg3[%mul3A_4, %dma_wait3A_470, %dma_wait3A_471] : memref<2564x2x128xi32, #tpu.memory_space<hbm>> -> memref<1x2x128xi32, #tpu.memory_space<hbm>>
    %dma_wait3A_473 = tpu.memref_squeeze %dma_wait3A_472 : memref<1x2x128xi32, #tpu.memory_space<hbm>> -> memref<2x128xi32, #tpu.memory_space<hbm>>
    %dma_wait3A_474 = arith.constant 0 : i32
    %dma_wait3A_475 = arith.constant 0 : i32
    %dma_wait3A_476 = tpu.memref_slice %arg3[%mul3A_4, %dma_wait3A_474, %dma_wait3A_475] : memref<2564x2x128xi32, #tpu.memory_space<hbm>> -> memref<1x2x128xi32, #tpu.memory_space<hbm>>
    %dma_wait3A_477 = tpu.memref_squeeze %dma_wait3A_476 : memref<1x2x128xi32, #tpu.memory_space<hbm>> -> memref<2x128xi32, #tpu.memory_space<hbm>>
    tpu.wait_dma2 semaphore(%arg13 : memref<!tpu.dma_semaphore, #tpu.memory_space<semaphore_mem>>) src(%dma_wait3A_477 : memref<2x128xi32, #tpu.memory_space<hbm>>) dst(%arg7 : memref<2x128xi32, #tpu.memory_space<vmem>>)
    %dma_wait3A_478 = arith.constant 0 : i32
    %dma_wait3A_479 = arith.constant 0 : i32
    %dma_wait3A_480 = tpu.memref_slice %arg3[%mul3A_4, %dma_wait3A_478, %dma_wait3A_479] : memref<2564x2x128xi32, #tpu.memory_space<hbm>> -> memref<1x2x128xi32, #tpu.memory_space<hbm>>
    %dma_wait3A_481 = tpu.memref_squeeze %dma_wait3A_480 : memref<1x2x128xi32, #tpu.memory_space<hbm>> -> memref<2x128xi32, #tpu.memory_space<hbm>>
    %dma_wait3A_482 = arith.constant 0 : i32
    %dma_wait3A_483 = arith.constant 0 : i32
    %dma_wait3A_484 = tpu.memref_slice %arg3[%mul3A_4, %dma_wait3A_482, %dma_wait3A_483] : memref<2564x2x128xi32, #tpu.memory_space<hbm>> -> memref<1x2x128xi32, #tpu.memory_space<hbm>>
    %dma_wait3A_485 = tpu.memref_squeeze %dma_wait3A_484 : memref<1x2x128xi32, #tpu.memory_space<hbm>> -> memref<2x128xi32, #tpu.memory_space<hbm>>
    tpu.wait_dma2 semaphore(%arg14 : memref<!tpu.dma_semaphore, #tpu.memory_space<semaphore_mem>>) src(%dma_wait3A_485 : memref<2x128xi32, #tpu.memory_space<hbm>>) dst(%arg8 : memref<2x128xi32, #tpu.memory_space<vmem>>)
    %barrier3A_486 = arith.constant 0 : index
    tpu.barrier barrier_id(%barrier3A_486)
    "tpu.region"() ({
      %run_scoped3A = tpu.sem_alloc : memref<!tpu.dma_semaphore, #tpu.memory_space<semaphore_mem>>
      %dma_start3A_487 = arith.constant 0 : i32
      %dma_start3A_488 = tpu.memref_slice %arg5[%arg0, %mul3A_0, %dma_start3A_487] : memref<2x10112x16xf32, #tpu.memory_space<hbm>> -> memref<1x632x16xf32, #tpu.memory_space<hbm>>
      %dma_start3A_489 = tpu.memref_squeeze %dma_start3A_488 : memref<1x632x16xf32, #tpu.memory_space<hbm>> -> memref<632x16xf32, #tpu.memory_space<hbm>>
      %dma_start3A_490 = arith.constant 0 : i32
      %dma_start3A_491 = tpu.memref_slice %arg6[%mul3A_0, %dma_start3A_490] : memref<10112x16xf32, #tpu.memory_space<vmem_shared>> -> memref<632x16xf32, #tpu.memory_space<vmem_shared>>
      tpu.enqueue_dma source(%dma_start3A_491 : memref<632x16xf32, #tpu.memory_space<vmem_shared>>) target(%dma_start3A_489 : memref<632x16xf32, #tpu.memory_space<hbm>>) target_semaphore(%run_scoped3A : memref<!tpu.dma_semaphore, #tpu.memory_space<semaphore_mem>>)
      %dma_wait3A_492 = arith.constant 0 : i32
      %dma_wait3A_493 = tpu.memref_slice %arg5[%arg0, %mul3A_0, %dma_wait3A_492] : memref<2x10112x16xf32, #tpu.memory_space<hbm>> -> memref<1x632x16xf32, #tpu.memory_space<hbm>>
      %dma_wait3A_494 = tpu.memref_squeeze %dma_wait3A_493 : memref<1x632x16xf32, #tpu.memory_space<hbm>> -> memref<632x16xf32, #tpu.memory_space<hbm>>
      %dma_wait3A_495 = arith.constant 0 : i32
      %dma_wait3A_496 = tpu.memref_slice %arg6[%mul3A_0, %dma_wait3A_495] : memref<10112x16xf32, #tpu.memory_space<vmem_shared>> -> memref<632x16xf32, #tpu.memory_space<vmem_shared>>
      tpu.wait_dma2 semaphore(%run_scoped3A : memref<!tpu.dma_semaphore, #tpu.memory_space<semaphore_mem>>) src(%dma_wait3A_496 : memref<632x16xf32, #tpu.memory_space<vmem_shared>>) dst(%dma_wait3A_494 : memref<632x16xf32, #tpu.memory_space<hbm>>)
      tpu.yield
    }) : () -> ()
    return
  }
}

#map = affine_map<(d0, d1) -> (0, 0, 0)>
#map1 = affine_map<(d0, d1) -> (0, 0)>
module attributes {stable_mosaic.version = 14 : i64} {
  func.func @body(%arg0: i32, %arg1: i32, %arg2: memref<2564x2x128xi32, #tpu.memory_space<hbm>>, %arg3: memref<128x16xf32, #tpu.memory_space<hbm>>, %arg4: memref<632x16xf32, #tpu.memory_space<hbm>>, %arg5: memref<2x10112x16xf32, #tpu.memory_space<hbm>>, %arg6: memref<10112x16xf32, #tpu.memory_space<vmem_shared>>, %arg7: memref<2x128xi32, #tpu.memory_space<vmem>>, %arg8: memref<2x128xi32, #tpu.memory_space<vmem>>, %arg9: memref<2x128xi32, #tpu.memory_space<vmem>>, %arg10: memref<2x128xi32, #tpu.memory_space<vmem>>, %arg11: memref<128x16xf32, #tpu.memory_space<vmem>>, %arg12: memref<!tpu.dma_semaphore, #tpu.memory_space<semaphore_mem>>, %arg13: memref<!tpu.dma_semaphore, #tpu.memory_space<semaphore_mem>>, %arg14: memref<!tpu.dma_semaphore, #tpu.memory_space<semaphore_mem>>, %arg15: memref<!tpu.dma_semaphore, #tpu.memory_space<semaphore_mem>>) attributes {dimension_semantics = [#tpu.dimension_semantics<core_parallel>, #tpu.dimension_semantics<subcore_parallel>], iteration_bounds = array<i64: 2, 16>, scalar_prefetch = 0 : i64, scratch_operands = 10 : i64, tpu.core_type = #tpu.core_type<sc_vector_subcore>, window_params = [{transform_indices = #map}, {transform_indices = #map1}, {transform_indices = #map1}, {transform_indices = #map}]} {
    %mul3A = arith.constant 632 : i32
    %mul3A_0 = arith.muli %arg1, %mul3A : i32
    "tpu.region"() ({
      %run_scoped3A = tpu.sem_alloc : memref<!tpu.dma_semaphore, #tpu.memory_space<semaphore_mem>>
      %dma_start3A_459 = arith.constant 0 : i32
      %dma_start3A_460 = tpu.memref_slice %arg6[%mul3A_0, %dma_start3A_459] : memref<10112x16xf32, #tpu.memory_space<vmem_shared>> -> memref<632x16xf32, #tpu.memory_space<vmem_shared>>
      tpu.enqueue_dma source(%arg4 : memref<632x16xf32, #tpu.memory_space<hbm>>) target(%dma_start3A_460 : memref<632x16xf32, #tpu.memory_space<vmem_shared>>) target_semaphore(%run_scoped3A : memref<!tpu.dma_semaphore, #tpu.memory_space<semaphore_mem>>)
      %dma_wait3A_461 = arith.constant 0 : i32
      %dma_wait3A_462 = tpu.memref_slice %arg6[%mul3A_0, %dma_wait3A_461] : memref<10112x16xf32, #tpu.memory_space<vmem_shared>> -> memref<632x16xf32, #tpu.memory_space<vmem_shared>>
      tpu.wait_dma2 semaphore(%run_scoped3A : memref<!tpu.dma_semaphore, #tpu.memory_space<semaphore_mem>>) src(%arg4 : memref<632x16xf32, #tpu.memory_space<hbm>>) dst(%dma_wait3A_462 : memref<632x16xf32, #tpu.memory_space<vmem_shared>>)
      tpu.yield
    }) : () -> ()
    "tpu.region"() ({
      %run_scoped3A = tpu.sem_alloc : memref<!tpu.dma_semaphore, #tpu.memory_space<semaphore_mem>>
      tpu.enqueue_dma source(%arg3 : memref<128x16xf32, #tpu.memory_space<hbm>>) target(%arg11 : memref<128x16xf32, #tpu.memory_space<vmem>>) target_semaphore(%run_scoped3A : memref<!tpu.dma_semaphore, #tpu.memory_space<semaphore_mem>>)
      tpu.wait_dma2 semaphore(%run_scoped3A : memref<!tpu.dma_semaphore, #tpu.memory_space<semaphore_mem>>) src(%arg3 : memref<128x16xf32, #tpu.memory_space<hbm>>) dst(%arg11 : memref<128x16xf32, #tpu.memory_space<vmem>>)
      tpu.yield
    }) : () -> ()
    %barrier3A = arith.constant 0 : index
    tpu.barrier barrier_id(%barrier3A)
    %mul3A_1 = arith.constant 16 : i32
    %mul3A_2 = arith.muli %arg0, %mul3A_1 : i32
    %add3A = arith.addi %mul3A_2, %arg1 : i32
    %mul3A_3 = arith.constant 80 : i32
    %mul3A_4 = arith.muli %add3A, %mul3A_3 : i32
    %add3A_5 = arith.constant 0 : i32
    %add3A_6 = arith.addi %mul3A_4, %add3A_5 : i32
    %dma_start3A = arith.constant 0 : i32
    %dma_start3A_7 = arith.constant 0 : i32
    %dma_start3A_8 = tpu.memref_slice %arg2[%add3A_6, %dma_start3A, %dma_start3A_7] : memref<2564x2x128xi32, #tpu.memory_space<hbm>> -> memref<1x2x128xi32, #tpu.memory_space<hbm>>
    %dma_start3A_9 = tpu.memref_squeeze %dma_start3A_8 : memref<1x2x128xi32, #tpu.memory_space<hbm>> -> memref<2x128xi32, #tpu.memory_space<hbm>>
    %dma_start3A_10 = arith.constant 0 : i32
    %dma_start3A_11 = arith.constant 0 : i32
    %dma_start3A_12 = tpu.memref_slice %arg2[%add3A_6, %dma_start3A_10, %dma_start3A_11] : memref<2564x2x128xi32, #tpu.memory_space<hbm>> -> memref<1x2x128xi32, #tpu.memory_space<hbm>>
    %dma_start3A_13 = tpu.memref_squeeze %dma_start3A_12 : memref<1x2x128xi32, #tpu.memory_space<hbm>> -> memref<2x128xi32, #tpu.memory_space<hbm>>
    tpu.enqueue_dma source(%dma_start3A_13 : memref<2x128xi32, #tpu.memory_space<hbm>>) target(%arg7 : memref<2x128xi32, #tpu.memory_space<vmem>>) target_semaphore(%arg12 : memref<!tpu.dma_semaphore, #tpu.memory_space<semaphore_mem>>)
    %add3A_14 = arith.constant 1 : i32
    %add3A_15 = arith.addi %mul3A_4, %add3A_14 : i32
    %dma_start3A_16 = arith.constant 0 : i32
    %dma_start3A_17 = arith.constant 0 : i32
    %dma_start3A_18 = tpu.memref_slice %arg2[%add3A_15, %dma_start3A_16, %dma_start3A_17] : memref<2564x2x128xi32, #tpu.memory_space<hbm>> -> memref<1x2x128xi32, #tpu.memory_space<hbm>>
    %dma_start3A_19 = tpu.memref_squeeze %dma_start3A_18 : memref<1x2x128xi32, #tpu.memory_space<hbm>> -> memref<2x128xi32, #tpu.memory_space<hbm>>
    %dma_start3A_20 = arith.constant 0 : i32
    %dma_start3A_21 = arith.constant 0 : i32
    %dma_start3A_22 = tpu.memref_slice %arg2[%add3A_15, %dma_start3A_20, %dma_start3A_21] : memref<2564x2x128xi32, #tpu.memory_space<hbm>> -> memref<1x2x128xi32, #tpu.memory_space<hbm>>
    %dma_start3A_23 = tpu.memref_squeeze %dma_start3A_22 : memref<1x2x128xi32, #tpu.memory_space<hbm>> -> memref<2x128xi32, #tpu.memory_space<hbm>>
    tpu.enqueue_dma source(%dma_start3A_23 : memref<2x128xi32, #tpu.memory_space<hbm>>) target(%arg8 : memref<2x128xi32, #tpu.memory_space<vmem>>) target_semaphore(%arg13 : memref<!tpu.dma_semaphore, #tpu.memory_space<semaphore_mem>>)
    %dma_wait3A = arith.constant 0 : i32
    %dma_wait3A_24 = arith.constant 0 : i32
    %dma_wait3A_25 = tpu.memref_slice %arg2[%mul3A_4, %dma_wait3A, %dma_wait3A_24] : memref<2564x2x128xi32, #tpu.memory_space<hbm>> -> memref<1x2x128xi32, #tpu.memory_space<hbm>>
    %dma_wait3A_26 = tpu.memref_squeeze %dma_wait3A_25 : memref<1x2x128xi32, #tpu.memory_space<hbm>> -> memref<2x128xi32, #tpu.memory_space<hbm>>
    %dma_wait3A_27 = arith.constant 0 : i32
    %dma_wait3A_28 = arith.constant 0 : i32
    %dma_wait3A_29 = tpu.memref_slice %arg2[%mul3A_4, %dma_wait3A_27, %dma_wait3A_28] : memref<2564x2x128xi32, #tpu.memory_space<hbm>> -> memref<1x2x128xi32, #tpu.memory_space<hbm>>
    %dma_wait3A_30 = tpu.memref_squeeze %dma_wait3A_29 : memref<1x2x128xi32, #tpu.memory_space<hbm>> -> memref<2x128xi32, #tpu.memory_space<hbm>>
    tpu.wait_dma2 semaphore(%arg12 : memref<!tpu.dma_semaphore, #tpu.memory_space<semaphore_mem>>) src(%dma_wait3A_30 : memref<2x128xi32, #tpu.memory_space<hbm>>) dst(%arg7 : memref<2x128xi32, #tpu.memory_space<vmem>>)
    %get3A = arith.constant 0 : i32
    %get3A_31 = arith.index_cast %get3A : i32 to index
    %get3A_32 = arith.constant 0 : index
    %get3A_33 = tpu.vector_load %arg7[%get3A_31, %get3A_32] {strides = array<i32>} : memref<2x128xi32, #tpu.memory_space<vmem>>, vector<1x16xi32>,
    %get3A_34 = vector.shape_cast %get3A_33 : vector<1x16xi32> to vector<16xi32>
    %swap3A = arith.constant 0 : i32
    %swap3A_35 = arith.index_cast %swap3A : i32 to index
    %swap3A_36 = arith.constant 0 : index
    %swap3A_37 = tpu.vector_load %arg9[%swap3A_35, %swap3A_36] {strides = array<i32>} : memref<2x128xi32, #tpu.memory_space<vmem>>, vector<1x16xi32>,
    %swap3A_38 = vector.shape_cast %swap3A_37 : vector<1x16xi32> to vector<16xi32>
    %swap3A_39 = vector.shape_cast %get3A_34 : vector<16xi32> to vector<1x16xi32>
    tpu.vector_store %arg9[%swap3A_35, %swap3A_36], %swap3A_39 {strides = array<i32>} : memref<2x128xi32, #tpu.memory_space<vmem>>, vector<1x16xi32>,
    %get3A_40 = arith.constant 0 : i32
    %get3A_41 = arith.index_cast %get3A_40 : i32 to index
    %get3A_42 = arith.constant 16 : index
    %get3A_43 = tpu.vector_load %arg7[%get3A_41, %get3A_42] {strides = array<i32>} : memref<2x128xi32, #tpu.memory_space<vmem>>, vector<1x16xi32>,
    %get3A_44 = vector.shape_cast %get3A_43 : vector<1x16xi32> to vector<16xi32>
    %swap3A_45 = arith.constant 0 : i32
    %swap3A_46 = arith.index_cast %swap3A_45 : i32 to index
    %swap3A_47 = arith.constant 16 : index
    %swap3A_48 = tpu.vector_load %arg9[%swap3A_46, %swap3A_47] {strides = array<i32>} : memref<2x128xi32, #tpu.memory_space<vmem>>, vector<1x16xi32>,
    %swap3A_49 = vector.shape_cast %swap3A_48 : vector<1x16xi32> to vector<16xi32>
    %swap3A_50 = vector.shape_cast %get3A_44 : vector<16xi32> to vector<1x16xi32>
    tpu.vector_store %arg9[%swap3A_46, %swap3A_47], %swap3A_50 {strides = array<i32>} : memref<2x128xi32, #tpu.memory_space<vmem>>, vector<1x16xi32>,
    %get3A_51 = arith.constant 0 : i32
    %get3A_52 = arith.index_cast %get3A_51 : i32 to index
    %get3A_53 = arith.constant 32 : index
    %get3A_54 = tpu.vector_load %arg7[%get3A_52, %get3A_53] {strides = array<i32>} : memref<2x128xi32, #tpu.memory_space<vmem>>, vector<1x16xi32>,
    %get3A_55 = vector.shape_cast %get3A_54 : vector<1x16xi32> to vector<16xi32>
    %swap3A_56 = arith.constant 0 : i32
    %swap3A_57 = arith.index_cast %swap3A_56 : i32 to index
    %swap3A_58 = arith.constant 32 : index
    %swap3A_59 = tpu.vector_load %arg9[%swap3A_57, %swap3A_58] {strides = array<i32>} : memref<2x128xi32, #tpu.memory_space<vmem>>, vector<1x16xi32>,
    %swap3A_60 = vector.shape_cast %swap3A_59 : vector<1x16xi32> to vector<16xi32>
    %swap3A_61 = vector.shape_cast %get3A_55 : vector<16xi32> to vector<1x16xi32>
    tpu.vector_store %arg9[%swap3A_57, %swap3A_58], %swap3A_61 {strides = array<i32>} : memref<2x128xi32, #tpu.memory_space<vmem>>, vector<1x16xi32>,
    %get3A_62 = arith.constant 0 : i32
    %get3A_63 = arith.index_cast %get3A_62 : i32 to index
    %get3A_64 = arith.constant 48 : index
    %get3A_65 = tpu.vector_load %arg7[%get3A_63, %get3A_64] {strides = array<i32>} : memref<2x128xi32, #tpu.memory_space<vmem>>, vector<1x16xi32>,
    %get3A_66 = vector.shape_cast %get3A_65 : vector<1x16xi32> to vector<16xi32>
    %swap3A_67 = arith.constant 0 : i32
    %swap3A_68 = arith.index_cast %swap3A_67 : i32 to index
    %swap3A_69 = arith.constant 48 : index
    %swap3A_70 = tpu.vector_load %arg9[%swap3A_68, %swap3A_69] {strides = array<i32>} : memref<2x128xi32, #tpu.memory_space<vmem>>, vector<1x16xi32>,
    %swap3A_71 = vector.shape_cast %swap3A_70 : vector<1x16xi32> to vector<16xi32>
    %swap3A_72 = vector.shape_cast %get3A_66 : vector<16xi32> to vector<1x16xi32>
    tpu.vector_store %arg9[%swap3A_68, %swap3A_69], %swap3A_72 {strides = array<i32>} : memref<2x128xi32, #tpu.memory_space<vmem>>, vector<1x16xi32>,
    %get3A_73 = arith.constant 0 : i32
    %get3A_74 = arith.index_cast %get3A_73 : i32 to index
    %get3A_75 = arith.constant 64 : index
    %get3A_76 = tpu.vector_load %arg7[%get3A_74, %get3A_75] {strides = array<i32>} : memref<2x128xi32, #tpu.memory_space<vmem>>, vector<1x16xi32>,
    %get3A_77 = vector.shape_cast %get3A_76 : vector<1x16xi32> to vector<16xi32>
    %swap3A_78 = arith.constant 0 : i32
    %swap3A_79 = arith.index_cast %swap3A_78 : i32 to index
    %swap3A_80 = arith.constant 64 : index
    %swap3A_81 = tpu.vector_load %arg9[%swap3A_79, %swap3A_80] {strides = array<i32>} : memref<2x128xi32, #tpu.memory_space<vmem>>, vector<1x16xi32>,
    %swap3A_82 = vector.shape_cast %swap3A_81 : vector<1x16xi32> to vector<16xi32>
    %swap3A_83 = vector.shape_cast %get3A_77 : vector<16xi32> to vector<1x16xi32>
    tpu.vector_store %arg9[%swap3A_79, %swap3A_80], %swap3A_83 {strides = array<i32>} : memref<2x128xi32, #tpu.memory_space<vmem>>, vector<1x16xi32>,
    %get3A_84 = arith.constant 0 : i32
    %get3A_85 = arith.index_cast %get3A_84 : i32 to index
    %get3A_86 = arith.constant 80 : index
    %get3A_87 = tpu.vector_load %arg7[%get3A_85, %get3A_86] {strides = array<i32>} : memref<2x128xi32, #tpu.memory_space<vmem>>, vector<1x16xi32>,
    %get3A_88 = vector.shape_cast %get3A_87 : vector<1x16xi32> to vector<16xi32>
    %swap3A_89 = arith.constant 0 : i32
    %swap3A_90 = arith.index_cast %swap3A_89 : i32 to index
    %swap3A_91 = arith.constant 80 : index
    %swap3A_92 = tpu.vector_load %arg9[%swap3A_90, %swap3A_91] {strides = array<i32>} : memref<2x128xi32, #tpu.memory_space<vmem>>, vector<1x16xi32>,
    %swap3A_93 = vector.shape_cast %swap3A_92 : vector<1x16xi32> to vector<16xi32>
    %swap3A_94 = vector.shape_cast %get3A_88 : vector<16xi32> to vector<1x16xi32>
    tpu.vector_store %arg9[%swap3A_90, %swap3A_91], %swap3A_94 {strides = array<i32>} : memref<2x128xi32, #tpu.memory_space<vmem>>, vector<1x16xi32>,
    %get3A_95 = arith.constant 0 : i32
    %get3A_96 = arith.index_cast %get3A_95 : i32 to index
    %get3A_97 = arith.constant 96 : index
    %get3A_98 = tpu.vector_load %arg7[%get3A_96, %get3A_97] {strides = array<i32>} : memref<2x128xi32, #tpu.memory_space<vmem>>, vector<1x16xi32>,
    %get3A_99 = vector.shape_cast %get3A_98 : vector<1x16xi32> to vector<16xi32>
    %swap3A_100 = arith.constant 0 : i32
    %swap3A_101 = arith.index_cast %swap3A_100 : i32 to index
    %swap3A_102 = arith.constant 96 : index
    %swap3A_103 = tpu.vector_load %arg9[%swap3A_101, %swap3A_102] {strides = array<i32>} : memref<2x128xi32, #tpu.memory_space<vmem>>, vector<1x16xi32>,
    %swap3A_104 = vector.shape_cast %swap3A_103 : vector<1x16xi32> to vector<16xi32>
    %swap3A_105 = vector.shape_cast %get3A_99 : vector<16xi32> to vector<1x16xi32>
    tpu.vector_store %arg9[%swap3A_101, %swap3A_102], %swap3A_105 {strides = array<i32>} : memref<2x128xi32, #tpu.memory_space<vmem>>, vector<1x16xi32>,
    %get3A_106 = arith.constant 0 : i32
    %get3A_107 = arith.index_cast %get3A_106 : i32 to index
    %get3A_108 = arith.constant 112 : index
    %get3A_109 = tpu.vector_load %arg7[%get3A_107, %get3A_108] {strides = array<i32>} : memref<2x128xi32, #tpu.memory_space<vmem>>, vector<1x16xi32>,
    %get3A_110 = vector.shape_cast %get3A_109 : vector<1x16xi32> to vector<16xi32>
    %swap3A_111 = arith.constant 0 : i32
    %swap3A_112 = arith.index_cast %swap3A_111 : i32 to index
    %swap3A_113 = arith.constant 112 : index
    %swap3A_114 = tpu.vector_load %arg9[%swap3A_112, %swap3A_113] {strides = array<i32>} : memref<2x128xi32, #tpu.memory_space<vmem>>, vector<1x16xi32>,
    %swap3A_115 = vector.shape_cast %swap3A_114 : vector<1x16xi32> to vector<16xi32>
    %swap3A_116 = vector.shape_cast %get3A_110 : vector<16xi32> to vector<1x16xi32>
    tpu.vector_store %arg9[%swap3A_112, %swap3A_113], %swap3A_116 {strides = array<i32>} : memref<2x128xi32, #tpu.memory_space<vmem>>, vector<1x16xi32>,
    %get3A_117 = arith.constant 1 : i32
    %get3A_118 = arith.index_cast %get3A_117 : i32 to index
    %get3A_119 = arith.constant 0 : index
    %get3A_120 = tpu.vector_load %arg7[%get3A_118, %get3A_119] {strides = array<i32>} : memref<2x128xi32, #tpu.memory_space<vmem>>, vector<1x16xi32>,
    %get3A_121 = vector.shape_cast %get3A_120 : vector<1x16xi32> to vector<16xi32>
    %swap3A_122 = arith.constant 1 : i32
    %swap3A_123 = arith.index_cast %swap3A_122 : i32 to index
    %swap3A_124 = arith.constant 0 : index
    %swap3A_125 = tpu.vector_load %arg9[%swap3A_123, %swap3A_124] {strides = array<i32>} : memref<2x128xi32, #tpu.memory_space<vmem>>, vector<1x16xi32>,
    %swap3A_126 = vector.shape_cast %swap3A_125 : vector<1x16xi32> to vector<16xi32>
    %swap3A_127 = vector.shape_cast %get3A_121 : vector<16xi32> to vector<1x16xi32>
    tpu.vector_store %arg9[%swap3A_123, %swap3A_124], %swap3A_127 {strides = array<i32>} : memref<2x128xi32, #tpu.memory_space<vmem>>, vector<1x16xi32>,
    %get3A_128 = arith.constant 1 : i32
    %get3A_129 = arith.index_cast %get3A_128 : i32 to index
    %get3A_130 = arith.constant 16 : index
    %get3A_131 = tpu.vector_load %arg7[%get3A_129, %get3A_130] {strides = array<i32>} : memref<2x128xi32, #tpu.memory_space<vmem>>, vector<1x16xi32>,
    %get3A_132 = vector.shape_cast %get3A_131 : vector<1x16xi32> to vector<16xi32>
    %swap3A_133 = arith.constant 1 : i32
    %swap3A_134 = arith.index_cast %swap3A_133 : i32 to index
    %swap3A_135 = arith.constant 16 : index
    %swap3A_136 = tpu.vector_load %arg9[%swap3A_134, %swap3A_135] {strides = array<i32>} : memref<2x128xi32, #tpu.memory_space<vmem>>, vector<1x16xi32>,
    %swap3A_137 = vector.shape_cast %swap3A_136 : vector<1x16xi32> to vector<16xi32>
    %swap3A_138 = vector.shape_cast %get3A_132 : vector<16xi32> to vector<1x16xi32>
    tpu.vector_store %arg9[%swap3A_134, %swap3A_135], %swap3A_138 {strides = array<i32>} : memref<2x128xi32, #tpu.memory_space<vmem>>, vector<1x16xi32>,
    %get3A_139 = arith.constant 1 : i32
    %get3A_140 = arith.index_cast %get3A_139 : i32 to index
    %get3A_141 = arith.constant 32 : index
    %get3A_142 = tpu.vector_load %arg7[%get3A_140, %get3A_141] {strides = array<i32>} : memref<2x128xi32, #tpu.memory_space<vmem>>, vector<1x16xi32>,
    %get3A_143 = vector.shape_cast %get3A_142 : vector<1x16xi32> to vector<16xi32>
    %swap3A_144 = arith.constant 1 : i32
    %swap3A_145 = arith.index_cast %swap3A_144 : i32 to index
    %swap3A_146 = arith.constant 32 : index
    %swap3A_147 = tpu.vector_load %arg9[%swap3A_145, %swap3A_146] {strides = array<i32>} : memref<2x128xi32, #tpu.memory_space<vmem>>, vector<1x16xi32>,
    %swap3A_148 = vector.shape_cast %swap3A_147 : vector<1x16xi32> to vector<16xi32>
    %swap3A_149 = vector.shape_cast %get3A_143 : vector<16xi32> to vector<1x16xi32>
    tpu.vector_store %arg9[%swap3A_145, %swap3A_146], %swap3A_149 {strides = array<i32>} : memref<2x128xi32, #tpu.memory_space<vmem>>, vector<1x16xi32>,
    %get3A_150 = arith.constant 1 : i32
    %get3A_151 = arith.index_cast %get3A_150 : i32 to index
    %get3A_152 = arith.constant 48 : index
    %get3A_153 = tpu.vector_load %arg7[%get3A_151, %get3A_152] {strides = array<i32>} : memref<2x128xi32, #tpu.memory_space<vmem>>, vector<1x16xi32>,
    %get3A_154 = vector.shape_cast %get3A_153 : vector<1x16xi32> to vector<16xi32>
    %swap3A_155 = arith.constant 1 : i32
    %swap3A_156 = arith.index_cast %swap3A_155 : i32 to index
    %swap3A_157 = arith.constant 48 : index
    %swap3A_158 = tpu.vector_load %arg9[%swap3A_156, %swap3A_157] {strides = array<i32>} : memref<2x128xi32, #tpu.memory_space<vmem>>, vector<1x16xi32>,
    %swap3A_159 = vector.shape_cast %swap3A_158 : vector<1x16xi32> to vector<16xi32>
    %swap3A_160 = vector.shape_cast %get3A_154 : vector<16xi32> to vector<1x16xi32>
    tpu.vector_store %arg9[%swap3A_156, %swap3A_157], %swap3A_160 {strides = array<i32>} : memref<2x128xi32, #tpu.memory_space<vmem>>, vector<1x16xi32>,
    %get3A_161 = arith.constant 1 : i32
    %get3A_162 = arith.index_cast %get3A_161 : i32 to index
    %get3A_163 = arith.constant 64 : index
    %get3A_164 = tpu.vector_load %arg7[%get3A_162, %get3A_163] {strides = array<i32>} : memref<2x128xi32, #tpu.memory_space<vmem>>, vector<1x16xi32>,
    %get3A_165 = vector.shape_cast %get3A_164 : vector<1x16xi32> to vector<16xi32>
    %swap3A_166 = arith.constant 1 : i32
    %swap3A_167 = arith.index_cast %swap3A_166 : i32 to index
    %swap3A_168 = arith.constant 64 : index
    %swap3A_169 = tpu.vector_load %arg9[%swap3A_167, %swap3A_168] {strides = array<i32>} : memref<2x128xi32, #tpu.memory_space<vmem>>, vector<1x16xi32>,
    %swap3A_170 = vector.shape_cast %swap3A_169 : vector<1x16xi32> to vector<16xi32>
    %swap3A_171 = vector.shape_cast %get3A_165 : vector<16xi32> to vector<1x16xi32>
    tpu.vector_store %arg9[%swap3A_167, %swap3A_168], %swap3A_171 {strides = array<i32>} : memref<2x128xi32, #tpu.memory_space<vmem>>, vector<1x16xi32>,
    %get3A_172 = arith.constant 1 : i32
    %get3A_173 = arith.index_cast %get3A_172 : i32 to index
    %get3A_174 = arith.constant 80 : index
    %get3A_175 = tpu.vector_load %arg7[%get3A_173, %get3A_174] {strides = array<i32>} : memref<2x128xi32, #tpu.memory_space<vmem>>, vector<1x16xi32>,
    %get3A_176 = vector.shape_cast %get3A_175 : vector<1x16xi32> to vector<16xi32>
    %swap3A_177 = arith.constant 1 : i32
    %swap3A_178 = arith.index_cast %swap3A_177 : i32 to index
    %swap3A_179 = arith.constant 80 : index
    %swap3A_180 = tpu.vector_load %arg9[%swap3A_178, %swap3A_179] {strides = array<i32>} : memref<2x128xi32, #tpu.memory_space<vmem>>, vector<1x16xi32>,
    %swap3A_181 = vector.shape_cast %swap3A_180 : vector<1x16xi32> to vector<16xi32>
    %swap3A_182 = vector.shape_cast %get3A_176 : vector<16xi32> to vector<1x16xi32>
    tpu.vector_store %arg9[%swap3A_178, %swap3A_179], %swap3A_182 {strides = array<i32>} : memref<2x128xi32, #tpu.memory_space<vmem>>, vector<1x16xi32>,
    %get3A_183 = arith.constant 1 : i32
    %get3A_184 = arith.index_cast %get3A_183 : i32 to index
    %get3A_185 = arith.constant 96 : index
    %get3A_186 = tpu.vector_load %arg7[%get3A_184, %get3A_185] {strides = array<i32>} : memref<2x128xi32, #tpu.memory_space<vmem>>, vector<1x16xi32>,
    %get3A_187 = vector.shape_cast %get3A_186 : vector<1x16xi32> to vector<16xi32>
    %swap3A_188 = arith.constant 1 : i32
    %swap3A_189 = arith.index_cast %swap3A_188 : i32 to index
    %swap3A_190 = arith.constant 96 : index
    %swap3A_191 = tpu.vector_load %arg9[%swap3A_189, %swap3A_190] {strides = array<i32>} : memref<2x128xi32, #tpu.memory_space<vmem>>, vector<1x16xi32>,
    %swap3A_192 = vector.shape_cast %swap3A_191 : vector<1x16xi32> to vector<16xi32>
    %swap3A_193 = vector.shape_cast %get3A_187 : vector<16xi32> to vector<1x16xi32>
    tpu.vector_store %arg9[%swap3A_189, %swap3A_190], %swap3A_193 {strides = array<i32>} : memref<2x128xi32, #tpu.memory_space<vmem>>, vector<1x16xi32>,
    %get3A_194 = arith.constant 1 : i32
    %get3A_195 = arith.index_cast %get3A_194 : i32 to index
    %get3A_196 = arith.constant 112 : index
    %get3A_197 = tpu.vector_load %arg7[%get3A_195, %get3A_196] {strides = array<i32>} : memref<2x128xi32, #tpu.memory_space<vmem>>, vector<1x16xi32>,
    %get3A_198 = vector.shape_cast %get3A_197 : vector<1x16xi32> to vector<16xi32>
    %swap3A_199 = arith.constant 1 : i32
    %swap3A_200 = arith.index_cast %swap3A_199 : i32 to index
    %swap3A_201 = arith.constant 112 : index
    %swap3A_202 = tpu.vector_load %arg9[%swap3A_200, %swap3A_201] {strides = array<i32>} : memref<2x128xi32, #tpu.memory_space<vmem>>, vector<1x16xi32>,
    %swap3A_203 = vector.shape_cast %swap3A_202 : vector<1x16xi32> to vector<16xi32>
    %swap3A_204 = vector.shape_cast %get3A_198 : vector<16xi32> to vector<1x16xi32>
    tpu.vector_store %arg9[%swap3A_200, %swap3A_201], %swap3A_204 {strides = array<i32>} : memref<2x128xi32, #tpu.memory_space<vmem>>, vector<1x16xi32>,
    %add3A_205 = arith.constant 2 : i32
    %add3A_206 = arith.addi %mul3A_4, %add3A_205 : i32
    %dma_start3A_207 = arith.constant 0 : i32
    %dma_start3A_208 = arith.constant 0 : i32
    %dma_start3A_209 = tpu.memref_slice %arg2[%add3A_206, %dma_start3A_207, %dma_start3A_208] : memref<2564x2x128xi32, #tpu.memory_space<hbm>> -> memref<1x2x128xi32, #tpu.memory_space<hbm>>
    %dma_start3A_210 = tpu.memref_squeeze %dma_start3A_209 : memref<1x2x128xi32, #tpu.memory_space<hbm>> -> memref<2x128xi32, #tpu.memory_space<hbm>>
    %dma_start3A_211 = arith.constant 0 : i32
    %dma_start3A_212 = arith.constant 0 : i32
    %dma_start3A_213 = tpu.memref_slice %arg2[%add3A_206, %dma_start3A_211, %dma_start3A_212] : memref<2564x2x128xi32, #tpu.memory_space<hbm>> -> memref<1x2x128xi32, #tpu.memory_space<hbm>>
    %dma_start3A_214 = tpu.memref_squeeze %dma_start3A_213 : memref<1x2x128xi32, #tpu.memory_space<hbm>> -> memref<2x128xi32, #tpu.memory_space<hbm>>
    tpu.enqueue_dma source(%dma_start3A_214 : memref<2x128xi32, #tpu.memory_space<hbm>>) target(%arg7 : memref<2x128xi32, #tpu.memory_space<vmem>>) target_semaphore(%arg12 : memref<!tpu.dma_semaphore, #tpu.memory_space<semaphore_mem>>)
    %dma_start3A_215 = arith.constant 0 : i32
    %dma_start3A_216 = arith.constant 0 : i32
    %dma_start3A_217 = tpu.memref_slice %arg9[%dma_start3A_215, %dma_start3A_216] : memref<2x128xi32, #tpu.memory_space<vmem>> -> memref<1x128xi32, #tpu.memory_space<vmem>>
    %dma_start3A_218 = tpu.memref_squeeze %dma_start3A_217 : memref<1x128xi32, #tpu.memory_space<vmem>> -> memref<128xi32, #tpu.memory_space<vmem>>
    %dma_start3A_219 = arith.constant 0 : i32
    %dma_start3A_220 = arith.constant 0 : i32
    %dma_start3A_221 = tpu.memref_slice %arg6[%dma_start3A_219, %dma_start3A_220] : memref<10112x16xf32, #tpu.memory_space<vmem_shared>> -> memref<10112x16xf32, #tpu.memory_space<vmem_shared>>
    tpu.enqueue_indirect_dma source(%arg11 : memref<128x16xf32, #tpu.memory_space<vmem>>) target(%dma_start3A_221 : memref<10112x16xf32, #tpu.memory_space<vmem_shared>>) offsets(%dma_start3A_218 : memref<128xi32, #tpu.memory_space<vmem>>) semaphore(%arg14 : memref<!tpu.dma_semaphore, #tpu.memory_space<semaphore_mem>>) {add = true}
    %dma_wait3A_222 = arith.constant 0 : i32
    %dma_wait3A_223 = arith.constant 0 : i32
    %dma_wait3A_224 = tpu.memref_slice %arg2[%mul3A_4, %dma_wait3A_222, %dma_wait3A_223] : memref<2564x2x128xi32, #tpu.memory_space<hbm>> -> memref<1x2x128xi32, #tpu.memory_space<hbm>>
    %dma_wait3A_225 = tpu.memref_squeeze %dma_wait3A_224 : memref<1x2x128xi32, #tpu.memory_space<hbm>> -> memref<2x128xi32, #tpu.memory_space<hbm>>
    %dma_wait3A_226 = arith.constant 0 : i32
    %dma_wait3A_227 = arith.constant 0 : i32
    %dma_wait3A_228 = tpu.memref_slice %arg2[%mul3A_4, %dma_wait3A_226, %dma_wait3A_227] : memref<2564x2x128xi32, #tpu.memory_space<hbm>> -> memref<1x2x128xi32, #tpu.memory_space<hbm>>
    %dma_wait3A_229 = tpu.memref_squeeze %dma_wait3A_228 : memref<1x2x128xi32, #tpu.memory_space<hbm>> -> memref<2x128xi32, #tpu.memory_space<hbm>>
    tpu.wait_dma2 semaphore(%arg13 : memref<!tpu.dma_semaphore, #tpu.memory_space<semaphore_mem>>) src(%dma_wait3A_229 : memref<2x128xi32, #tpu.memory_space<hbm>>) dst(%arg8 : memref<2x128xi32, #tpu.memory_space<vmem>>)
    %get3A_230 = arith.constant 0 : i32
    %get3A_231 = arith.index_cast %get3A_230 : i32 to index
    %get3A_232 = arith.constant 0 : index
    %get3A_233 = tpu.vector_load %arg8[%get3A_231, %get3A_232] {strides = array<i32>} : memref<2x128xi32, #tpu.memory_space<vmem>>, vector<1x16xi32>,
    %get3A_234 = vector.shape_cast %get3A_233 : vector<1x16xi32> to vector<16xi32>
    %swap3A_235 = arith.constant 0 : i32
    %swap3A_236 = arith.index_cast %swap3A_235 : i32 to index
    %swap3A_237 = arith.constant 0 : index
    %swap3A_238 = tpu.vector_load %arg10[%swap3A_236, %swap3A_237] {strides = array<i32>} : memref<2x128xi32, #tpu.memory_space<vmem>>, vector<1x16xi32>,
    %swap3A_239 = vector.shape_cast %swap3A_238 : vector<1x16xi32> to vector<16xi32>
    %swap3A_240 = vector.shape_cast %get3A_234 : vector<16xi32> to vector<1x16xi32>
    tpu.vector_store %arg10[%swap3A_236, %swap3A_237], %swap3A_240 {strides = array<i32>} : memref<2x128xi32, #tpu.memory_space<vmem>>, vector<1x16xi32>,
    %get3A_241 = arith.constant 0 : i32
    %get3A_242 = arith.index_cast %get3A_241 : i32 to index
    %get3A_243 = arith.constant 16 : index
    %get3A_244 = tpu.vector_load %arg8[%get3A_242, %get3A_243] {strides = array<i32>} : memref<2x128xi32, #tpu.memory_space<vmem>>, vector<1x16xi32>,
    %get3A_245 = vector.shape_cast %get3A_244 : vector<1x16xi32> to vector<16xi32>
    %swap3A_246 = arith.constant 0 : i32
    %swap3A_247 = arith.index_cast %swap3A_246 : i32 to index
    %swap3A_248 = arith.constant 16 : index
    %swap3A_249 = tpu.vector_load %arg10[%swap3A_247, %swap3A_248] {strides = array<i32>} : memref<2x128xi32, #tpu.memory_space<vmem>>, vector<1x16xi32>,
    %swap3A_250 = vector.shape_cast %swap3A_249 : vector<1x16xi32> to vector<16xi32>
    %swap3A_251 = vector.shape_cast %get3A_245 : vector<16xi32> to vector<1x16xi32>
    tpu.vector_store %arg10[%swap3A_247, %swap3A_248], %swap3A_251 {strides = array<i32>} : memref<2x128xi32, #tpu.memory_space<vmem>>, vector<1x16xi32>,
    %get3A_252 = arith.constant 0 : i32
    %get3A_253 = arith.index_cast %get3A_252 : i32 to index
    %get3A_254 = arith.constant 32 : index
    %get3A_255 = tpu.vector_load %arg8[%get3A_253, %get3A_254] {strides = array<i32>} : memref<2x128xi32, #tpu.memory_space<vmem>>, vector<1x16xi32>,
    %get3A_256 = vector.shape_cast %get3A_255 : vector<1x16xi32> to vector<16xi32>
    %swap3A_257 = arith.constant 0 : i32
    %swap3A_258 = arith.index_cast %swap3A_257 : i32 to index
    %swap3A_259 = arith.constant 32 : index
    %swap3A_260 = tpu.vector_load %arg10[%swap3A_258, %swap3A_259] {strides = array<i32>} : memref<2x128xi32, #tpu.memory_space<vmem>>, vector<1x16xi32>,
    %swap3A_261 = vector.shape_cast %swap3A_260 : vector<1x16xi32> to vector<16xi32>
    %swap3A_262 = vector.shape_cast %get3A_256 : vector<16xi32> to vector<1x16xi32>
    tpu.vector_store %arg10[%swap3A_258, %swap3A_259], %swap3A_262 {strides = array<i32>} : memref<2x128xi32, #tpu.memory_space<vmem>>, vector<1x16xi32>,
    %get3A_263 = arith.constant 0 : i32
    %get3A_264 = arith.index_cast %get3A_263 : i32 to index
    %get3A_265 = arith.constant 48 : index
    %get3A_266 = tpu.vector_load %arg8[%get3A_264, %get3A_265] {strides = array<i32>} : memref<2x128xi32, #tpu.memory_space<vmem>>, vector<1x16xi32>,
    %get3A_267 = vector.shape_cast %get3A_266 : vector<1x16xi32> to vector<16xi32>
    %swap3A_268 = arith.constant 0 : i32
    %swap3A_269 = arith.index_cast %swap3A_268 : i32 to index
    %swap3A_270 = arith.constant 48 : index
    %swap3A_271 = tpu.vector_load %arg10[%swap3A_269, %swap3A_270] {strides = array<i32>} : memref<2x128xi32, #tpu.memory_space<vmem>>, vector<1x16xi32>,
    %swap3A_272 = vector.shape_cast %swap3A_271 : vector<1x16xi32> to vector<16xi32>
    %swap3A_273 = vector.shape_cast %get3A_267 : vector<16xi32> to vector<1x16xi32>
    tpu.vector_store %arg10[%swap3A_269, %swap3A_270], %swap3A_273 {strides = array<i32>} : memref<2x128xi32, #tpu.memory_space<vmem>>, vector<1x16xi32>,
    %get3A_274 = arith.constant 0 : i32
    %get3A_275 = arith.index_cast %get3A_274 : i32 to index
    %get3A_276 = arith.constant 64 : index
    %get3A_277 = tpu.vector_load %arg8[%get3A_275, %get3A_276] {strides = array<i32>} : memref<2x128xi32, #tpu.memory_space<vmem>>, vector<1x16xi32>,
    %get3A_278 = vector.shape_cast %get3A_277 : vector<1x16xi32> to vector<16xi32>
    %swap3A_279 = arith.constant 0 : i32
    %swap3A_280 = arith.index_cast %swap3A_279 : i32 to index
    %swap3A_281 = arith.constant 64 : index
    %swap3A_282 = tpu.vector_load %arg10[%swap3A_280, %swap3A_281] {strides = array<i32>} : memref<2x128xi32, #tpu.memory_space<vmem>>, vector<1x16xi32>,
    %swap3A_283 = vector.shape_cast %swap3A_282 : vector<1x16xi32> to vector<16xi32>
    %swap3A_284 = vector.shape_cast %get3A_278 : vector<16xi32> to vector<1x16xi32>
    tpu.vector_store %arg10[%swap3A_280, %swap3A_281], %swap3A_284 {strides = array<i32>} : memref<2x128xi32, #tpu.memory_space<vmem>>, vector<1x16xi32>,
    %get3A_285 = arith.constant 0 : i32
    %get3A_286 = arith.index_cast %get3A_285 : i32 to index
    %get3A_287 = arith.constant 80 : index
    %get3A_288 = tpu.vector_load %arg8[%get3A_286, %get3A_287] {strides = array<i32>} : memref<2x128xi32, #tpu.memory_space<vmem>>, vector<1x16xi32>,
    %get3A_289 = vector.shape_cast %get3A_288 : vector<1x16xi32> to vector<16xi32>
    %swap3A_290 = arith.constant 0 : i32
    %swap3A_291 = arith.index_cast %swap3A_290 : i32 to index
    %swap3A_292 = arith.constant 80 : index
    %swap3A_293 = tpu.vector_load %arg10[%swap3A_291, %swap3A_292] {strides = array<i32>} : memref<2x128xi32, #tpu.memory_space<vmem>>, vector<1x16xi32>,
    %swap3A_294 = vector.shape_cast %swap3A_293 : vector<1x16xi32> to vector<16xi32>
    %swap3A_295 = vector.shape_cast %get3A_289 : vector<16xi32> to vector<1x16xi32>
    tpu.vector_store %arg10[%swap3A_291, %swap3A_292], %swap3A_295 {strides = array<i32>} : memref<2x128xi32, #tpu.memory_space<vmem>>, vector<1x16xi32>,
    %get3A_296 = arith.constant 0 : i32
    %get3A_297 = arith.index_cast %get3A_296 : i32 to index
    %get3A_298 = arith.constant 96 : index
    %get3A_299 = tpu.vector_load %arg8[%get3A_297, %get3A_298] {strides = array<i32>} : memref<2x128xi32, #tpu.memory_space<vmem>>, vector<1x16xi32>,
    %get3A_300 = vector.shape_cast %get3A_299 : vector<1x16xi32> to vector<16xi32>
    %swap3A_301 = arith.constant 0 : i32
    %swap3A_302 = arith.index_cast %swap3A_301 : i32 to index
    %swap3A_303 = arith.constant 96 : index
    %swap3A_304 = tpu.vector_load %arg10[%swap3A_302, %swap3A_303] {strides = array<i32>} : memref<2x128xi32, #tpu.memory_space<vmem>>, vector<1x16xi32>,
    %swap3A_305 = vector.shape_cast %swap3A_304 : vector<1x16xi32> to vector<16xi32>
    %swap3A_306 = vector.shape_cast %get3A_300 : vector<16xi32> to vector<1x16xi32>
    tpu.vector_store %arg10[%swap3A_302, %swap3A_303], %swap3A_306 {strides = array<i32>} : memref<2x128xi32, #tpu.memory_space<vmem>>, vector<1x16xi32>,
    %get3A_307 = arith.constant 0 : i32
    %get3A_308 = arith.index_cast %get3A_307 : i32 to index
    %get3A_309 = arith.constant 112 : index
    %get3A_310 = tpu.vector_load %arg8[%get3A_308, %get3A_309] {strides = array<i32>} : memref<2x128xi32, #tpu.memory_space<vmem>>, vector<1x16xi32>,
    %get3A_311 = vector.shape_cast %get3A_310 : vector<1x16xi32> to vector<16xi32>
    %swap3A_312 = arith.constant 0 : i32
    %swap3A_313 = arith.index_cast %swap3A_312 : i32 to index
    %swap3A_314 = arith.constant 112 : index
    %swap3A_315 = tpu.vector_load %arg10[%swap3A_313, %swap3A_314] {strides = array<i32>} : memref<2x128xi32, #tpu.memory_space<vmem>>, vector<1x16xi32>,
    %swap3A_316 = vector.shape_cast %swap3A_315 : vector<1x16xi32> to vector<16xi32>
    %swap3A_317 = vector.shape_cast %get3A_311 : vector<16xi32> to vector<1x16xi32>
    tpu.vector_store %arg10[%swap3A_313, %swap3A_314], %swap3A_317 {strides = array<i32>} : memref<2x128xi32, #tpu.memory_space<vmem>>, vector<1x16xi32>,
    %get3A_318 = arith.constant 1 : i32
    %get3A_319 = arith.index_cast %get3A_318 : i32 to index
    %get3A_320 = arith.constant 0 : index
    %get3A_321 = tpu.vector_load %arg8[%get3A_319, %get3A_320] {strides = array<i32>} : memref<2x128xi32, #tpu.memory_space<vmem>>, vector<1x16xi32>,
    %get3A_322 = vector.shape_cast %get3A_321 : vector<1x16xi32> to vector<16xi32>
    %swap3A_323 = arith.constant 1 : i32
    %swap3A_324 = arith.index_cast %swap3A_323 : i32 to index
    %swap3A_325 = arith.constant 0 : index
    %swap3A_326 = tpu.vector_load %arg10[%swap3A_324, %swap3A_325] {strides = array<i32>} : memref<2x128xi32, #tpu.memory_space<vmem>>, vector<1x16xi32>,
    %swap3A_327 = vector.shape_cast %swap3A_326 : vector<1x16xi32> to vector<16xi32>
    %swap3A_328 = vector.shape_cast %get3A_322 : vector<16xi32> to vector<1x16xi32>
    tpu.vector_store %arg10[%swap3A_324, %swap3A_325], %swap3A_328 {strides = array<i32>} : memref<2x128xi32, #tpu.memory_space<vmem>>, vector<1x16xi32>,
    %get3A_329 = arith.constant 1 : i32
    %get3A_330 = arith.index_cast %get3A_329 : i32 to index
    %get3A_331 = arith.constant 16 : index
    %get3A_332 = tpu.vector_load %arg8[%get3A_330, %get3A_331] {strides = array<i32>} : memref<2x128xi32, #tpu.memory_space<vmem>>, vector<1x16xi32>,
    %get3A_333 = vector.shape_cast %get3A_332 : vector<1x16xi32> to vector<16xi32>
    %swap3A_334 = arith.constant 1 : i32
    %swap3A_335 = arith.index_cast %swap3A_334 : i32 to index
    %swap3A_336 = arith.constant 16 : index
    %swap3A_337 = tpu.vector_load %arg10[%swap3A_335, %swap3A_336] {strides = array<i32>} : memref<2x128xi32, #tpu.memory_space<vmem>>, vector<1x16xi32>,
    %swap3A_338 = vector.shape_cast %swap3A_337 : vector<1x16xi32> to vector<16xi32>
    %swap3A_339 = vector.shape_cast %get3A_333 : vector<16xi32> to vector<1x16xi32>
    tpu.vector_store %arg10[%swap3A_335, %swap3A_336], %swap3A_339 {strides = array<i32>} : memref<2x128xi32, #tpu.memory_space<vmem>>, vector<1x16xi32>,
    %get3A_340 = arith.constant 1 : i32
    %get3A_341 = arith.index_cast %get3A_340 : i32 to index
    %get3A_342 = arith.constant 32 : index
    %get3A_343 = tpu.vector_load %arg8[%get3A_341, %get3A_342] {strides = array<i32>} : memref<2x128xi32, #tpu.memory_space<vmem>>, vector<1x16xi32>,
    %get3A_344 = vector.shape_cast %get3A_343 : vector<1x16xi32> to vector<16xi32>
    %swap3A_345 = arith.constant 1 : i32
    %swap3A_346 = arith.index_cast %swap3A_345 : i32 to index
    %swap3A_347 = arith.constant 32 : index
    %swap3A_348 = tpu.vector_load %arg10[%swap3A_346, %swap3A_347] {strides = array<i32>} : memref<2x128xi32, #tpu.memory_space<vmem>>, vector<1x16xi32>,
    %swap3A_349 = vector.shape_cast %swap3A_348 : vector<1x16xi32> to vector<16xi32>
    %swap3A_350 = vector.shape_cast %get3A_344 : vector<16xi32> to vector<1x16xi32>
    tpu.vector_store %arg10[%swap3A_346, %swap3A_347], %swap3A_350 {strides = array<i32>} : memref<2x128xi32, #tpu.memory_space<vmem>>, vector<1x16xi32>,
    %get3A_351 = arith.constant 1 : i32
    %get3A_352 = arith.index_cast %get3A_351 : i32 to index
    %get3A_353 = arith.constant 48 : index
    %get3A_354 = tpu.vector_load %arg8[%get3A_352, %get3A_353] {strides = array<i32>} : memref<2x128xi32, #tpu.memory_space<vmem>>, vector<1x16xi32>,
    %get3A_355 = vector.shape_cast %get3A_354 : vector<1x16xi32> to vector<16xi32>
    %swap3A_356 = arith.constant 1 : i32
    %swap3A_357 = arith.index_cast %swap3A_356 : i32 to index
    %swap3A_358 = arith.constant 48 : index
    %swap3A_359 = tpu.vector_load %arg10[%swap3A_357, %swap3A_358] {strides = array<i32>} : memref<2x128xi32, #tpu.memory_space<vmem>>, vector<1x16xi32>,
    %swap3A_360 = vector.shape_cast %swap3A_359 : vector<1x16xi32> to vector<16xi32>
    %swap3A_361 = vector.shape_cast %get3A_355 : vector<16xi32> to vector<1x16xi32>
    tpu.vector_store %arg10[%swap3A_357, %swap3A_358], %swap3A_361 {strides = array<i32>} : memref<2x128xi32, #tpu.memory_space<vmem>>, vector<1x16xi32>,
    %get3A_362 = arith.constant 1 : i32
    %get3A_363 = arith.index_cast %get3A_362 : i32 to index
    %get3A_364 = arith.constant 64 : index
    %get3A_365 = tpu.vector_load %arg8[%get3A_363, %get3A_364] {strides = array<i32>} : memref<2x128xi32, #tpu.memory_space<vmem>>, vector<1x16xi32>,
    %get3A_366 = vector.shape_cast %get3A_365 : vector<1x16xi32> to vector<16xi32>
    %swap3A_367 = arith.constant 1 : i32
    %swap3A_368 = arith.index_cast %swap3A_367 : i32 to index
    %swap3A_369 = arith.constant 64 : index
    %swap3A_370 = tpu.vector_load %arg10[%swap3A_368, %swap3A_369] {strides = array<i32>} : memref<2x128xi32, #tpu.memory_space<vmem>>, vector<1x16xi32>,
    %swap3A_371 = vector.shape_cast %swap3A_370 : vector<1x16xi32> to vector<16xi32>
    %swap3A_372 = vector.shape_cast %get3A_366 : vector<16xi32> to vector<1x16xi32>
    tpu.vector_store %arg10[%swap3A_368, %swap3A_369], %swap3A_372 {strides = array<i32>} : memref<2x128xi32, #tpu.memory_space<vmem>>, vector<1x16xi32>,
    %get3A_373 = arith.constant 1 : i32
    %get3A_374 = arith.index_cast %get3A_373 : i32 to index
    %get3A_375 = arith.constant 80 : index
    %get3A_376 = tpu.vector_load %arg8[%get3A_374, %get3A_375] {strides = array<i32>} : memref<2x128xi32, #tpu.memory_space<vmem>>, vector<1x16xi32>,
    %get3A_377 = vector.shape_cast %get3A_376 : vector<1x16xi32> to vector<16xi32>
    %swap3A_378 = arith.constant 1 : i32
    %swap3A_379 = arith.index_cast %swap3A_378 : i32 to index
    %swap3A_380 = arith.constant 80 : index
    %swap3A_381 = tpu.vector_load %arg10[%swap3A_379, %swap3A_380] {strides = array<i32>} : memref<2x128xi32, #tpu.memory_space<vmem>>, vector<1x16xi32>,
    %swap3A_382 = vector.shape_cast %swap3A_381 : vector<1x16xi32> to vector<16xi32>
    %swap3A_383 = vector.shape_cast %get3A_377 : vector<16xi32> to vector<1x16xi32>
    tpu.vector_store %arg10[%swap3A_379, %swap3A_380], %swap3A_383 {strides = array<i32>} : memref<2x128xi32, #tpu.memory_space<vmem>>, vector<1x16xi32>,
    %get3A_384 = arith.constant 1 : i32
    %get3A_385 = arith.index_cast %get3A_384 : i32 to index
    %get3A_386 = arith.constant 96 : index
    %get3A_387 = tpu.vector_load %arg8[%get3A_385, %get3A_386] {strides = array<i32>} : memref<2x128xi32, #tpu.memory_space<vmem>>, vector<1x16xi32>,
    %get3A_388 = vector.shape_cast %get3A_387 : vector<1x16xi32> to vector<16xi32>
    %swap3A_389 = arith.constant 1 : i32
    %swap3A_390 = arith.index_cast %swap3A_389 : i32 to index
    %swap3A_391 = arith.constant 96 : index
    %swap3A_392 = tpu.vector_load %arg10[%swap3A_390, %swap3A_391] {strides = array<i32>} : memref<2x128xi32, #tpu.memory_space<vmem>>, vector<1x16xi32>,
    %swap3A_393 = vector.shape_cast %swap3A_392 : vector<1x16xi32> to vector<16xi32>
    %swap3A_394 = vector.shape_cast %get3A_388 : vector<16xi32> to vector<1x16xi32>
    tpu.vector_store %arg10[%swap3A_390, %swap3A_391], %swap3A_394 {strides = array<i32>} : memref<2x128xi32, #tpu.memory_space<vmem>>, vector<1x16xi32>,
    %get3A_395 = arith.constant 1 : i32
    %get3A_396 = arith.index_cast %get3A_395 : i32 to index
    %get3A_397 = arith.constant 112 : index
    %get3A_398 = tpu.vector_load %arg8[%get3A_396, %get3A_397] {strides = array<i32>} : memref<2x128xi32, #tpu.memory_space<vmem>>, vector<1x16xi32>,
    %get3A_399 = vector.shape_cast %get3A_398 : vector<1x16xi32> to vector<16xi32>
    %swap3A_400 = arith.constant 1 : i32
    %swap3A_401 = arith.index_cast %swap3A_400 : i32 to index
    %swap3A_402 = arith.constant 112 : index
    %swap3A_403 = tpu.vector_load %arg10[%swap3A_401, %swap3A_402] {strides = array<i32>} : memref<2x128xi32, #tpu.memory_space<vmem>>, vector<1x16xi32>,
    %swap3A_404 = vector.shape_cast %swap3A_403 : vector<1x16xi32> to vector<16xi32>
    %swap3A_405 = vector.shape_cast %get3A_399 : vector<16xi32> to vector<1x16xi32>
    tpu.vector_store %arg10[%swap3A_401, %swap3A_402], %swap3A_405 {strides = array<i32>} : memref<2x128xi32, #tpu.memory_space<vmem>>, vector<1x16xi32>,
    %add3A_406 = arith.constant 3 : i32
    %add3A_407 = arith.addi %mul3A_4, %add3A_406 : i32
    %dma_start3A_408 = arith.constant 0 : i32
    %dma_start3A_409 = arith.constant 0 : i32
    %dma_start3A_410 = tpu.memref_slice %arg2[%add3A_407, %dma_start3A_408, %dma_start3A_409] : memref<2564x2x128xi32, #tpu.memory_space<hbm>> -> memref<1x2x128xi32, #tpu.memory_space<hbm>>
    %dma_start3A_411 = tpu.memref_squeeze %dma_start3A_410 : memref<1x2x128xi32, #tpu.memory_space<hbm>> -> memref<2x128xi32, #tpu.memory_space<hbm>>
    %dma_start3A_412 = arith.constant 0 : i32
    %dma_start3A_413 = arith.constant 0 : i32
    %dma_start3A_414 = tpu.memref_slice %arg2[%add3A_407, %dma_start3A_412, %dma_start3A_413] : memref<2564x2x128xi32, #tpu.memory_space<hbm>> -> memref<1x2x128xi32, #tpu.memory_space<hbm>>
    %dma_start3A_415 = tpu.memref_squeeze %dma_start3A_414 : memref<1x2x128xi32, #tpu.memory_space<hbm>> -> memref<2x128xi32, #tpu.memory_space<hbm>>
    tpu.enqueue_dma source(%dma_start3A_415 : memref<2x128xi32, #tpu.memory_space<hbm>>) target(%arg8 : memref<2x128xi32, #tpu.memory_space<vmem>>) target_semaphore(%arg13 : memref<!tpu.dma_semaphore, #tpu.memory_space<semaphore_mem>>)
    %scan3A = arith.constant 0 : i32
    %scan3A_416 = arith.constant 0 : i32
    %scan3A_417 = arith.constant 39 : i32
    %scan3A_418 = arith.addi %scan3A_416, %scan3A_417 : i32
    %scan3A_419 = arith.constant 1 : i32
    scf.for %scan3A_459 = %scan3A_416 to %scan3A_418 step %scan3A_419  : i32 {
      %mul3A_460 = arith.constant 2 : i32
      %mul3A_461 = arith.muli %mul3A_460, %scan3A_459 : i32
      %add3A_462 = arith.constant 1 : i32
      %add3A_463 = arith.addi %mul3A_461, %add3A_462 : i32
      %dma_start3A_464 = arith.constant 0 : i32
      %dma_start3A_465 = arith.constant 0 : i32
      %dma_start3A_466 = tpu.memref_slice %arg10[%dma_start3A_464, %dma_start3A_465] : memref<2x128xi32, #tpu.memory_space<vmem>> -> memref<1x128xi32, #tpu.memory_space<vmem>>
      %dma_start3A_467 = tpu.memref_squeeze %dma_start3A_466 : memref<1x128xi32, #tpu.memory_space<vmem>> -> memref<128xi32, #tpu.memory_space<vmem>>
      %dma_start3A_468 = arith.constant 0 : i32
      %dma_start3A_469 = arith.constant 0 : i32
      %dma_start3A_470 = tpu.memref_slice %arg6[%dma_start3A_468, %dma_start3A_469] : memref<10112x16xf32, #tpu.memory_space<vmem_shared>> -> memref<10112x16xf32, #tpu.memory_space<vmem_shared>>
      tpu.enqueue_indirect_dma source(%arg11 : memref<128x16xf32, #tpu.memory_space<vmem>>) target(%dma_start3A_470 : memref<10112x16xf32, #tpu.memory_space<vmem_shared>>) offsets(%dma_start3A_467 : memref<128xi32, #tpu.memory_space<vmem>>) semaphore(%arg15 : memref<!tpu.dma_semaphore, #tpu.memory_space<semaphore_mem>>) {add = true}
      %dma_wait3A_471 = arith.constant 0 : i32
      %dma_wait3A_472 = arith.constant 0 : i32
      %dma_wait3A_473 = tpu.memref_slice %arg2[%mul3A_4, %dma_wait3A_471, %dma_wait3A_472] : memref<2564x2x128xi32, #tpu.memory_space<hbm>> -> memref<1x2x128xi32, #tpu.memory_space<hbm>>
      %dma_wait3A_474 = tpu.memref_squeeze %dma_wait3A_473 : memref<1x2x128xi32, #tpu.memory_space<hbm>> -> memref<2x128xi32, #tpu.memory_space<hbm>>
      %dma_wait3A_475 = arith.constant 0 : i32
      %dma_wait3A_476 = arith.constant 0 : i32
      %dma_wait3A_477 = tpu.memref_slice %arg2[%mul3A_4, %dma_wait3A_475, %dma_wait3A_476] : memref<2564x2x128xi32, #tpu.memory_space<hbm>> -> memref<1x2x128xi32, #tpu.memory_space<hbm>>
      %dma_wait3A_478 = tpu.memref_squeeze %dma_wait3A_477 : memref<1x2x128xi32, #tpu.memory_space<hbm>> -> memref<2x128xi32, #tpu.memory_space<hbm>>
      tpu.wait_dma2 semaphore(%arg12 : memref<!tpu.dma_semaphore, #tpu.memory_space<semaphore_mem>>) src(%dma_wait3A_478 : memref<2x128xi32, #tpu.memory_space<hbm>>) dst(%arg7 : memref<2x128xi32, #tpu.memory_space<vmem>>)
      %dma_wait3A_479 = arith.constant 0 : i32
      %dma_wait3A_480 = arith.constant 0 : i32
      %dma_wait3A_481 = tpu.memref_slice %arg9[%dma_wait3A_479, %dma_wait3A_480] : memref<2x128xi32, #tpu.memory_space<vmem>> -> memref<1x128xi32, #tpu.memory_space<vmem>>
      %dma_wait3A_482 = tpu.memref_squeeze %dma_wait3A_481 : memref<1x128xi32, #tpu.memory_space<vmem>> -> memref<128xi32, #tpu.memory_space<vmem>>
      %dma_wait3A_483 = arith.constant 0 : i32
      %dma_wait3A_484 = arith.constant 0 : i32
      %dma_wait3A_485 = tpu.memref_slice %arg6[%dma_wait3A_483, %dma_wait3A_484] : memref<10112x16xf32, #tpu.memory_space<vmem_shared>> -> memref<10112x16xf32, #tpu.memory_space<vmem_shared>>
      tpu.wait_indirect_dma semaphore(%arg14 : memref<!tpu.dma_semaphore, #tpu.memory_space<semaphore_mem>>) src(%arg11 : memref<128x16xf32, #tpu.memory_space<vmem>>) dst(%dma_wait3A_485 : memref<10112x16xf32, #tpu.memory_space<vmem_shared>>)
      %get3A_486 = arith.constant 0 : i32
      %get3A_487 = arith.index_cast %get3A_486 : i32 to index
      %get3A_488 = arith.constant 0 : index
      %get3A_489 = tpu.vector_load %arg7[%get3A_487, %get3A_488] {strides = array<i32>} : memref<2x128xi32, #tpu.memory_space<vmem>>, vector<1x16xi32>,
      %get3A_490 = vector.shape_cast %get3A_489 : vector<1x16xi32> to vector<16xi32>
      %swap3A_491 = arith.constant 0 : i32
      %swap3A_492 = arith.index_cast %swap3A_491 : i32 to index
      %swap3A_493 = arith.constant 0 : index
      %swap3A_494 = tpu.vector_load %arg9[%swap3A_492, %swap3A_493] {strides = array<i32>} : memref<2x128xi32, #tpu.memory_space<vmem>>, vector<1x16xi32>,
      %swap3A_495 = vector.shape_cast %swap3A_494 : vector<1x16xi32> to vector<16xi32>
      %swap3A_496 = vector.shape_cast %get3A_490 : vector<16xi32> to vector<1x16xi32>
      tpu.vector_store %arg9[%swap3A_492, %swap3A_493], %swap3A_496 {strides = array<i32>} : memref<2x128xi32, #tpu.memory_space<vmem>>, vector<1x16xi32>,
      %get3A_497 = arith.constant 0 : i32
      %get3A_498 = arith.index_cast %get3A_497 : i32 to index
      %get3A_499 = arith.constant 16 : index
      %get3A_500 = tpu.vector_load %arg7[%get3A_498, %get3A_499] {strides = array<i32>} : memref<2x128xi32, #tpu.memory_space<vmem>>, vector<1x16xi32>,
      %get3A_501 = vector.shape_cast %get3A_500 : vector<1x16xi32> to vector<16xi32>
      %swap3A_502 = arith.constant 0 : i32
      %swap3A_503 = arith.index_cast %swap3A_502 : i32 to index
      %swap3A_504 = arith.constant 16 : index
      %swap3A_505 = tpu.vector_load %arg9[%swap3A_503, %swap3A_504] {strides = array<i32>} : memref<2x128xi32, #tpu.memory_space<vmem>>, vector<1x16xi32>,
      %swap3A_506 = vector.shape_cast %swap3A_505 : vector<1x16xi32> to vector<16xi32>
      %swap3A_507 = vector.shape_cast %get3A_501 : vector<16xi32> to vector<1x16xi32>
      tpu.vector_store %arg9[%swap3A_503, %swap3A_504], %swap3A_507 {strides = array<i32>} : memref<2x128xi32, #tpu.memory_space<vmem>>, vector<1x16xi32>,
      %get3A_508 = arith.constant 0 : i32
      %get3A_509 = arith.index_cast %get3A_508 : i32 to index
      %get3A_510 = arith.constant 32 : index
      %get3A_511 = tpu.vector_load %arg7[%get3A_509, %get3A_510] {strides = array<i32>} : memref<2x128xi32, #tpu.memory_space<vmem>>, vector<1x16xi32>,
      %get3A_512 = vector.shape_cast %get3A_511 : vector<1x16xi32> to vector<16xi32>
      %swap3A_513 = arith.constant 0 : i32
      %swap3A_514 = arith.index_cast %swap3A_513 : i32 to index
      %swap3A_515 = arith.constant 32 : index
      %swap3A_516 = tpu.vector_load %arg9[%swap3A_514, %swap3A_515] {strides = array<i32>} : memref<2x128xi32, #tpu.memory_space<vmem>>, vector<1x16xi32>,
      %swap3A_517 = vector.shape_cast %swap3A_516 : vector<1x16xi32> to vector<16xi32>
      %swap3A_518 = vector.shape_cast %get3A_512 : vector<16xi32> to vector<1x16xi32>
      tpu.vector_store %arg9[%swap3A_514, %swap3A_515], %swap3A_518 {strides = array<i32>} : memref<2x128xi32, #tpu.memory_space<vmem>>, vector<1x16xi32>,
      %get3A_519 = arith.constant 0 : i32
      %get3A_520 = arith.index_cast %get3A_519 : i32 to index
      %get3A_521 = arith.constant 48 : index
      %get3A_522 = tpu.vector_load %arg7[%get3A_520, %get3A_521] {strides = array<i32>} : memref<2x128xi32, #tpu.memory_space<vmem>>, vector<1x16xi32>,
      %get3A_523 = vector.shape_cast %get3A_522 : vector<1x16xi32> to vector<16xi32>
      %swap3A_524 = arith.constant 0 : i32
      %swap3A_525 = arith.index_cast %swap3A_524 : i32 to index
      %swap3A_526 = arith.constant 48 : index
      %swap3A_527 = tpu.vector_load %arg9[%swap3A_525, %swap3A_526] {strides = array<i32>} : memref<2x128xi32, #tpu.memory_space<vmem>>, vector<1x16xi32>,
      %swap3A_528 = vector.shape_cast %swap3A_527 : vector<1x16xi32> to vector<16xi32>
      %swap3A_529 = vector.shape_cast %get3A_523 : vector<16xi32> to vector<1x16xi32>
      tpu.vector_store %arg9[%swap3A_525, %swap3A_526], %swap3A_529 {strides = array<i32>} : memref<2x128xi32, #tpu.memory_space<vmem>>, vector<1x16xi32>,
      %get3A_530 = arith.constant 0 : i32
      %get3A_531 = arith.index_cast %get3A_530 : i32 to index
      %get3A_532 = arith.constant 64 : index
      %get3A_533 = tpu.vector_load %arg7[%get3A_531, %get3A_532] {strides = array<i32>} : memref<2x128xi32, #tpu.memory_space<vmem>>, vector<1x16xi32>,
      %get3A_534 = vector.shape_cast %get3A_533 : vector<1x16xi32> to vector<16xi32>
      %swap3A_535 = arith.constant 0 : i32
      %swap3A_536 = arith.index_cast %swap3A_535 : i32 to index
      %swap3A_537 = arith.constant 64 : index
      %swap3A_538 = tpu.vector_load %arg9[%swap3A_536, %swap3A_537] {strides = array<i32>} : memref<2x128xi32, #tpu.memory_space<vmem>>, vector<1x16xi32>,
      %swap3A_539 = vector.shape_cast %swap3A_538 : vector<1x16xi32> to vector<16xi32>
      %swap3A_540 = vector.shape_cast %get3A_534 : vector<16xi32> to vector<1x16xi32>
      tpu.vector_store %arg9[%swap3A_536, %swap3A_537], %swap3A_540 {strides = array<i32>} : memref<2x128xi32, #tpu.memory_space<vmem>>, vector<1x16xi32>,
      %get3A_541 = arith.constant 0 : i32
      %get3A_542 = arith.index_cast %get3A_541 : i32 to index
      %get3A_543 = arith.constant 80 : index
      %get3A_544 = tpu.vector_load %arg7[%get3A_542, %get3A_543] {strides = array<i32>} : memref<2x128xi32, #tpu.memory_space<vmem>>, vector<1x16xi32>,
      %get3A_545 = vector.shape_cast %get3A_544 : vector<1x16xi32> to vector<16xi32>
      %swap3A_546 = arith.constant 0 : i32
      %swap3A_547 = arith.index_cast %swap3A_546 : i32 to index
      %swap3A_548 = arith.constant 80 : index
      %swap3A_549 = tpu.vector_load %arg9[%swap3A_547, %swap3A_548] {strides = array<i32>} : memref<2x128xi32, #tpu.memory_space<vmem>>, vector<1x16xi32>,
      %swap3A_550 = vector.shape_cast %swap3A_549 : vector<1x16xi32> to vector<16xi32>
      %swap3A_551 = vector.shape_cast %get3A_545 : vector<16xi32> to vector<1x16xi32>
      tpu.vector_store %arg9[%swap3A_547, %swap3A_548], %swap3A_551 {strides = array<i32>} : memref<2x128xi32, #tpu.memory_space<vmem>>, vector<1x16xi32>,
      %get3A_552 = arith.constant 0 : i32
      %get3A_553 = arith.index_cast %get3A_552 : i32 to index
      %get3A_554 = arith.constant 96 : index
      %get3A_555 = tpu.vector_load %arg7[%get3A_553, %get3A_554] {strides = array<i32>} : memref<2x128xi32, #tpu.memory_space<vmem>>, vector<1x16xi32>,
      %get3A_556 = vector.shape_cast %get3A_555 : vector<1x16xi32> to vector<16xi32>
      %swap3A_557 = arith.constant 0 : i32
      %swap3A_558 = arith.index_cast %swap3A_557 : i32 to index
      %swap3A_559 = arith.constant 96 : index
      %swap3A_560 = tpu.vector_load %arg9[%swap3A_558, %swap3A_559] {strides = array<i32>} : memref<2x128xi32, #tpu.memory_space<vmem>>, vector<1x16xi32>,
      %swap3A_561 = vector.shape_cast %swap3A_560 : vector<1x16xi32> to vector<16xi32>
      %swap3A_562 = vector.shape_cast %get3A_556 : vector<16xi32> to vector<1x16xi32>
      tpu.vector_store %arg9[%swap3A_558, %swap3A_559], %swap3A_562 {strides = array<i32>} : memref<2x128xi32, #tpu.memory_space<vmem>>, vector<1x16xi32>,
      %get3A_563 = arith.constant 0 : i32
      %get3A_564 = arith.index_cast %get3A_563 : i32 to index
      %get3A_565 = arith.constant 112 : index
      %get3A_566 = tpu.vector_load %arg7[%get3A_564, %get3A_565] {strides = array<i32>} : memref<2x128xi32, #tpu.memory_space<vmem>>, vector<1x16xi32>,
      %get3A_567 = vector.shape_cast %get3A_566 : vector<1x16xi32> to vector<16xi32>
      %swap3A_568 = arith.constant 0 : i32
      %swap3A_569 = arith.index_cast %swap3A_568 : i32 to index
      %swap3A_570 = arith.constant 112 : index
      %swap3A_571 = tpu.vector_load %arg9[%swap3A_569, %swap3A_570] {strides = array<i32>} : memref<2x128xi32, #tpu.memory_space<vmem>>, vector<1x16xi32>,
      %swap3A_572 = vector.shape_cast %swap3A_571 : vector<1x16xi32> to vector<16xi32>
      %swap3A_573 = vector.shape_cast %get3A_567 : vector<16xi32> to vector<1x16xi32>
      tpu.vector_store %arg9[%swap3A_569, %swap3A_570], %swap3A_573 {strides = array<i32>} : memref<2x128xi32, #tpu.memory_space<vmem>>, vector<1x16xi32>,
      %get3A_574 = arith.constant 1 : i32
      %get3A_575 = arith.index_cast %get3A_574 : i32 to index
      %get3A_576 = arith.constant 0 : index
      %get3A_577 = tpu.vector_load %arg7[%get3A_575, %get3A_576] {strides = array<i32>} : memref<2x128xi32, #tpu.memory_space<vmem>>, vector<1x16xi32>,
      %get3A_578 = vector.shape_cast %get3A_577 : vector<1x16xi32> to vector<16xi32>
      %swap3A_579 = arith.constant 1 : i32
      %swap3A_580 = arith.index_cast %swap3A_579 : i32 to index
      %swap3A_581 = arith.constant 0 : index
      %swap3A_582 = tpu.vector_load %arg9[%swap3A_580, %swap3A_581] {strides = array<i32>} : memref<2x128xi32, #tpu.memory_space<vmem>>, vector<1x16xi32>,
      %swap3A_583 = vector.shape_cast %swap3A_582 : vector<1x16xi32> to vector<16xi32>
      %swap3A_584 = vector.shape_cast %get3A_578 : vector<16xi32> to vector<1x16xi32>
      tpu.vector_store %arg9[%swap3A_580, %swap3A_581], %swap3A_584 {strides = array<i32>} : memref<2x128xi32, #tpu.memory_space<vmem>>, vector<1x16xi32>,
      %get3A_585 = arith.constant 1 : i32
      %get3A_586 = arith.index_cast %get3A_585 : i32 to index
      %get3A_587 = arith.constant 16 : index
      %get3A_588 = tpu.vector_load %arg7[%get3A_586, %get3A_587] {strides = array<i32>} : memref<2x128xi32, #tpu.memory_space<vmem>>, vector<1x16xi32>,
      %get3A_589 = vector.shape_cast %get3A_588 : vector<1x16xi32> to vector<16xi32>
      %swap3A_590 = arith.constant 1 : i32
      %swap3A_591 = arith.index_cast %swap3A_590 : i32 to index
      %swap3A_592 = arith.constant 16 : index
      %swap3A_593 = tpu.vector_load %arg9[%swap3A_591, %swap3A_592] {strides = array<i32>} : memref<2x128xi32, #tpu.memory_space<vmem>>, vector<1x16xi32>,
      %swap3A_594 = vector.shape_cast %swap3A_593 : vector<1x16xi32> to vector<16xi32>
      %swap3A_595 = vector.shape_cast %get3A_589 : vector<16xi32> to vector<1x16xi32>
      tpu.vector_store %arg9[%swap3A_591, %swap3A_592], %swap3A_595 {strides = array<i32>} : memref<2x128xi32, #tpu.memory_space<vmem>>, vector<1x16xi32>,
      %get3A_596 = arith.constant 1 : i32
      %get3A_597 = arith.index_cast %get3A_596 : i32 to index
      %get3A_598 = arith.constant 32 : index
      %get3A_599 = tpu.vector_load %arg7[%get3A_597, %get3A_598] {strides = array<i32>} : memref<2x128xi32, #tpu.memory_space<vmem>>, vector<1x16xi32>,
      %get3A_600 = vector.shape_cast %get3A_599 : vector<1x16xi32> to vector<16xi32>
      %swap3A_601 = arith.constant 1 : i32
      %swap3A_602 = arith.index_cast %swap3A_601 : i32 to index
      %swap3A_603 = arith.constant 32 : index
      %swap3A_604 = tpu.vector_load %arg9[%swap3A_602, %swap3A_603] {strides = array<i32>} : memref<2x128xi32, #tpu.memory_space<vmem>>, vector<1x16xi32>,
      %swap3A_605 = vector.shape_cast %swap3A_604 : vector<1x16xi32> to vector<16xi32>
      %swap3A_606 = vector.shape_cast %get3A_600 : vector<16xi32> to vector<1x16xi32>
      tpu.vector_store %arg9[%swap3A_602, %swap3A_603], %swap3A_606 {strides = array<i32>} : memref<2x128xi32, #tpu.memory_space<vmem>>, vector<1x16xi32>,
      %get3A_607 = arith.constant 1 : i32
      %get3A_608 = arith.index_cast %get3A_607 : i32 to index
      %get3A_609 = arith.constant 48 : index
      %get3A_610 = tpu.vector_load %arg7[%get3A_608, %get3A_609] {strides = array<i32>} : memref<2x128xi32, #tpu.memory_space<vmem>>, vector<1x16xi32>,
      %get3A_611 = vector.shape_cast %get3A_610 : vector<1x16xi32> to vector<16xi32>
      %swap3A_612 = arith.constant 1 : i32
      %swap3A_613 = arith.index_cast %swap3A_612 : i32 to index
      %swap3A_614 = arith.constant 48 : index
      %swap3A_615 = tpu.vector_load %arg9[%swap3A_613, %swap3A_614] {strides = array<i32>} : memref<2x128xi32, #tpu.memory_space<vmem>>, vector<1x16xi32>,
      %swap3A_616 = vector.shape_cast %swap3A_615 : vector<1x16xi32> to vector<16xi32>
      %swap3A_617 = vector.shape_cast %get3A_611 : vector<16xi32> to vector<1x16xi32>
      tpu.vector_store %arg9[%swap3A_613, %swap3A_614], %swap3A_617 {strides = array<i32>} : memref<2x128xi32, #tpu.memory_space<vmem>>, vector<1x16xi32>,
      %get3A_618 = arith.constant 1 : i32
      %get3A_619 = arith.index_cast %get3A_618 : i32 to index
      %get3A_620 = arith.constant 64 : index
      %get3A_621 = tpu.vector_load %arg7[%get3A_619, %get3A_620] {strides = array<i32>} : memref<2x128xi32, #tpu.memory_space<vmem>>, vector<1x16xi32>,
      %get3A_622 = vector.shape_cast %get3A_621 : vector<1x16xi32> to vector<16xi32>
      %swap3A_623 = arith.constant 1 : i32
      %swap3A_624 = arith.index_cast %swap3A_623 : i32 to index
      %swap3A_625 = arith.constant 64 : index
      %swap3A_626 = tpu.vector_load %arg9[%swap3A_624, %swap3A_625] {strides = array<i32>} : memref<2x128xi32, #tpu.memory_space<vmem>>, vector<1x16xi32>,
      %swap3A_627 = vector.shape_cast %swap3A_626 : vector<1x16xi32> to vector<16xi32>
      %swap3A_628 = vector.shape_cast %get3A_622 : vector<16xi32> to vector<1x16xi32>
      tpu.vector_store %arg9[%swap3A_624, %swap3A_625], %swap3A_628 {strides = array<i32>} : memref<2x128xi32, #tpu.memory_space<vmem>>, vector<1x16xi32>,
      %get3A_629 = arith.constant 1 : i32
      %get3A_630 = arith.index_cast %get3A_629 : i32 to index
      %get3A_631 = arith.constant 80 : index
      %get3A_632 = tpu.vector_load %arg7[%get3A_630, %get3A_631] {strides = array<i32>} : memref<2x128xi32, #tpu.memory_space<vmem>>, vector<1x16xi32>,
      %get3A_633 = vector.shape_cast %get3A_632 : vector<1x16xi32> to vector<16xi32>
      %swap3A_634 = arith.constant 1 : i32
      %swap3A_635 = arith.index_cast %swap3A_634 : i32 to index
      %swap3A_636 = arith.constant 80 : index
      %swap3A_637 = tpu.vector_load %arg9[%swap3A_635, %swap3A_636] {strides = array<i32>} : memref<2x128xi32, #tpu.memory_space<vmem>>, vector<1x16xi32>,
      %swap3A_638 = vector.shape_cast %swap3A_637 : vector<1x16xi32> to vector<16xi32>
      %swap3A_639 = vector.shape_cast %get3A_633 : vector<16xi32> to vector<1x16xi32>
      tpu.vector_store %arg9[%swap3A_635, %swap3A_636], %swap3A_639 {strides = array<i32>} : memref<2x128xi32, #tpu.memory_space<vmem>>, vector<1x16xi32>,
      %get3A_640 = arith.constant 1 : i32
      %get3A_641 = arith.index_cast %get3A_640 : i32 to index
      %get3A_642 = arith.constant 96 : index
      %get3A_643 = tpu.vector_load %arg7[%get3A_641, %get3A_642] {strides = array<i32>} : memref<2x128xi32, #tpu.memory_space<vmem>>, vector<1x16xi32>,
      %get3A_644 = vector.shape_cast %get3A_643 : vector<1x16xi32> to vector<16xi32>
      %swap3A_645 = arith.constant 1 : i32
      %swap3A_646 = arith.index_cast %swap3A_645 : i32 to index
      %swap3A_647 = arith.constant 96 : index
      %swap3A_648 = tpu.vector_load %arg9[%swap3A_646, %swap3A_647] {strides = array<i32>} : memref<2x128xi32, #tpu.memory_space<vmem>>, vector<1x16xi32>,
      %swap3A_649 = vector.shape_cast %swap3A_648 : vector<1x16xi32> to vector<16xi32>
      %swap3A_650 = vector.shape_cast %get3A_644 : vector<16xi32> to vector<1x16xi32>
      tpu.vector_store %arg9[%swap3A_646, %swap3A_647], %swap3A_650 {strides = array<i32>} : memref<2x128xi32, #tpu.memory_space<vmem>>, vector<1x16xi32>,
      %get3A_651 = arith.constant 1 : i32
      %get3A_652 = arith.index_cast %get3A_651 : i32 to index
      %get3A_653 = arith.constant 112 : index
      %get3A_654 = tpu.vector_load %arg7[%get3A_652, %get3A_653] {strides = array<i32>} : memref<2x128xi32, #tpu.memory_space<vmem>>, vector<1x16xi32>,
      %get3A_655 = vector.shape_cast %get3A_654 : vector<1x16xi32> to vector<16xi32>
      %swap3A_656 = arith.constant 1 : i32
      %swap3A_657 = arith.index_cast %swap3A_656 : i32 to index
      %swap3A_658 = arith.constant 112 : index
      %swap3A_659 = tpu.vector_load %arg9[%swap3A_657, %swap3A_658] {strides = array<i32>} : memref<2x128xi32, #tpu.memory_space<vmem>>, vector<1x16xi32>,
      %swap3A_660 = vector.shape_cast %swap3A_659 : vector<1x16xi32> to vector<16xi32>
      %swap3A_661 = vector.shape_cast %get3A_655 : vector<16xi32> to vector<1x16xi32>
      tpu.vector_store %arg9[%swap3A_657, %swap3A_658], %swap3A_661 {strides = array<i32>} : memref<2x128xi32, #tpu.memory_space<vmem>>, vector<1x16xi32>,
      %add3A_662 = arith.constant 3 : i32
      %add3A_663 = arith.addi %add3A_463, %add3A_662 : i32
      %add3A_664 = arith.addi %mul3A_4, %add3A_663 : i32
      %dma_start3A_665 = arith.constant 0 : i32
      %dma_start3A_666 = arith.constant 0 : i32
      %dma_start3A_667 = tpu.memref_slice %arg2[%add3A_664, %dma_start3A_665, %dma_start3A_666] : memref<2564x2x128xi32, #tpu.memory_space<hbm>> -> memref<1x2x128xi32, #tpu.memory_space<hbm>>
      %dma_start3A_668 = tpu.memref_squeeze %dma_start3A_667 : memref<1x2x128xi32, #tpu.memory_space<hbm>> -> memref<2x128xi32, #tpu.memory_space<hbm>>
      %dma_start3A_669 = arith.constant 0 : i32
      %dma_start3A_670 = arith.constant 0 : i32
      %dma_start3A_671 = tpu.memref_slice %arg2[%add3A_664, %dma_start3A_669, %dma_start3A_670] : memref<2564x2x128xi32, #tpu.memory_space<hbm>> -> memref<1x2x128xi32, #tpu.memory_space<hbm>>
      %dma_start3A_672 = tpu.memref_squeeze %dma_start3A_671 : memref<1x2x128xi32, #tpu.memory_space<hbm>> -> memref<2x128xi32, #tpu.memory_space<hbm>>
      tpu.enqueue_dma source(%dma_start3A_672 : memref<2x128xi32, #tpu.memory_space<hbm>>) target(%arg7 : memref<2x128xi32, #tpu.memory_space<vmem>>) target_semaphore(%arg12 : memref<!tpu.dma_semaphore, #tpu.memory_space<semaphore_mem>>)
      %dma_start3A_673 = arith.constant 0 : i32
      %dma_start3A_674 = arith.constant 0 : i32
      %dma_start3A_675 = tpu.memref_slice %arg9[%dma_start3A_673, %dma_start3A_674] : memref<2x128xi32, #tpu.memory_space<vmem>> -> memref<1x128xi32, #tpu.memory_space<vmem>>
      %dma_start3A_676 = tpu.memref_squeeze %dma_start3A_675 : memref<1x128xi32, #tpu.memory_space<vmem>> -> memref<128xi32, #tpu.memory_space<vmem>>
      %dma_start3A_677 = arith.constant 0 : i32
      %dma_start3A_678 = arith.constant 0 : i32
      %dma_start3A_679 = tpu.memref_slice %arg6[%dma_start3A_677, %dma_start3A_678] : memref<10112x16xf32, #tpu.memory_space<vmem_shared>> -> memref<10112x16xf32, #tpu.memory_space<vmem_shared>>
      tpu.enqueue_indirect_dma source(%arg11 : memref<128x16xf32, #tpu.memory_space<vmem>>) target(%dma_start3A_679 : memref<10112x16xf32, #tpu.memory_space<vmem_shared>>) offsets(%dma_start3A_676 : memref<128xi32, #tpu.memory_space<vmem>>) semaphore(%arg14 : memref<!tpu.dma_semaphore, #tpu.memory_space<semaphore_mem>>) {add = true}
      %dma_wait3A_680 = arith.constant 0 : i32
      %dma_wait3A_681 = arith.constant 0 : i32
      %dma_wait3A_682 = tpu.memref_slice %arg2[%mul3A_4, %dma_wait3A_680, %dma_wait3A_681] : memref<2564x2x128xi32, #tpu.memory_space<hbm>> -> memref<1x2x128xi32, #tpu.memory_space<hbm>>
      %dma_wait3A_683 = tpu.memref_squeeze %dma_wait3A_682 : memref<1x2x128xi32, #tpu.memory_space<hbm>> -> memref<2x128xi32, #tpu.memory_space<hbm>>
      %dma_wait3A_684 = arith.constant 0 : i32
      %dma_wait3A_685 = arith.constant 0 : i32
      %dma_wait3A_686 = tpu.memref_slice %arg2[%mul3A_4, %dma_wait3A_684, %dma_wait3A_685] : memref<2564x2x128xi32, #tpu.memory_space<hbm>> -> memref<1x2x128xi32, #tpu.memory_space<hbm>>
      %dma_wait3A_687 = tpu.memref_squeeze %dma_wait3A_686 : memref<1x2x128xi32, #tpu.memory_space<hbm>> -> memref<2x128xi32, #tpu.memory_space<hbm>>
      tpu.wait_dma2 semaphore(%arg13 : memref<!tpu.dma_semaphore, #tpu.memory_space<semaphore_mem>>) src(%dma_wait3A_687 : memref<2x128xi32, #tpu.memory_space<hbm>>) dst(%arg8 : memref<2x128xi32, #tpu.memory_space<vmem>>)
      %dma_wait3A_688 = arith.constant 0 : i32
      %dma_wait3A_689 = arith.constant 0 : i32
      %dma_wait3A_690 = tpu.memref_slice %arg10[%dma_wait3A_688, %dma_wait3A_689] : memref<2x128xi32, #tpu.memory_space<vmem>> -> memref<1x128xi32, #tpu.memory_space<vmem>>
      %dma_wait3A_691 = tpu.memref_squeeze %dma_wait3A_690 : memref<1x128xi32, #tpu.memory_space<vmem>> -> memref<128xi32, #tpu.memory_space<vmem>>
      %dma_wait3A_692 = arith.constant 0 : i32
      %dma_wait3A_693 = arith.constant 0 : i32
      %dma_wait3A_694 = tpu.memref_slice %arg6[%dma_wait3A_692, %dma_wait3A_693] : memref<10112x16xf32, #tpu.memory_space<vmem_shared>> -> memref<10112x16xf32, #tpu.memory_space<vmem_shared>>
      tpu.wait_indirect_dma semaphore(%arg15 : memref<!tpu.dma_semaphore, #tpu.memory_space<semaphore_mem>>) src(%arg11 : memref<128x16xf32, #tpu.memory_space<vmem>>) dst(%dma_wait3A_694 : memref<10112x16xf32, #tpu.memory_space<vmem_shared>>)
      %get3A_695 = arith.constant 0 : i32
      %get3A_696 = arith.index_cast %get3A_695 : i32 to index
      %get3A_697 = arith.constant 0 : index
      %get3A_698 = tpu.vector_load %arg8[%get3A_696, %get3A_697] {strides = array<i32>} : memref<2x128xi32, #tpu.memory_space<vmem>>, vector<1x16xi32>,
      %get3A_699 = vector.shape_cast %get3A_698 : vector<1x16xi32> to vector<16xi32>
      %swap3A_700 = arith.constant 0 : i32
      %swap3A_701 = arith.index_cast %swap3A_700 : i32 to index
      %swap3A_702 = arith.constant 0 : index
      %swap3A_703 = tpu.vector_load %arg10[%swap3A_701, %swap3A_702] {strides = array<i32>} : memref<2x128xi32, #tpu.memory_space<vmem>>, vector<1x16xi32>,
      %swap3A_704 = vector.shape_cast %swap3A_703 : vector<1x16xi32> to vector<16xi32>
      %swap3A_705 = vector.shape_cast %get3A_699 : vector<16xi32> to vector<1x16xi32>
      tpu.vector_store %arg10[%swap3A_701, %swap3A_702], %swap3A_705 {strides = array<i32>} : memref<2x128xi32, #tpu.memory_space<vmem>>, vector<1x16xi32>,
      %get3A_706 = arith.constant 0 : i32
      %get3A_707 = arith.index_cast %get3A_706 : i32 to index
      %get3A_708 = arith.constant 16 : index
      %get3A_709 = tpu.vector_load %arg8[%get3A_707, %get3A_708] {strides = array<i32>} : memref<2x128xi32, #tpu.memory_space<vmem>>, vector<1x16xi32>,
      %get3A_710 = vector.shape_cast %get3A_709 : vector<1x16xi32> to vector<16xi32>
      %swap3A_711 = arith.constant 0 : i32
      %swap3A_712 = arith.index_cast %swap3A_711 : i32 to index
      %swap3A_713 = arith.constant 16 : index
      %swap3A_714 = tpu.vector_load %arg10[%swap3A_712, %swap3A_713] {strides = array<i32>} : memref<2x128xi32, #tpu.memory_space<vmem>>, vector<1x16xi32>,
      %swap3A_715 = vector.shape_cast %swap3A_714 : vector<1x16xi32> to vector<16xi32>
      %swap3A_716 = vector.shape_cast %get3A_710 : vector<16xi32> to vector<1x16xi32>
      tpu.vector_store %arg10[%swap3A_712, %swap3A_713], %swap3A_716 {strides = array<i32>} : memref<2x128xi32, #tpu.memory_space<vmem>>, vector<1x16xi32>,
      %get3A_717 = arith.constant 0 : i32
      %get3A_718 = arith.index_cast %get3A_717 : i32 to index
      %get3A_719 = arith.constant 32 : index
      %get3A_720 = tpu.vector_load %arg8[%get3A_718, %get3A_719] {strides = array<i32>} : memref<2x128xi32, #tpu.memory_space<vmem>>, vector<1x16xi32>,
      %get3A_721 = vector.shape_cast %get3A_720 : vector<1x16xi32> to vector<16xi32>
      %swap3A_722 = arith.constant 0 : i32
      %swap3A_723 = arith.index_cast %swap3A_722 : i32 to index
      %swap3A_724 = arith.constant 32 : index
      %swap3A_725 = tpu.vector_load %arg10[%swap3A_723, %swap3A_724] {strides = array<i32>} : memref<2x128xi32, #tpu.memory_space<vmem>>, vector<1x16xi32>,
      %swap3A_726 = vector.shape_cast %swap3A_725 : vector<1x16xi32> to vector<16xi32>
      %swap3A_727 = vector.shape_cast %get3A_721 : vector<16xi32> to vector<1x16xi32>
      tpu.vector_store %arg10[%swap3A_723, %swap3A_724], %swap3A_727 {strides = array<i32>} : memref<2x128xi32, #tpu.memory_space<vmem>>, vector<1x16xi32>,
      %get3A_728 = arith.constant 0 : i32
      %get3A_729 = arith.index_cast %get3A_728 : i32 to index
      %get3A_730 = arith.constant 48 : index
      %get3A_731 = tpu.vector_load %arg8[%get3A_729, %get3A_730] {strides = array<i32>} : memref<2x128xi32, #tpu.memory_space<vmem>>, vector<1x16xi32>,
      %get3A_732 = vector.shape_cast %get3A_731 : vector<1x16xi32> to vector<16xi32>
      %swap3A_733 = arith.constant 0 : i32
      %swap3A_734 = arith.index_cast %swap3A_733 : i32 to index
      %swap3A_735 = arith.constant 48 : index
      %swap3A_736 = tpu.vector_load %arg10[%swap3A_734, %swap3A_735] {strides = array<i32>} : memref<2x128xi32, #tpu.memory_space<vmem>>, vector<1x16xi32>,
      %swap3A_737 = vector.shape_cast %swap3A_736 : vector<1x16xi32> to vector<16xi32>
      %swap3A_738 = vector.shape_cast %get3A_732 : vector<16xi32> to vector<1x16xi32>
      tpu.vector_store %arg10[%swap3A_734, %swap3A_735], %swap3A_738 {strides = array<i32>} : memref<2x128xi32, #tpu.memory_space<vmem>>, vector<1x16xi32>,
      %get3A_739 = arith.constant 0 : i32
      %get3A_740 = arith.index_cast %get3A_739 : i32 to index
      %get3A_741 = arith.constant 64 : index
      %get3A_742 = tpu.vector_load %arg8[%get3A_740, %get3A_741] {strides = array<i32>} : memref<2x128xi32, #tpu.memory_space<vmem>>, vector<1x16xi32>,
      %get3A_743 = vector.shape_cast %get3A_742 : vector<1x16xi32> to vector<16xi32>
      %swap3A_744 = arith.constant 0 : i32
      %swap3A_745 = arith.index_cast %swap3A_744 : i32 to index
      %swap3A_746 = arith.constant 64 : index
      %swap3A_747 = tpu.vector_load %arg10[%swap3A_745, %swap3A_746] {strides = array<i32>} : memref<2x128xi32, #tpu.memory_space<vmem>>, vector<1x16xi32>,
      %swap3A_748 = vector.shape_cast %swap3A_747 : vector<1x16xi32> to vector<16xi32>
      %swap3A_749 = vector.shape_cast %get3A_743 : vector<16xi32> to vector<1x16xi32>
      tpu.vector_store %arg10[%swap3A_745, %swap3A_746], %swap3A_749 {strides = array<i32>} : memref<2x128xi32, #tpu.memory_space<vmem>>, vector<1x16xi32>,
      %get3A_750 = arith.constant 0 : i32
      %get3A_751 = arith.index_cast %get3A_750 : i32 to index
      %get3A_752 = arith.constant 80 : index
      %get3A_753 = tpu.vector_load %arg8[%get3A_751, %get3A_752] {strides = array<i32>} : memref<2x128xi32, #tpu.memory_space<vmem>>, vector<1x16xi32>,
      %get3A_754 = vector.shape_cast %get3A_753 : vector<1x16xi32> to vector<16xi32>
      %swap3A_755 = arith.constant 0 : i32
      %swap3A_756 = arith.index_cast %swap3A_755 : i32 to index
      %swap3A_757 = arith.constant 80 : index
      %swap3A_758 = tpu.vector_load %arg10[%swap3A_756, %swap3A_757] {strides = array<i32>} : memref<2x128xi32, #tpu.memory_space<vmem>>, vector<1x16xi32>,
      %swap3A_759 = vector.shape_cast %swap3A_758 : vector<1x16xi32> to vector<16xi32>
      %swap3A_760 = vector.shape_cast %get3A_754 : vector<16xi32> to vector<1x16xi32>
      tpu.vector_store %arg10[%swap3A_756, %swap3A_757], %swap3A_760 {strides = array<i32>} : memref<2x128xi32, #tpu.memory_space<vmem>>, vector<1x16xi32>,
      %get3A_761 = arith.constant 0 : i32
      %get3A_762 = arith.index_cast %get3A_761 : i32 to index
      %get3A_763 = arith.constant 96 : index
      %get3A_764 = tpu.vector_load %arg8[%get3A_762, %get3A_763] {strides = array<i32>} : memref<2x128xi32, #tpu.memory_space<vmem>>, vector<1x16xi32>,
      %get3A_765 = vector.shape_cast %get3A_764 : vector<1x16xi32> to vector<16xi32>
      %swap3A_766 = arith.constant 0 : i32
      %swap3A_767 = arith.index_cast %swap3A_766 : i32 to index
      %swap3A_768 = arith.constant 96 : index
      %swap3A_769 = tpu.vector_load %arg10[%swap3A_767, %swap3A_768] {strides = array<i32>} : memref<2x128xi32, #tpu.memory_space<vmem>>, vector<1x16xi32>,
      %swap3A_770 = vector.shape_cast %swap3A_769 : vector<1x16xi32> to vector<16xi32>
      %swap3A_771 = vector.shape_cast %get3A_765 : vector<16xi32> to vector<1x16xi32>
      tpu.vector_store %arg10[%swap3A_767, %swap3A_768], %swap3A_771 {strides = array<i32>} : memref<2x128xi32, #tpu.memory_space<vmem>>, vector<1x16xi32>,
      %get3A_772 = arith.constant 0 : i32
      %get3A_773 = arith.index_cast %get3A_772 : i32 to index
      %get3A_774 = arith.constant 112 : index
      %get3A_775 = tpu.vector_load %arg8[%get3A_773, %get3A_774] {strides = array<i32>} : memref<2x128xi32, #tpu.memory_space<vmem>>, vector<1x16xi32>,
      %get3A_776 = vector.shape_cast %get3A_775 : vector<1x16xi32> to vector<16xi32>
      %swap3A_777 = arith.constant 0 : i32
      %swap3A_778 = arith.index_cast %swap3A_777 : i32 to index
      %swap3A_779 = arith.constant 112 : index
      %swap3A_780 = tpu.vector_load %arg10[%swap3A_778, %swap3A_779] {strides = array<i32>} : memref<2x128xi32, #tpu.memory_space<vmem>>, vector<1x16xi32>,
      %swap3A_781 = vector.shape_cast %swap3A_780 : vector<1x16xi32> to vector<16xi32>
      %swap3A_782 = vector.shape_cast %get3A_776 : vector<16xi32> to vector<1x16xi32>
      tpu.vector_store %arg10[%swap3A_778, %swap3A_779], %swap3A_782 {strides = array<i32>} : memref<2x128xi32, #tpu.memory_space<vmem>>, vector<1x16xi32>,
      %get3A_783 = arith.constant 1 : i32
      %get3A_784 = arith.index_cast %get3A_783 : i32 to index
      %get3A_785 = arith.constant 0 : index
      %get3A_786 = tpu.vector_load %arg8[%get3A_784, %get3A_785] {strides = array<i32>} : memref<2x128xi32, #tpu.memory_space<vmem>>, vector<1x16xi32>,
      %get3A_787 = vector.shape_cast %get3A_786 : vector<1x16xi32> to vector<16xi32>
      %swap3A_788 = arith.constant 1 : i32
      %swap3A_789 = arith.index_cast %swap3A_788 : i32 to index
      %swap3A_790 = arith.constant 0 : index
      %swap3A_791 = tpu.vector_load %arg10[%swap3A_789, %swap3A_790] {strides = array<i32>} : memref<2x128xi32, #tpu.memory_space<vmem>>, vector<1x16xi32>,
      %swap3A_792 = vector.shape_cast %swap3A_791 : vector<1x16xi32> to vector<16xi32>
      %swap3A_793 = vector.shape_cast %get3A_787 : vector<16xi32> to vector<1x16xi32>
      tpu.vector_store %arg10[%swap3A_789, %swap3A_790], %swap3A_793 {strides = array<i32>} : memref<2x128xi32, #tpu.memory_space<vmem>>, vector<1x16xi32>,
      %get3A_794 = arith.constant 1 : i32
      %get3A_795 = arith.index_cast %get3A_794 : i32 to index
      %get3A_796 = arith.constant 16 : index
      %get3A_797 = tpu.vector_load %arg8[%get3A_795, %get3A_796] {strides = array<i32>} : memref<2x128xi32, #tpu.memory_space<vmem>>, vector<1x16xi32>,
      %get3A_798 = vector.shape_cast %get3A_797 : vector<1x16xi32> to vector<16xi32>
      %swap3A_799 = arith.constant 1 : i32
      %swap3A_800 = arith.index_cast %swap3A_799 : i32 to index
      %swap3A_801 = arith.constant 16 : index
      %swap3A_802 = tpu.vector_load %arg10[%swap3A_800, %swap3A_801] {strides = array<i32>} : memref<2x128xi32, #tpu.memory_space<vmem>>, vector<1x16xi32>,
      %swap3A_803 = vector.shape_cast %swap3A_802 : vector<1x16xi32> to vector<16xi32>
      %swap3A_804 = vector.shape_cast %get3A_798 : vector<16xi32> to vector<1x16xi32>
      tpu.vector_store %arg10[%swap3A_800, %swap3A_801], %swap3A_804 {strides = array<i32>} : memref<2x128xi32, #tpu.memory_space<vmem>>, vector<1x16xi32>,
      %get3A_805 = arith.constant 1 : i32
      %get3A_806 = arith.index_cast %get3A_805 : i32 to index
      %get3A_807 = arith.constant 32 : index
      %get3A_808 = tpu.vector_load %arg8[%get3A_806, %get3A_807] {strides = array<i32>} : memref<2x128xi32, #tpu.memory_space<vmem>>, vector<1x16xi32>,
      %get3A_809 = vector.shape_cast %get3A_808 : vector<1x16xi32> to vector<16xi32>
      %swap3A_810 = arith.constant 1 : i32
      %swap3A_811 = arith.index_cast %swap3A_810 : i32 to index
      %swap3A_812 = arith.constant 32 : index
      %swap3A_813 = tpu.vector_load %arg10[%swap3A_811, %swap3A_812] {strides = array<i32>} : memref<2x128xi32, #tpu.memory_space<vmem>>, vector<1x16xi32>,
      %swap3A_814 = vector.shape_cast %swap3A_813 : vector<1x16xi32> to vector<16xi32>
      %swap3A_815 = vector.shape_cast %get3A_809 : vector<16xi32> to vector<1x16xi32>
      tpu.vector_store %arg10[%swap3A_811, %swap3A_812], %swap3A_815 {strides = array<i32>} : memref<2x128xi32, #tpu.memory_space<vmem>>, vector<1x16xi32>,
      %get3A_816 = arith.constant 1 : i32
      %get3A_817 = arith.index_cast %get3A_816 : i32 to index
      %get3A_818 = arith.constant 48 : index
      %get3A_819 = tpu.vector_load %arg8[%get3A_817, %get3A_818] {strides = array<i32>} : memref<2x128xi32, #tpu.memory_space<vmem>>, vector<1x16xi32>,
      %get3A_820 = vector.shape_cast %get3A_819 : vector<1x16xi32> to vector<16xi32>
      %swap3A_821 = arith.constant 1 : i32
      %swap3A_822 = arith.index_cast %swap3A_821 : i32 to index
      %swap3A_823 = arith.constant 48 : index
      %swap3A_824 = tpu.vector_load %arg10[%swap3A_822, %swap3A_823] {strides = array<i32>} : memref<2x128xi32, #tpu.memory_space<vmem>>, vector<1x16xi32>,
      %swap3A_825 = vector.shape_cast %swap3A_824 : vector<1x16xi32> to vector<16xi32>
      %swap3A_826 = vector.shape_cast %get3A_820 : vector<16xi32> to vector<1x16xi32>
      tpu.vector_store %arg10[%swap3A_822, %swap3A_823], %swap3A_826 {strides = array<i32>} : memref<2x128xi32, #tpu.memory_space<vmem>>, vector<1x16xi32>,
      %get3A_827 = arith.constant 1 : i32
      %get3A_828 = arith.index_cast %get3A_827 : i32 to index
      %get3A_829 = arith.constant 64 : index
      %get3A_830 = tpu.vector_load %arg8[%get3A_828, %get3A_829] {strides = array<i32>} : memref<2x128xi32, #tpu.memory_space<vmem>>, vector<1x16xi32>,
      %get3A_831 = vector.shape_cast %get3A_830 : vector<1x16xi32> to vector<16xi32>
      %swap3A_832 = arith.constant 1 : i32
      %swap3A_833 = arith.index_cast %swap3A_832 : i32 to index
      %swap3A_834 = arith.constant 64 : index
      %swap3A_835 = tpu.vector_load %arg10[%swap3A_833, %swap3A_834] {strides = array<i32>} : memref<2x128xi32, #tpu.memory_space<vmem>>, vector<1x16xi32>,
      %swap3A_836 = vector.shape_cast %swap3A_835 : vector<1x16xi32> to vector<16xi32>
      %swap3A_837 = vector.shape_cast %get3A_831 : vector<16xi32> to vector<1x16xi32>
      tpu.vector_store %arg10[%swap3A_833, %swap3A_834], %swap3A_837 {strides = array<i32>} : memref<2x128xi32, #tpu.memory_space<vmem>>, vector<1x16xi32>,
      %get3A_838 = arith.constant 1 : i32
      %get3A_839 = arith.index_cast %get3A_838 : i32 to index
      %get3A_840 = arith.constant 80 : index
      %get3A_841 = tpu.vector_load %arg8[%get3A_839, %get3A_840] {strides = array<i32>} : memref<2x128xi32, #tpu.memory_space<vmem>>, vector<1x16xi32>,
      %get3A_842 = vector.shape_cast %get3A_841 : vector<1x16xi32> to vector<16xi32>
      %swap3A_843 = arith.constant 1 : i32
      %swap3A_844 = arith.index_cast %swap3A_843 : i32 to index
      %swap3A_845 = arith.constant 80 : index
      %swap3A_846 = tpu.vector_load %arg10[%swap3A_844, %swap3A_845] {strides = array<i32>} : memref<2x128xi32, #tpu.memory_space<vmem>>, vector<1x16xi32>,
      %swap3A_847 = vector.shape_cast %swap3A_846 : vector<1x16xi32> to vector<16xi32>
      %swap3A_848 = vector.shape_cast %get3A_842 : vector<16xi32> to vector<1x16xi32>
      tpu.vector_store %arg10[%swap3A_844, %swap3A_845], %swap3A_848 {strides = array<i32>} : memref<2x128xi32, #tpu.memory_space<vmem>>, vector<1x16xi32>,
      %get3A_849 = arith.constant 1 : i32
      %get3A_850 = arith.index_cast %get3A_849 : i32 to index
      %get3A_851 = arith.constant 96 : index
      %get3A_852 = tpu.vector_load %arg8[%get3A_850, %get3A_851] {strides = array<i32>} : memref<2x128xi32, #tpu.memory_space<vmem>>, vector<1x16xi32>,
      %get3A_853 = vector.shape_cast %get3A_852 : vector<1x16xi32> to vector<16xi32>
      %swap3A_854 = arith.constant 1 : i32
      %swap3A_855 = arith.index_cast %swap3A_854 : i32 to index
      %swap3A_856 = arith.constant 96 : index
      %swap3A_857 = tpu.vector_load %arg10[%swap3A_855, %swap3A_856] {strides = array<i32>} : memref<2x128xi32, #tpu.memory_space<vmem>>, vector<1x16xi32>,
      %swap3A_858 = vector.shape_cast %swap3A_857 : vector<1x16xi32> to vector<16xi32>
      %swap3A_859 = vector.shape_cast %get3A_853 : vector<16xi32> to vector<1x16xi32>
      tpu.vector_store %arg10[%swap3A_855, %swap3A_856], %swap3A_859 {strides = array<i32>} : memref<2x128xi32, #tpu.memory_space<vmem>>, vector<1x16xi32>,
      %get3A_860 = arith.constant 1 : i32
      %get3A_861 = arith.index_cast %get3A_860 : i32 to index
      %get3A_862 = arith.constant 112 : index
      %get3A_863 = tpu.vector_load %arg8[%get3A_861, %get3A_862] {strides = array<i32>} : memref<2x128xi32, #tpu.memory_space<vmem>>, vector<1x16xi32>,
      %get3A_864 = vector.shape_cast %get3A_863 : vector<1x16xi32> to vector<16xi32>
      %swap3A_865 = arith.constant 1 : i32
      %swap3A_866 = arith.index_cast %swap3A_865 : i32 to index
      %swap3A_867 = arith.constant 112 : index
      %swap3A_868 = tpu.vector_load %arg10[%swap3A_866, %swap3A_867] {strides = array<i32>} : memref<2x128xi32, #tpu.memory_space<vmem>>, vector<1x16xi32>,
      %swap3A_869 = vector.shape_cast %swap3A_868 : vector<1x16xi32> to vector<16xi32>
      %swap3A_870 = vector.shape_cast %get3A_864 : vector<16xi32> to vector<1x16xi32>
      tpu.vector_store %arg10[%swap3A_866, %swap3A_867], %swap3A_870 {strides = array<i32>} : memref<2x128xi32, #tpu.memory_space<vmem>>, vector<1x16xi32>,
      %add3A_871 = arith.constant 4 : i32
      %add3A_872 = arith.addi %add3A_463, %add3A_871 : i32
      %add3A_873 = arith.addi %mul3A_4, %add3A_872 : i32
      %dma_start3A_874 = arith.constant 0 : i32
      %dma_start3A_875 = arith.constant 0 : i32
      %dma_start3A_876 = tpu.memref_slice %arg2[%add3A_873, %dma_start3A_874, %dma_start3A_875] : memref<2564x2x128xi32, #tpu.memory_space<hbm>> -> memref<1x2x128xi32, #tpu.memory_space<hbm>>
      %dma_start3A_877 = tpu.memref_squeeze %dma_start3A_876 : memref<1x2x128xi32, #tpu.memory_space<hbm>> -> memref<2x128xi32, #tpu.memory_space<hbm>>
      %dma_start3A_878 = arith.constant 0 : i32
      %dma_start3A_879 = arith.constant 0 : i32
      %dma_start3A_880 = tpu.memref_slice %arg2[%add3A_873, %dma_start3A_878, %dma_start3A_879] : memref<2564x2x128xi32, #tpu.memory_space<hbm>> -> memref<1x2x128xi32, #tpu.memory_space<hbm>>
      %dma_start3A_881 = tpu.memref_squeeze %dma_start3A_880 : memref<1x2x128xi32, #tpu.memory_space<hbm>> -> memref<2x128xi32, #tpu.memory_space<hbm>>
      tpu.enqueue_dma source(%dma_start3A_881 : memref<2x128xi32, #tpu.memory_space<hbm>>) target(%arg8 : memref<2x128xi32, #tpu.memory_space<vmem>>) target_semaphore(%arg13 : memref<!tpu.dma_semaphore, #tpu.memory_space<semaphore_mem>>)
    }
    %scan3A_420 = arith.constant 39 : i32
    %dma_start3A_421 = arith.constant 0 : i32
    %dma_start3A_422 = arith.constant 0 : i32
    %dma_start3A_423 = tpu.memref_slice %arg10[%dma_start3A_421, %dma_start3A_422] : memref<2x128xi32, #tpu.memory_space<vmem>> -> memref<1x128xi32, #tpu.memory_space<vmem>>
    %dma_start3A_424 = tpu.memref_squeeze %dma_start3A_423 : memref<1x128xi32, #tpu.memory_space<vmem>> -> memref<128xi32, #tpu.memory_space<vmem>>
    %dma_start3A_425 = arith.constant 0 : i32
    %dma_start3A_426 = arith.constant 0 : i32
    %dma_start3A_427 = tpu.memref_slice %arg6[%dma_start3A_425, %dma_start3A_426] : memref<10112x16xf32, #tpu.memory_space<vmem_shared>> -> memref<10112x16xf32, #tpu.memory_space<vmem_shared>>
    tpu.enqueue_indirect_dma source(%arg11 : memref<128x16xf32, #tpu.memory_space<vmem>>) target(%dma_start3A_427 : memref<10112x16xf32, #tpu.memory_space<vmem_shared>>) offsets(%dma_start3A_424 : memref<128xi32, #tpu.memory_space<vmem>>) semaphore(%arg15 : memref<!tpu.dma_semaphore, #tpu.memory_space<semaphore_mem>>) {add = true}
    %dma_wait3A_428 = arith.constant 0 : i32
    %dma_wait3A_429 = arith.constant 0 : i32
    %dma_wait3A_430 = tpu.memref_slice %arg9[%dma_wait3A_428, %dma_wait3A_429] : memref<2x128xi32, #tpu.memory_space<vmem>> -> memref<1x128xi32, #tpu.memory_space<vmem>>
    %dma_wait3A_431 = tpu.memref_squeeze %dma_wait3A_430 : memref<1x128xi32, #tpu.memory_space<vmem>> -> memref<128xi32, #tpu.memory_space<vmem>>
    %dma_wait3A_432 = arith.constant 0 : i32
    %dma_wait3A_433 = arith.constant 0 : i32
    %dma_wait3A_434 = tpu.memref_slice %arg6[%dma_wait3A_432, %dma_wait3A_433] : memref<10112x16xf32, #tpu.memory_space<vmem_shared>> -> memref<10112x16xf32, #tpu.memory_space<vmem_shared>>
    tpu.wait_indirect_dma semaphore(%arg14 : memref<!tpu.dma_semaphore, #tpu.memory_space<semaphore_mem>>) src(%arg11 : memref<128x16xf32, #tpu.memory_space<vmem>>) dst(%dma_wait3A_434 : memref<10112x16xf32, #tpu.memory_space<vmem_shared>>)
    %dma_wait3A_435 = arith.constant 0 : i32
    %dma_wait3A_436 = arith.constant 0 : i32
    %dma_wait3A_437 = tpu.memref_slice %arg10[%dma_wait3A_435, %dma_wait3A_436] : memref<2x128xi32, #tpu.memory_space<vmem>> -> memref<1x128xi32, #tpu.memory_space<vmem>>
    %dma_wait3A_438 = tpu.memref_squeeze %dma_wait3A_437 : memref<1x128xi32, #tpu.memory_space<vmem>> -> memref<128xi32, #tpu.memory_space<vmem>>
    %dma_wait3A_439 = arith.constant 0 : i32
    %dma_wait3A_440 = arith.constant 0 : i32
    %dma_wait3A_441 = tpu.memref_slice %arg6[%dma_wait3A_439, %dma_wait3A_440] : memref<10112x16xf32, #tpu.memory_space<vmem_shared>> -> memref<10112x16xf32, #tpu.memory_space<vmem_shared>>
    tpu.wait_indirect_dma semaphore(%arg15 : memref<!tpu.dma_semaphore, #tpu.memory_space<semaphore_mem>>) src(%arg11 : memref<128x16xf32, #tpu.memory_space<vmem>>) dst(%dma_wait3A_441 : memref<10112x16xf32, #tpu.memory_space<vmem_shared>>)
    %dma_wait3A_442 = arith.constant 0 : i32
    %dma_wait3A_443 = arith.constant 0 : i32
    %dma_wait3A_444 = tpu.memref_slice %arg2[%mul3A_4, %dma_wait3A_442, %dma_wait3A_443] : memref<2564x2x128xi32, #tpu.memory_space<hbm>> -> memref<1x2x128xi32, #tpu.memory_space<hbm>>
    %dma_wait3A_445 = tpu.memref_squeeze %dma_wait3A_444 : memref<1x2x128xi32, #tpu.memory_space<hbm>> -> memref<2x128xi32, #tpu.memory_space<hbm>>
    %dma_wait3A_446 = arith.constant 0 : i32
    %dma_wait3A_447 = arith.constant 0 : i32
    %dma_wait3A_448 = tpu.memref_slice %arg2[%mul3A_4, %dma_wait3A_446, %dma_wait3A_447] : memref<2564x2x128xi32, #tpu.memory_space<hbm>> -> memref<1x2x128xi32, #tpu.memory_space<hbm>>
    %dma_wait3A_449 = tpu.memref_squeeze %dma_wait3A_448 : memref<1x2x128xi32, #tpu.memory_space<hbm>> -> memref<2x128xi32, #tpu.memory_space<hbm>>
    tpu.wait_dma2 semaphore(%arg12 : memref<!tpu.dma_semaphore, #tpu.memory_space<semaphore_mem>>) src(%dma_wait3A_449 : memref<2x128xi32, #tpu.memory_space<hbm>>) dst(%arg7 : memref<2x128xi32, #tpu.memory_space<vmem>>)
    %dma_wait3A_450 = arith.constant 0 : i32
    %dma_wait3A_451 = arith.constant 0 : i32
    %dma_wait3A_452 = tpu.memref_slice %arg2[%mul3A_4, %dma_wait3A_450, %dma_wait3A_451] : memref<2564x2x128xi32, #tpu.memory_space<hbm>> -> memref<1x2x128xi32, #tpu.memory_space<hbm>>
    %dma_wait3A_453 = tpu.memref_squeeze %dma_wait3A_452 : memref<1x2x128xi32, #tpu.memory_space<hbm>> -> memref<2x128xi32, #tpu.memory_space<hbm>>
    %dma_wait3A_454 = arith.constant 0 : i32
    %dma_wait3A_455 = arith.constant 0 : i32
    %dma_wait3A_456 = tpu.memref_slice %arg2[%mul3A_4, %dma_wait3A_454, %dma_wait3A_455] : memref<2564x2x128xi32, #tpu.memory_space<hbm>> -> memref<1x2x128xi32, #tpu.memory_space<hbm>>
    %dma_wait3A_457 = tpu.memref_squeeze %dma_wait3A_456 : memref<1x2x128xi32, #tpu.memory_space<hbm>> -> memref<2x128xi32, #tpu.memory_space<hbm>>
    tpu.wait_dma2 semaphore(%arg13 : memref<!tpu.dma_semaphore, #tpu.memory_space<semaphore_mem>>) src(%dma_wait3A_457 : memref<2x128xi32, #tpu.memory_space<hbm>>) dst(%arg8 : memref<2x128xi32, #tpu.memory_space<vmem>>)
    %barrier3A_458 = arith.constant 0 : index
    tpu.barrier barrier_id(%barrier3A_458)
    "tpu.region"() ({
      %run_scoped3A = tpu.sem_alloc : memref<!tpu.dma_semaphore, #tpu.memory_space<semaphore_mem>>
      %dma_start3A_459 = arith.constant 0 : i32
      %dma_start3A_460 = tpu.memref_slice %arg5[%arg0, %mul3A_0, %dma_start3A_459] : memref<2x10112x16xf32, #tpu.memory_space<hbm>> -> memref<1x632x16xf32, #tpu.memory_space<hbm>>
      %dma_start3A_461 = tpu.memref_squeeze %dma_start3A_460 : memref<1x632x16xf32, #tpu.memory_space<hbm>> -> memref<632x16xf32, #tpu.memory_space<hbm>>
      %dma_start3A_462 = arith.constant 0 : i32
      %dma_start3A_463 = tpu.memref_slice %arg6[%mul3A_0, %dma_start3A_462] : memref<10112x16xf32, #tpu.memory_space<vmem_shared>> -> memref<632x16xf32, #tpu.memory_space<vmem_shared>>
      tpu.enqueue_dma source(%dma_start3A_463 : memref<632x16xf32, #tpu.memory_space<vmem_shared>>) target(%dma_start3A_461 : memref<632x16xf32, #tpu.memory_space<hbm>>) target_semaphore(%run_scoped3A : memref<!tpu.dma_semaphore, #tpu.memory_space<semaphore_mem>>)
      %dma_wait3A_464 = arith.constant 0 : i32
      %dma_wait3A_465 = tpu.memref_slice %arg5[%arg0, %mul3A_0, %dma_wait3A_464] : memref<2x10112x16xf32, #tpu.memory_space<hbm>> -> memref<1x632x16xf32, #tpu.memory_space<hbm>>
      %dma_wait3A_466 = tpu.memref_squeeze %dma_wait3A_465 : memref<1x632x16xf32, #tpu.memory_space<hbm>> -> memref<632x16xf32, #tpu.memory_space<hbm>>
      %dma_wait3A_467 = arith.constant 0 : i32
      %dma_wait3A_468 = tpu.memref_slice %arg6[%mul3A_0, %dma_wait3A_467] : memref<10112x16xf32, #tpu.memory_space<vmem_shared>> -> memref<632x16xf32, #tpu.memory_space<vmem_shared>>
      tpu.wait_dma2 semaphore(%run_scoped3A : memref<!tpu.dma_semaphore, #tpu.memory_space<semaphore_mem>>) src(%dma_wait3A_468 : memref<632x16xf32, #tpu.memory_space<vmem_shared>>) dst(%dma_wait3A_466 : memref<632x16xf32, #tpu.memory_space<hbm>>)
      tpu.yield
    }) : () -> ()
    return
  }
}

#map = affine_map<(d0, d1) -> (0, 0)>
#map1 = affine_map<(d0, d1) -> (0, 0, 0)>
module attributes {stable_mosaic.version = 14 : i64} {
  func.func @body(%arg0: i32, %arg1: i32, %arg2: memref<10112x144xf32, #tpu.memory_space<hbm>>, %arg3: memref<10112x144xf32, #tpu.memory_space<hbm>>, %arg4: memref<2564x2x128xi32, #tpu.memory_space<hbm>>, %arg5: memref<632x144xf32, #tpu.memory_space<hbm>>, %arg6: memref<2x10112x144xf32, #tpu.memory_space<hbm>>, %arg7: memref<10112x144xf32, #tpu.memory_space<vmem_shared>>, %arg8: memref<2x128xi32, #tpu.memory_space<vmem>>, %arg9: memref<2x128xi32, #tpu.memory_space<vmem>>, %arg10: memref<2x128xi32, #tpu.memory_space<vmem>>, %arg11: memref<2x128xi32, #tpu.memory_space<vmem>>, %arg12: memref<128x144xf32, #tpu.memory_space<vmem>>, %arg13: memref<128x144xf32, #tpu.memory_space<vmem>>, %arg14: memref<!tpu.dma_semaphore, #tpu.memory_space<semaphore_mem>>, %arg15: memref<!tpu.dma_semaphore, #tpu.memory_space<semaphore_mem>>, %arg16: memref<!tpu.dma_semaphore, #tpu.memory_space<semaphore_mem>>, %arg17: memref<!tpu.dma_semaphore, #tpu.memory_space<semaphore_mem>>, %arg18: memref<!tpu.dma_semaphore, #tpu.memory_space<semaphore_mem>>) attributes {dimension_semantics = [#tpu.dimension_semantics<core_parallel>, #tpu.dimension_semantics<subcore_parallel>], iteration_bounds = array<i64: 2, 16>, scalar_prefetch = 0 : i64, scratch_operands = 12 : i64, tpu.core_type = #tpu.core_type<sc_vector_subcore>, window_params = [{transform_indices = #map}, {transform_indices = #map}, {transform_indices = #map1}, {transform_indices = #map}, {transform_indices = #map1}]} {
    %mul3A = arith.constant 632 : i32
    %mul3A_0 = arith.muli %arg1, %mul3A : i32
    "tpu.region"() ({
      %run_scoped3A = tpu.sem_alloc : memref<!tpu.dma_semaphore, #tpu.memory_space<semaphore_mem>>
      %dma_start3A = arith.constant 0 : i32
      %dma_start3A_11 = tpu.memref_slice %arg7[%mul3A_0, %dma_start3A] : memref<10112x144xf32, #tpu.memory_space<vmem_shared>> -> memref<632x144xf32, #tpu.memory_space<vmem_shared>>
      tpu.enqueue_dma source(%arg5 : memref<632x144xf32, #tpu.memory_space<hbm>>) target(%dma_start3A_11 : memref<632x144xf32, #tpu.memory_space<vmem_shared>>) target_semaphore(%run_scoped3A : memref<!tpu.dma_semaphore, #tpu.memory_space<semaphore_mem>>)
      %dma_wait3A = arith.constant 0 : i32
      %dma_wait3A_12 = tpu.memref_slice %arg7[%mul3A_0, %dma_wait3A] : memref<10112x144xf32, #tpu.memory_space<vmem_shared>> -> memref<632x144xf32, #tpu.memory_space<vmem_shared>>
      tpu.wait_dma2 semaphore(%run_scoped3A : memref<!tpu.dma_semaphore, #tpu.memory_space<semaphore_mem>>) src(%arg5 : memref<632x144xf32, #tpu.memory_space<hbm>>) dst(%dma_wait3A_12 : memref<632x144xf32, #tpu.memory_space<vmem_shared>>)
      tpu.yield
    }) : () -> ()
    %barrier3A = arith.constant 0 : index
    tpu.barrier barrier_id(%barrier3A)
    %mul3A_1 = arith.constant 160 : i32
    %mul3A_2 = arith.muli %arg1, %mul3A_1 : i32
    %eq3A = arith.constant 0 : i32
    %eq3A_3 = arith.cmpi eq, %arg0, %eq3A : i32
    %convert_element_type3A = arith.extui %eq3A_3 : i1 to i32
    %cond3A = arith.constant 0 : i32
    %cond3A_4 = arith.cmpi ne, %convert_element_type3A, %cond3A : i32
    scf.if %cond3A_4 {
      %add3A = arith.constant 0 : i32
      %add3A_11 = arith.addi %mul3A_2, %add3A : i32
      %dma_start3A = arith.constant 0 : i32
      %dma_start3A_12 = arith.constant 0 : i32
      %dma_start3A_13 = tpu.memref_slice %arg4[%add3A_11, %dma_start3A, %dma_start3A_12] : memref<2564x2x128xi32, #tpu.memory_space<hbm>> -> memref<1x2x128xi32, #tpu.memory_space<hbm>>
      %dma_start3A_14 = tpu.memref_squeeze %dma_start3A_13 : memref<1x2x128xi32, #tpu.memory_space<hbm>> -> memref<2x128xi32, #tpu.memory_space<hbm>>
      %dma_start3A_15 = arith.constant 0 : i32
      %dma_start3A_16 = arith.constant 0 : i32
      %dma_start3A_17 = tpu.memref_slice %arg4[%add3A_11, %dma_start3A_15, %dma_start3A_16] : memref<2564x2x128xi32, #tpu.memory_space<hbm>> -> memref<1x2x128xi32, #tpu.memory_space<hbm>>
      %dma_start3A_18 = tpu.memref_squeeze %dma_start3A_17 : memref<1x2x128xi32, #tpu.memory_space<hbm>> -> memref<2x128xi32, #tpu.memory_space<hbm>>
      tpu.enqueue_dma source(%dma_start3A_18 : memref<2x128xi32, #tpu.memory_space<hbm>>) target(%arg8 : memref<2x128xi32, #tpu.memory_space<vmem>>) target_semaphore(%arg14 : memref<!tpu.dma_semaphore, #tpu.memory_space<semaphore_mem>>)
      %add3A_19 = arith.constant 1 : i32
      %add3A_20 = arith.addi %mul3A_2, %add3A_19 : i32
      %dma_start3A_21 = arith.constant 0 : i32
      %dma_start3A_22 = arith.constant 0 : i32
      %dma_start3A_23 = tpu.memref_slice %arg4[%add3A_20, %dma_start3A_21, %dma_start3A_22] : memref<2564x2x128xi32, #tpu.memory_space<hbm>> -> memref<1x2x128xi32, #tpu.memory_space<hbm>>
      %dma_start3A_24 = tpu.memref_squeeze %dma_start3A_23 : memref<1x2x128xi32, #tpu.memory_space<hbm>> -> memref<2x128xi32, #tpu.memory_space<hbm>>
      %dma_start3A_25 = arith.constant 0 : i32
      %dma_start3A_26 = arith.constant 0 : i32
      %dma_start3A_27 = tpu.memref_slice %arg4[%add3A_20, %dma_start3A_25, %dma_start3A_26] : memref<2564x2x128xi32, #tpu.memory_space<hbm>> -> memref<1x2x128xi32, #tpu.memory_space<hbm>>
      %dma_start3A_28 = tpu.memref_squeeze %dma_start3A_27 : memref<1x2x128xi32, #tpu.memory_space<hbm>> -> memref<2x128xi32, #tpu.memory_space<hbm>>
      tpu.enqueue_dma source(%dma_start3A_28 : memref<2x128xi32, #tpu.memory_space<hbm>>) target(%arg9 : memref<2x128xi32, #tpu.memory_space<vmem>>) target_semaphore(%arg15 : memref<!tpu.dma_semaphore, #tpu.memory_space<semaphore_mem>>)
      %dma_wait3A = arith.constant 0 : i32
      %dma_wait3A_29 = arith.constant 0 : i32
      %dma_wait3A_30 = tpu.memref_slice %arg4[%mul3A_2, %dma_wait3A, %dma_wait3A_29] : memref<2564x2x128xi32, #tpu.memory_space<hbm>> -> memref<1x2x128xi32, #tpu.memory_space<hbm>>
      %dma_wait3A_31 = tpu.memref_squeeze %dma_wait3A_30 : memref<1x2x128xi32, #tpu.memory_space<hbm>> -> memref<2x128xi32, #tpu.memory_space<hbm>>
      %dma_wait3A_32 = arith.constant 0 : i32
      %dma_wait3A_33 = arith.constant 0 : i32
      %dma_wait3A_34 = tpu.memref_slice %arg4[%mul3A_2, %dma_wait3A_32, %dma_wait3A_33] : memref<2564x2x128xi32, #tpu.memory_space<hbm>> -> memref<1x2x128xi32, #tpu.memory_space<hbm>>
      %dma_wait3A_35 = tpu.memref_squeeze %dma_wait3A_34 : memref<1x2x128xi32, #tpu.memory_space<hbm>> -> memref<2x128xi32, #tpu.memory_space<hbm>>
      tpu.wait_dma2 semaphore(%arg14 : memref<!tpu.dma_semaphore, #tpu.memory_space<semaphore_mem>>) src(%dma_wait3A_35 : memref<2x128xi32, #tpu.memory_space<hbm>>) dst(%arg8 : memref<2x128xi32, #tpu.memory_space<vmem>>)
      %get3A = arith.constant 0 : i32
      %get3A_36 = arith.index_cast %get3A : i32 to index
      %get3A_37 = arith.constant 0 : index
      %get3A_38 = tpu.vector_load %arg8[%get3A_36, %get3A_37] {strides = array<i32>} : memref<2x128xi32, #tpu.memory_space<vmem>>, vector<1x16xi32>,
      %get3A_39 = vector.shape_cast %get3A_38 : vector<1x16xi32> to vector<16xi32>
      %swap3A = arith.constant 0 : i32
      %swap3A_40 = arith.index_cast %swap3A : i32 to index
      %swap3A_41 = arith.constant 0 : index
      %swap3A_42 = tpu.vector_load %arg10[%swap3A_40, %swap3A_41] {strides = array<i32>} : memref<2x128xi32, #tpu.memory_space<vmem>>, vector<1x16xi32>,
      %swap3A_43 = vector.shape_cast %swap3A_42 : vector<1x16xi32> to vector<16xi32>
      %swap3A_44 = vector.shape_cast %get3A_39 : vector<16xi32> to vector<1x16xi32>
      tpu.vector_store %arg10[%swap3A_40, %swap3A_41], %swap3A_44 {strides = array<i32>} : memref<2x128xi32, #tpu.memory_space<vmem>>, vector<1x16xi32>,
      %get3A_45 = arith.constant 0 : i32
      %get3A_46 = arith.index_cast %get3A_45 : i32 to index
      %get3A_47 = arith.constant 16 : index
      %get3A_48 = tpu.vector_load %arg8[%get3A_46, %get3A_47] {strides = array<i32>} : memref<2x128xi32, #tpu.memory_space<vmem>>, vector<1x16xi32>,
      %get3A_49 = vector.shape_cast %get3A_48 : vector<1x16xi32> to vector<16xi32>
      %swap3A_50 = arith.constant 0 : i32
      %swap3A_51 = arith.index_cast %swap3A_50 : i32 to index
      %swap3A_52 = arith.constant 16 : index
      %swap3A_53 = tpu.vector_load %arg10[%swap3A_51, %swap3A_52] {strides = array<i32>} : memref<2x128xi32, #tpu.memory_space<vmem>>, vector<1x16xi32>,
      %swap3A_54 = vector.shape_cast %swap3A_53 : vector<1x16xi32> to vector<16xi32>
      %swap3A_55 = vector.shape_cast %get3A_49 : vector<16xi32> to vector<1x16xi32>
      tpu.vector_store %arg10[%swap3A_51, %swap3A_52], %swap3A_55 {strides = array<i32>} : memref<2x128xi32, #tpu.memory_space<vmem>>, vector<1x16xi32>,
      %get3A_56 = arith.constant 0 : i32
      %get3A_57 = arith.index_cast %get3A_56 : i32 to index
      %get3A_58 = arith.constant 32 : index
      %get3A_59 = tpu.vector_load %arg8[%get3A_57, %get3A_58] {strides = array<i32>} : memref<2x128xi32, #tpu.memory_space<vmem>>, vector<1x16xi32>,
      %get3A_60 = vector.shape_cast %get3A_59 : vector<1x16xi32> to vector<16xi32>
      %swap3A_61 = arith.constant 0 : i32
      %swap3A_62 = arith.index_cast %swap3A_61 : i32 to index
      %swap3A_63 = arith.constant 32 : index
      %swap3A_64 = tpu.vector_load %arg10[%swap3A_62, %swap3A_63] {strides = array<i32>} : memref<2x128xi32, #tpu.memory_space<vmem>>, vector<1x16xi32>,
      %swap3A_65 = vector.shape_cast %swap3A_64 : vector<1x16xi32> to vector<16xi32>
      %swap3A_66 = vector.shape_cast %get3A_60 : vector<16xi32> to vector<1x16xi32>
      tpu.vector_store %arg10[%swap3A_62, %swap3A_63], %swap3A_66 {strides = array<i32>} : memref<2x128xi32, #tpu.memory_space<vmem>>, vector<1x16xi32>,
      %get3A_67 = arith.constant 0 : i32
      %get3A_68 = arith.index_cast %get3A_67 : i32 to index
      %get3A_69 = arith.constant 48 : index
      %get3A_70 = tpu.vector_load %arg8[%get3A_68, %get3A_69] {strides = array<i32>} : memref<2x128xi32, #tpu.memory_space<vmem>>, vector<1x16xi32>,
      %get3A_71 = vector.shape_cast %get3A_70 : vector<1x16xi32> to vector<16xi32>
      %swap3A_72 = arith.constant 0 : i32
      %swap3A_73 = arith.index_cast %swap3A_72 : i32 to index
      %swap3A_74 = arith.constant 48 : index
      %swap3A_75 = tpu.vector_load %arg10[%swap3A_73, %swap3A_74] {strides = array<i32>} : memref<2x128xi32, #tpu.memory_space<vmem>>, vector<1x16xi32>,
      %swap3A_76 = vector.shape_cast %swap3A_75 : vector<1x16xi32> to vector<16xi32>
      %swap3A_77 = vector.shape_cast %get3A_71 : vector<16xi32> to vector<1x16xi32>
      tpu.vector_store %arg10[%swap3A_73, %swap3A_74], %swap3A_77 {strides = array<i32>} : memref<2x128xi32, #tpu.memory_space<vmem>>, vector<1x16xi32>,
      %get3A_78 = arith.constant 0 : i32
      %get3A_79 = arith.index_cast %get3A_78 : i32 to index
      %get3A_80 = arith.constant 64 : index
      %get3A_81 = tpu.vector_load %arg8[%get3A_79, %get3A_80] {strides = array<i32>} : memref<2x128xi32, #tpu.memory_space<vmem>>, vector<1x16xi32>,
      %get3A_82 = vector.shape_cast %get3A_81 : vector<1x16xi32> to vector<16xi32>
      %swap3A_83 = arith.constant 0 : i32
      %swap3A_84 = arith.index_cast %swap3A_83 : i32 to index
      %swap3A_85 = arith.constant 64 : index
      %swap3A_86 = tpu.vector_load %arg10[%swap3A_84, %swap3A_85] {strides = array<i32>} : memref<2x128xi32, #tpu.memory_space<vmem>>, vector<1x16xi32>,
      %swap3A_87 = vector.shape_cast %swap3A_86 : vector<1x16xi32> to vector<16xi32>
      %swap3A_88 = vector.shape_cast %get3A_82 : vector<16xi32> to vector<1x16xi32>
      tpu.vector_store %arg10[%swap3A_84, %swap3A_85], %swap3A_88 {strides = array<i32>} : memref<2x128xi32, #tpu.memory_space<vmem>>, vector<1x16xi32>,
      %get3A_89 = arith.constant 0 : i32
      %get3A_90 = arith.index_cast %get3A_89 : i32 to index
      %get3A_91 = arith.constant 80 : index
      %get3A_92 = tpu.vector_load %arg8[%get3A_90, %get3A_91] {strides = array<i32>} : memref<2x128xi32, #tpu.memory_space<vmem>>, vector<1x16xi32>,
      %get3A_93 = vector.shape_cast %get3A_92 : vector<1x16xi32> to vector<16xi32>
      %swap3A_94 = arith.constant 0 : i32
      %swap3A_95 = arith.index_cast %swap3A_94 : i32 to index
      %swap3A_96 = arith.constant 80 : index
      %swap3A_97 = tpu.vector_load %arg10[%swap3A_95, %swap3A_96] {strides = array<i32>} : memref<2x128xi32, #tpu.memory_space<vmem>>, vector<1x16xi32>,
      %swap3A_98 = vector.shape_cast %swap3A_97 : vector<1x16xi32> to vector<16xi32>
      %swap3A_99 = vector.shape_cast %get3A_93 : vector<16xi32> to vector<1x16xi32>
      tpu.vector_store %arg10[%swap3A_95, %swap3A_96], %swap3A_99 {strides = array<i32>} : memref<2x128xi32, #tpu.memory_space<vmem>>, vector<1x16xi32>,
      %get3A_100 = arith.constant 0 : i32
      %get3A_101 = arith.index_cast %get3A_100 : i32 to index
      %get3A_102 = arith.constant 96 : index
      %get3A_103 = tpu.vector_load %arg8[%get3A_101, %get3A_102] {strides = array<i32>} : memref<2x128xi32, #tpu.memory_space<vmem>>, vector<1x16xi32>,
      %get3A_104 = vector.shape_cast %get3A_103 : vector<1x16xi32> to vector<16xi32>
      %swap3A_105 = arith.constant 0 : i32
      %swap3A_106 = arith.index_cast %swap3A_105 : i32 to index
      %swap3A_107 = arith.constant 96 : index
      %swap3A_108 = tpu.vector_load %arg10[%swap3A_106, %swap3A_107] {strides = array<i32>} : memref<2x128xi32, #tpu.memory_space<vmem>>, vector<1x16xi32>,
      %swap3A_109 = vector.shape_cast %swap3A_108 : vector<1x16xi32> to vector<16xi32>
      %swap3A_110 = vector.shape_cast %get3A_104 : vector<16xi32> to vector<1x16xi32>
      tpu.vector_store %arg10[%swap3A_106, %swap3A_107], %swap3A_110 {strides = array<i32>} : memref<2x128xi32, #tpu.memory_space<vmem>>, vector<1x16xi32>,
      %get3A_111 = arith.constant 0 : i32
      %get3A_112 = arith.index_cast %get3A_111 : i32 to index
      %get3A_113 = arith.constant 112 : index
      %get3A_114 = tpu.vector_load %arg8[%get3A_112, %get3A_113] {strides = array<i32>} : memref<2x128xi32, #tpu.memory_space<vmem>>, vector<1x16xi32>,
      %get3A_115 = vector.shape_cast %get3A_114 : vector<1x16xi32> to vector<16xi32>
      %swap3A_116 = arith.constant 0 : i32
      %swap3A_117 = arith.index_cast %swap3A_116 : i32 to index
      %swap3A_118 = arith.constant 112 : index
      %swap3A_119 = tpu.vector_load %arg10[%swap3A_117, %swap3A_118] {strides = array<i32>} : memref<2x128xi32, #tpu.memory_space<vmem>>, vector<1x16xi32>,
      %swap3A_120 = vector.shape_cast %swap3A_119 : vector<1x16xi32> to vector<16xi32>
      %swap3A_121 = vector.shape_cast %get3A_115 : vector<16xi32> to vector<1x16xi32>
      tpu.vector_store %arg10[%swap3A_117, %swap3A_118], %swap3A_121 {strides = array<i32>} : memref<2x128xi32, #tpu.memory_space<vmem>>, vector<1x16xi32>,
      %get3A_122 = arith.constant 1 : i32
      %get3A_123 = arith.index_cast %get3A_122 : i32 to index
      %get3A_124 = arith.constant 0 : index
      %get3A_125 = tpu.vector_load %arg8[%get3A_123, %get3A_124] {strides = array<i32>} : memref<2x128xi32, #tpu.memory_space<vmem>>, vector<1x16xi32>,
      %get3A_126 = vector.shape_cast %get3A_125 : vector<1x16xi32> to vector<16xi32>
      %swap3A_127 = arith.constant 1 : i32
      %swap3A_128 = arith.index_cast %swap3A_127 : i32 to index
      %swap3A_129 = arith.constant 0 : index
      %swap3A_130 = tpu.vector_load %arg10[%swap3A_128, %swap3A_129] {strides = array<i32>} : memref<2x128xi32, #tpu.memory_space<vmem>>, vector<1x16xi32>,
      %swap3A_131 = vector.shape_cast %swap3A_130 : vector<1x16xi32> to vector<16xi32>
      %swap3A_132 = vector.shape_cast %get3A_126 : vector<16xi32> to vector<1x16xi32>
      tpu.vector_store %arg10[%swap3A_128, %swap3A_129], %swap3A_132 {strides = array<i32>} : memref<2x128xi32, #tpu.memory_space<vmem>>, vector<1x16xi32>,
      %get3A_133 = arith.constant 1 : i32
      %get3A_134 = arith.index_cast %get3A_133 : i32 to index
      %get3A_135 = arith.constant 16 : index
      %get3A_136 = tpu.vector_load %arg8[%get3A_134, %get3A_135] {strides = array<i32>} : memref<2x128xi32, #tpu.memory_space<vmem>>, vector<1x16xi32>,
      %get3A_137 = vector.shape_cast %get3A_136 : vector<1x16xi32> to vector<16xi32>
      %swap3A_138 = arith.constant 1 : i32
      %swap3A_139 = arith.index_cast %swap3A_138 : i32 to index
      %swap3A_140 = arith.constant 16 : index
      %swap3A_141 = tpu.vector_load %arg10[%swap3A_139, %swap3A_140] {strides = array<i32>} : memref<2x128xi32, #tpu.memory_space<vmem>>, vector<1x16xi32>,
      %swap3A_142 = vector.shape_cast %swap3A_141 : vector<1x16xi32> to vector<16xi32>
      %swap3A_143 = vector.shape_cast %get3A_137 : vector<16xi32> to vector<1x16xi32>
      tpu.vector_store %arg10[%swap3A_139, %swap3A_140], %swap3A_143 {strides = array<i32>} : memref<2x128xi32, #tpu.memory_space<vmem>>, vector<1x16xi32>,
      %get3A_144 = arith.constant 1 : i32
      %get3A_145 = arith.index_cast %get3A_144 : i32 to index
      %get3A_146 = arith.constant 32 : index
      %get3A_147 = tpu.vector_load %arg8[%get3A_145, %get3A_146] {strides = array<i32>} : memref<2x128xi32, #tpu.memory_space<vmem>>, vector<1x16xi32>,
      %get3A_148 = vector.shape_cast %get3A_147 : vector<1x16xi32> to vector<16xi32>
      %swap3A_149 = arith.constant 1 : i32
      %swap3A_150 = arith.index_cast %swap3A_149 : i32 to index
      %swap3A_151 = arith.constant 32 : index
      %swap3A_152 = tpu.vector_load %arg10[%swap3A_150, %swap3A_151] {strides = array<i32>} : memref<2x128xi32, #tpu.memory_space<vmem>>, vector<1x16xi32>,
      %swap3A_153 = vector.shape_cast %swap3A_152 : vector<1x16xi32> to vector<16xi32>
      %swap3A_154 = vector.shape_cast %get3A_148 : vector<16xi32> to vector<1x16xi32>
      tpu.vector_store %arg10[%swap3A_150, %swap3A_151], %swap3A_154 {strides = array<i32>} : memref<2x128xi32, #tpu.memory_space<vmem>>, vector<1x16xi32>,
      %get3A_155 = arith.constant 1 : i32
      %get3A_156 = arith.index_cast %get3A_155 : i32 to index
      %get3A_157 = arith.constant 48 : index
      %get3A_158 = tpu.vector_load %arg8[%get3A_156, %get3A_157] {strides = array<i32>} : memref<2x128xi32, #tpu.memory_space<vmem>>, vector<1x16xi32>,
      %get3A_159 = vector.shape_cast %get3A_158 : vector<1x16xi32> to vector<16xi32>
      %swap3A_160 = arith.constant 1 : i32
      %swap3A_161 = arith.index_cast %swap3A_160 : i32 to index
      %swap3A_162 = arith.constant 48 : index
      %swap3A_163 = tpu.vector_load %arg10[%swap3A_161, %swap3A_162] {strides = array<i32>} : memref<2x128xi32, #tpu.memory_space<vmem>>, vector<1x16xi32>,
      %swap3A_164 = vector.shape_cast %swap3A_163 : vector<1x16xi32> to vector<16xi32>
      %swap3A_165 = vector.shape_cast %get3A_159 : vector<16xi32> to vector<1x16xi32>
      tpu.vector_store %arg10[%swap3A_161, %swap3A_162], %swap3A_165 {strides = array<i32>} : memref<2x128xi32, #tpu.memory_space<vmem>>, vector<1x16xi32>,
      %get3A_166 = arith.constant 1 : i32
      %get3A_167 = arith.index_cast %get3A_166 : i32 to index
      %get3A_168 = arith.constant 64 : index
      %get3A_169 = tpu.vector_load %arg8[%get3A_167, %get3A_168] {strides = array<i32>} : memref<2x128xi32, #tpu.memory_space<vmem>>, vector<1x16xi32>,
      %get3A_170 = vector.shape_cast %get3A_169 : vector<1x16xi32> to vector<16xi32>
      %swap3A_171 = arith.constant 1 : i32
      %swap3A_172 = arith.index_cast %swap3A_171 : i32 to index
      %swap3A_173 = arith.constant 64 : index
      %swap3A_174 = tpu.vector_load %arg10[%swap3A_172, %swap3A_173] {strides = array<i32>} : memref<2x128xi32, #tpu.memory_space<vmem>>, vector<1x16xi32>,
      %swap3A_175 = vector.shape_cast %swap3A_174 : vector<1x16xi32> to vector<16xi32>
      %swap3A_176 = vector.shape_cast %get3A_170 : vector<16xi32> to vector<1x16xi32>
      tpu.vector_store %arg10[%swap3A_172, %swap3A_173], %swap3A_176 {strides = array<i32>} : memref<2x128xi32, #tpu.memory_space<vmem>>, vector<1x16xi32>,
      %get3A_177 = arith.constant 1 : i32
      %get3A_178 = arith.index_cast %get3A_177 : i32 to index
      %get3A_179 = arith.constant 80 : index
      %get3A_180 = tpu.vector_load %arg8[%get3A_178, %get3A_179] {strides = array<i32>} : memref<2x128xi32, #tpu.memory_space<vmem>>, vector<1x16xi32>,
      %get3A_181 = vector.shape_cast %get3A_180 : vector<1x16xi32> to vector<16xi32>
      %swap3A_182 = arith.constant 1 : i32
      %swap3A_183 = arith.index_cast %swap3A_182 : i32 to index
      %swap3A_184 = arith.constant 80 : index
      %swap3A_185 = tpu.vector_load %arg10[%swap3A_183, %swap3A_184] {strides = array<i32>} : memref<2x128xi32, #tpu.memory_space<vmem>>, vector<1x16xi32>,
      %swap3A_186 = vector.shape_cast %swap3A_185 : vector<1x16xi32> to vector<16xi32>
      %swap3A_187 = vector.shape_cast %get3A_181 : vector<16xi32> to vector<1x16xi32>
      tpu.vector_store %arg10[%swap3A_183, %swap3A_184], %swap3A_187 {strides = array<i32>} : memref<2x128xi32, #tpu.memory_space<vmem>>, vector<1x16xi32>,
      %get3A_188 = arith.constant 1 : i32
      %get3A_189 = arith.index_cast %get3A_188 : i32 to index
      %get3A_190 = arith.constant 96 : index
      %get3A_191 = tpu.vector_load %arg8[%get3A_189, %get3A_190] {strides = array<i32>} : memref<2x128xi32, #tpu.memory_space<vmem>>, vector<1x16xi32>,
      %get3A_192 = vector.shape_cast %get3A_191 : vector<1x16xi32> to vector<16xi32>
      %swap3A_193 = arith.constant 1 : i32
      %swap3A_194 = arith.index_cast %swap3A_193 : i32 to index
      %swap3A_195 = arith.constant 96 : index
      %swap3A_196 = tpu.vector_load %arg10[%swap3A_194, %swap3A_195] {strides = array<i32>} : memref<2x128xi32, #tpu.memory_space<vmem>>, vector<1x16xi32>,
      %swap3A_197 = vector.shape_cast %swap3A_196 : vector<1x16xi32> to vector<16xi32>
      %swap3A_198 = vector.shape_cast %get3A_192 : vector<16xi32> to vector<1x16xi32>
      tpu.vector_store %arg10[%swap3A_194, %swap3A_195], %swap3A_198 {strides = array<i32>} : memref<2x128xi32, #tpu.memory_space<vmem>>, vector<1x16xi32>,
      %get3A_199 = arith.constant 1 : i32
      %get3A_200 = arith.index_cast %get3A_199 : i32 to index
      %get3A_201 = arith.constant 112 : index
      %get3A_202 = tpu.vector_load %arg8[%get3A_200, %get3A_201] {strides = array<i32>} : memref<2x128xi32, #tpu.memory_space<vmem>>, vector<1x16xi32>,
      %get3A_203 = vector.shape_cast %get3A_202 : vector<1x16xi32> to vector<16xi32>
      %swap3A_204 = arith.constant 1 : i32
      %swap3A_205 = arith.index_cast %swap3A_204 : i32 to index
      %swap3A_206 = arith.constant 112 : index
      %swap3A_207 = tpu.vector_load %arg10[%swap3A_205, %swap3A_206] {strides = array<i32>} : memref<2x128xi32, #tpu.memory_space<vmem>>, vector<1x16xi32>,
      %swap3A_208 = vector.shape_cast %swap3A_207 : vector<1x16xi32> to vector<16xi32>
      %swap3A_209 = vector.shape_cast %get3A_203 : vector<16xi32> to vector<1x16xi32>
      tpu.vector_store %arg10[%swap3A_205, %swap3A_206], %swap3A_209 {strides = array<i32>} : memref<2x128xi32, #tpu.memory_space<vmem>>, vector<1x16xi32>,
      %add3A_210 = arith.constant 2 : i32
      %add3A_211 = arith.addi %mul3A_2, %add3A_210 : i32
      %dma_start3A_212 = arith.constant 0 : i32
      %dma_start3A_213 = arith.constant 0 : i32
      %dma_start3A_214 = tpu.memref_slice %arg4[%add3A_211, %dma_start3A_212, %dma_start3A_213] : memref<2564x2x128xi32, #tpu.memory_space<hbm>> -> memref<1x2x128xi32, #tpu.memory_space<hbm>>
      %dma_start3A_215 = tpu.memref_squeeze %dma_start3A_214 : memref<1x2x128xi32, #tpu.memory_space<hbm>> -> memref<2x128xi32, #tpu.memory_space<hbm>>
      %dma_start3A_216 = arith.constant 0 : i32
      %dma_start3A_217 = arith.constant 0 : i32
      %dma_start3A_218 = tpu.memref_slice %arg4[%add3A_211, %dma_start3A_216, %dma_start3A_217] : memref<2564x2x128xi32, #tpu.memory_space<hbm>> -> memref<1x2x128xi32, #tpu.memory_space<hbm>>
      %dma_start3A_219 = tpu.memref_squeeze %dma_start3A_218 : memref<1x2x128xi32, #tpu.memory_space<hbm>> -> memref<2x128xi32, #tpu.memory_space<hbm>>
      tpu.enqueue_dma source(%dma_start3A_219 : memref<2x128xi32, #tpu.memory_space<hbm>>) target(%arg8 : memref<2x128xi32, #tpu.memory_space<vmem>>) target_semaphore(%arg14 : memref<!tpu.dma_semaphore, #tpu.memory_space<semaphore_mem>>)
      %dma_start3A_220 = arith.constant 0 : i32
      %dma_start3A_221 = arith.constant 0 : i32
      %dma_start3A_222 = tpu.memref_slice %arg10[%dma_start3A_220, %dma_start3A_221] : memref<2x128xi32, #tpu.memory_space<vmem>> -> memref<1x128xi32, #tpu.memory_space<vmem>>
      %dma_start3A_223 = tpu.memref_squeeze %dma_start3A_222 : memref<1x128xi32, #tpu.memory_space<vmem>> -> memref<128xi32, #tpu.memory_space<vmem>>
      %dma_start3A_224 = arith.constant 0 : i32
      %dma_start3A_225 = arith.constant 0 : i32
      %dma_start3A_226 = tpu.memref_slice %arg2[%dma_start3A_224, %dma_start3A_225] : memref<10112x144xf32, #tpu.memory_space<hbm>> -> memref<10112x144xf32, #tpu.memory_space<hbm>>
      tpu.enqueue_indirect_dma source(%dma_start3A_226 : memref<10112x144xf32, #tpu.memory_space<hbm>>) target(%arg12 : memref<128x144xf32, #tpu.memory_space<vmem>>) offsets(%dma_start3A_223 : memref<128xi32, #tpu.memory_space<vmem>>) semaphore(%arg16 : memref<!tpu.dma_semaphore, #tpu.memory_space<semaphore_mem>>)
      %dma_wait3A_227 = arith.constant 0 : i32
      %dma_wait3A_228 = arith.constant 0 : i32
      %dma_wait3A_229 = tpu.memref_slice %arg10[%dma_wait3A_227, %dma_wait3A_228] : memref<2x128xi32, #tpu.memory_space<vmem>> -> memref<1x128xi32, #tpu.memory_space<vmem>>
      %dma_wait3A_230 = tpu.memref_squeeze %dma_wait3A_229 : memref<1x128xi32, #tpu.memory_space<vmem>> -> memref<128xi32, #tpu.memory_space<vmem>>
      %dma_wait3A_231 = arith.constant 0 : i32
      %dma_wait3A_232 = arith.constant 0 : i32
      %dma_wait3A_233 = tpu.memref_slice %arg2[%dma_wait3A_231, %dma_wait3A_232] : memref<10112x144xf32, #tpu.memory_space<hbm>> -> memref<10112x144xf32, #tpu.memory_space<hbm>>
      tpu.wait_indirect_dma semaphore(%arg16 : memref<!tpu.dma_semaphore, #tpu.memory_space<semaphore_mem>>) src(%dma_wait3A_233 : memref<10112x144xf32, #tpu.memory_space<hbm>>) dst(%arg12 : memref<128x144xf32, #tpu.memory_space<vmem>>)
      %dma_start3A_234 = arith.constant 1 : i32
      %dma_start3A_235 = arith.constant 0 : i32
      %dma_start3A_236 = tpu.memref_slice %arg10[%dma_start3A_234, %dma_start3A_235] : memref<2x128xi32, #tpu.memory_space<vmem>> -> memref<1x128xi32, #tpu.memory_space<vmem>>
      %dma_start3A_237 = tpu.memref_squeeze %dma_start3A_236 : memref<1x128xi32, #tpu.memory_space<vmem>> -> memref<128xi32, #tpu.memory_space<vmem>>
      %dma_start3A_238 = arith.constant 0 : i32
      %dma_start3A_239 = arith.constant 0 : i32
      %dma_start3A_240 = tpu.memref_slice %arg7[%dma_start3A_238, %dma_start3A_239] : memref<10112x144xf32, #tpu.memory_space<vmem_shared>> -> memref<10112x144xf32, #tpu.memory_space<vmem_shared>>
      tpu.enqueue_indirect_dma source(%arg12 : memref<128x144xf32, #tpu.memory_space<vmem>>) target(%dma_start3A_240 : memref<10112x144xf32, #tpu.memory_space<vmem_shared>>) offsets(%dma_start3A_237 : memref<128xi32, #tpu.memory_space<vmem>>) semaphore(%arg17 : memref<!tpu.dma_semaphore, #tpu.memory_space<semaphore_mem>>) {add = true}
      %dma_wait3A_241 = arith.constant 0 : i32
      %dma_wait3A_242 = arith.constant 0 : i32
      %dma_wait3A_243 = tpu.memref_slice %arg4[%mul3A_2, %dma_wait3A_241, %dma_wait3A_242] : memref<2564x2x128xi32, #tpu.memory_space<hbm>> -> memref<1x2x128xi32, #tpu.memory_space<hbm>>
      %dma_wait3A_244 = tpu.memref_squeeze %dma_wait3A_243 : memref<1x2x128xi32, #tpu.memory_space<hbm>> -> memref<2x128xi32, #tpu.memory_space<hbm>>
      %dma_wait3A_245 = arith.constant 0 : i32
      %dma_wait3A_246 = arith.constant 0 : i32
      %dma_wait3A_247 = tpu.memref_slice %arg4[%mul3A_2, %dma_wait3A_245, %dma_wait3A_246] : memref<2564x2x128xi32, #tpu.memory_space<hbm>> -> memref<1x2x128xi32, #tpu.memory_space<hbm>>
      %dma_wait3A_248 = tpu.memref_squeeze %dma_wait3A_247 : memref<1x2x128xi32, #tpu.memory_space<hbm>> -> memref<2x128xi32, #tpu.memory_space<hbm>>
      tpu.wait_dma2 semaphore(%arg15 : memref<!tpu.dma_semaphore, #tpu.memory_space<semaphore_mem>>) src(%dma_wait3A_248 : memref<2x128xi32, #tpu.memory_space<hbm>>) dst(%arg9 : memref<2x128xi32, #tpu.memory_space<vmem>>)
      %get3A_249 = arith.constant 0 : i32
      %get3A_250 = arith.index_cast %get3A_249 : i32 to index
      %get3A_251 = arith.constant 0 : index
      %get3A_252 = tpu.vector_load %arg9[%get3A_250, %get3A_251] {strides = array<i32>} : memref<2x128xi32, #tpu.memory_space<vmem>>, vector<1x16xi32>,
      %get3A_253 = vector.shape_cast %get3A_252 : vector<1x16xi32> to vector<16xi32>
      %swap3A_254 = arith.constant 0 : i32
      %swap3A_255 = arith.index_cast %swap3A_254 : i32 to index
      %swap3A_256 = arith.constant 0 : index
      %swap3A_257 = tpu.vector_load %arg11[%swap3A_255, %swap3A_256] {strides = array<i32>} : memref<2x128xi32, #tpu.memory_space<vmem>>, vector<1x16xi32>,
      %swap3A_258 = vector.shape_cast %swap3A_257 : vector<1x16xi32> to vector<16xi32>
      %swap3A_259 = vector.shape_cast %get3A_253 : vector<16xi32> to vector<1x16xi32>
      tpu.vector_store %arg11[%swap3A_255, %swap3A_256], %swap3A_259 {strides = array<i32>} : memref<2x128xi32, #tpu.memory_space<vmem>>, vector<1x16xi32>,
      %get3A_260 = arith.constant 0 : i32
      %get3A_261 = arith.index_cast %get3A_260 : i32 to index
      %get3A_262 = arith.constant 16 : index
      %get3A_263 = tpu.vector_load %arg9[%get3A_261, %get3A_262] {strides = array<i32>} : memref<2x128xi32, #tpu.memory_space<vmem>>, vector<1x16xi32>,
      %get3A_264 = vector.shape_cast %get3A_263 : vector<1x16xi32> to vector<16xi32>
      %swap3A_265 = arith.constant 0 : i32
      %swap3A_266 = arith.index_cast %swap3A_265 : i32 to index
      %swap3A_267 = arith.constant 16 : index
      %swap3A_268 = tpu.vector_load %arg11[%swap3A_266, %swap3A_267] {strides = array<i32>} : memref<2x128xi32, #tpu.memory_space<vmem>>, vector<1x16xi32>,
      %swap3A_269 = vector.shape_cast %swap3A_268 : vector<1x16xi32> to vector<16xi32>
      %swap3A_270 = vector.shape_cast %get3A_264 : vector<16xi32> to vector<1x16xi32>
      tpu.vector_store %arg11[%swap3A_266, %swap3A_267], %swap3A_270 {strides = array<i32>} : memref<2x128xi32, #tpu.memory_space<vmem>>, vector<1x16xi32>,
      %get3A_271 = arith.constant 0 : i32
      %get3A_272 = arith.index_cast %get3A_271 : i32 to index
      %get3A_273 = arith.constant 32 : index
      %get3A_274 = tpu.vector_load %arg9[%get3A_272, %get3A_273] {strides = array<i32>} : memref<2x128xi32, #tpu.memory_space<vmem>>, vector<1x16xi32>,
      %get3A_275 = vector.shape_cast %get3A_274 : vector<1x16xi32> to vector<16xi32>
      %swap3A_276 = arith.constant 0 : i32
      %swap3A_277 = arith.index_cast %swap3A_276 : i32 to index
      %swap3A_278 = arith.constant 32 : index
      %swap3A_279 = tpu.vector_load %arg11[%swap3A_277, %swap3A_278] {strides = array<i32>} : memref<2x128xi32, #tpu.memory_space<vmem>>, vector<1x16xi32>,
      %swap3A_280 = vector.shape_cast %swap3A_279 : vector<1x16xi32> to vector<16xi32>
      %swap3A_281 = vector.shape_cast %get3A_275 : vector<16xi32> to vector<1x16xi32>
      tpu.vector_store %arg11[%swap3A_277, %swap3A_278], %swap3A_281 {strides = array<i32>} : memref<2x128xi32, #tpu.memory_space<vmem>>, vector<1x16xi32>,
      %get3A_282 = arith.constant 0 : i32
      %get3A_283 = arith.index_cast %get3A_282 : i32 to index
      %get3A_284 = arith.constant 48 : index
      %get3A_285 = tpu.vector_load %arg9[%get3A_283, %get3A_284] {strides = array<i32>} : memref<2x128xi32, #tpu.memory_space<vmem>>, vector<1x16xi32>,
      %get3A_286 = vector.shape_cast %get3A_285 : vector<1x16xi32> to vector<16xi32>
      %swap3A_287 = arith.constant 0 : i32
      %swap3A_288 = arith.index_cast %swap3A_287 : i32 to index
      %swap3A_289 = arith.constant 48 : index
      %swap3A_290 = tpu.vector_load %arg11[%swap3A_288, %swap3A_289] {strides = array<i32>} : memref<2x128xi32, #tpu.memory_space<vmem>>, vector<1x16xi32>,
      %swap3A_291 = vector.shape_cast %swap3A_290 : vector<1x16xi32> to vector<16xi32>
      %swap3A_292 = vector.shape_cast %get3A_286 : vector<16xi32> to vector<1x16xi32>
      tpu.vector_store %arg11[%swap3A_288, %swap3A_289], %swap3A_292 {strides = array<i32>} : memref<2x128xi32, #tpu.memory_space<vmem>>, vector<1x16xi32>,
      %get3A_293 = arith.constant 0 : i32
      %get3A_294 = arith.index_cast %get3A_293 : i32 to index
      %get3A_295 = arith.constant 64 : index
      %get3A_296 = tpu.vector_load %arg9[%get3A_294, %get3A_295] {strides = array<i32>} : memref<2x128xi32, #tpu.memory_space<vmem>>, vector<1x16xi32>,
      %get3A_297 = vector.shape_cast %get3A_296 : vector<1x16xi32> to vector<16xi32>
      %swap3A_298 = arith.constant 0 : i32
      %swap3A_299 = arith.index_cast %swap3A_298 : i32 to index
      %swap3A_300 = arith.constant 64 : index
      %swap3A_301 = tpu.vector_load %arg11[%swap3A_299, %swap3A_300] {strides = array<i32>} : memref<2x128xi32, #tpu.memory_space<vmem>>, vector<1x16xi32>,
      %swap3A_302 = vector.shape_cast %swap3A_301 : vector<1x16xi32> to vector<16xi32>
      %swap3A_303 = vector.shape_cast %get3A_297 : vector<16xi32> to vector<1x16xi32>
      tpu.vector_store %arg11[%swap3A_299, %swap3A_300], %swap3A_303 {strides = array<i32>} : memref<2x128xi32, #tpu.memory_space<vmem>>, vector<1x16xi32>,
      %get3A_304 = arith.constant 0 : i32
      %get3A_305 = arith.index_cast %get3A_304 : i32 to index
      %get3A_306 = arith.constant 80 : index
      %get3A_307 = tpu.vector_load %arg9[%get3A_305, %get3A_306] {strides = array<i32>} : memref<2x128xi32, #tpu.memory_space<vmem>>, vector<1x16xi32>,
      %get3A_308 = vector.shape_cast %get3A_307 : vector<1x16xi32> to vector<16xi32>
      %swap3A_309 = arith.constant 0 : i32
      %swap3A_310 = arith.index_cast %swap3A_309 : i32 to index
      %swap3A_311 = arith.constant 80 : index
      %swap3A_312 = tpu.vector_load %arg11[%swap3A_310, %swap3A_311] {strides = array<i32>} : memref<2x128xi32, #tpu.memory_space<vmem>>, vector<1x16xi32>,
      %swap3A_313 = vector.shape_cast %swap3A_312 : vector<1x16xi32> to vector<16xi32>
      %swap3A_314 = vector.shape_cast %get3A_308 : vector<16xi32> to vector<1x16xi32>
      tpu.vector_store %arg11[%swap3A_310, %swap3A_311], %swap3A_314 {strides = array<i32>} : memref<2x128xi32, #tpu.memory_space<vmem>>, vector<1x16xi32>,
      %get3A_315 = arith.constant 0 : i32
      %get3A_316 = arith.index_cast %get3A_315 : i32 to index
      %get3A_317 = arith.constant 96 : index
      %get3A_318 = tpu.vector_load %arg9[%get3A_316, %get3A_317] {strides = array<i32>} : memref<2x128xi32, #tpu.memory_space<vmem>>, vector<1x16xi32>,
      %get3A_319 = vector.shape_cast %get3A_318 : vector<1x16xi32> to vector<16xi32>
      %swap3A_320 = arith.constant 0 : i32
      %swap3A_321 = arith.index_cast %swap3A_320 : i32 to index
      %swap3A_322 = arith.constant 96 : index
      %swap3A_323 = tpu.vector_load %arg11[%swap3A_321, %swap3A_322] {strides = array<i32>} : memref<2x128xi32, #tpu.memory_space<vmem>>, vector<1x16xi32>,
      %swap3A_324 = vector.shape_cast %swap3A_323 : vector<1x16xi32> to vector<16xi32>
      %swap3A_325 = vector.shape_cast %get3A_319 : vector<16xi32> to vector<1x16xi32>
      tpu.vector_store %arg11[%swap3A_321, %swap3A_322], %swap3A_325 {strides = array<i32>} : memref<2x128xi32, #tpu.memory_space<vmem>>, vector<1x16xi32>,
      %get3A_326 = arith.constant 0 : i32
      %get3A_327 = arith.index_cast %get3A_326 : i32 to index
      %get3A_328 = arith.constant 112 : index
      %get3A_329 = tpu.vector_load %arg9[%get3A_327, %get3A_328] {strides = array<i32>} : memref<2x128xi32, #tpu.memory_space<vmem>>, vector<1x16xi32>,
      %get3A_330 = vector.shape_cast %get3A_329 : vector<1x16xi32> to vector<16xi32>
      %swap3A_331 = arith.constant 0 : i32
      %swap3A_332 = arith.index_cast %swap3A_331 : i32 to index
      %swap3A_333 = arith.constant 112 : index
      %swap3A_334 = tpu.vector_load %arg11[%swap3A_332, %swap3A_333] {strides = array<i32>} : memref<2x128xi32, #tpu.memory_space<vmem>>, vector<1x16xi32>,
      %swap3A_335 = vector.shape_cast %swap3A_334 : vector<1x16xi32> to vector<16xi32>
      %swap3A_336 = vector.shape_cast %get3A_330 : vector<16xi32> to vector<1x16xi32>
      tpu.vector_store %arg11[%swap3A_332, %swap3A_333], %swap3A_336 {strides = array<i32>} : memref<2x128xi32, #tpu.memory_space<vmem>>, vector<1x16xi32>,
      %get3A_337 = arith.constant 1 : i32
      %get3A_338 = arith.index_cast %get3A_337 : i32 to index
      %get3A_339 = arith.constant 0 : index
      %get3A_340 = tpu.vector_load %arg9[%get3A_338, %get3A_339] {strides = array<i32>} : memref<2x128xi32, #tpu.memory_space<vmem>>, vector<1x16xi32>,
      %get3A_341 = vector.shape_cast %get3A_340 : vector<1x16xi32> to vector<16xi32>
      %swap3A_342 = arith.constant 1 : i32
      %swap3A_343 = arith.index_cast %swap3A_342 : i32 to index
      %swap3A_344 = arith.constant 0 : index
      %swap3A_345 = tpu.vector_load %arg11[%swap3A_343, %swap3A_344] {strides = array<i32>} : memref<2x128xi32, #tpu.memory_space<vmem>>, vector<1x16xi32>,
      %swap3A_346 = vector.shape_cast %swap3A_345 : vector<1x16xi32> to vector<16xi32>
      %swap3A_347 = vector.shape_cast %get3A_341 : vector<16xi32> to vector<1x16xi32>
      tpu.vector_store %arg11[%swap3A_343, %swap3A_344], %swap3A_347 {strides = array<i32>} : memref<2x128xi32, #tpu.memory_space<vmem>>, vector<1x16xi32>,
      %get3A_348 = arith.constant 1 : i32
      %get3A_349 = arith.index_cast %get3A_348 : i32 to index
      %get3A_350 = arith.constant 16 : index
      %get3A_351 = tpu.vector_load %arg9[%get3A_349, %get3A_350] {strides = array<i32>} : memref<2x128xi32, #tpu.memory_space<vmem>>, vector<1x16xi32>,
      %get3A_352 = vector.shape_cast %get3A_351 : vector<1x16xi32> to vector<16xi32>
      %swap3A_353 = arith.constant 1 : i32
      %swap3A_354 = arith.index_cast %swap3A_353 : i32 to index
      %swap3A_355 = arith.constant 16 : index
      %swap3A_356 = tpu.vector_load %arg11[%swap3A_354, %swap3A_355] {strides = array<i32>} : memref<2x128xi32, #tpu.memory_space<vmem>>, vector<1x16xi32>,
      %swap3A_357 = vector.shape_cast %swap3A_356 : vector<1x16xi32> to vector<16xi32>
      %swap3A_358 = vector.shape_cast %get3A_352 : vector<16xi32> to vector<1x16xi32>
      tpu.vector_store %arg11[%swap3A_354, %swap3A_355], %swap3A_358 {strides = array<i32>} : memref<2x128xi32, #tpu.memory_space<vmem>>, vector<1x16xi32>,
      %get3A_359 = arith.constant 1 : i32
      %get3A_360 = arith.index_cast %get3A_359 : i32 to index
      %get3A_361 = arith.constant 32 : index
      %get3A_362 = tpu.vector_load %arg9[%get3A_360, %get3A_361] {strides = array<i32>} : memref<2x128xi32, #tpu.memory_space<vmem>>, vector<1x16xi32>,
      %get3A_363 = vector.shape_cast %get3A_362 : vector<1x16xi32> to vector<16xi32>
      %swap3A_364 = arith.constant 1 : i32
      %swap3A_365 = arith.index_cast %swap3A_364 : i32 to index
      %swap3A_366 = arith.constant 32 : index
      %swap3A_367 = tpu.vector_load %arg11[%swap3A_365, %swap3A_366] {strides = array<i32>} : memref<2x128xi32, #tpu.memory_space<vmem>>, vector<1x16xi32>,
      %swap3A_368 = vector.shape_cast %swap3A_367 : vector<1x16xi32> to vector<16xi32>
      %swap3A_369 = vector.shape_cast %get3A_363 : vector<16xi32> to vector<1x16xi32>
      tpu.vector_store %arg11[%swap3A_365, %swap3A_366], %swap3A_369 {strides = array<i32>} : memref<2x128xi32, #tpu.memory_space<vmem>>, vector<1x16xi32>,
      %get3A_370 = arith.constant 1 : i32
      %get3A_371 = arith.index_cast %get3A_370 : i32 to index
      %get3A_372 = arith.constant 48 : index
      %get3A_373 = tpu.vector_load %arg9[%get3A_371, %get3A_372] {strides = array<i32>} : memref<2x128xi32, #tpu.memory_space<vmem>>, vector<1x16xi32>,
      %get3A_374 = vector.shape_cast %get3A_373 : vector<1x16xi32> to vector<16xi32>
      %swap3A_375 = arith.constant 1 : i32
      %swap3A_376 = arith.index_cast %swap3A_375 : i32 to index
      %swap3A_377 = arith.constant 48 : index
      %swap3A_378 = tpu.vector_load %arg11[%swap3A_376, %swap3A_377] {strides = array<i32>} : memref<2x128xi32, #tpu.memory_space<vmem>>, vector<1x16xi32>,
      %swap3A_379 = vector.shape_cast %swap3A_378 : vector<1x16xi32> to vector<16xi32>
      %swap3A_380 = vector.shape_cast %get3A_374 : vector<16xi32> to vector<1x16xi32>
      tpu.vector_store %arg11[%swap3A_376, %swap3A_377], %swap3A_380 {strides = array<i32>} : memref<2x128xi32, #tpu.memory_space<vmem>>, vector<1x16xi32>,
      %get3A_381 = arith.constant 1 : i32
      %get3A_382 = arith.index_cast %get3A_381 : i32 to index
      %get3A_383 = arith.constant 64 : index
      %get3A_384 = tpu.vector_load %arg9[%get3A_382, %get3A_383] {strides = array<i32>} : memref<2x128xi32, #tpu.memory_space<vmem>>, vector<1x16xi32>,
      %get3A_385 = vector.shape_cast %get3A_384 : vector<1x16xi32> to vector<16xi32>
      %swap3A_386 = arith.constant 1 : i32
      %swap3A_387 = arith.index_cast %swap3A_386 : i32 to index
      %swap3A_388 = arith.constant 64 : index
      %swap3A_389 = tpu.vector_load %arg11[%swap3A_387, %swap3A_388] {strides = array<i32>} : memref<2x128xi32, #tpu.memory_space<vmem>>, vector<1x16xi32>,
      %swap3A_390 = vector.shape_cast %swap3A_389 : vector<1x16xi32> to vector<16xi32>
      %swap3A_391 = vector.shape_cast %get3A_385 : vector<16xi32> to vector<1x16xi32>
      tpu.vector_store %arg11[%swap3A_387, %swap3A_388], %swap3A_391 {strides = array<i32>} : memref<2x128xi32, #tpu.memory_space<vmem>>, vector<1x16xi32>,
      %get3A_392 = arith.constant 1 : i32
      %get3A_393 = arith.index_cast %get3A_392 : i32 to index
      %get3A_394 = arith.constant 80 : index
      %get3A_395 = tpu.vector_load %arg9[%get3A_393, %get3A_394] {strides = array<i32>} : memref<2x128xi32, #tpu.memory_space<vmem>>, vector<1x16xi32>,
      %get3A_396 = vector.shape_cast %get3A_395 : vector<1x16xi32> to vector<16xi32>
      %swap3A_397 = arith.constant 1 : i32
      %swap3A_398 = arith.index_cast %swap3A_397 : i32 to index
      %swap3A_399 = arith.constant 80 : index
      %swap3A_400 = tpu.vector_load %arg11[%swap3A_398, %swap3A_399] {strides = array<i32>} : memref<2x128xi32, #tpu.memory_space<vmem>>, vector<1x16xi32>,
      %swap3A_401 = vector.shape_cast %swap3A_400 : vector<1x16xi32> to vector<16xi32>
      %swap3A_402 = vector.shape_cast %get3A_396 : vector<16xi32> to vector<1x16xi32>
      tpu.vector_store %arg11[%swap3A_398, %swap3A_399], %swap3A_402 {strides = array<i32>} : memref<2x128xi32, #tpu.memory_space<vmem>>, vector<1x16xi32>,
      %get3A_403 = arith.constant 1 : i32
      %get3A_404 = arith.index_cast %get3A_403 : i32 to index
      %get3A_405 = arith.constant 96 : index
      %get3A_406 = tpu.vector_load %arg9[%get3A_404, %get3A_405] {strides = array<i32>} : memref<2x128xi32, #tpu.memory_space<vmem>>, vector<1x16xi32>,
      %get3A_407 = vector.shape_cast %get3A_406 : vector<1x16xi32> to vector<16xi32>
      %swap3A_408 = arith.constant 1 : i32
      %swap3A_409 = arith.index_cast %swap3A_408 : i32 to index
      %swap3A_410 = arith.constant 96 : index
      %swap3A_411 = tpu.vector_load %arg11[%swap3A_409, %swap3A_410] {strides = array<i32>} : memref<2x128xi32, #tpu.memory_space<vmem>>, vector<1x16xi32>,
      %swap3A_412 = vector.shape_cast %swap3A_411 : vector<1x16xi32> to vector<16xi32>
      %swap3A_413 = vector.shape_cast %get3A_407 : vector<16xi32> to vector<1x16xi32>
      tpu.vector_store %arg11[%swap3A_409, %swap3A_410], %swap3A_413 {strides = array<i32>} : memref<2x128xi32, #tpu.memory_space<vmem>>, vector<1x16xi32>,
      %get3A_414 = arith.constant 1 : i32
      %get3A_415 = arith.index_cast %get3A_414 : i32 to index
      %get3A_416 = arith.constant 112 : index
      %get3A_417 = tpu.vector_load %arg9[%get3A_415, %get3A_416] {strides = array<i32>} : memref<2x128xi32, #tpu.memory_space<vmem>>, vector<1x16xi32>,
      %get3A_418 = vector.shape_cast %get3A_417 : vector<1x16xi32> to vector<16xi32>
      %swap3A_419 = arith.constant 1 : i32
      %swap3A_420 = arith.index_cast %swap3A_419 : i32 to index
      %swap3A_421 = arith.constant 112 : index
      %swap3A_422 = tpu.vector_load %arg11[%swap3A_420, %swap3A_421] {strides = array<i32>} : memref<2x128xi32, #tpu.memory_space<vmem>>, vector<1x16xi32>,
      %swap3A_423 = vector.shape_cast %swap3A_422 : vector<1x16xi32> to vector<16xi32>
      %swap3A_424 = vector.shape_cast %get3A_418 : vector<16xi32> to vector<1x16xi32>
      tpu.vector_store %arg11[%swap3A_420, %swap3A_421], %swap3A_424 {strides = array<i32>} : memref<2x128xi32, #tpu.memory_space<vmem>>, vector<1x16xi32>,
      %add3A_425 = arith.constant 3 : i32
      %add3A_426 = arith.addi %mul3A_2, %add3A_425 : i32
      %dma_start3A_427 = arith.constant 0 : i32
      %dma_start3A_428 = arith.constant 0 : i32
      %dma_start3A_429 = tpu.memref_slice %arg4[%add3A_426, %dma_start3A_427, %dma_start3A_428] : memref<2564x2x128xi32, #tpu.memory_space<hbm>> -> memref<1x2x128xi32, #tpu.memory_space<hbm>>
      %dma_start3A_430 = tpu.memref_squeeze %dma_start3A_429 : memref<1x2x128xi32, #tpu.memory_space<hbm>> -> memref<2x128xi32, #tpu.memory_space<hbm>>
      %dma_start3A_431 = arith.constant 0 : i32
      %dma_start3A_432 = arith.constant 0 : i32
      %dma_start3A_433 = tpu.memref_slice %arg4[%add3A_426, %dma_start3A_431, %dma_start3A_432] : memref<2564x2x128xi32, #tpu.memory_space<hbm>> -> memref<1x2x128xi32, #tpu.memory_space<hbm>>
      %dma_start3A_434 = tpu.memref_squeeze %dma_start3A_433 : memref<1x2x128xi32, #tpu.memory_space<hbm>> -> memref<2x128xi32, #tpu.memory_space<hbm>>
      tpu.enqueue_dma source(%dma_start3A_434 : memref<2x128xi32, #tpu.memory_space<hbm>>) target(%arg9 : memref<2x128xi32, #tpu.memory_space<vmem>>) target_semaphore(%arg15 : memref<!tpu.dma_semaphore, #tpu.memory_space<semaphore_mem>>)
      %dma_start3A_435 = arith.constant 0 : i32
      %dma_start3A_436 = arith.constant 0 : i32
      %dma_start3A_437 = tpu.memref_slice %arg11[%dma_start3A_435, %dma_start3A_436] : memref<2x128xi32, #tpu.memory_space<vmem>> -> memref<1x128xi32, #tpu.memory_space<vmem>>
      %dma_start3A_438 = tpu.memref_squeeze %dma_start3A_437 : memref<1x128xi32, #tpu.memory_space<vmem>> -> memref<128xi32, #tpu.memory_space<vmem>>
      %dma_start3A_439 = arith.constant 0 : i32
      %dma_start3A_440 = arith.constant 0 : i32
      %dma_start3A_441 = tpu.memref_slice %arg2[%dma_start3A_439, %dma_start3A_440] : memref<10112x144xf32, #tpu.memory_space<hbm>> -> memref<10112x144xf32, #tpu.memory_space<hbm>>
      tpu.enqueue_indirect_dma source(%dma_start3A_441 : memref<10112x144xf32, #tpu.memory_space<hbm>>) target(%arg13 : memref<128x144xf32, #tpu.memory_space<vmem>>) offsets(%dma_start3A_438 : memref<128xi32, #tpu.memory_space<vmem>>) semaphore(%arg16 : memref<!tpu.dma_semaphore, #tpu.memory_space<semaphore_mem>>)
      %scan3A = arith.constant 0 : i32
      %scan3A_442 = arith.constant 0 : i32
      %scan3A_443 = arith.constant 79 : i32
      %scan3A_444 = arith.addi %scan3A_442, %scan3A_443 : i32
      %scan3A_445 = arith.constant 1 : i32
      scf.for %scan3A_491 = %scan3A_442 to %scan3A_444 step %scan3A_445  : i32 {
        %mul3A_492 = arith.constant 2 : i32
        %mul3A_493 = arith.muli %mul3A_492, %scan3A_491 : i32
        %add3A_494 = arith.constant 1 : i32
        %add3A_495 = arith.addi %mul3A_493, %add3A_494 : i32
        %dma_wait3A_496 = arith.constant 0 : i32
        %dma_wait3A_497 = arith.constant 0 : i32
        %dma_wait3A_498 = tpu.memref_slice %arg11[%dma_wait3A_496, %dma_wait3A_497] : memref<2x128xi32, #tpu.memory_space<vmem>> -> memref<1x128xi32, #tpu.memory_space<vmem>>
        %dma_wait3A_499 = tpu.memref_squeeze %dma_wait3A_498 : memref<1x128xi32, #tpu.memory_space<vmem>> -> memref<128xi32, #tpu.memory_space<vmem>>
        %dma_wait3A_500 = arith.constant 0 : i32
        %dma_wait3A_501 = arith.constant 0 : i32
        %dma_wait3A_502 = tpu.memref_slice %arg2[%dma_wait3A_500, %dma_wait3A_501] : memref<10112x144xf32, #tpu.memory_space<hbm>> -> memref<10112x144xf32, #tpu.memory_space<hbm>>
        tpu.wait_indirect_dma semaphore(%arg16 : memref<!tpu.dma_semaphore, #tpu.memory_space<semaphore_mem>>) src(%dma_wait3A_502 : memref<10112x144xf32, #tpu.memory_space<hbm>>) dst(%arg13 : memref<128x144xf32, #tpu.memory_space<vmem>>)
        %dma_start3A_503 = arith.constant 1 : i32
        %dma_start3A_504 = arith.constant 0 : i32
        %dma_start3A_505 = tpu.memref_slice %arg11[%dma_start3A_503, %dma_start3A_504] : memref<2x128xi32, #tpu.memory_space<vmem>> -> memref<1x128xi32, #tpu.memory_space<vmem>>
        %dma_start3A_506 = tpu.memref_squeeze %dma_start3A_505 : memref<1x128xi32, #tpu.memory_space<vmem>> -> memref<128xi32, #tpu.memory_space<vmem>>
        %dma_start3A_507 = arith.constant 0 : i32
        %dma_start3A_508 = arith.constant 0 : i32
        %dma_start3A_509 = tpu.memref_slice %arg7[%dma_start3A_507, %dma_start3A_508] : memref<10112x144xf32, #tpu.memory_space<vmem_shared>> -> memref<10112x144xf32, #tpu.memory_space<vmem_shared>>
        tpu.enqueue_indirect_dma source(%arg13 : memref<128x144xf32, #tpu.memory_space<vmem>>) target(%dma_start3A_509 : memref<10112x144xf32, #tpu.memory_space<vmem_shared>>) offsets(%dma_start3A_506 : memref<128xi32, #tpu.memory_space<vmem>>) semaphore(%arg18 : memref<!tpu.dma_semaphore, #tpu.memory_space<semaphore_mem>>) {add = true}
        %dma_wait3A_510 = arith.constant 0 : i32
        %dma_wait3A_511 = arith.constant 0 : i32
        %dma_wait3A_512 = tpu.memref_slice %arg4[%mul3A_2, %dma_wait3A_510, %dma_wait3A_511] : memref<2564x2x128xi32, #tpu.memory_space<hbm>> -> memref<1x2x128xi32, #tpu.memory_space<hbm>>
        %dma_wait3A_513 = tpu.memref_squeeze %dma_wait3A_512 : memref<1x2x128xi32, #tpu.memory_space<hbm>> -> memref<2x128xi32, #tpu.memory_space<hbm>>
        %dma_wait3A_514 = arith.constant 0 : i32
        %dma_wait3A_515 = arith.constant 0 : i32
        %dma_wait3A_516 = tpu.memref_slice %arg4[%mul3A_2, %dma_wait3A_514, %dma_wait3A_515] : memref<2564x2x128xi32, #tpu.memory_space<hbm>> -> memref<1x2x128xi32, #tpu.memory_space<hbm>>
        %dma_wait3A_517 = tpu.memref_squeeze %dma_wait3A_516 : memref<1x2x128xi32, #tpu.memory_space<hbm>> -> memref<2x128xi32, #tpu.memory_space<hbm>>
        tpu.wait_dma2 semaphore(%arg14 : memref<!tpu.dma_semaphore, #tpu.memory_space<semaphore_mem>>) src(%dma_wait3A_517 : memref<2x128xi32, #tpu.memory_space<hbm>>) dst(%arg8 : memref<2x128xi32, #tpu.memory_space<vmem>>)
        %dma_wait3A_518 = arith.constant 1 : i32
        %dma_wait3A_519 = arith.constant 0 : i32
        %dma_wait3A_520 = tpu.memref_slice %arg10[%dma_wait3A_518, %dma_wait3A_519] : memref<2x128xi32, #tpu.memory_space<vmem>> -> memref<1x128xi32, #tpu.memory_space<vmem>>
        %dma_wait3A_521 = tpu.memref_squeeze %dma_wait3A_520 : memref<1x128xi32, #tpu.memory_space<vmem>> -> memref<128xi32, #tpu.memory_space<vmem>>
        %dma_wait3A_522 = arith.constant 0 : i32
        %dma_wait3A_523 = arith.constant 0 : i32
        %dma_wait3A_524 = tpu.memref_slice %arg7[%dma_wait3A_522, %dma_wait3A_523] : memref<10112x144xf32, #tpu.memory_space<vmem_shared>> -> memref<10112x144xf32, #tpu.memory_space<vmem_shared>>
        tpu.wait_indirect_dma semaphore(%arg17 : memref<!tpu.dma_semaphore, #tpu.memory_space<semaphore_mem>>) src(%arg12 : memref<128x144xf32, #tpu.memory_space<vmem>>) dst(%dma_wait3A_524 : memref<10112x144xf32, #tpu.memory_space<vmem_shared>>)
        %get3A_525 = arith.constant 0 : i32
        %get3A_526 = arith.index_cast %get3A_525 : i32 to index
        %get3A_527 = arith.constant 0 : index
        %get3A_528 = tpu.vector_load %arg8[%get3A_526, %get3A_527] {strides = array<i32>} : memref<2x128xi32, #tpu.memory_space<vmem>>, vector<1x16xi32>,
        %get3A_529 = vector.shape_cast %get3A_528 : vector<1x16xi32> to vector<16xi32>
        %swap3A_530 = arith.constant 0 : i32
        %swap3A_531 = arith.index_cast %swap3A_530 : i32 to index
        %swap3A_532 = arith.constant 0 : index
        %swap3A_533 = tpu.vector_load %arg10[%swap3A_531, %swap3A_532] {strides = array<i32>} : memref<2x128xi32, #tpu.memory_space<vmem>>, vector<1x16xi32>,
        %swap3A_534 = vector.shape_cast %swap3A_533 : vector<1x16xi32> to vector<16xi32>
        %swap3A_535 = vector.shape_cast %get3A_529 : vector<16xi32> to vector<1x16xi32>
        tpu.vector_store %arg10[%swap3A_531, %swap3A_532], %swap3A_535 {strides = array<i32>} : memref<2x128xi32, #tpu.memory_space<vmem>>, vector<1x16xi32>,
        %get3A_536 = arith.constant 0 : i32
        %get3A_537 = arith.index_cast %get3A_536 : i32 to index
        %get3A_538 = arith.constant 16 : index
        %get3A_539 = tpu.vector_load %arg8[%get3A_537, %get3A_538] {strides = array<i32>} : memref<2x128xi32, #tpu.memory_space<vmem>>, vector<1x16xi32>,
        %get3A_540 = vector.shape_cast %get3A_539 : vector<1x16xi32> to vector<16xi32>
        %swap3A_541 = arith.constant 0 : i32
        %swap3A_542 = arith.index_cast %swap3A_541 : i32 to index
        %swap3A_543 = arith.constant 16 : index
        %swap3A_544 = tpu.vector_load %arg10[%swap3A_542, %swap3A_543] {strides = array<i32>} : memref<2x128xi32, #tpu.memory_space<vmem>>, vector<1x16xi32>,
        %swap3A_545 = vector.shape_cast %swap3A_544 : vector<1x16xi32> to vector<16xi32>
        %swap3A_546 = vector.shape_cast %get3A_540 : vector<16xi32> to vector<1x16xi32>
        tpu.vector_store %arg10[%swap3A_542, %swap3A_543], %swap3A_546 {strides = array<i32>} : memref<2x128xi32, #tpu.memory_space<vmem>>, vector<1x16xi32>,
        %get3A_547 = arith.constant 0 : i32
        %get3A_548 = arith.index_cast %get3A_547 : i32 to index
        %get3A_549 = arith.constant 32 : index
        %get3A_550 = tpu.vector_load %arg8[%get3A_548, %get3A_549] {strides = array<i32>} : memref<2x128xi32, #tpu.memory_space<vmem>>, vector<1x16xi32>,
        %get3A_551 = vector.shape_cast %get3A_550 : vector<1x16xi32> to vector<16xi32>
        %swap3A_552 = arith.constant 0 : i32
        %swap3A_553 = arith.index_cast %swap3A_552 : i32 to index
        %swap3A_554 = arith.constant 32 : index
        %swap3A_555 = tpu.vector_load %arg10[%swap3A_553, %swap3A_554] {strides = array<i32>} : memref<2x128xi32, #tpu.memory_space<vmem>>, vector<1x16xi32>,
        %swap3A_556 = vector.shape_cast %swap3A_555 : vector<1x16xi32> to vector<16xi32>
        %swap3A_557 = vector.shape_cast %get3A_551 : vector<16xi32> to vector<1x16xi32>
        tpu.vector_store %arg10[%swap3A_553, %swap3A_554], %swap3A_557 {strides = array<i32>} : memref<2x128xi32, #tpu.memory_space<vmem>>, vector<1x16xi32>,
        %get3A_558 = arith.constant 0 : i32
        %get3A_559 = arith.index_cast %get3A_558 : i32 to index
        %get3A_560 = arith.constant 48 : index
        %get3A_561 = tpu.vector_load %arg8[%get3A_559, %get3A_560] {strides = array<i32>} : memref<2x128xi32, #tpu.memory_space<vmem>>, vector<1x16xi32>,
        %get3A_562 = vector.shape_cast %get3A_561 : vector<1x16xi32> to vector<16xi32>
        %swap3A_563 = arith.constant 0 : i32
        %swap3A_564 = arith.index_cast %swap3A_563 : i32 to index
        %swap3A_565 = arith.constant 48 : index
        %swap3A_566 = tpu.vector_load %arg10[%swap3A_564, %swap3A_565] {strides = array<i32>} : memref<2x128xi32, #tpu.memory_space<vmem>>, vector<1x16xi32>,
        %swap3A_567 = vector.shape_cast %swap3A_566 : vector<1x16xi32> to vector<16xi32>
        %swap3A_568 = vector.shape_cast %get3A_562 : vector<16xi32> to vector<1x16xi32>
        tpu.vector_store %arg10[%swap3A_564, %swap3A_565], %swap3A_568 {strides = array<i32>} : memref<2x128xi32, #tpu.memory_space<vmem>>, vector<1x16xi32>,
        %get3A_569 = arith.constant 0 : i32
        %get3A_570 = arith.index_cast %get3A_569 : i32 to index
        %get3A_571 = arith.constant 64 : index
        %get3A_572 = tpu.vector_load %arg8[%get3A_570, %get3A_571] {strides = array<i32>} : memref<2x128xi32, #tpu.memory_space<vmem>>, vector<1x16xi32>,
        %get3A_573 = vector.shape_cast %get3A_572 : vector<1x16xi32> to vector<16xi32>
        %swap3A_574 = arith.constant 0 : i32
        %swap3A_575 = arith.index_cast %swap3A_574 : i32 to index
        %swap3A_576 = arith.constant 64 : index
        %swap3A_577 = tpu.vector_load %arg10[%swap3A_575, %swap3A_576] {strides = array<i32>} : memref<2x128xi32, #tpu.memory_space<vmem>>, vector<1x16xi32>,
        %swap3A_578 = vector.shape_cast %swap3A_577 : vector<1x16xi32> to vector<16xi32>
        %swap3A_579 = vector.shape_cast %get3A_573 : vector<16xi32> to vector<1x16xi32>
        tpu.vector_store %arg10[%swap3A_575, %swap3A_576], %swap3A_579 {strides = array<i32>} : memref<2x128xi32, #tpu.memory_space<vmem>>, vector<1x16xi32>,
        %get3A_580 = arith.constant 0 : i32
        %get3A_581 = arith.index_cast %get3A_580 : i32 to index
        %get3A_582 = arith.constant 80 : index
        %get3A_583 = tpu.vector_load %arg8[%get3A_581, %get3A_582] {strides = array<i32>} : memref<2x128xi32, #tpu.memory_space<vmem>>, vector<1x16xi32>,
        %get3A_584 = vector.shape_cast %get3A_583 : vector<1x16xi32> to vector<16xi32>
        %swap3A_585 = arith.constant 0 : i32
        %swap3A_586 = arith.index_cast %swap3A_585 : i32 to index
        %swap3A_587 = arith.constant 80 : index
        %swap3A_588 = tpu.vector_load %arg10[%swap3A_586, %swap3A_587] {strides = array<i32>} : memref<2x128xi32, #tpu.memory_space<vmem>>, vector<1x16xi32>,
        %swap3A_589 = vector.shape_cast %swap3A_588 : vector<1x16xi32> to vector<16xi32>
        %swap3A_590 = vector.shape_cast %get3A_584 : vector<16xi32> to vector<1x16xi32>
        tpu.vector_store %arg10[%swap3A_586, %swap3A_587], %swap3A_590 {strides = array<i32>} : memref<2x128xi32, #tpu.memory_space<vmem>>, vector<1x16xi32>,
        %get3A_591 = arith.constant 0 : i32
        %get3A_592 = arith.index_cast %get3A_591 : i32 to index
        %get3A_593 = arith.constant 96 : index
        %get3A_594 = tpu.vector_load %arg8[%get3A_592, %get3A_593] {strides = array<i32>} : memref<2x128xi32, #tpu.memory_space<vmem>>, vector<1x16xi32>,
        %get3A_595 = vector.shape_cast %get3A_594 : vector<1x16xi32> to vector<16xi32>
        %swap3A_596 = arith.constant 0 : i32
        %swap3A_597 = arith.index_cast %swap3A_596 : i32 to index
        %swap3A_598 = arith.constant 96 : index
        %swap3A_599 = tpu.vector_load %arg10[%swap3A_597, %swap3A_598] {strides = array<i32>} : memref<2x128xi32, #tpu.memory_space<vmem>>, vector<1x16xi32>,
        %swap3A_600 = vector.shape_cast %swap3A_599 : vector<1x16xi32> to vector<16xi32>
        %swap3A_601 = vector.shape_cast %get3A_595 : vector<16xi32> to vector<1x16xi32>
        tpu.vector_store %arg10[%swap3A_597, %swap3A_598], %swap3A_601 {strides = array<i32>} : memref<2x128xi32, #tpu.memory_space<vmem>>, vector<1x16xi32>,
        %get3A_602 = arith.constant 0 : i32
        %get3A_603 = arith.index_cast %get3A_602 : i32 to index
        %get3A_604 = arith.constant 112 : index
        %get3A_605 = tpu.vector_load %arg8[%get3A_603, %get3A_604] {strides = array<i32>} : memref<2x128xi32, #tpu.memory_space<vmem>>, vector<1x16xi32>,
        %get3A_606 = vector.shape_cast %get3A_605 : vector<1x16xi32> to vector<16xi32>
        %swap3A_607 = arith.constant 0 : i32
        %swap3A_608 = arith.index_cast %swap3A_607 : i32 to index
        %swap3A_609 = arith.constant 112 : index
        %swap3A_610 = tpu.vector_load %arg10[%swap3A_608, %swap3A_609] {strides = array<i32>} : memref<2x128xi32, #tpu.memory_space<vmem>>, vector<1x16xi32>,
        %swap3A_611 = vector.shape_cast %swap3A_610 : vector<1x16xi32> to vector<16xi32>
        %swap3A_612 = vector.shape_cast %get3A_606 : vector<16xi32> to vector<1x16xi32>
        tpu.vector_store %arg10[%swap3A_608, %swap3A_609], %swap3A_612 {strides = array<i32>} : memref<2x128xi32, #tpu.memory_space<vmem>>, vector<1x16xi32>,
        %get3A_613 = arith.constant 1 : i32
        %get3A_614 = arith.index_cast %get3A_613 : i32 to index
        %get3A_615 = arith.constant 0 : index
        %get3A_616 = tpu.vector_load %arg8[%get3A_614, %get3A_615] {strides = array<i32>} : memref<2x128xi32, #tpu.memory_space<vmem>>, vector<1x16xi32>,
        %get3A_617 = vector.shape_cast %get3A_616 : vector<1x16xi32> to vector<16xi32>
        %swap3A_618 = arith.constant 1 : i32
        %swap3A_619 = arith.index_cast %swap3A_618 : i32 to index
        %swap3A_620 = arith.constant 0 : index
        %swap3A_621 = tpu.vector_load %arg10[%swap3A_619, %swap3A_620] {strides = array<i32>} : memref<2x128xi32, #tpu.memory_space<vmem>>, vector<1x16xi32>,
        %swap3A_622 = vector.shape_cast %swap3A_621 : vector<1x16xi32> to vector<16xi32>
        %swap3A_623 = vector.shape_cast %get3A_617 : vector<16xi32> to vector<1x16xi32>
        tpu.vector_store %arg10[%swap3A_619, %swap3A_620], %swap3A_623 {strides = array<i32>} : memref<2x128xi32, #tpu.memory_space<vmem>>, vector<1x16xi32>,
        %get3A_624 = arith.constant 1 : i32
        %get3A_625 = arith.index_cast %get3A_624 : i32 to index
        %get3A_626 = arith.constant 16 : index
        %get3A_627 = tpu.vector_load %arg8[%get3A_625, %get3A_626] {strides = array<i32>} : memref<2x128xi32, #tpu.memory_space<vmem>>, vector<1x16xi32>,
        %get3A_628 = vector.shape_cast %get3A_627 : vector<1x16xi32> to vector<16xi32>
        %swap3A_629 = arith.constant 1 : i32
        %swap3A_630 = arith.index_cast %swap3A_629 : i32 to index
        %swap3A_631 = arith.constant 16 : index
        %swap3A_632 = tpu.vector_load %arg10[%swap3A_630, %swap3A_631] {strides = array<i32>} : memref<2x128xi32, #tpu.memory_space<vmem>>, vector<1x16xi32>,
        %swap3A_633 = vector.shape_cast %swap3A_632 : vector<1x16xi32> to vector<16xi32>
        %swap3A_634 = vector.shape_cast %get3A_628 : vector<16xi32> to vector<1x16xi32>
        tpu.vector_store %arg10[%swap3A_630, %swap3A_631], %swap3A_634 {strides = array<i32>} : memref<2x128xi32, #tpu.memory_space<vmem>>, vector<1x16xi32>,
        %get3A_635 = arith.constant 1 : i32
        %get3A_636 = arith.index_cast %get3A_635 : i32 to index
        %get3A_637 = arith.constant 32 : index
        %get3A_638 = tpu.vector_load %arg8[%get3A_636, %get3A_637] {strides = array<i32>} : memref<2x128xi32, #tpu.memory_space<vmem>>, vector<1x16xi32>,
        %get3A_639 = vector.shape_cast %get3A_638 : vector<1x16xi32> to vector<16xi32>
        %swap3A_640 = arith.constant 1 : i32
        %swap3A_641 = arith.index_cast %swap3A_640 : i32 to index
        %swap3A_642 = arith.constant 32 : index
        %swap3A_643 = tpu.vector_load %arg10[%swap3A_641, %swap3A_642] {strides = array<i32>} : memref<2x128xi32, #tpu.memory_space<vmem>>, vector<1x16xi32>,
        %swap3A_644 = vector.shape_cast %swap3A_643 : vector<1x16xi32> to vector<16xi32>
        %swap3A_645 = vector.shape_cast %get3A_639 : vector<16xi32> to vector<1x16xi32>
        tpu.vector_store %arg10[%swap3A_641, %swap3A_642], %swap3A_645 {strides = array<i32>} : memref<2x128xi32, #tpu.memory_space<vmem>>, vector<1x16xi32>,
        %get3A_646 = arith.constant 1 : i32
        %get3A_647 = arith.index_cast %get3A_646 : i32 to index
        %get3A_648 = arith.constant 48 : index
        %get3A_649 = tpu.vector_load %arg8[%get3A_647, %get3A_648] {strides = array<i32>} : memref<2x128xi32, #tpu.memory_space<vmem>>, vector<1x16xi32>,
        %get3A_650 = vector.shape_cast %get3A_649 : vector<1x16xi32> to vector<16xi32>
        %swap3A_651 = arith.constant 1 : i32
        %swap3A_652 = arith.index_cast %swap3A_651 : i32 to index
        %swap3A_653 = arith.constant 48 : index
        %swap3A_654 = tpu.vector_load %arg10[%swap3A_652, %swap3A_653] {strides = array<i32>} : memref<2x128xi32, #tpu.memory_space<vmem>>, vector<1x16xi32>,
        %swap3A_655 = vector.shape_cast %swap3A_654 : vector<1x16xi32> to vector<16xi32>
        %swap3A_656 = vector.shape_cast %get3A_650 : vector<16xi32> to vector<1x16xi32>
        tpu.vector_store %arg10[%swap3A_652, %swap3A_653], %swap3A_656 {strides = array<i32>} : memref<2x128xi32, #tpu.memory_space<vmem>>, vector<1x16xi32>,
        %get3A_657 = arith.constant 1 : i32
        %get3A_658 = arith.index_cast %get3A_657 : i32 to index
        %get3A_659 = arith.constant 64 : index
        %get3A_660 = tpu.vector_load %arg8[%get3A_658, %get3A_659] {strides = array<i32>} : memref<2x128xi32, #tpu.memory_space<vmem>>, vector<1x16xi32>,
        %get3A_661 = vector.shape_cast %get3A_660 : vector<1x16xi32> to vector<16xi32>
        %swap3A_662 = arith.constant 1 : i32
        %swap3A_663 = arith.index_cast %swap3A_662 : i32 to index
        %swap3A_664 = arith.constant 64 : index
        %swap3A_665 = tpu.vector_load %arg10[%swap3A_663, %swap3A_664] {strides = array<i32>} : memref<2x128xi32, #tpu.memory_space<vmem>>, vector<1x16xi32>,
        %swap3A_666 = vector.shape_cast %swap3A_665 : vector<1x16xi32> to vector<16xi32>
        %swap3A_667 = vector.shape_cast %get3A_661 : vector<16xi32> to vector<1x16xi32>
        tpu.vector_store %arg10[%swap3A_663, %swap3A_664], %swap3A_667 {strides = array<i32>} : memref<2x128xi32, #tpu.memory_space<vmem>>, vector<1x16xi32>,
        %get3A_668 = arith.constant 1 : i32
        %get3A_669 = arith.index_cast %get3A_668 : i32 to index
        %get3A_670 = arith.constant 80 : index
        %get3A_671 = tpu.vector_load %arg8[%get3A_669, %get3A_670] {strides = array<i32>} : memref<2x128xi32, #tpu.memory_space<vmem>>, vector<1x16xi32>,
        %get3A_672 = vector.shape_cast %get3A_671 : vector<1x16xi32> to vector<16xi32>
        %swap3A_673 = arith.constant 1 : i32
        %swap3A_674 = arith.index_cast %swap3A_673 : i32 to index
        %swap3A_675 = arith.constant 80 : index
        %swap3A_676 = tpu.vector_load %arg10[%swap3A_674, %swap3A_675] {strides = array<i32>} : memref<2x128xi32, #tpu.memory_space<vmem>>, vector<1x16xi32>,
        %swap3A_677 = vector.shape_cast %swap3A_676 : vector<1x16xi32> to vector<16xi32>
        %swap3A_678 = vector.shape_cast %get3A_672 : vector<16xi32> to vector<1x16xi32>
        tpu.vector_store %arg10[%swap3A_674, %swap3A_675], %swap3A_678 {strides = array<i32>} : memref<2x128xi32, #tpu.memory_space<vmem>>, vector<1x16xi32>,
        %get3A_679 = arith.constant 1 : i32
        %get3A_680 = arith.index_cast %get3A_679 : i32 to index
        %get3A_681 = arith.constant 96 : index
        %get3A_682 = tpu.vector_load %arg8[%get3A_680, %get3A_681] {strides = array<i32>} : memref<2x128xi32, #tpu.memory_space<vmem>>, vector<1x16xi32>,
        %get3A_683 = vector.shape_cast %get3A_682 : vector<1x16xi32> to vector<16xi32>
        %swap3A_684 = arith.constant 1 : i32
        %swap3A_685 = arith.index_cast %swap3A_684 : i32 to index
        %swap3A_686 = arith.constant 96 : index
        %swap3A_687 = tpu.vector_load %arg10[%swap3A_685, %swap3A_686] {strides = array<i32>} : memref<2x128xi32, #tpu.memory_space<vmem>>, vector<1x16xi32>,
        %swap3A_688 = vector.shape_cast %swap3A_687 : vector<1x16xi32> to vector<16xi32>
        %swap3A_689 = vector.shape_cast %get3A_683 : vector<16xi32> to vector<1x16xi32>
        tpu.vector_store %arg10[%swap3A_685, %swap3A_686], %swap3A_689 {strides = array<i32>} : memref<2x128xi32, #tpu.memory_space<vmem>>, vector<1x16xi32>,
        %get3A_690 = arith.constant 1 : i32
        %get3A_691 = arith.index_cast %get3A_690 : i32 to index
        %get3A_692 = arith.constant 112 : index
        %get3A_693 = tpu.vector_load %arg8[%get3A_691, %get3A_692] {strides = array<i32>} : memref<2x128xi32, #tpu.memory_space<vmem>>, vector<1x16xi32>,
        %get3A_694 = vector.shape_cast %get3A_693 : vector<1x16xi32> to vector<16xi32>
        %swap3A_695 = arith.constant 1 : i32
        %swap3A_696 = arith.index_cast %swap3A_695 : i32 to index
        %swap3A_697 = arith.constant 112 : index
        %swap3A_698 = tpu.vector_load %arg10[%swap3A_696, %swap3A_697] {strides = array<i32>} : memref<2x128xi32, #tpu.memory_space<vmem>>, vector<1x16xi32>,
        %swap3A_699 = vector.shape_cast %swap3A_698 : vector<1x16xi32> to vector<16xi32>
        %swap3A_700 = vector.shape_cast %get3A_694 : vector<16xi32> to vector<1x16xi32>
        tpu.vector_store %arg10[%swap3A_696, %swap3A_697], %swap3A_700 {strides = array<i32>} : memref<2x128xi32, #tpu.memory_space<vmem>>, vector<1x16xi32>,
        %add3A_701 = arith.constant 3 : i32
        %add3A_702 = arith.addi %add3A_495, %add3A_701 : i32
        %add3A_703 = arith.addi %mul3A_2, %add3A_702 : i32
        %dma_start3A_704 = arith.constant 0 : i32
        %dma_start3A_705 = arith.constant 0 : i32
        %dma_start3A_706 = tpu.memref_slice %arg4[%add3A_703, %dma_start3A_704, %dma_start3A_705] : memref<2564x2x128xi32, #tpu.memory_space<hbm>> -> memref<1x2x128xi32, #tpu.memory_space<hbm>>
        %dma_start3A_707 = tpu.memref_squeeze %dma_start3A_706 : memref<1x2x128xi32, #tpu.memory_space<hbm>> -> memref<2x128xi32, #tpu.memory_space<hbm>>
        %dma_start3A_708 = arith.constant 0 : i32
        %dma_start3A_709 = arith.constant 0 : i32
        %dma_start3A_710 = tpu.memref_slice %arg4[%add3A_703, %dma_start3A_708, %dma_start3A_709] : memref<2564x2x128xi32, #tpu.memory_space<hbm>> -> memref<1x2x128xi32, #tpu.memory_space<hbm>>
        %dma_start3A_711 = tpu.memref_squeeze %dma_start3A_710 : memref<1x2x128xi32, #tpu.memory_space<hbm>> -> memref<2x128xi32, #tpu.memory_space<hbm>>
        tpu.enqueue_dma source(%dma_start3A_711 : memref<2x128xi32, #tpu.memory_space<hbm>>) target(%arg8 : memref<2x128xi32, #tpu.memory_space<vmem>>) target_semaphore(%arg14 : memref<!tpu.dma_semaphore, #tpu.memory_space<semaphore_mem>>)
        %dma_start3A_712 = arith.constant 0 : i32
        %dma_start3A_713 = arith.constant 0 : i32
        %dma_start3A_714 = tpu.memref_slice %arg10[%dma_start3A_712, %dma_start3A_713] : memref<2x128xi32, #tpu.memory_space<vmem>> -> memref<1x128xi32, #tpu.memory_space<vmem>>
        %dma_start3A_715 = tpu.memref_squeeze %dma_start3A_714 : memref<1x128xi32, #tpu.memory_space<vmem>> -> memref<128xi32, #tpu.memory_space<vmem>>
        %dma_start3A_716 = arith.constant 0 : i32
        %dma_start3A_717 = arith.constant 0 : i32
        %dma_start3A_718 = tpu.memref_slice %arg2[%dma_start3A_716, %dma_start3A_717] : memref<10112x144xf32, #tpu.memory_space<hbm>> -> memref<10112x144xf32, #tpu.memory_space<hbm>>
        tpu.enqueue_indirect_dma source(%dma_start3A_718 : memref<10112x144xf32, #tpu.memory_space<hbm>>) target(%arg12 : memref<128x144xf32, #tpu.memory_space<vmem>>) offsets(%dma_start3A_715 : memref<128xi32, #tpu.memory_space<vmem>>) semaphore(%arg16 : memref<!tpu.dma_semaphore, #tpu.memory_space<semaphore_mem>>)
        %dma_wait3A_719 = arith.constant 0 : i32
        %dma_wait3A_720 = arith.constant 0 : i32
        %dma_wait3A_721 = tpu.memref_slice %arg10[%dma_wait3A_719, %dma_wait3A_720] : memref<2x128xi32, #tpu.memory_space<vmem>> -> memref<1x128xi32, #tpu.memory_space<vmem>>
        %dma_wait3A_722 = tpu.memref_squeeze %dma_wait3A_721 : memref<1x128xi32, #tpu.memory_space<vmem>> -> memref<128xi32, #tpu.memory_space<vmem>>
        %dma_wait3A_723 = arith.constant 0 : i32
        %dma_wait3A_724 = arith.constant 0 : i32
        %dma_wait3A_725 = tpu.memref_slice %arg2[%dma_wait3A_723, %dma_wait3A_724] : memref<10112x144xf32, #tpu.memory_space<hbm>> -> memref<10112x144xf32, #tpu.memory_space<hbm>>
        tpu.wait_indirect_dma semaphore(%arg16 : memref<!tpu.dma_semaphore, #tpu.memory_space<semaphore_mem>>) src(%dma_wait3A_725 : memref<10112x144xf32, #tpu.memory_space<hbm>>) dst(%arg12 : memref<128x144xf32, #tpu.memory_space<vmem>>)
        %dma_start3A_726 = arith.constant 1 : i32
        %dma_start3A_727 = arith.constant 0 : i32
        %dma_start3A_728 = tpu.memref_slice %arg10[%dma_start3A_726, %dma_start3A_727] : memref<2x128xi32, #tpu.memory_space<vmem>> -> memref<1x128xi32, #tpu.memory_space<vmem>>
        %dma_start3A_729 = tpu.memref_squeeze %dma_start3A_728 : memref<1x128xi32, #tpu.memory_space<vmem>> -> memref<128xi32, #tpu.memory_space<vmem>>
        %dma_start3A_730 = arith.constant 0 : i32
        %dma_start3A_731 = arith.constant 0 : i32
        %dma_start3A_732 = tpu.memref_slice %arg7[%dma_start3A_730, %dma_start3A_731] : memref<10112x144xf32, #tpu.memory_space<vmem_shared>> -> memref<10112x144xf32, #tpu.memory_space<vmem_shared>>
        tpu.enqueue_indirect_dma source(%arg12 : memref<128x144xf32, #tpu.memory_space<vmem>>) target(%dma_start3A_732 : memref<10112x144xf32, #tpu.memory_space<vmem_shared>>) offsets(%dma_start3A_729 : memref<128xi32, #tpu.memory_space<vmem>>) semaphore(%arg17 : memref<!tpu.dma_semaphore, #tpu.memory_space<semaphore_mem>>) {add = true}
        %dma_wait3A_733 = arith.constant 0 : i32
        %dma_wait3A_734 = arith.constant 0 : i32
        %dma_wait3A_735 = tpu.memref_slice %arg4[%mul3A_2, %dma_wait3A_733, %dma_wait3A_734] : memref<2564x2x128xi32, #tpu.memory_space<hbm>> -> memref<1x2x128xi32, #tpu.memory_space<hbm>>
        %dma_wait3A_736 = tpu.memref_squeeze %dma_wait3A_735 : memref<1x2x128xi32, #tpu.memory_space<hbm>> -> memref<2x128xi32, #tpu.memory_space<hbm>>
        %dma_wait3A_737 = arith.constant 0 : i32
        %dma_wait3A_738 = arith.constant 0 : i32
        %dma_wait3A_739 = tpu.memref_slice %arg4[%mul3A_2, %dma_wait3A_737, %dma_wait3A_738] : memref<2564x2x128xi32, #tpu.memory_space<hbm>> -> memref<1x2x128xi32, #tpu.memory_space<hbm>>
        %dma_wait3A_740 = tpu.memref_squeeze %dma_wait3A_739 : memref<1x2x128xi32, #tpu.memory_space<hbm>> -> memref<2x128xi32, #tpu.memory_space<hbm>>
        tpu.wait_dma2 semaphore(%arg15 : memref<!tpu.dma_semaphore, #tpu.memory_space<semaphore_mem>>) src(%dma_wait3A_740 : memref<2x128xi32, #tpu.memory_space<hbm>>) dst(%arg9 : memref<2x128xi32, #tpu.memory_space<vmem>>)
        %dma_wait3A_741 = arith.constant 1 : i32
        %dma_wait3A_742 = arith.constant 0 : i32
        %dma_wait3A_743 = tpu.memref_slice %arg11[%dma_wait3A_741, %dma_wait3A_742] : memref<2x128xi32, #tpu.memory_space<vmem>> -> memref<1x128xi32, #tpu.memory_space<vmem>>
        %dma_wait3A_744 = tpu.memref_squeeze %dma_wait3A_743 : memref<1x128xi32, #tpu.memory_space<vmem>> -> memref<128xi32, #tpu.memory_space<vmem>>
        %dma_wait3A_745 = arith.constant 0 : i32
        %dma_wait3A_746 = arith.constant 0 : i32
        %dma_wait3A_747 = tpu.memref_slice %arg7[%dma_wait3A_745, %dma_wait3A_746] : memref<10112x144xf32, #tpu.memory_space<vmem_shared>> -> memref<10112x144xf32, #tpu.memory_space<vmem_shared>>
        tpu.wait_indirect_dma semaphore(%arg18 : memref<!tpu.dma_semaphore, #tpu.memory_space<semaphore_mem>>) src(%arg13 : memref<128x144xf32, #tpu.memory_space<vmem>>) dst(%dma_wait3A_747 : memref<10112x144xf32, #tpu.memory_space<vmem_shared>>)
        %get3A_748 = arith.constant 0 : i32
        %get3A_749 = arith.index_cast %get3A_748 : i32 to index
        %get3A_750 = arith.constant 0 : index
        %get3A_751 = tpu.vector_load %arg9[%get3A_749, %get3A_750] {strides = array<i32>} : memref<2x128xi32, #tpu.memory_space<vmem>>, vector<1x16xi32>,
        %get3A_752 = vector.shape_cast %get3A_751 : vector<1x16xi32> to vector<16xi32>
        %swap3A_753 = arith.constant 0 : i32
        %swap3A_754 = arith.index_cast %swap3A_753 : i32 to index
        %swap3A_755 = arith.constant 0 : index
        %swap3A_756 = tpu.vector_load %arg11[%swap3A_754, %swap3A_755] {strides = array<i32>} : memref<2x128xi32, #tpu.memory_space<vmem>>, vector<1x16xi32>,
        %swap3A_757 = vector.shape_cast %swap3A_756 : vector<1x16xi32> to vector<16xi32>
        %swap3A_758 = vector.shape_cast %get3A_752 : vector<16xi32> to vector<1x16xi32>
        tpu.vector_store %arg11[%swap3A_754, %swap3A_755], %swap3A_758 {strides = array<i32>} : memref<2x128xi32, #tpu.memory_space<vmem>>, vector<1x16xi32>,
        %get3A_759 = arith.constant 0 : i32
        %get3A_760 = arith.index_cast %get3A_759 : i32 to index
        %get3A_761 = arith.constant 16 : index
        %get3A_762 = tpu.vector_load %arg9[%get3A_760, %get3A_761] {strides = array<i32>} : memref<2x128xi32, #tpu.memory_space<vmem>>, vector<1x16xi32>,
        %get3A_763 = vector.shape_cast %get3A_762 : vector<1x16xi32> to vector<16xi32>
        %swap3A_764 = arith.constant 0 : i32
        %swap3A_765 = arith.index_cast %swap3A_764 : i32 to index
        %swap3A_766 = arith.constant 16 : index
        %swap3A_767 = tpu.vector_load %arg11[%swap3A_765, %swap3A_766] {strides = array<i32>} : memref<2x128xi32, #tpu.memory_space<vmem>>, vector<1x16xi32>,
        %swap3A_768 = vector.shape_cast %swap3A_767 : vector<1x16xi32> to vector<16xi32>
        %swap3A_769 = vector.shape_cast %get3A_763 : vector<16xi32> to vector<1x16xi32>
        tpu.vector_store %arg11[%swap3A_765, %swap3A_766], %swap3A_769 {strides = array<i32>} : memref<2x128xi32, #tpu.memory_space<vmem>>, vector<1x16xi32>,
        %get3A_770 = arith.constant 0 : i32
        %get3A_771 = arith.index_cast %get3A_770 : i32 to index
        %get3A_772 = arith.constant 32 : index
        %get3A_773 = tpu.vector_load %arg9[%get3A_771, %get3A_772] {strides = array<i32>} : memref<2x128xi32, #tpu.memory_space<vmem>>, vector<1x16xi32>,
        %get3A_774 = vector.shape_cast %get3A_773 : vector<1x16xi32> to vector<16xi32>
        %swap3A_775 = arith.constant 0 : i32
        %swap3A_776 = arith.index_cast %swap3A_775 : i32 to index
        %swap3A_777 = arith.constant 32 : index
        %swap3A_778 = tpu.vector_load %arg11[%swap3A_776, %swap3A_777] {strides = array<i32>} : memref<2x128xi32, #tpu.memory_space<vmem>>, vector<1x16xi32>,
        %swap3A_779 = vector.shape_cast %swap3A_778 : vector<1x16xi32> to vector<16xi32>
        %swap3A_780 = vector.shape_cast %get3A_774 : vector<16xi32> to vector<1x16xi32>
        tpu.vector_store %arg11[%swap3A_776, %swap3A_777], %swap3A_780 {strides = array<i32>} : memref<2x128xi32, #tpu.memory_space<vmem>>, vector<1x16xi32>,
        %get3A_781 = arith.constant 0 : i32
        %get3A_782 = arith.index_cast %get3A_781 : i32 to index
        %get3A_783 = arith.constant 48 : index
        %get3A_784 = tpu.vector_load %arg9[%get3A_782, %get3A_783] {strides = array<i32>} : memref<2x128xi32, #tpu.memory_space<vmem>>, vector<1x16xi32>,
        %get3A_785 = vector.shape_cast %get3A_784 : vector<1x16xi32> to vector<16xi32>
        %swap3A_786 = arith.constant 0 : i32
        %swap3A_787 = arith.index_cast %swap3A_786 : i32 to index
        %swap3A_788 = arith.constant 48 : index
        %swap3A_789 = tpu.vector_load %arg11[%swap3A_787, %swap3A_788] {strides = array<i32>} : memref<2x128xi32, #tpu.memory_space<vmem>>, vector<1x16xi32>,
        %swap3A_790 = vector.shape_cast %swap3A_789 : vector<1x16xi32> to vector<16xi32>
        %swap3A_791 = vector.shape_cast %get3A_785 : vector<16xi32> to vector<1x16xi32>
        tpu.vector_store %arg11[%swap3A_787, %swap3A_788], %swap3A_791 {strides = array<i32>} : memref<2x128xi32, #tpu.memory_space<vmem>>, vector<1x16xi32>,
        %get3A_792 = arith.constant 0 : i32
        %get3A_793 = arith.index_cast %get3A_792 : i32 to index
        %get3A_794 = arith.constant 64 : index
        %get3A_795 = tpu.vector_load %arg9[%get3A_793, %get3A_794] {strides = array<i32>} : memref<2x128xi32, #tpu.memory_space<vmem>>, vector<1x16xi32>,
        %get3A_796 = vector.shape_cast %get3A_795 : vector<1x16xi32> to vector<16xi32>
        %swap3A_797 = arith.constant 0 : i32
        %swap3A_798 = arith.index_cast %swap3A_797 : i32 to index
        %swap3A_799 = arith.constant 64 : index
        %swap3A_800 = tpu.vector_load %arg11[%swap3A_798, %swap3A_799] {strides = array<i32>} : memref<2x128xi32, #tpu.memory_space<vmem>>, vector<1x16xi32>,
        %swap3A_801 = vector.shape_cast %swap3A_800 : vector<1x16xi32> to vector<16xi32>
        %swap3A_802 = vector.shape_cast %get3A_796 : vector<16xi32> to vector<1x16xi32>
        tpu.vector_store %arg11[%swap3A_798, %swap3A_799], %swap3A_802 {strides = array<i32>} : memref<2x128xi32, #tpu.memory_space<vmem>>, vector<1x16xi32>,
        %get3A_803 = arith.constant 0 : i32
        %get3A_804 = arith.index_cast %get3A_803 : i32 to index
        %get3A_805 = arith.constant 80 : index
        %get3A_806 = tpu.vector_load %arg9[%get3A_804, %get3A_805] {strides = array<i32>} : memref<2x128xi32, #tpu.memory_space<vmem>>, vector<1x16xi32>,
        %get3A_807 = vector.shape_cast %get3A_806 : vector<1x16xi32> to vector<16xi32>
        %swap3A_808 = arith.constant 0 : i32
        %swap3A_809 = arith.index_cast %swap3A_808 : i32 to index
        %swap3A_810 = arith.constant 80 : index
        %swap3A_811 = tpu.vector_load %arg11[%swap3A_809, %swap3A_810] {strides = array<i32>} : memref<2x128xi32, #tpu.memory_space<vmem>>, vector<1x16xi32>,
        %swap3A_812 = vector.shape_cast %swap3A_811 : vector<1x16xi32> to vector<16xi32>
        %swap3A_813 = vector.shape_cast %get3A_807 : vector<16xi32> to vector<1x16xi32>
        tpu.vector_store %arg11[%swap3A_809, %swap3A_810], %swap3A_813 {strides = array<i32>} : memref<2x128xi32, #tpu.memory_space<vmem>>, vector<1x16xi32>,
        %get3A_814 = arith.constant 0 : i32
        %get3A_815 = arith.index_cast %get3A_814 : i32 to index
        %get3A_816 = arith.constant 96 : index
        %get3A_817 = tpu.vector_load %arg9[%get3A_815, %get3A_816] {strides = array<i32>} : memref<2x128xi32, #tpu.memory_space<vmem>>, vector<1x16xi32>,
        %get3A_818 = vector.shape_cast %get3A_817 : vector<1x16xi32> to vector<16xi32>
        %swap3A_819 = arith.constant 0 : i32
        %swap3A_820 = arith.index_cast %swap3A_819 : i32 to index
        %swap3A_821 = arith.constant 96 : index
        %swap3A_822 = tpu.vector_load %arg11[%swap3A_820, %swap3A_821] {strides = array<i32>} : memref<2x128xi32, #tpu.memory_space<vmem>>, vector<1x16xi32>,
        %swap3A_823 = vector.shape_cast %swap3A_822 : vector<1x16xi32> to vector<16xi32>
        %swap3A_824 = vector.shape_cast %get3A_818 : vector<16xi32> to vector<1x16xi32>
        tpu.vector_store %arg11[%swap3A_820, %swap3A_821], %swap3A_824 {strides = array<i32>} : memref<2x128xi32, #tpu.memory_space<vmem>>, vector<1x16xi32>,
        %get3A_825 = arith.constant 0 : i32
        %get3A_826 = arith.index_cast %get3A_825 : i32 to index
        %get3A_827 = arith.constant 112 : index
        %get3A_828 = tpu.vector_load %arg9[%get3A_826, %get3A_827] {strides = array<i32>} : memref<2x128xi32, #tpu.memory_space<vmem>>, vector<1x16xi32>,
        %get3A_829 = vector.shape_cast %get3A_828 : vector<1x16xi32> to vector<16xi32>
        %swap3A_830 = arith.constant 0 : i32
        %swap3A_831 = arith.index_cast %swap3A_830 : i32 to index
        %swap3A_832 = arith.constant 112 : index
        %swap3A_833 = tpu.vector_load %arg11[%swap3A_831, %swap3A_832] {strides = array<i32>} : memref<2x128xi32, #tpu.memory_space<vmem>>, vector<1x16xi32>,
        %swap3A_834 = vector.shape_cast %swap3A_833 : vector<1x16xi32> to vector<16xi32>
        %swap3A_835 = vector.shape_cast %get3A_829 : vector<16xi32> to vector<1x16xi32>
        tpu.vector_store %arg11[%swap3A_831, %swap3A_832], %swap3A_835 {strides = array<i32>} : memref<2x128xi32, #tpu.memory_space<vmem>>, vector<1x16xi32>,
        %get3A_836 = arith.constant 1 : i32
        %get3A_837 = arith.index_cast %get3A_836 : i32 to index
        %get3A_838 = arith.constant 0 : index
        %get3A_839 = tpu.vector_load %arg9[%get3A_837, %get3A_838] {strides = array<i32>} : memref<2x128xi32, #tpu.memory_space<vmem>>, vector<1x16xi32>,
        %get3A_840 = vector.shape_cast %get3A_839 : vector<1x16xi32> to vector<16xi32>
        %swap3A_841 = arith.constant 1 : i32
        %swap3A_842 = arith.index_cast %swap3A_841 : i32 to index
        %swap3A_843 = arith.constant 0 : index
        %swap3A_844 = tpu.vector_load %arg11[%swap3A_842, %swap3A_843] {strides = array<i32>} : memref<2x128xi32, #tpu.memory_space<vmem>>, vector<1x16xi32>,
        %swap3A_845 = vector.shape_cast %swap3A_844 : vector<1x16xi32> to vector<16xi32>
        %swap3A_846 = vector.shape_cast %get3A_840 : vector<16xi32> to vector<1x16xi32>
        tpu.vector_store %arg11[%swap3A_842, %swap3A_843], %swap3A_846 {strides = array<i32>} : memref<2x128xi32, #tpu.memory_space<vmem>>, vector<1x16xi32>,
        %get3A_847 = arith.constant 1 : i32
        %get3A_848 = arith.index_cast %get3A_847 : i32 to index
        %get3A_849 = arith.constant 16 : index
        %get3A_850 = tpu.vector_load %arg9[%get3A_848, %get3A_849] {strides = array<i32>} : memref<2x128xi32, #tpu.memory_space<vmem>>, vector<1x16xi32>,
        %get3A_851 = vector.shape_cast %get3A_850 : vector<1x16xi32> to vector<16xi32>
        %swap3A_852 = arith.constant 1 : i32
        %swap3A_853 = arith.index_cast %swap3A_852 : i32 to index
        %swap3A_854 = arith.constant 16 : index
        %swap3A_855 = tpu.vector_load %arg11[%swap3A_853, %swap3A_854] {strides = array<i32>} : memref<2x128xi32, #tpu.memory_space<vmem>>, vector<1x16xi32>,
        %swap3A_856 = vector.shape_cast %swap3A_855 : vector<1x16xi32> to vector<16xi32>
        %swap3A_857 = vector.shape_cast %get3A_851 : vector<16xi32> to vector<1x16xi32>
        tpu.vector_store %arg11[%swap3A_853, %swap3A_854], %swap3A_857 {strides = array<i32>} : memref<2x128xi32, #tpu.memory_space<vmem>>, vector<1x16xi32>,
        %get3A_858 = arith.constant 1 : i32
        %get3A_859 = arith.index_cast %get3A_858 : i32 to index
        %get3A_860 = arith.constant 32 : index
        %get3A_861 = tpu.vector_load %arg9[%get3A_859, %get3A_860] {strides = array<i32>} : memref<2x128xi32, #tpu.memory_space<vmem>>, vector<1x16xi32>,
        %get3A_862 = vector.shape_cast %get3A_861 : vector<1x16xi32> to vector<16xi32>
        %swap3A_863 = arith.constant 1 : i32
        %swap3A_864 = arith.index_cast %swap3A_863 : i32 to index
        %swap3A_865 = arith.constant 32 : index
        %swap3A_866 = tpu.vector_load %arg11[%swap3A_864, %swap3A_865] {strides = array<i32>} : memref<2x128xi32, #tpu.memory_space<vmem>>, vector<1x16xi32>,
        %swap3A_867 = vector.shape_cast %swap3A_866 : vector<1x16xi32> to vector<16xi32>
        %swap3A_868 = vector.shape_cast %get3A_862 : vector<16xi32> to vector<1x16xi32>
        tpu.vector_store %arg11[%swap3A_864, %swap3A_865], %swap3A_868 {strides = array<i32>} : memref<2x128xi32, #tpu.memory_space<vmem>>, vector<1x16xi32>,
        %get3A_869 = arith.constant 1 : i32
        %get3A_870 = arith.index_cast %get3A_869 : i32 to index
        %get3A_871 = arith.constant 48 : index
        %get3A_872 = tpu.vector_load %arg9[%get3A_870, %get3A_871] {strides = array<i32>} : memref<2x128xi32, #tpu.memory_space<vmem>>, vector<1x16xi32>,
        %get3A_873 = vector.shape_cast %get3A_872 : vector<1x16xi32> to vector<16xi32>
        %swap3A_874 = arith.constant 1 : i32
        %swap3A_875 = arith.index_cast %swap3A_874 : i32 to index
        %swap3A_876 = arith.constant 48 : index
        %swap3A_877 = tpu.vector_load %arg11[%swap3A_875, %swap3A_876] {strides = array<i32>} : memref<2x128xi32, #tpu.memory_space<vmem>>, vector<1x16xi32>,
        %swap3A_878 = vector.shape_cast %swap3A_877 : vector<1x16xi32> to vector<16xi32>
        %swap3A_879 = vector.shape_cast %get3A_873 : vector<16xi32> to vector<1x16xi32>
        tpu.vector_store %arg11[%swap3A_875, %swap3A_876], %swap3A_879 {strides = array<i32>} : memref<2x128xi32, #tpu.memory_space<vmem>>, vector<1x16xi32>,
        %get3A_880 = arith.constant 1 : i32
        %get3A_881 = arith.index_cast %get3A_880 : i32 to index
        %get3A_882 = arith.constant 64 : index
        %get3A_883 = tpu.vector_load %arg9[%get3A_881, %get3A_882] {strides = array<i32>} : memref<2x128xi32, #tpu.memory_space<vmem>>, vector<1x16xi32>,
        %get3A_884 = vector.shape_cast %get3A_883 : vector<1x16xi32> to vector<16xi32>
        %swap3A_885 = arith.constant 1 : i32
        %swap3A_886 = arith.index_cast %swap3A_885 : i32 to index
        %swap3A_887 = arith.constant 64 : index
        %swap3A_888 = tpu.vector_load %arg11[%swap3A_886, %swap3A_887] {strides = array<i32>} : memref<2x128xi32, #tpu.memory_space<vmem>>, vector<1x16xi32>,
        %swap3A_889 = vector.shape_cast %swap3A_888 : vector<1x16xi32> to vector<16xi32>
        %swap3A_890 = vector.shape_cast %get3A_884 : vector<16xi32> to vector<1x16xi32>
        tpu.vector_store %arg11[%swap3A_886, %swap3A_887], %swap3A_890 {strides = array<i32>} : memref<2x128xi32, #tpu.memory_space<vmem>>, vector<1x16xi32>,
        %get3A_891 = arith.constant 1 : i32
        %get3A_892 = arith.index_cast %get3A_891 : i32 to index
        %get3A_893 = arith.constant 80 : index
        %get3A_894 = tpu.vector_load %arg9[%get3A_892, %get3A_893] {strides = array<i32>} : memref<2x128xi32, #tpu.memory_space<vmem>>, vector<1x16xi32>,
        %get3A_895 = vector.shape_cast %get3A_894 : vector<1x16xi32> to vector<16xi32>
        %swap3A_896 = arith.constant 1 : i32
        %swap3A_897 = arith.index_cast %swap3A_896 : i32 to index
        %swap3A_898 = arith.constant 80 : index
        %swap3A_899 = tpu.vector_load %arg11[%swap3A_897, %swap3A_898] {strides = array<i32>} : memref<2x128xi32, #tpu.memory_space<vmem>>, vector<1x16xi32>,
        %swap3A_900 = vector.shape_cast %swap3A_899 : vector<1x16xi32> to vector<16xi32>
        %swap3A_901 = vector.shape_cast %get3A_895 : vector<16xi32> to vector<1x16xi32>
        tpu.vector_store %arg11[%swap3A_897, %swap3A_898], %swap3A_901 {strides = array<i32>} : memref<2x128xi32, #tpu.memory_space<vmem>>, vector<1x16xi32>,
        %get3A_902 = arith.constant 1 : i32
        %get3A_903 = arith.index_cast %get3A_902 : i32 to index
        %get3A_904 = arith.constant 96 : index
        %get3A_905 = tpu.vector_load %arg9[%get3A_903, %get3A_904] {strides = array<i32>} : memref<2x128xi32, #tpu.memory_space<vmem>>, vector<1x16xi32>,
        %get3A_906 = vector.shape_cast %get3A_905 : vector<1x16xi32> to vector<16xi32>
        %swap3A_907 = arith.constant 1 : i32
        %swap3A_908 = arith.index_cast %swap3A_907 : i32 to index
        %swap3A_909 = arith.constant 96 : index
        %swap3A_910 = tpu.vector_load %arg11[%swap3A_908, %swap3A_909] {strides = array<i32>} : memref<2x128xi32, #tpu.memory_space<vmem>>, vector<1x16xi32>,
        %swap3A_911 = vector.shape_cast %swap3A_910 : vector<1x16xi32> to vector<16xi32>
        %swap3A_912 = vector.shape_cast %get3A_906 : vector<16xi32> to vector<1x16xi32>
        tpu.vector_store %arg11[%swap3A_908, %swap3A_909], %swap3A_912 {strides = array<i32>} : memref<2x128xi32, #tpu.memory_space<vmem>>, vector<1x16xi32>,
        %get3A_913 = arith.constant 1 : i32
        %get3A_914 = arith.index_cast %get3A_913 : i32 to index
        %get3A_915 = arith.constant 112 : index
        %get3A_916 = tpu.vector_load %arg9[%get3A_914, %get3A_915] {strides = array<i32>} : memref<2x128xi32, #tpu.memory_space<vmem>>, vector<1x16xi32>,
        %get3A_917 = vector.shape_cast %get3A_916 : vector<1x16xi32> to vector<16xi32>
        %swap3A_918 = arith.constant 1 : i32
        %swap3A_919 = arith.index_cast %swap3A_918 : i32 to index
        %swap3A_920 = arith.constant 112 : index
        %swap3A_921 = tpu.vector_load %arg11[%swap3A_919, %swap3A_920] {strides = array<i32>} : memref<2x128xi32, #tpu.memory_space<vmem>>, vector<1x16xi32>,
        %swap3A_922 = vector.shape_cast %swap3A_921 : vector<1x16xi32> to vector<16xi32>
        %swap3A_923 = vector.shape_cast %get3A_917 : vector<16xi32> to vector<1x16xi32>
        tpu.vector_store %arg11[%swap3A_919, %swap3A_920], %swap3A_923 {strides = array<i32>} : memref<2x128xi32, #tpu.memory_space<vmem>>, vector<1x16xi32>,
        %add3A_924 = arith.constant 4 : i32
        %add3A_925 = arith.addi %add3A_495, %add3A_924 : i32
        %add3A_926 = arith.addi %mul3A_2, %add3A_925 : i32
        %dma_start3A_927 = arith.constant 0 : i32
        %dma_start3A_928 = arith.constant 0 : i32
        %dma_start3A_929 = tpu.memref_slice %arg4[%add3A_926, %dma_start3A_927, %dma_start3A_928] : memref<2564x2x128xi32, #tpu.memory_space<hbm>> -> memref<1x2x128xi32, #tpu.memory_space<hbm>>
        %dma_start3A_930 = tpu.memref_squeeze %dma_start3A_929 : memref<1x2x128xi32, #tpu.memory_space<hbm>> -> memref<2x128xi32, #tpu.memory_space<hbm>>
        %dma_start3A_931 = arith.constant 0 : i32
        %dma_start3A_932 = arith.constant 0 : i32
        %dma_start3A_933 = tpu.memref_slice %arg4[%add3A_926, %dma_start3A_931, %dma_start3A_932] : memref<2564x2x128xi32, #tpu.memory_space<hbm>> -> memref<1x2x128xi32, #tpu.memory_space<hbm>>
        %dma_start3A_934 = tpu.memref_squeeze %dma_start3A_933 : memref<1x2x128xi32, #tpu.memory_space<hbm>> -> memref<2x128xi32, #tpu.memory_space<hbm>>
        tpu.enqueue_dma source(%dma_start3A_934 : memref<2x128xi32, #tpu.memory_space<hbm>>) target(%arg9 : memref<2x128xi32, #tpu.memory_space<vmem>>) target_semaphore(%arg15 : memref<!tpu.dma_semaphore, #tpu.memory_space<semaphore_mem>>)
        %dma_start3A_935 = arith.constant 0 : i32
        %dma_start3A_936 = arith.constant 0 : i32
        %dma_start3A_937 = tpu.memref_slice %arg11[%dma_start3A_935, %dma_start3A_936] : memref<2x128xi32, #tpu.memory_space<vmem>> -> memref<1x128xi32, #tpu.memory_space<vmem>>
        %dma_start3A_938 = tpu.memref_squeeze %dma_start3A_937 : memref<1x128xi32, #tpu.memory_space<vmem>> -> memref<128xi32, #tpu.memory_space<vmem>>
        %dma_start3A_939 = arith.constant 0 : i32
        %dma_start3A_940 = arith.constant 0 : i32
        %dma_start3A_941 = tpu.memref_slice %arg2[%dma_start3A_939, %dma_start3A_940] : memref<10112x144xf32, #tpu.memory_space<hbm>> -> memref<10112x144xf32, #tpu.memory_space<hbm>>
        tpu.enqueue_indirect_dma source(%dma_start3A_941 : memref<10112x144xf32, #tpu.memory_space<hbm>>) target(%arg13 : memref<128x144xf32, #tpu.memory_space<vmem>>) offsets(%dma_start3A_938 : memref<128xi32, #tpu.memory_space<vmem>>) semaphore(%arg16 : memref<!tpu.dma_semaphore, #tpu.memory_space<semaphore_mem>>)
      }
      %scan3A_446 = arith.constant 79 : i32
      %dma_wait3A_447 = arith.constant 0 : i32
      %dma_wait3A_448 = arith.constant 0 : i32
      %dma_wait3A_449 = tpu.memref_slice %arg11[%dma_wait3A_447, %dma_wait3A_448] : memref<2x128xi32, #tpu.memory_space<vmem>> -> memref<1x128xi32, #tpu.memory_space<vmem>>
      %dma_wait3A_450 = tpu.memref_squeeze %dma_wait3A_449 : memref<1x128xi32, #tpu.memory_space<vmem>> -> memref<128xi32, #tpu.memory_space<vmem>>
      %dma_wait3A_451 = arith.constant 0 : i32
      %dma_wait3A_452 = arith.constant 0 : i32
      %dma_wait3A_453 = tpu.memref_slice %arg2[%dma_wait3A_451, %dma_wait3A_452] : memref<10112x144xf32, #tpu.memory_space<hbm>> -> memref<10112x144xf32, #tpu.memory_space<hbm>>
      tpu.wait_indirect_dma semaphore(%arg16 : memref<!tpu.dma_semaphore, #tpu.memory_space<semaphore_mem>>) src(%dma_wait3A_453 : memref<10112x144xf32, #tpu.memory_space<hbm>>) dst(%arg13 : memref<128x144xf32, #tpu.memory_space<vmem>>)
      %dma_start3A_454 = arith.constant 1 : i32
      %dma_start3A_455 = arith.constant 0 : i32
      %dma_start3A_456 = tpu.memref_slice %arg11[%dma_start3A_454, %dma_start3A_455] : memref<2x128xi32, #tpu.memory_space<vmem>> -> memref<1x128xi32, #tpu.memory_space<vmem>>
      %dma_start3A_457 = tpu.memref_squeeze %dma_start3A_456 : memref<1x128xi32, #tpu.memory_space<vmem>> -> memref<128xi32, #tpu.memory_space<vmem>>
      %dma_start3A_458 = arith.constant 0 : i32
      %dma_start3A_459 = arith.constant 0 : i32
      %dma_start3A_460 = tpu.memref_slice %arg7[%dma_start3A_458, %dma_start3A_459] : memref<10112x144xf32, #tpu.memory_space<vmem_shared>> -> memref<10112x144xf32, #tpu.memory_space<vmem_shared>>
      tpu.enqueue_indirect_dma source(%arg13 : memref<128x144xf32, #tpu.memory_space<vmem>>) target(%dma_start3A_460 : memref<10112x144xf32, #tpu.memory_space<vmem_shared>>) offsets(%dma_start3A_457 : memref<128xi32, #tpu.memory_space<vmem>>) semaphore(%arg18 : memref<!tpu.dma_semaphore, #tpu.memory_space<semaphore_mem>>) {add = true}
      %dma_wait3A_461 = arith.constant 1 : i32
      %dma_wait3A_462 = arith.constant 0 : i32
      %dma_wait3A_463 = tpu.memref_slice %arg10[%dma_wait3A_461, %dma_wait3A_462] : memref<2x128xi32, #tpu.memory_space<vmem>> -> memref<1x128xi32, #tpu.memory_space<vmem>>
      %dma_wait3A_464 = tpu.memref_squeeze %dma_wait3A_463 : memref<1x128xi32, #tpu.memory_space<vmem>> -> memref<128xi32, #tpu.memory_space<vmem>>
      %dma_wait3A_465 = arith.constant 0 : i32
      %dma_wait3A_466 = arith.constant 0 : i32
      %dma_wait3A_467 = tpu.memref_slice %arg7[%dma_wait3A_465, %dma_wait3A_466] : memref<10112x144xf32, #tpu.memory_space<vmem_shared>> -> memref<10112x144xf32, #tpu.memory_space<vmem_shared>>
      tpu.wait_indirect_dma semaphore(%arg17 : memref<!tpu.dma_semaphore, #tpu.memory_space<semaphore_mem>>) src(%arg12 : memref<128x144xf32, #tpu.memory_space<vmem>>) dst(%dma_wait3A_467 : memref<10112x144xf32, #tpu.memory_space<vmem_shared>>)
      %dma_wait3A_468 = arith.constant 1 : i32
      %dma_wait3A_469 = arith.constant 0 : i32
      %dma_wait3A_470 = tpu.memref_slice %arg11[%dma_wait3A_468, %dma_wait3A_469] : memref<2x128xi32, #tpu.memory_space<vmem>> -> memref<1x128xi32, #tpu.memory_space<vmem>>
      %dma_wait3A_471 = tpu.memref_squeeze %dma_wait3A_470 : memref<1x128xi32, #tpu.memory_space<vmem>> -> memref<128xi32, #tpu.memory_space<vmem>>
      %dma_wait3A_472 = arith.constant 0 : i32
      %dma_wait3A_473 = arith.constant 0 : i32
      %dma_wait3A_474 = tpu.memref_slice %arg7[%dma_wait3A_472, %dma_wait3A_473] : memref<10112x144xf32, #tpu.memory_space<vmem_shared>> -> memref<10112x144xf32, #tpu.memory_space<vmem_shared>>
      tpu.wait_indirect_dma semaphore(%arg18 : memref<!tpu.dma_semaphore, #tpu.memory_space<semaphore_mem>>) src(%arg13 : memref<128x144xf32, #tpu.memory_space<vmem>>) dst(%dma_wait3A_474 : memref<10112x144xf32, #tpu.memory_space<vmem_shared>>)
      %dma_wait3A_475 = arith.constant 0 : i32
      %dma_wait3A_476 = arith.constant 0 : i32
      %dma_wait3A_477 = tpu.memref_slice %arg4[%mul3A_2, %dma_wait3A_475, %dma_wait3A_476] : memref<2564x2x128xi32, #tpu.memory_space<hbm>> -> memref<1x2x128xi32, #tpu.memory_space<hbm>>
      %dma_wait3A_478 = tpu.memref_squeeze %dma_wait3A_477 : memref<1x2x128xi32, #tpu.memory_space<hbm>> -> memref<2x128xi32, #tpu.memory_space<hbm>>
      %dma_wait3A_479 = arith.constant 0 : i32
      %dma_wait3A_480 = arith.constant 0 : i32
      %dma_wait3A_481 = tpu.memref_slice %arg4[%mul3A_2, %dma_wait3A_479, %dma_wait3A_480] : memref<2564x2x128xi32, #tpu.memory_space<hbm>> -> memref<1x2x128xi32, #tpu.memory_space<hbm>>
      %dma_wait3A_482 = tpu.memref_squeeze %dma_wait3A_481 : memref<1x2x128xi32, #tpu.memory_space<hbm>> -> memref<2x128xi32, #tpu.memory_space<hbm>>
      tpu.wait_dma2 semaphore(%arg14 : memref<!tpu.dma_semaphore, #tpu.memory_space<semaphore_mem>>) src(%dma_wait3A_482 : memref<2x128xi32, #tpu.memory_space<hbm>>) dst(%arg8 : memref<2x128xi32, #tpu.memory_space<vmem>>)
      %dma_wait3A_483 = arith.constant 0 : i32
      %dma_wait3A_484 = arith.constant 0 : i32
      %dma_wait3A_485 = tpu.memref_slice %arg4[%mul3A_2, %dma_wait3A_483, %dma_wait3A_484] : memref<2564x2x128xi32, #tpu.memory_space<hbm>> -> memref<1x2x128xi32, #tpu.memory_space<hbm>>
      %dma_wait3A_486 = tpu.memref_squeeze %dma_wait3A_485 : memref<1x2x128xi32, #tpu.memory_space<hbm>> -> memref<2x128xi32, #tpu.memory_space<hbm>>
      %dma_wait3A_487 = arith.constant 0 : i32
      %dma_wait3A_488 = arith.constant 0 : i32
      %dma_wait3A_489 = tpu.memref_slice %arg4[%mul3A_2, %dma_wait3A_487, %dma_wait3A_488] : memref<2564x2x128xi32, #tpu.memory_space<hbm>> -> memref<1x2x128xi32, #tpu.memory_space<hbm>>
      %dma_wait3A_490 = tpu.memref_squeeze %dma_wait3A_489 : memref<1x2x128xi32, #tpu.memory_space<hbm>> -> memref<2x128xi32, #tpu.memory_space<hbm>>
      tpu.wait_dma2 semaphore(%arg15 : memref<!tpu.dma_semaphore, #tpu.memory_space<semaphore_mem>>) src(%dma_wait3A_490 : memref<2x128xi32, #tpu.memory_space<hbm>>) dst(%arg9 : memref<2x128xi32, #tpu.memory_space<vmem>>)
    } else {
    }
    %eq3A_5 = arith.constant 1 : i32
    %eq3A_6 = arith.cmpi eq, %arg0, %eq3A_5 : i32
    %convert_element_type3A_7 = arith.extui %eq3A_6 : i1 to i32
    %cond3A_8 = arith.constant 0 : i32
    %cond3A_9 = arith.cmpi ne, %convert_element_type3A_7, %cond3A_8 : i32
    scf.if %cond3A_9 {
      %add3A = arith.constant 0 : i32
      %add3A_11 = arith.addi %mul3A_2, %add3A : i32
      %dma_start3A = arith.constant 0 : i32
      %dma_start3A_12 = arith.constant 0 : i32
      %dma_start3A_13 = tpu.memref_slice %arg4[%add3A_11, %dma_start3A, %dma_start3A_12] : memref<2564x2x128xi32, #tpu.memory_space<hbm>> -> memref<1x2x128xi32, #tpu.memory_space<hbm>>
      %dma_start3A_14 = tpu.memref_squeeze %dma_start3A_13 : memref<1x2x128xi32, #tpu.memory_space<hbm>> -> memref<2x128xi32, #tpu.memory_space<hbm>>
      %dma_start3A_15 = arith.constant 0 : i32
      %dma_start3A_16 = arith.constant 0 : i32
      %dma_start3A_17 = tpu.memref_slice %arg4[%add3A_11, %dma_start3A_15, %dma_start3A_16] : memref<2564x2x128xi32, #tpu.memory_space<hbm>> -> memref<1x2x128xi32, #tpu.memory_space<hbm>>
      %dma_start3A_18 = tpu.memref_squeeze %dma_start3A_17 : memref<1x2x128xi32, #tpu.memory_space<hbm>> -> memref<2x128xi32, #tpu.memory_space<hbm>>
      tpu.enqueue_dma source(%dma_start3A_18 : memref<2x128xi32, #tpu.memory_space<hbm>>) target(%arg8 : memref<2x128xi32, #tpu.memory_space<vmem>>) target_semaphore(%arg14 : memref<!tpu.dma_semaphore, #tpu.memory_space<semaphore_mem>>)
      %add3A_19 = arith.constant 1 : i32
      %add3A_20 = arith.addi %mul3A_2, %add3A_19 : i32
      %dma_start3A_21 = arith.constant 0 : i32
      %dma_start3A_22 = arith.constant 0 : i32
      %dma_start3A_23 = tpu.memref_slice %arg4[%add3A_20, %dma_start3A_21, %dma_start3A_22] : memref<2564x2x128xi32, #tpu.memory_space<hbm>> -> memref<1x2x128xi32, #tpu.memory_space<hbm>>
      %dma_start3A_24 = tpu.memref_squeeze %dma_start3A_23 : memref<1x2x128xi32, #tpu.memory_space<hbm>> -> memref<2x128xi32, #tpu.memory_space<hbm>>
      %dma_start3A_25 = arith.constant 0 : i32
      %dma_start3A_26 = arith.constant 0 : i32
      %dma_start3A_27 = tpu.memref_slice %arg4[%add3A_20, %dma_start3A_25, %dma_start3A_26] : memref<2564x2x128xi32, #tpu.memory_space<hbm>> -> memref<1x2x128xi32, #tpu.memory_space<hbm>>
      %dma_start3A_28 = tpu.memref_squeeze %dma_start3A_27 : memref<1x2x128xi32, #tpu.memory_space<hbm>> -> memref<2x128xi32, #tpu.memory_space<hbm>>
      tpu.enqueue_dma source(%dma_start3A_28 : memref<2x128xi32, #tpu.memory_space<hbm>>) target(%arg9 : memref<2x128xi32, #tpu.memory_space<vmem>>) target_semaphore(%arg15 : memref<!tpu.dma_semaphore, #tpu.memory_space<semaphore_mem>>)
      %dma_wait3A = arith.constant 0 : i32
      %dma_wait3A_29 = arith.constant 0 : i32
      %dma_wait3A_30 = tpu.memref_slice %arg4[%mul3A_2, %dma_wait3A, %dma_wait3A_29] : memref<2564x2x128xi32, #tpu.memory_space<hbm>> -> memref<1x2x128xi32, #tpu.memory_space<hbm>>
      %dma_wait3A_31 = tpu.memref_squeeze %dma_wait3A_30 : memref<1x2x128xi32, #tpu.memory_space<hbm>> -> memref<2x128xi32, #tpu.memory_space<hbm>>
      %dma_wait3A_32 = arith.constant 0 : i32
      %dma_wait3A_33 = arith.constant 0 : i32
      %dma_wait3A_34 = tpu.memref_slice %arg4[%mul3A_2, %dma_wait3A_32, %dma_wait3A_33] : memref<2564x2x128xi32, #tpu.memory_space<hbm>> -> memref<1x2x128xi32, #tpu.memory_space<hbm>>
      %dma_wait3A_35 = tpu.memref_squeeze %dma_wait3A_34 : memref<1x2x128xi32, #tpu.memory_space<hbm>> -> memref<2x128xi32, #tpu.memory_space<hbm>>
      tpu.wait_dma2 semaphore(%arg14 : memref<!tpu.dma_semaphore, #tpu.memory_space<semaphore_mem>>) src(%dma_wait3A_35 : memref<2x128xi32, #tpu.memory_space<hbm>>) dst(%arg8 : memref<2x128xi32, #tpu.memory_space<vmem>>)
      %get3A = arith.constant 0 : i32
      %get3A_36 = arith.index_cast %get3A : i32 to index
      %get3A_37 = arith.constant 0 : index
      %get3A_38 = tpu.vector_load %arg8[%get3A_36, %get3A_37] {strides = array<i32>} : memref<2x128xi32, #tpu.memory_space<vmem>>, vector<1x16xi32>,
      %get3A_39 = vector.shape_cast %get3A_38 : vector<1x16xi32> to vector<16xi32>
      %swap3A = arith.constant 0 : i32
      %swap3A_40 = arith.index_cast %swap3A : i32 to index
      %swap3A_41 = arith.constant 0 : index
      %swap3A_42 = tpu.vector_load %arg10[%swap3A_40, %swap3A_41] {strides = array<i32>} : memref<2x128xi32, #tpu.memory_space<vmem>>, vector<1x16xi32>,
      %swap3A_43 = vector.shape_cast %swap3A_42 : vector<1x16xi32> to vector<16xi32>
      %swap3A_44 = vector.shape_cast %get3A_39 : vector<16xi32> to vector<1x16xi32>
      tpu.vector_store %arg10[%swap3A_40, %swap3A_41], %swap3A_44 {strides = array<i32>} : memref<2x128xi32, #tpu.memory_space<vmem>>, vector<1x16xi32>,
      %get3A_45 = arith.constant 0 : i32
      %get3A_46 = arith.index_cast %get3A_45 : i32 to index
      %get3A_47 = arith.constant 16 : index
      %get3A_48 = tpu.vector_load %arg8[%get3A_46, %get3A_47] {strides = array<i32>} : memref<2x128xi32, #tpu.memory_space<vmem>>, vector<1x16xi32>,
      %get3A_49 = vector.shape_cast %get3A_48 : vector<1x16xi32> to vector<16xi32>
      %swap3A_50 = arith.constant 0 : i32
      %swap3A_51 = arith.index_cast %swap3A_50 : i32 to index
      %swap3A_52 = arith.constant 16 : index
      %swap3A_53 = tpu.vector_load %arg10[%swap3A_51, %swap3A_52] {strides = array<i32>} : memref<2x128xi32, #tpu.memory_space<vmem>>, vector<1x16xi32>,
      %swap3A_54 = vector.shape_cast %swap3A_53 : vector<1x16xi32> to vector<16xi32>
      %swap3A_55 = vector.shape_cast %get3A_49 : vector<16xi32> to vector<1x16xi32>
      tpu.vector_store %arg10[%swap3A_51, %swap3A_52], %swap3A_55 {strides = array<i32>} : memref<2x128xi32, #tpu.memory_space<vmem>>, vector<1x16xi32>,
      %get3A_56 = arith.constant 0 : i32
      %get3A_57 = arith.index_cast %get3A_56 : i32 to index
      %get3A_58 = arith.constant 32 : index
      %get3A_59 = tpu.vector_load %arg8[%get3A_57, %get3A_58] {strides = array<i32>} : memref<2x128xi32, #tpu.memory_space<vmem>>, vector<1x16xi32>,
      %get3A_60 = vector.shape_cast %get3A_59 : vector<1x16xi32> to vector<16xi32>
      %swap3A_61 = arith.constant 0 : i32
      %swap3A_62 = arith.index_cast %swap3A_61 : i32 to index
      %swap3A_63 = arith.constant 32 : index
      %swap3A_64 = tpu.vector_load %arg10[%swap3A_62, %swap3A_63] {strides = array<i32>} : memref<2x128xi32, #tpu.memory_space<vmem>>, vector<1x16xi32>,
      %swap3A_65 = vector.shape_cast %swap3A_64 : vector<1x16xi32> to vector<16xi32>
      %swap3A_66 = vector.shape_cast %get3A_60 : vector<16xi32> to vector<1x16xi32>
      tpu.vector_store %arg10[%swap3A_62, %swap3A_63], %swap3A_66 {strides = array<i32>} : memref<2x128xi32, #tpu.memory_space<vmem>>, vector<1x16xi32>,
      %get3A_67 = arith.constant 0 : i32
      %get3A_68 = arith.index_cast %get3A_67 : i32 to index
      %get3A_69 = arith.constant 48 : index
      %get3A_70 = tpu.vector_load %arg8[%get3A_68, %get3A_69] {strides = array<i32>} : memref<2x128xi32, #tpu.memory_space<vmem>>, vector<1x16xi32>,
      %get3A_71 = vector.shape_cast %get3A_70 : vector<1x16xi32> to vector<16xi32>
      %swap3A_72 = arith.constant 0 : i32
      %swap3A_73 = arith.index_cast %swap3A_72 : i32 to index
      %swap3A_74 = arith.constant 48 : index
      %swap3A_75 = tpu.vector_load %arg10[%swap3A_73, %swap3A_74] {strides = array<i32>} : memref<2x128xi32, #tpu.memory_space<vmem>>, vector<1x16xi32>,
      %swap3A_76 = vector.shape_cast %swap3A_75 : vector<1x16xi32> to vector<16xi32>
      %swap3A_77 = vector.shape_cast %get3A_71 : vector<16xi32> to vector<1x16xi32>
      tpu.vector_store %arg10[%swap3A_73, %swap3A_74], %swap3A_77 {strides = array<i32>} : memref<2x128xi32, #tpu.memory_space<vmem>>, vector<1x16xi32>,
      %get3A_78 = arith.constant 0 : i32
      %get3A_79 = arith.index_cast %get3A_78 : i32 to index
      %get3A_80 = arith.constant 64 : index
      %get3A_81 = tpu.vector_load %arg8[%get3A_79, %get3A_80] {strides = array<i32>} : memref<2x128xi32, #tpu.memory_space<vmem>>, vector<1x16xi32>,
      %get3A_82 = vector.shape_cast %get3A_81 : vector<1x16xi32> to vector<16xi32>
      %swap3A_83 = arith.constant 0 : i32
      %swap3A_84 = arith.index_cast %swap3A_83 : i32 to index
      %swap3A_85 = arith.constant 64 : index
      %swap3A_86 = tpu.vector_load %arg10[%swap3A_84, %swap3A_85] {strides = array<i32>} : memref<2x128xi32, #tpu.memory_space<vmem>>, vector<1x16xi32>,
      %swap3A_87 = vector.shape_cast %swap3A_86 : vector<1x16xi32> to vector<16xi32>
      %swap3A_88 = vector.shape_cast %get3A_82 : vector<16xi32> to vector<1x16xi32>
      tpu.vector_store %arg10[%swap3A_84, %swap3A_85], %swap3A_88 {strides = array<i32>} : memref<2x128xi32, #tpu.memory_space<vmem>>, vector<1x16xi32>,
      %get3A_89 = arith.constant 0 : i32
      %get3A_90 = arith.index_cast %get3A_89 : i32 to index
      %get3A_91 = arith.constant 80 : index
      %get3A_92 = tpu.vector_load %arg8[%get3A_90, %get3A_91] {strides = array<i32>} : memref<2x128xi32, #tpu.memory_space<vmem>>, vector<1x16xi32>,
      %get3A_93 = vector.shape_cast %get3A_92 : vector<1x16xi32> to vector<16xi32>
      %swap3A_94 = arith.constant 0 : i32
      %swap3A_95 = arith.index_cast %swap3A_94 : i32 to index
      %swap3A_96 = arith.constant 80 : index
      %swap3A_97 = tpu.vector_load %arg10[%swap3A_95, %swap3A_96] {strides = array<i32>} : memref<2x128xi32, #tpu.memory_space<vmem>>, vector<1x16xi32>,
      %swap3A_98 = vector.shape_cast %swap3A_97 : vector<1x16xi32> to vector<16xi32>
      %swap3A_99 = vector.shape_cast %get3A_93 : vector<16xi32> to vector<1x16xi32>
      tpu.vector_store %arg10[%swap3A_95, %swap3A_96], %swap3A_99 {strides = array<i32>} : memref<2x128xi32, #tpu.memory_space<vmem>>, vector<1x16xi32>,
      %get3A_100 = arith.constant 0 : i32
      %get3A_101 = arith.index_cast %get3A_100 : i32 to index
      %get3A_102 = arith.constant 96 : index
      %get3A_103 = tpu.vector_load %arg8[%get3A_101, %get3A_102] {strides = array<i32>} : memref<2x128xi32, #tpu.memory_space<vmem>>, vector<1x16xi32>,
      %get3A_104 = vector.shape_cast %get3A_103 : vector<1x16xi32> to vector<16xi32>
      %swap3A_105 = arith.constant 0 : i32
      %swap3A_106 = arith.index_cast %swap3A_105 : i32 to index
      %swap3A_107 = arith.constant 96 : index
      %swap3A_108 = tpu.vector_load %arg10[%swap3A_106, %swap3A_107] {strides = array<i32>} : memref<2x128xi32, #tpu.memory_space<vmem>>, vector<1x16xi32>,
      %swap3A_109 = vector.shape_cast %swap3A_108 : vector<1x16xi32> to vector<16xi32>
      %swap3A_110 = vector.shape_cast %get3A_104 : vector<16xi32> to vector<1x16xi32>
      tpu.vector_store %arg10[%swap3A_106, %swap3A_107], %swap3A_110 {strides = array<i32>} : memref<2x128xi32, #tpu.memory_space<vmem>>, vector<1x16xi32>,
      %get3A_111 = arith.constant 0 : i32
      %get3A_112 = arith.index_cast %get3A_111 : i32 to index
      %get3A_113 = arith.constant 112 : index
      %get3A_114 = tpu.vector_load %arg8[%get3A_112, %get3A_113] {strides = array<i32>} : memref<2x128xi32, #tpu.memory_space<vmem>>, vector<1x16xi32>,
      %get3A_115 = vector.shape_cast %get3A_114 : vector<1x16xi32> to vector<16xi32>
      %swap3A_116 = arith.constant 0 : i32
      %swap3A_117 = arith.index_cast %swap3A_116 : i32 to index
      %swap3A_118 = arith.constant 112 : index
      %swap3A_119 = tpu.vector_load %arg10[%swap3A_117, %swap3A_118] {strides = array<i32>} : memref<2x128xi32, #tpu.memory_space<vmem>>, vector<1x16xi32>,
      %swap3A_120 = vector.shape_cast %swap3A_119 : vector<1x16xi32> to vector<16xi32>
      %swap3A_121 = vector.shape_cast %get3A_115 : vector<16xi32> to vector<1x16xi32>
      tpu.vector_store %arg10[%swap3A_117, %swap3A_118], %swap3A_121 {strides = array<i32>} : memref<2x128xi32, #tpu.memory_space<vmem>>, vector<1x16xi32>,
      %get3A_122 = arith.constant 1 : i32
      %get3A_123 = arith.index_cast %get3A_122 : i32 to index
      %get3A_124 = arith.constant 0 : index
      %get3A_125 = tpu.vector_load %arg8[%get3A_123, %get3A_124] {strides = array<i32>} : memref<2x128xi32, #tpu.memory_space<vmem>>, vector<1x16xi32>,
      %get3A_126 = vector.shape_cast %get3A_125 : vector<1x16xi32> to vector<16xi32>
      %swap3A_127 = arith.constant 1 : i32
      %swap3A_128 = arith.index_cast %swap3A_127 : i32 to index
      %swap3A_129 = arith.constant 0 : index
      %swap3A_130 = tpu.vector_load %arg10[%swap3A_128, %swap3A_129] {strides = array<i32>} : memref<2x128xi32, #tpu.memory_space<vmem>>, vector<1x16xi32>,
      %swap3A_131 = vector.shape_cast %swap3A_130 : vector<1x16xi32> to vector<16xi32>
      %swap3A_132 = vector.shape_cast %get3A_126 : vector<16xi32> to vector<1x16xi32>
      tpu.vector_store %arg10[%swap3A_128, %swap3A_129], %swap3A_132 {strides = array<i32>} : memref<2x128xi32, #tpu.memory_space<vmem>>, vector<1x16xi32>,
      %get3A_133 = arith.constant 1 : i32
      %get3A_134 = arith.index_cast %get3A_133 : i32 to index
      %get3A_135 = arith.constant 16 : index
      %get3A_136 = tpu.vector_load %arg8[%get3A_134, %get3A_135] {strides = array<i32>} : memref<2x128xi32, #tpu.memory_space<vmem>>, vector<1x16xi32>,
      %get3A_137 = vector.shape_cast %get3A_136 : vector<1x16xi32> to vector<16xi32>
      %swap3A_138 = arith.constant 1 : i32
      %swap3A_139 = arith.index_cast %swap3A_138 : i32 to index
      %swap3A_140 = arith.constant 16 : index
      %swap3A_141 = tpu.vector_load %arg10[%swap3A_139, %swap3A_140] {strides = array<i32>} : memref<2x128xi32, #tpu.memory_space<vmem>>, vector<1x16xi32>,
      %swap3A_142 = vector.shape_cast %swap3A_141 : vector<1x16xi32> to vector<16xi32>
      %swap3A_143 = vector.shape_cast %get3A_137 : vector<16xi32> to vector<1x16xi32>
      tpu.vector_store %arg10[%swap3A_139, %swap3A_140], %swap3A_143 {strides = array<i32>} : memref<2x128xi32, #tpu.memory_space<vmem>>, vector<1x16xi32>,
      %get3A_144 = arith.constant 1 : i32
      %get3A_145 = arith.index_cast %get3A_144 : i32 to index
      %get3A_146 = arith.constant 32 : index
      %get3A_147 = tpu.vector_load %arg8[%get3A_145, %get3A_146] {strides = array<i32>} : memref<2x128xi32, #tpu.memory_space<vmem>>, vector<1x16xi32>,
      %get3A_148 = vector.shape_cast %get3A_147 : vector<1x16xi32> to vector<16xi32>
      %swap3A_149 = arith.constant 1 : i32
      %swap3A_150 = arith.index_cast %swap3A_149 : i32 to index
      %swap3A_151 = arith.constant 32 : index
      %swap3A_152 = tpu.vector_load %arg10[%swap3A_150, %swap3A_151] {strides = array<i32>} : memref<2x128xi32, #tpu.memory_space<vmem>>, vector<1x16xi32>,
      %swap3A_153 = vector.shape_cast %swap3A_152 : vector<1x16xi32> to vector<16xi32>
      %swap3A_154 = vector.shape_cast %get3A_148 : vector<16xi32> to vector<1x16xi32>
      tpu.vector_store %arg10[%swap3A_150, %swap3A_151], %swap3A_154 {strides = array<i32>} : memref<2x128xi32, #tpu.memory_space<vmem>>, vector<1x16xi32>,
      %get3A_155 = arith.constant 1 : i32
      %get3A_156 = arith.index_cast %get3A_155 : i32 to index
      %get3A_157 = arith.constant 48 : index
      %get3A_158 = tpu.vector_load %arg8[%get3A_156, %get3A_157] {strides = array<i32>} : memref<2x128xi32, #tpu.memory_space<vmem>>, vector<1x16xi32>,
      %get3A_159 = vector.shape_cast %get3A_158 : vector<1x16xi32> to vector<16xi32>
      %swap3A_160 = arith.constant 1 : i32
      %swap3A_161 = arith.index_cast %swap3A_160 : i32 to index
      %swap3A_162 = arith.constant 48 : index
      %swap3A_163 = tpu.vector_load %arg10[%swap3A_161, %swap3A_162] {strides = array<i32>} : memref<2x128xi32, #tpu.memory_space<vmem>>, vector<1x16xi32>,
      %swap3A_164 = vector.shape_cast %swap3A_163 : vector<1x16xi32> to vector<16xi32>
      %swap3A_165 = vector.shape_cast %get3A_159 : vector<16xi32> to vector<1x16xi32>
      tpu.vector_store %arg10[%swap3A_161, %swap3A_162], %swap3A_165 {strides = array<i32>} : memref<2x128xi32, #tpu.memory_space<vmem>>, vector<1x16xi32>,
      %get3A_166 = arith.constant 1 : i32
      %get3A_167 = arith.index_cast %get3A_166 : i32 to index
      %get3A_168 = arith.constant 64 : index
      %get3A_169 = tpu.vector_load %arg8[%get3A_167, %get3A_168] {strides = array<i32>} : memref<2x128xi32, #tpu.memory_space<vmem>>, vector<1x16xi32>,
      %get3A_170 = vector.shape_cast %get3A_169 : vector<1x16xi32> to vector<16xi32>
      %swap3A_171 = arith.constant 1 : i32
      %swap3A_172 = arith.index_cast %swap3A_171 : i32 to index
      %swap3A_173 = arith.constant 64 : index
      %swap3A_174 = tpu.vector_load %arg10[%swap3A_172, %swap3A_173] {strides = array<i32>} : memref<2x128xi32, #tpu.memory_space<vmem>>, vector<1x16xi32>,
      %swap3A_175 = vector.shape_cast %swap3A_174 : vector<1x16xi32> to vector<16xi32>
      %swap3A_176 = vector.shape_cast %get3A_170 : vector<16xi32> to vector<1x16xi32>
      tpu.vector_store %arg10[%swap3A_172, %swap3A_173], %swap3A_176 {strides = array<i32>} : memref<2x128xi32, #tpu.memory_space<vmem>>, vector<1x16xi32>,
      %get3A_177 = arith.constant 1 : i32
      %get3A_178 = arith.index_cast %get3A_177 : i32 to index
      %get3A_179 = arith.constant 80 : index
      %get3A_180 = tpu.vector_load %arg8[%get3A_178, %get3A_179] {strides = array<i32>} : memref<2x128xi32, #tpu.memory_space<vmem>>, vector<1x16xi32>,
      %get3A_181 = vector.shape_cast %get3A_180 : vector<1x16xi32> to vector<16xi32>
      %swap3A_182 = arith.constant 1 : i32
      %swap3A_183 = arith.index_cast %swap3A_182 : i32 to index
      %swap3A_184 = arith.constant 80 : index
      %swap3A_185 = tpu.vector_load %arg10[%swap3A_183, %swap3A_184] {strides = array<i32>} : memref<2x128xi32, #tpu.memory_space<vmem>>, vector<1x16xi32>,
      %swap3A_186 = vector.shape_cast %swap3A_185 : vector<1x16xi32> to vector<16xi32>
      %swap3A_187 = vector.shape_cast %get3A_181 : vector<16xi32> to vector<1x16xi32>
      tpu.vector_store %arg10[%swap3A_183, %swap3A_184], %swap3A_187 {strides = array<i32>} : memref<2x128xi32, #tpu.memory_space<vmem>>, vector<1x16xi32>,
      %get3A_188 = arith.constant 1 : i32
      %get3A_189 = arith.index_cast %get3A_188 : i32 to index
      %get3A_190 = arith.constant 96 : index
      %get3A_191 = tpu.vector_load %arg8[%get3A_189, %get3A_190] {strides = array<i32>} : memref<2x128xi32, #tpu.memory_space<vmem>>, vector<1x16xi32>,
      %get3A_192 = vector.shape_cast %get3A_191 : vector<1x16xi32> to vector<16xi32>
      %swap3A_193 = arith.constant 1 : i32
      %swap3A_194 = arith.index_cast %swap3A_193 : i32 to index
      %swap3A_195 = arith.constant 96 : index
      %swap3A_196 = tpu.vector_load %arg10[%swap3A_194, %swap3A_195] {strides = array<i32>} : memref<2x128xi32, #tpu.memory_space<vmem>>, vector<1x16xi32>,
      %swap3A_197 = vector.shape_cast %swap3A_196 : vector<1x16xi32> to vector<16xi32>
      %swap3A_198 = vector.shape_cast %get3A_192 : vector<16xi32> to vector<1x16xi32>
      tpu.vector_store %arg10[%swap3A_194, %swap3A_195], %swap3A_198 {strides = array<i32>} : memref<2x128xi32, #tpu.memory_space<vmem>>, vector<1x16xi32>,
      %get3A_199 = arith.constant 1 : i32
      %get3A_200 = arith.index_cast %get3A_199 : i32 to index
      %get3A_201 = arith.constant 112 : index
      %get3A_202 = tpu.vector_load %arg8[%get3A_200, %get3A_201] {strides = array<i32>} : memref<2x128xi32, #tpu.memory_space<vmem>>, vector<1x16xi32>,
      %get3A_203 = vector.shape_cast %get3A_202 : vector<1x16xi32> to vector<16xi32>
      %swap3A_204 = arith.constant 1 : i32
      %swap3A_205 = arith.index_cast %swap3A_204 : i32 to index
      %swap3A_206 = arith.constant 112 : index
      %swap3A_207 = tpu.vector_load %arg10[%swap3A_205, %swap3A_206] {strides = array<i32>} : memref<2x128xi32, #tpu.memory_space<vmem>>, vector<1x16xi32>,
      %swap3A_208 = vector.shape_cast %swap3A_207 : vector<1x16xi32> to vector<16xi32>
      %swap3A_209 = vector.shape_cast %get3A_203 : vector<16xi32> to vector<1x16xi32>
      tpu.vector_store %arg10[%swap3A_205, %swap3A_206], %swap3A_209 {strides = array<i32>} : memref<2x128xi32, #tpu.memory_space<vmem>>, vector<1x16xi32>,
      %add3A_210 = arith.constant 2 : i32
      %add3A_211 = arith.addi %mul3A_2, %add3A_210 : i32
      %dma_start3A_212 = arith.constant 0 : i32
      %dma_start3A_213 = arith.constant 0 : i32
      %dma_start3A_214 = tpu.memref_slice %arg4[%add3A_211, %dma_start3A_212, %dma_start3A_213] : memref<2564x2x128xi32, #tpu.memory_space<hbm>> -> memref<1x2x128xi32, #tpu.memory_space<hbm>>
      %dma_start3A_215 = tpu.memref_squeeze %dma_start3A_214 : memref<1x2x128xi32, #tpu.memory_space<hbm>> -> memref<2x128xi32, #tpu.memory_space<hbm>>
      %dma_start3A_216 = arith.constant 0 : i32
      %dma_start3A_217 = arith.constant 0 : i32
      %dma_start3A_218 = tpu.memref_slice %arg4[%add3A_211, %dma_start3A_216, %dma_start3A_217] : memref<2564x2x128xi32, #tpu.memory_space<hbm>> -> memref<1x2x128xi32, #tpu.memory_space<hbm>>
      %dma_start3A_219 = tpu.memref_squeeze %dma_start3A_218 : memref<1x2x128xi32, #tpu.memory_space<hbm>> -> memref<2x128xi32, #tpu.memory_space<hbm>>
      tpu.enqueue_dma source(%dma_start3A_219 : memref<2x128xi32, #tpu.memory_space<hbm>>) target(%arg8 : memref<2x128xi32, #tpu.memory_space<vmem>>) target_semaphore(%arg14 : memref<!tpu.dma_semaphore, #tpu.memory_space<semaphore_mem>>)
      %dma_start3A_220 = arith.constant 0 : i32
      %dma_start3A_221 = arith.constant 0 : i32
      %dma_start3A_222 = tpu.memref_slice %arg10[%dma_start3A_220, %dma_start3A_221] : memref<2x128xi32, #tpu.memory_space<vmem>> -> memref<1x128xi32, #tpu.memory_space<vmem>>
      %dma_start3A_223 = tpu.memref_squeeze %dma_start3A_222 : memref<1x128xi32, #tpu.memory_space<vmem>> -> memref<128xi32, #tpu.memory_space<vmem>>
      %dma_start3A_224 = arith.constant 0 : i32
      %dma_start3A_225 = arith.constant 0 : i32
      %dma_start3A_226 = tpu.memref_slice %arg3[%dma_start3A_224, %dma_start3A_225] : memref<10112x144xf32, #tpu.memory_space<hbm>> -> memref<10112x144xf32, #tpu.memory_space<hbm>>
      tpu.enqueue_indirect_dma source(%dma_start3A_226 : memref<10112x144xf32, #tpu.memory_space<hbm>>) target(%arg12 : memref<128x144xf32, #tpu.memory_space<vmem>>) offsets(%dma_start3A_223 : memref<128xi32, #tpu.memory_space<vmem>>) semaphore(%arg16 : memref<!tpu.dma_semaphore, #tpu.memory_space<semaphore_mem>>)
      %dma_wait3A_227 = arith.constant 0 : i32
      %dma_wait3A_228 = arith.constant 0 : i32
      %dma_wait3A_229 = tpu.memref_slice %arg10[%dma_wait3A_227, %dma_wait3A_228] : memref<2x128xi32, #tpu.memory_space<vmem>> -> memref<1x128xi32, #tpu.memory_space<vmem>>
      %dma_wait3A_230 = tpu.memref_squeeze %dma_wait3A_229 : memref<1x128xi32, #tpu.memory_space<vmem>> -> memref<128xi32, #tpu.memory_space<vmem>>
      %dma_wait3A_231 = arith.constant 0 : i32
      %dma_wait3A_232 = arith.constant 0 : i32
      %dma_wait3A_233 = tpu.memref_slice %arg3[%dma_wait3A_231, %dma_wait3A_232] : memref<10112x144xf32, #tpu.memory_space<hbm>> -> memref<10112x144xf32, #tpu.memory_space<hbm>>
      tpu.wait_indirect_dma semaphore(%arg16 : memref<!tpu.dma_semaphore, #tpu.memory_space<semaphore_mem>>) src(%dma_wait3A_233 : memref<10112x144xf32, #tpu.memory_space<hbm>>) dst(%arg12 : memref<128x144xf32, #tpu.memory_space<vmem>>)
      %dma_start3A_234 = arith.constant 1 : i32
      %dma_start3A_235 = arith.constant 0 : i32
      %dma_start3A_236 = tpu.memref_slice %arg10[%dma_start3A_234, %dma_start3A_235] : memref<2x128xi32, #tpu.memory_space<vmem>> -> memref<1x128xi32, #tpu.memory_space<vmem>>
      %dma_start3A_237 = tpu.memref_squeeze %dma_start3A_236 : memref<1x128xi32, #tpu.memory_space<vmem>> -> memref<128xi32, #tpu.memory_space<vmem>>
      %dma_start3A_238 = arith.constant 0 : i32
      %dma_start3A_239 = arith.constant 0 : i32
      %dma_start3A_240 = tpu.memref_slice %arg7[%dma_start3A_238, %dma_start3A_239] : memref<10112x144xf32, #tpu.memory_space<vmem_shared>> -> memref<10112x144xf32, #tpu.memory_space<vmem_shared>>
      tpu.enqueue_indirect_dma source(%arg12 : memref<128x144xf32, #tpu.memory_space<vmem>>) target(%dma_start3A_240 : memref<10112x144xf32, #tpu.memory_space<vmem_shared>>) offsets(%dma_start3A_237 : memref<128xi32, #tpu.memory_space<vmem>>) semaphore(%arg17 : memref<!tpu.dma_semaphore, #tpu.memory_space<semaphore_mem>>) {add = true}
      %dma_wait3A_241 = arith.constant 0 : i32
      %dma_wait3A_242 = arith.constant 0 : i32
      %dma_wait3A_243 = tpu.memref_slice %arg4[%mul3A_2, %dma_wait3A_241, %dma_wait3A_242] : memref<2564x2x128xi32, #tpu.memory_space<hbm>> -> memref<1x2x128xi32, #tpu.memory_space<hbm>>
      %dma_wait3A_244 = tpu.memref_squeeze %dma_wait3A_243 : memref<1x2x128xi32, #tpu.memory_space<hbm>> -> memref<2x128xi32, #tpu.memory_space<hbm>>
      %dma_wait3A_245 = arith.constant 0 : i32
      %dma_wait3A_246 = arith.constant 0 : i32
      %dma_wait3A_247 = tpu.memref_slice %arg4[%mul3A_2, %dma_wait3A_245, %dma_wait3A_246] : memref<2564x2x128xi32, #tpu.memory_space<hbm>> -> memref<1x2x128xi32, #tpu.memory_space<hbm>>
      %dma_wait3A_248 = tpu.memref_squeeze %dma_wait3A_247 : memref<1x2x128xi32, #tpu.memory_space<hbm>> -> memref<2x128xi32, #tpu.memory_space<hbm>>
      tpu.wait_dma2 semaphore(%arg15 : memref<!tpu.dma_semaphore, #tpu.memory_space<semaphore_mem>>) src(%dma_wait3A_248 : memref<2x128xi32, #tpu.memory_space<hbm>>) dst(%arg9 : memref<2x128xi32, #tpu.memory_space<vmem>>)
      %get3A_249 = arith.constant 0 : i32
      %get3A_250 = arith.index_cast %get3A_249 : i32 to index
      %get3A_251 = arith.constant 0 : index
      %get3A_252 = tpu.vector_load %arg9[%get3A_250, %get3A_251] {strides = array<i32>} : memref<2x128xi32, #tpu.memory_space<vmem>>, vector<1x16xi32>,
      %get3A_253 = vector.shape_cast %get3A_252 : vector<1x16xi32> to vector<16xi32>
      %swap3A_254 = arith.constant 0 : i32
      %swap3A_255 = arith.index_cast %swap3A_254 : i32 to index
      %swap3A_256 = arith.constant 0 : index
      %swap3A_257 = tpu.vector_load %arg11[%swap3A_255, %swap3A_256] {strides = array<i32>} : memref<2x128xi32, #tpu.memory_space<vmem>>, vector<1x16xi32>,
      %swap3A_258 = vector.shape_cast %swap3A_257 : vector<1x16xi32> to vector<16xi32>
      %swap3A_259 = vector.shape_cast %get3A_253 : vector<16xi32> to vector<1x16xi32>
      tpu.vector_store %arg11[%swap3A_255, %swap3A_256], %swap3A_259 {strides = array<i32>} : memref<2x128xi32, #tpu.memory_space<vmem>>, vector<1x16xi32>,
      %get3A_260 = arith.constant 0 : i32
      %get3A_261 = arith.index_cast %get3A_260 : i32 to index
      %get3A_262 = arith.constant 16 : index
      %get3A_263 = tpu.vector_load %arg9[%get3A_261, %get3A_262] {strides = array<i32>} : memref<2x128xi32, #tpu.memory_space<vmem>>, vector<1x16xi32>,
      %get3A_264 = vector.shape_cast %get3A_263 : vector<1x16xi32> to vector<16xi32>
      %swap3A_265 = arith.constant 0 : i32
      %swap3A_266 = arith.index_cast %swap3A_265 : i32 to index
      %swap3A_267 = arith.constant 16 : index
      %swap3A_268 = tpu.vector_load %arg11[%swap3A_266, %swap3A_267] {strides = array<i32>} : memref<2x128xi32, #tpu.memory_space<vmem>>, vector<1x16xi32>,
      %swap3A_269 = vector.shape_cast %swap3A_268 : vector<1x16xi32> to vector<16xi32>
      %swap3A_270 = vector.shape_cast %get3A_264 : vector<16xi32> to vector<1x16xi32>
      tpu.vector_store %arg11[%swap3A_266, %swap3A_267], %swap3A_270 {strides = array<i32>} : memref<2x128xi32, #tpu.memory_space<vmem>>, vector<1x16xi32>,
      %get3A_271 = arith.constant 0 : i32
      %get3A_272 = arith.index_cast %get3A_271 : i32 to index
      %get3A_273 = arith.constant 32 : index
      %get3A_274 = tpu.vector_load %arg9[%get3A_272, %get3A_273] {strides = array<i32>} : memref<2x128xi32, #tpu.memory_space<vmem>>, vector<1x16xi32>,
      %get3A_275 = vector.shape_cast %get3A_274 : vector<1x16xi32> to vector<16xi32>
      %swap3A_276 = arith.constant 0 : i32
      %swap3A_277 = arith.index_cast %swap3A_276 : i32 to index
      %swap3A_278 = arith.constant 32 : index
      %swap3A_279 = tpu.vector_load %arg11[%swap3A_277, %swap3A_278] {strides = array<i32>} : memref<2x128xi32, #tpu.memory_space<vmem>>, vector<1x16xi32>,
      %swap3A_280 = vector.shape_cast %swap3A_279 : vector<1x16xi32> to vector<16xi32>
      %swap3A_281 = vector.shape_cast %get3A_275 : vector<16xi32> to vector<1x16xi32>
      tpu.vector_store %arg11[%swap3A_277, %swap3A_278], %swap3A_281 {strides = array<i32>} : memref<2x128xi32, #tpu.memory_space<vmem>>, vector<1x16xi32>,
      %get3A_282 = arith.constant 0 : i32
      %get3A_283 = arith.index_cast %get3A_282 : i32 to index
      %get3A_284 = arith.constant 48 : index
      %get3A_285 = tpu.vector_load %arg9[%get3A_283, %get3A_284] {strides = array<i32>} : memref<2x128xi32, #tpu.memory_space<vmem>>, vector<1x16xi32>,
      %get3A_286 = vector.shape_cast %get3A_285 : vector<1x16xi32> to vector<16xi32>
      %swap3A_287 = arith.constant 0 : i32
      %swap3A_288 = arith.index_cast %swap3A_287 : i32 to index
      %swap3A_289 = arith.constant 48 : index
      %swap3A_290 = tpu.vector_load %arg11[%swap3A_288, %swap3A_289] {strides = array<i32>} : memref<2x128xi32, #tpu.memory_space<vmem>>, vector<1x16xi32>,
      %swap3A_291 = vector.shape_cast %swap3A_290 : vector<1x16xi32> to vector<16xi32>
      %swap3A_292 = vector.shape_cast %get3A_286 : vector<16xi32> to vector<1x16xi32>
      tpu.vector_store %arg11[%swap3A_288, %swap3A_289], %swap3A_292 {strides = array<i32>} : memref<2x128xi32, #tpu.memory_space<vmem>>, vector<1x16xi32>,
      %get3A_293 = arith.constant 0 : i32
      %get3A_294 = arith.index_cast %get3A_293 : i32 to index
      %get3A_295 = arith.constant 64 : index
      %get3A_296 = tpu.vector_load %arg9[%get3A_294, %get3A_295] {strides = array<i32>} : memref<2x128xi32, #tpu.memory_space<vmem>>, vector<1x16xi32>,
      %get3A_297 = vector.shape_cast %get3A_296 : vector<1x16xi32> to vector<16xi32>
      %swap3A_298 = arith.constant 0 : i32
      %swap3A_299 = arith.index_cast %swap3A_298 : i32 to index
      %swap3A_300 = arith.constant 64 : index
      %swap3A_301 = tpu.vector_load %arg11[%swap3A_299, %swap3A_300] {strides = array<i32>} : memref<2x128xi32, #tpu.memory_space<vmem>>, vector<1x16xi32>,
      %swap3A_302 = vector.shape_cast %swap3A_301 : vector<1x16xi32> to vector<16xi32>
      %swap3A_303 = vector.shape_cast %get3A_297 : vector<16xi32> to vector<1x16xi32>
      tpu.vector_store %arg11[%swap3A_299, %swap3A_300], %swap3A_303 {strides = array<i32>} : memref<2x128xi32, #tpu.memory_space<vmem>>, vector<1x16xi32>,
      %get3A_304 = arith.constant 0 : i32
      %get3A_305 = arith.index_cast %get3A_304 : i32 to index
      %get3A_306 = arith.constant 80 : index
      %get3A_307 = tpu.vector_load %arg9[%get3A_305, %get3A_306] {strides = array<i32>} : memref<2x128xi32, #tpu.memory_space<vmem>>, vector<1x16xi32>,
      %get3A_308 = vector.shape_cast %get3A_307 : vector<1x16xi32> to vector<16xi32>
      %swap3A_309 = arith.constant 0 : i32
      %swap3A_310 = arith.index_cast %swap3A_309 : i32 to index
      %swap3A_311 = arith.constant 80 : index
      %swap3A_312 = tpu.vector_load %arg11[%swap3A_310, %swap3A_311] {strides = array<i32>} : memref<2x128xi32, #tpu.memory_space<vmem>>, vector<1x16xi32>,
      %swap3A_313 = vector.shape_cast %swap3A_312 : vector<1x16xi32> to vector<16xi32>
      %swap3A_314 = vector.shape_cast %get3A_308 : vector<16xi32> to vector<1x16xi32>
      tpu.vector_store %arg11[%swap3A_310, %swap3A_311], %swap3A_314 {strides = array<i32>} : memref<2x128xi32, #tpu.memory_space<vmem>>, vector<1x16xi32>,
      %get3A_315 = arith.constant 0 : i32
      %get3A_316 = arith.index_cast %get3A_315 : i32 to index
      %get3A_317 = arith.constant 96 : index
      %get3A_318 = tpu.vector_load %arg9[%get3A_316, %get3A_317] {strides = array<i32>} : memref<2x128xi32, #tpu.memory_space<vmem>>, vector<1x16xi32>,
      %get3A_319 = vector.shape_cast %get3A_318 : vector<1x16xi32> to vector<16xi32>
      %swap3A_320 = arith.constant 0 : i32
      %swap3A_321 = arith.index_cast %swap3A_320 : i32 to index
      %swap3A_322 = arith.constant 96 : index
      %swap3A_323 = tpu.vector_load %arg11[%swap3A_321, %swap3A_322] {strides = array<i32>} : memref<2x128xi32, #tpu.memory_space<vmem>>, vector<1x16xi32>,
      %swap3A_324 = vector.shape_cast %swap3A_323 : vector<1x16xi32> to vector<16xi32>
      %swap3A_325 = vector.shape_cast %get3A_319 : vector<16xi32> to vector<1x16xi32>
      tpu.vector_store %arg11[%swap3A_321, %swap3A_322], %swap3A_325 {strides = array<i32>} : memref<2x128xi32, #tpu.memory_space<vmem>>, vector<1x16xi32>,
      %get3A_326 = arith.constant 0 : i32
      %get3A_327 = arith.index_cast %get3A_326 : i32 to index
      %get3A_328 = arith.constant 112 : index
      %get3A_329 = tpu.vector_load %arg9[%get3A_327, %get3A_328] {strides = array<i32>} : memref<2x128xi32, #tpu.memory_space<vmem>>, vector<1x16xi32>,
      %get3A_330 = vector.shape_cast %get3A_329 : vector<1x16xi32> to vector<16xi32>
      %swap3A_331 = arith.constant 0 : i32
      %swap3A_332 = arith.index_cast %swap3A_331 : i32 to index
      %swap3A_333 = arith.constant 112 : index
      %swap3A_334 = tpu.vector_load %arg11[%swap3A_332, %swap3A_333] {strides = array<i32>} : memref<2x128xi32, #tpu.memory_space<vmem>>, vector<1x16xi32>,
      %swap3A_335 = vector.shape_cast %swap3A_334 : vector<1x16xi32> to vector<16xi32>
      %swap3A_336 = vector.shape_cast %get3A_330 : vector<16xi32> to vector<1x16xi32>
      tpu.vector_store %arg11[%swap3A_332, %swap3A_333], %swap3A_336 {strides = array<i32>} : memref<2x128xi32, #tpu.memory_space<vmem>>, vector<1x16xi32>,
      %get3A_337 = arith.constant 1 : i32
      %get3A_338 = arith.index_cast %get3A_337 : i32 to index
      %get3A_339 = arith.constant 0 : index
      %get3A_340 = tpu.vector_load %arg9[%get3A_338, %get3A_339] {strides = array<i32>} : memref<2x128xi32, #tpu.memory_space<vmem>>, vector<1x16xi32>,
      %get3A_341 = vector.shape_cast %get3A_340 : vector<1x16xi32> to vector<16xi32>
      %swap3A_342 = arith.constant 1 : i32
      %swap3A_343 = arith.index_cast %swap3A_342 : i32 to index
      %swap3A_344 = arith.constant 0 : index
      %swap3A_345 = tpu.vector_load %arg11[%swap3A_343, %swap3A_344] {strides = array<i32>} : memref<2x128xi32, #tpu.memory_space<vmem>>, vector<1x16xi32>,
      %swap3A_346 = vector.shape_cast %swap3A_345 : vector<1x16xi32> to vector<16xi32>
      %swap3A_347 = vector.shape_cast %get3A_341 : vector<16xi32> to vector<1x16xi32>
      tpu.vector_store %arg11[%swap3A_343, %swap3A_344], %swap3A_347 {strides = array<i32>} : memref<2x128xi32, #tpu.memory_space<vmem>>, vector<1x16xi32>,
      %get3A_348 = arith.constant 1 : i32
      %get3A_349 = arith.index_cast %get3A_348 : i32 to index
      %get3A_350 = arith.constant 16 : index
      %get3A_351 = tpu.vector_load %arg9[%get3A_349, %get3A_350] {strides = array<i32>} : memref<2x128xi32, #tpu.memory_space<vmem>>, vector<1x16xi32>,
      %get3A_352 = vector.shape_cast %get3A_351 : vector<1x16xi32> to vector<16xi32>
      %swap3A_353 = arith.constant 1 : i32
      %swap3A_354 = arith.index_cast %swap3A_353 : i32 to index
      %swap3A_355 = arith.constant 16 : index
      %swap3A_356 = tpu.vector_load %arg11[%swap3A_354, %swap3A_355] {strides = array<i32>} : memref<2x128xi32, #tpu.memory_space<vmem>>, vector<1x16xi32>,
      %swap3A_357 = vector.shape_cast %swap3A_356 : vector<1x16xi32> to vector<16xi32>
      %swap3A_358 = vector.shape_cast %get3A_352 : vector<16xi32> to vector<1x16xi32>
      tpu.vector_store %arg11[%swap3A_354, %swap3A_355], %swap3A_358 {strides = array<i32>} : memref<2x128xi32, #tpu.memory_space<vmem>>, vector<1x16xi32>,
      %get3A_359 = arith.constant 1 : i32
      %get3A_360 = arith.index_cast %get3A_359 : i32 to index
      %get3A_361 = arith.constant 32 : index
      %get3A_362 = tpu.vector_load %arg9[%get3A_360, %get3A_361] {strides = array<i32>} : memref<2x128xi32, #tpu.memory_space<vmem>>, vector<1x16xi32>,
      %get3A_363 = vector.shape_cast %get3A_362 : vector<1x16xi32> to vector<16xi32>
      %swap3A_364 = arith.constant 1 : i32
      %swap3A_365 = arith.index_cast %swap3A_364 : i32 to index
      %swap3A_366 = arith.constant 32 : index
      %swap3A_367 = tpu.vector_load %arg11[%swap3A_365, %swap3A_366] {strides = array<i32>} : memref<2x128xi32, #tpu.memory_space<vmem>>, vector<1x16xi32>,
      %swap3A_368 = vector.shape_cast %swap3A_367 : vector<1x16xi32> to vector<16xi32>
      %swap3A_369 = vector.shape_cast %get3A_363 : vector<16xi32> to vector<1x16xi32>
      tpu.vector_store %arg11[%swap3A_365, %swap3A_366], %swap3A_369 {strides = array<i32>} : memref<2x128xi32, #tpu.memory_space<vmem>>, vector<1x16xi32>,
      %get3A_370 = arith.constant 1 : i32
      %get3A_371 = arith.index_cast %get3A_370 : i32 to index
      %get3A_372 = arith.constant 48 : index
      %get3A_373 = tpu.vector_load %arg9[%get3A_371, %get3A_372] {strides = array<i32>} : memref<2x128xi32, #tpu.memory_space<vmem>>, vector<1x16xi32>,
      %get3A_374 = vector.shape_cast %get3A_373 : vector<1x16xi32> to vector<16xi32>
      %swap3A_375 = arith.constant 1 : i32
      %swap3A_376 = arith.index_cast %swap3A_375 : i32 to index
      %swap3A_377 = arith.constant 48 : index
      %swap3A_378 = tpu.vector_load %arg11[%swap3A_376, %swap3A_377] {strides = array<i32>} : memref<2x128xi32, #tpu.memory_space<vmem>>, vector<1x16xi32>,
      %swap3A_379 = vector.shape_cast %swap3A_378 : vector<1x16xi32> to vector<16xi32>
      %swap3A_380 = vector.shape_cast %get3A_374 : vector<16xi32> to vector<1x16xi32>
      tpu.vector_store %arg11[%swap3A_376, %swap3A_377], %swap3A_380 {strides = array<i32>} : memref<2x128xi32, #tpu.memory_space<vmem>>, vector<1x16xi32>,
      %get3A_381 = arith.constant 1 : i32
      %get3A_382 = arith.index_cast %get3A_381 : i32 to index
      %get3A_383 = arith.constant 64 : index
      %get3A_384 = tpu.vector_load %arg9[%get3A_382, %get3A_383] {strides = array<i32>} : memref<2x128xi32, #tpu.memory_space<vmem>>, vector<1x16xi32>,
      %get3A_385 = vector.shape_cast %get3A_384 : vector<1x16xi32> to vector<16xi32>
      %swap3A_386 = arith.constant 1 : i32
      %swap3A_387 = arith.index_cast %swap3A_386 : i32 to index
      %swap3A_388 = arith.constant 64 : index
      %swap3A_389 = tpu.vector_load %arg11[%swap3A_387, %swap3A_388] {strides = array<i32>} : memref<2x128xi32, #tpu.memory_space<vmem>>, vector<1x16xi32>,
      %swap3A_390 = vector.shape_cast %swap3A_389 : vector<1x16xi32> to vector<16xi32>
      %swap3A_391 = vector.shape_cast %get3A_385 : vector<16xi32> to vector<1x16xi32>
      tpu.vector_store %arg11[%swap3A_387, %swap3A_388], %swap3A_391 {strides = array<i32>} : memref<2x128xi32, #tpu.memory_space<vmem>>, vector<1x16xi32>,
      %get3A_392 = arith.constant 1 : i32
      %get3A_393 = arith.index_cast %get3A_392 : i32 to index
      %get3A_394 = arith.constant 80 : index
      %get3A_395 = tpu.vector_load %arg9[%get3A_393, %get3A_394] {strides = array<i32>} : memref<2x128xi32, #tpu.memory_space<vmem>>, vector<1x16xi32>,
      %get3A_396 = vector.shape_cast %get3A_395 : vector<1x16xi32> to vector<16xi32>
      %swap3A_397 = arith.constant 1 : i32
      %swap3A_398 = arith.index_cast %swap3A_397 : i32 to index
      %swap3A_399 = arith.constant 80 : index
      %swap3A_400 = tpu.vector_load %arg11[%swap3A_398, %swap3A_399] {strides = array<i32>} : memref<2x128xi32, #tpu.memory_space<vmem>>, vector<1x16xi32>,
      %swap3A_401 = vector.shape_cast %swap3A_400 : vector<1x16xi32> to vector<16xi32>
      %swap3A_402 = vector.shape_cast %get3A_396 : vector<16xi32> to vector<1x16xi32>
      tpu.vector_store %arg11[%swap3A_398, %swap3A_399], %swap3A_402 {strides = array<i32>} : memref<2x128xi32, #tpu.memory_space<vmem>>, vector<1x16xi32>,
      %get3A_403 = arith.constant 1 : i32
      %get3A_404 = arith.index_cast %get3A_403 : i32 to index
      %get3A_405 = arith.constant 96 : index
      %get3A_406 = tpu.vector_load %arg9[%get3A_404, %get3A_405] {strides = array<i32>} : memref<2x128xi32, #tpu.memory_space<vmem>>, vector<1x16xi32>,
      %get3A_407 = vector.shape_cast %get3A_406 : vector<1x16xi32> to vector<16xi32>
      %swap3A_408 = arith.constant 1 : i32
      %swap3A_409 = arith.index_cast %swap3A_408 : i32 to index
      %swap3A_410 = arith.constant 96 : index
      %swap3A_411 = tpu.vector_load %arg11[%swap3A_409, %swap3A_410] {strides = array<i32>} : memref<2x128xi32, #tpu.memory_space<vmem>>, vector<1x16xi32>,
      %swap3A_412 = vector.shape_cast %swap3A_411 : vector<1x16xi32> to vector<16xi32>
      %swap3A_413 = vector.shape_cast %get3A_407 : vector<16xi32> to vector<1x16xi32>
      tpu.vector_store %arg11[%swap3A_409, %swap3A_410], %swap3A_413 {strides = array<i32>} : memref<2x128xi32, #tpu.memory_space<vmem>>, vector<1x16xi32>,
      %get3A_414 = arith.constant 1 : i32
      %get3A_415 = arith.index_cast %get3A_414 : i32 to index
      %get3A_416 = arith.constant 112 : index
      %get3A_417 = tpu.vector_load %arg9[%get3A_415, %get3A_416] {strides = array<i32>} : memref<2x128xi32, #tpu.memory_space<vmem>>, vector<1x16xi32>,
      %get3A_418 = vector.shape_cast %get3A_417 : vector<1x16xi32> to vector<16xi32>
      %swap3A_419 = arith.constant 1 : i32
      %swap3A_420 = arith.index_cast %swap3A_419 : i32 to index
      %swap3A_421 = arith.constant 112 : index
      %swap3A_422 = tpu.vector_load %arg11[%swap3A_420, %swap3A_421] {strides = array<i32>} : memref<2x128xi32, #tpu.memory_space<vmem>>, vector<1x16xi32>,
      %swap3A_423 = vector.shape_cast %swap3A_422 : vector<1x16xi32> to vector<16xi32>
      %swap3A_424 = vector.shape_cast %get3A_418 : vector<16xi32> to vector<1x16xi32>
      tpu.vector_store %arg11[%swap3A_420, %swap3A_421], %swap3A_424 {strides = array<i32>} : memref<2x128xi32, #tpu.memory_space<vmem>>, vector<1x16xi32>,
      %add3A_425 = arith.constant 3 : i32
      %add3A_426 = arith.addi %mul3A_2, %add3A_425 : i32
      %dma_start3A_427 = arith.constant 0 : i32
      %dma_start3A_428 = arith.constant 0 : i32
      %dma_start3A_429 = tpu.memref_slice %arg4[%add3A_426, %dma_start3A_427, %dma_start3A_428] : memref<2564x2x128xi32, #tpu.memory_space<hbm>> -> memref<1x2x128xi32, #tpu.memory_space<hbm>>
      %dma_start3A_430 = tpu.memref_squeeze %dma_start3A_429 : memref<1x2x128xi32, #tpu.memory_space<hbm>> -> memref<2x128xi32, #tpu.memory_space<hbm>>
      %dma_start3A_431 = arith.constant 0 : i32
      %dma_start3A_432 = arith.constant 0 : i32
      %dma_start3A_433 = tpu.memref_slice %arg4[%add3A_426, %dma_start3A_431, %dma_start3A_432] : memref<2564x2x128xi32, #tpu.memory_space<hbm>> -> memref<1x2x128xi32, #tpu.memory_space<hbm>>
      %dma_start3A_434 = tpu.memref_squeeze %dma_start3A_433 : memref<1x2x128xi32, #tpu.memory_space<hbm>> -> memref<2x128xi32, #tpu.memory_space<hbm>>
      tpu.enqueue_dma source(%dma_start3A_434 : memref<2x128xi32, #tpu.memory_space<hbm>>) target(%arg9 : memref<2x128xi32, #tpu.memory_space<vmem>>) target_semaphore(%arg15 : memref<!tpu.dma_semaphore, #tpu.memory_space<semaphore_mem>>)
      %dma_start3A_435 = arith.constant 0 : i32
      %dma_start3A_436 = arith.constant 0 : i32
      %dma_start3A_437 = tpu.memref_slice %arg11[%dma_start3A_435, %dma_start3A_436] : memref<2x128xi32, #tpu.memory_space<vmem>> -> memref<1x128xi32, #tpu.memory_space<vmem>>
      %dma_start3A_438 = tpu.memref_squeeze %dma_start3A_437 : memref<1x128xi32, #tpu.memory_space<vmem>> -> memref<128xi32, #tpu.memory_space<vmem>>
      %dma_start3A_439 = arith.constant 0 : i32
      %dma_start3A_440 = arith.constant 0 : i32
      %dma_start3A_441 = tpu.memref_slice %arg3[%dma_start3A_439, %dma_start3A_440] : memref<10112x144xf32, #tpu.memory_space<hbm>> -> memref<10112x144xf32, #tpu.memory_space<hbm>>
      tpu.enqueue_indirect_dma source(%dma_start3A_441 : memref<10112x144xf32, #tpu.memory_space<hbm>>) target(%arg13 : memref<128x144xf32, #tpu.memory_space<vmem>>) offsets(%dma_start3A_438 : memref<128xi32, #tpu.memory_space<vmem>>) semaphore(%arg16 : memref<!tpu.dma_semaphore, #tpu.memory_space<semaphore_mem>>)
      %scan3A = arith.constant 0 : i32
      %scan3A_442 = arith.constant 0 : i32
      %scan3A_443 = arith.constant 79 : i32
      %scan3A_444 = arith.addi %scan3A_442, %scan3A_443 : i32
      %scan3A_445 = arith.constant 1 : i32
      scf.for %scan3A_491 = %scan3A_442 to %scan3A_444 step %scan3A_445  : i32 {
        %mul3A_492 = arith.constant 2 : i32
        %mul3A_493 = arith.muli %mul3A_492, %scan3A_491 : i32
        %add3A_494 = arith.constant 1 : i32
        %add3A_495 = arith.addi %mul3A_493, %add3A_494 : i32
        %dma_wait3A_496 = arith.constant 0 : i32
        %dma_wait3A_497 = arith.constant 0 : i32
        %dma_wait3A_498 = tpu.memref_slice %arg11[%dma_wait3A_496, %dma_wait3A_497] : memref<2x128xi32, #tpu.memory_space<vmem>> -> memref<1x128xi32, #tpu.memory_space<vmem>>
        %dma_wait3A_499 = tpu.memref_squeeze %dma_wait3A_498 : memref<1x128xi32, #tpu.memory_space<vmem>> -> memref<128xi32, #tpu.memory_space<vmem>>
        %dma_wait3A_500 = arith.constant 0 : i32
        %dma_wait3A_501 = arith.constant 0 : i32
        %dma_wait3A_502 = tpu.memref_slice %arg3[%dma_wait3A_500, %dma_wait3A_501] : memref<10112x144xf32, #tpu.memory_space<hbm>> -> memref<10112x144xf32, #tpu.memory_space<hbm>>
        tpu.wait_indirect_dma semaphore(%arg16 : memref<!tpu.dma_semaphore, #tpu.memory_space<semaphore_mem>>) src(%dma_wait3A_502 : memref<10112x144xf32, #tpu.memory_space<hbm>>) dst(%arg13 : memref<128x144xf32, #tpu.memory_space<vmem>>)
        %dma_start3A_503 = arith.constant 1 : i32
        %dma_start3A_504 = arith.constant 0 : i32
        %dma_start3A_505 = tpu.memref_slice %arg11[%dma_start3A_503, %dma_start3A_504] : memref<2x128xi32, #tpu.memory_space<vmem>> -> memref<1x128xi32, #tpu.memory_space<vmem>>
        %dma_start3A_506 = tpu.memref_squeeze %dma_start3A_505 : memref<1x128xi32, #tpu.memory_space<vmem>> -> memref<128xi32, #tpu.memory_space<vmem>>
        %dma_start3A_507 = arith.constant 0 : i32
        %dma_start3A_508 = arith.constant 0 : i32
        %dma_start3A_509 = tpu.memref_slice %arg7[%dma_start3A_507, %dma_start3A_508] : memref<10112x144xf32, #tpu.memory_space<vmem_shared>> -> memref<10112x144xf32, #tpu.memory_space<vmem_shared>>
        tpu.enqueue_indirect_dma source(%arg13 : memref<128x144xf32, #tpu.memory_space<vmem>>) target(%dma_start3A_509 : memref<10112x144xf32, #tpu.memory_space<vmem_shared>>) offsets(%dma_start3A_506 : memref<128xi32, #tpu.memory_space<vmem>>) semaphore(%arg18 : memref<!tpu.dma_semaphore, #tpu.memory_space<semaphore_mem>>) {add = true}
        %dma_wait3A_510 = arith.constant 0 : i32
        %dma_wait3A_511 = arith.constant 0 : i32
        %dma_wait3A_512 = tpu.memref_slice %arg4[%mul3A_2, %dma_wait3A_510, %dma_wait3A_511] : memref<2564x2x128xi32, #tpu.memory_space<hbm>> -> memref<1x2x128xi32, #tpu.memory_space<hbm>>
        %dma_wait3A_513 = tpu.memref_squeeze %dma_wait3A_512 : memref<1x2x128xi32, #tpu.memory_space<hbm>> -> memref<2x128xi32, #tpu.memory_space<hbm>>
        %dma_wait3A_514 = arith.constant 0 : i32
        %dma_wait3A_515 = arith.constant 0 : i32
        %dma_wait3A_516 = tpu.memref_slice %arg4[%mul3A_2, %dma_wait3A_514, %dma_wait3A_515] : memref<2564x2x128xi32, #tpu.memory_space<hbm>> -> memref<1x2x128xi32, #tpu.memory_space<hbm>>
        %dma_wait3A_517 = tpu.memref_squeeze %dma_wait3A_516 : memref<1x2x128xi32, #tpu.memory_space<hbm>> -> memref<2x128xi32, #tpu.memory_space<hbm>>
        tpu.wait_dma2 semaphore(%arg14 : memref<!tpu.dma_semaphore, #tpu.memory_space<semaphore_mem>>) src(%dma_wait3A_517 : memref<2x128xi32, #tpu.memory_space<hbm>>) dst(%arg8 : memref<2x128xi32, #tpu.memory_space<vmem>>)
        %dma_wait3A_518 = arith.constant 1 : i32
        %dma_wait3A_519 = arith.constant 0 : i32
        %dma_wait3A_520 = tpu.memref_slice %arg10[%dma_wait3A_518, %dma_wait3A_519] : memref<2x128xi32, #tpu.memory_space<vmem>> -> memref<1x128xi32, #tpu.memory_space<vmem>>
        %dma_wait3A_521 = tpu.memref_squeeze %dma_wait3A_520 : memref<1x128xi32, #tpu.memory_space<vmem>> -> memref<128xi32, #tpu.memory_space<vmem>>
        %dma_wait3A_522 = arith.constant 0 : i32
        %dma_wait3A_523 = arith.constant 0 : i32
        %dma_wait3A_524 = tpu.memref_slice %arg7[%dma_wait3A_522, %dma_wait3A_523] : memref<10112x144xf32, #tpu.memory_space<vmem_shared>> -> memref<10112x144xf32, #tpu.memory_space<vmem_shared>>
        tpu.wait_indirect_dma semaphore(%arg17 : memref<!tpu.dma_semaphore, #tpu.memory_space<semaphore_mem>>) src(%arg12 : memref<128x144xf32, #tpu.memory_space<vmem>>) dst(%dma_wait3A_524 : memref<10112x144xf32, #tpu.memory_space<vmem_shared>>)
        %get3A_525 = arith.constant 0 : i32
        %get3A_526 = arith.index_cast %get3A_525 : i32 to index
        %get3A_527 = arith.constant 0 : index
        %get3A_528 = tpu.vector_load %arg8[%get3A_526, %get3A_527] {strides = array<i32>} : memref<2x128xi32, #tpu.memory_space<vmem>>, vector<1x16xi32>,
        %get3A_529 = vector.shape_cast %get3A_528 : vector<1x16xi32> to vector<16xi32>
        %swap3A_530 = arith.constant 0 : i32
        %swap3A_531 = arith.index_cast %swap3A_530 : i32 to index
        %swap3A_532 = arith.constant 0 : index
        %swap3A_533 = tpu.vector_load %arg10[%swap3A_531, %swap3A_532] {strides = array<i32>} : memref<2x128xi32, #tpu.memory_space<vmem>>, vector<1x16xi32>,
        %swap3A_534 = vector.shape_cast %swap3A_533 : vector<1x16xi32> to vector<16xi32>
        %swap3A_535 = vector.shape_cast %get3A_529 : vector<16xi32> to vector<1x16xi32>
        tpu.vector_store %arg10[%swap3A_531, %swap3A_532], %swap3A_535 {strides = array<i32>} : memref<2x128xi32, #tpu.memory_space<vmem>>, vector<1x16xi32>,
        %get3A_536 = arith.constant 0 : i32
        %get3A_537 = arith.index_cast %get3A_536 : i32 to index
        %get3A_538 = arith.constant 16 : index
        %get3A_539 = tpu.vector_load %arg8[%get3A_537, %get3A_538] {strides = array<i32>} : memref<2x128xi32, #tpu.memory_space<vmem>>, vector<1x16xi32>,
        %get3A_540 = vector.shape_cast %get3A_539 : vector<1x16xi32> to vector<16xi32>
        %swap3A_541 = arith.constant 0 : i32
        %swap3A_542 = arith.index_cast %swap3A_541 : i32 to index
        %swap3A_543 = arith.constant 16 : index
        %swap3A_544 = tpu.vector_load %arg10[%swap3A_542, %swap3A_543] {strides = array<i32>} : memref<2x128xi32, #tpu.memory_space<vmem>>, vector<1x16xi32>,
        %swap3A_545 = vector.shape_cast %swap3A_544 : vector<1x16xi32> to vector<16xi32>
        %swap3A_546 = vector.shape_cast %get3A_540 : vector<16xi32> to vector<1x16xi32>
        tpu.vector_store %arg10[%swap3A_542, %swap3A_543], %swap3A_546 {strides = array<i32>} : memref<2x128xi32, #tpu.memory_space<vmem>>, vector<1x16xi32>,
        %get3A_547 = arith.constant 0 : i32
        %get3A_548 = arith.index_cast %get3A_547 : i32 to index
        %get3A_549 = arith.constant 32 : index
        %get3A_550 = tpu.vector_load %arg8[%get3A_548, %get3A_549] {strides = array<i32>} : memref<2x128xi32, #tpu.memory_space<vmem>>, vector<1x16xi32>,
        %get3A_551 = vector.shape_cast %get3A_550 : vector<1x16xi32> to vector<16xi32>
        %swap3A_552 = arith.constant 0 : i32
        %swap3A_553 = arith.index_cast %swap3A_552 : i32 to index
        %swap3A_554 = arith.constant 32 : index
        %swap3A_555 = tpu.vector_load %arg10[%swap3A_553, %swap3A_554] {strides = array<i32>} : memref<2x128xi32, #tpu.memory_space<vmem>>, vector<1x16xi32>,
        %swap3A_556 = vector.shape_cast %swap3A_555 : vector<1x16xi32> to vector<16xi32>
        %swap3A_557 = vector.shape_cast %get3A_551 : vector<16xi32> to vector<1x16xi32>
        tpu.vector_store %arg10[%swap3A_553, %swap3A_554], %swap3A_557 {strides = array<i32>} : memref<2x128xi32, #tpu.memory_space<vmem>>, vector<1x16xi32>,
        %get3A_558 = arith.constant 0 : i32
        %get3A_559 = arith.index_cast %get3A_558 : i32 to index
        %get3A_560 = arith.constant 48 : index
        %get3A_561 = tpu.vector_load %arg8[%get3A_559, %get3A_560] {strides = array<i32>} : memref<2x128xi32, #tpu.memory_space<vmem>>, vector<1x16xi32>,
        %get3A_562 = vector.shape_cast %get3A_561 : vector<1x16xi32> to vector<16xi32>
        %swap3A_563 = arith.constant 0 : i32
        %swap3A_564 = arith.index_cast %swap3A_563 : i32 to index
        %swap3A_565 = arith.constant 48 : index
        %swap3A_566 = tpu.vector_load %arg10[%swap3A_564, %swap3A_565] {strides = array<i32>} : memref<2x128xi32, #tpu.memory_space<vmem>>, vector<1x16xi32>,
        %swap3A_567 = vector.shape_cast %swap3A_566 : vector<1x16xi32> to vector<16xi32>
        %swap3A_568 = vector.shape_cast %get3A_562 : vector<16xi32> to vector<1x16xi32>
        tpu.vector_store %arg10[%swap3A_564, %swap3A_565], %swap3A_568 {strides = array<i32>} : memref<2x128xi32, #tpu.memory_space<vmem>>, vector<1x16xi32>,
        %get3A_569 = arith.constant 0 : i32
        %get3A_570 = arith.index_cast %get3A_569 : i32 to index
        %get3A_571 = arith.constant 64 : index
        %get3A_572 = tpu.vector_load %arg8[%get3A_570, %get3A_571] {strides = array<i32>} : memref<2x128xi32, #tpu.memory_space<vmem>>, vector<1x16xi32>,
        %get3A_573 = vector.shape_cast %get3A_572 : vector<1x16xi32> to vector<16xi32>
        %swap3A_574 = arith.constant 0 : i32
        %swap3A_575 = arith.index_cast %swap3A_574 : i32 to index
        %swap3A_576 = arith.constant 64 : index
        %swap3A_577 = tpu.vector_load %arg10[%swap3A_575, %swap3A_576] {strides = array<i32>} : memref<2x128xi32, #tpu.memory_space<vmem>>, vector<1x16xi32>,
        %swap3A_578 = vector.shape_cast %swap3A_577 : vector<1x16xi32> to vector<16xi32>
        %swap3A_579 = vector.shape_cast %get3A_573 : vector<16xi32> to vector<1x16xi32>
        tpu.vector_store %arg10[%swap3A_575, %swap3A_576], %swap3A_579 {strides = array<i32>} : memref<2x128xi32, #tpu.memory_space<vmem>>, vector<1x16xi32>,
        %get3A_580 = arith.constant 0 : i32
        %get3A_581 = arith.index_cast %get3A_580 : i32 to index
        %get3A_582 = arith.constant 80 : index
        %get3A_583 = tpu.vector_load %arg8[%get3A_581, %get3A_582] {strides = array<i32>} : memref<2x128xi32, #tpu.memory_space<vmem>>, vector<1x16xi32>,
        %get3A_584 = vector.shape_cast %get3A_583 : vector<1x16xi32> to vector<16xi32>
        %swap3A_585 = arith.constant 0 : i32
        %swap3A_586 = arith.index_cast %swap3A_585 : i32 to index
        %swap3A_587 = arith.constant 80 : index
        %swap3A_588 = tpu.vector_load %arg10[%swap3A_586, %swap3A_587] {strides = array<i32>} : memref<2x128xi32, #tpu.memory_space<vmem>>, vector<1x16xi32>,
        %swap3A_589 = vector.shape_cast %swap3A_588 : vector<1x16xi32> to vector<16xi32>
        %swap3A_590 = vector.shape_cast %get3A_584 : vector<16xi32> to vector<1x16xi32>
        tpu.vector_store %arg10[%swap3A_586, %swap3A_587], %swap3A_590 {strides = array<i32>} : memref<2x128xi32, #tpu.memory_space<vmem>>, vector<1x16xi32>,
        %get3A_591 = arith.constant 0 : i32
        %get3A_592 = arith.index_cast %get3A_591 : i32 to index
        %get3A_593 = arith.constant 96 : index
        %get3A_594 = tpu.vector_load %arg8[%get3A_592, %get3A_593] {strides = array<i32>} : memref<2x128xi32, #tpu.memory_space<vmem>>, vector<1x16xi32>,
        %get3A_595 = vector.shape_cast %get3A_594 : vector<1x16xi32> to vector<16xi32>
        %swap3A_596 = arith.constant 0 : i32
        %swap3A_597 = arith.index_cast %swap3A_596 : i32 to index
        %swap3A_598 = arith.constant 96 : index
        %swap3A_599 = tpu.vector_load %arg10[%swap3A_597, %swap3A_598] {strides = array<i32>} : memref<2x128xi32, #tpu.memory_space<vmem>>, vector<1x16xi32>,
        %swap3A_600 = vector.shape_cast %swap3A_599 : vector<1x16xi32> to vector<16xi32>
        %swap3A_601 = vector.shape_cast %get3A_595 : vector<16xi32> to vector<1x16xi32>
        tpu.vector_store %arg10[%swap3A_597, %swap3A_598], %swap3A_601 {strides = array<i32>} : memref<2x128xi32, #tpu.memory_space<vmem>>, vector<1x16xi32>,
        %get3A_602 = arith.constant 0 : i32
        %get3A_603 = arith.index_cast %get3A_602 : i32 to index
        %get3A_604 = arith.constant 112 : index
        %get3A_605 = tpu.vector_load %arg8[%get3A_603, %get3A_604] {strides = array<i32>} : memref<2x128xi32, #tpu.memory_space<vmem>>, vector<1x16xi32>,
        %get3A_606 = vector.shape_cast %get3A_605 : vector<1x16xi32> to vector<16xi32>
        %swap3A_607 = arith.constant 0 : i32
        %swap3A_608 = arith.index_cast %swap3A_607 : i32 to index
        %swap3A_609 = arith.constant 112 : index
        %swap3A_610 = tpu.vector_load %arg10[%swap3A_608, %swap3A_609] {strides = array<i32>} : memref<2x128xi32, #tpu.memory_space<vmem>>, vector<1x16xi32>,
        %swap3A_611 = vector.shape_cast %swap3A_610 : vector<1x16xi32> to vector<16xi32>
        %swap3A_612 = vector.shape_cast %get3A_606 : vector<16xi32> to vector<1x16xi32>
        tpu.vector_store %arg10[%swap3A_608, %swap3A_609], %swap3A_612 {strides = array<i32>} : memref<2x128xi32, #tpu.memory_space<vmem>>, vector<1x16xi32>,
        %get3A_613 = arith.constant 1 : i32
        %get3A_614 = arith.index_cast %get3A_613 : i32 to index
        %get3A_615 = arith.constant 0 : index
        %get3A_616 = tpu.vector_load %arg8[%get3A_614, %get3A_615] {strides = array<i32>} : memref<2x128xi32, #tpu.memory_space<vmem>>, vector<1x16xi32>,
        %get3A_617 = vector.shape_cast %get3A_616 : vector<1x16xi32> to vector<16xi32>
        %swap3A_618 = arith.constant 1 : i32
        %swap3A_619 = arith.index_cast %swap3A_618 : i32 to index
        %swap3A_620 = arith.constant 0 : index
        %swap3A_621 = tpu.vector_load %arg10[%swap3A_619, %swap3A_620] {strides = array<i32>} : memref<2x128xi32, #tpu.memory_space<vmem>>, vector<1x16xi32>,
        %swap3A_622 = vector.shape_cast %swap3A_621 : vector<1x16xi32> to vector<16xi32>
        %swap3A_623 = vector.shape_cast %get3A_617 : vector<16xi32> to vector<1x16xi32>
        tpu.vector_store %arg10[%swap3A_619, %swap3A_620], %swap3A_623 {strides = array<i32>} : memref<2x128xi32, #tpu.memory_space<vmem>>, vector<1x16xi32>,
        %get3A_624 = arith.constant 1 : i32
        %get3A_625 = arith.index_cast %get3A_624 : i32 to index
        %get3A_626 = arith.constant 16 : index
        %get3A_627 = tpu.vector_load %arg8[%get3A_625, %get3A_626] {strides = array<i32>} : memref<2x128xi32, #tpu.memory_space<vmem>>, vector<1x16xi32>,
        %get3A_628 = vector.shape_cast %get3A_627 : vector<1x16xi32> to vector<16xi32>
        %swap3A_629 = arith.constant 1 : i32
        %swap3A_630 = arith.index_cast %swap3A_629 : i32 to index
        %swap3A_631 = arith.constant 16 : index
        %swap3A_632 = tpu.vector_load %arg10[%swap3A_630, %swap3A_631] {strides = array<i32>} : memref<2x128xi32, #tpu.memory_space<vmem>>, vector<1x16xi32>,
        %swap3A_633 = vector.shape_cast %swap3A_632 : vector<1x16xi32> to vector<16xi32>
        %swap3A_634 = vector.shape_cast %get3A_628 : vector<16xi32> to vector<1x16xi32>
        tpu.vector_store %arg10[%swap3A_630, %swap3A_631], %swap3A_634 {strides = array<i32>} : memref<2x128xi32, #tpu.memory_space<vmem>>, vector<1x16xi32>,
        %get3A_635 = arith.constant 1 : i32
        %get3A_636 = arith.index_cast %get3A_635 : i32 to index
        %get3A_637 = arith.constant 32 : index
        %get3A_638 = tpu.vector_load %arg8[%get3A_636, %get3A_637] {strides = array<i32>} : memref<2x128xi32, #tpu.memory_space<vmem>>, vector<1x16xi32>,
        %get3A_639 = vector.shape_cast %get3A_638 : vector<1x16xi32> to vector<16xi32>
        %swap3A_640 = arith.constant 1 : i32
        %swap3A_641 = arith.index_cast %swap3A_640 : i32 to index
        %swap3A_642 = arith.constant 32 : index
        %swap3A_643 = tpu.vector_load %arg10[%swap3A_641, %swap3A_642] {strides = array<i32>} : memref<2x128xi32, #tpu.memory_space<vmem>>, vector<1x16xi32>,
        %swap3A_644 = vector.shape_cast %swap3A_643 : vector<1x16xi32> to vector<16xi32>
        %swap3A_645 = vector.shape_cast %get3A_639 : vector<16xi32> to vector<1x16xi32>
        tpu.vector_store %arg10[%swap3A_641, %swap3A_642], %swap3A_645 {strides = array<i32>} : memref<2x128xi32, #tpu.memory_space<vmem>>, vector<1x16xi32>,
        %get3A_646 = arith.constant 1 : i32
        %get3A_647 = arith.index_cast %get3A_646 : i32 to index
        %get3A_648 = arith.constant 48 : index
        %get3A_649 = tpu.vector_load %arg8[%get3A_647, %get3A_648] {strides = array<i32>} : memref<2x128xi32, #tpu.memory_space<vmem>>, vector<1x16xi32>,
        %get3A_650 = vector.shape_cast %get3A_649 : vector<1x16xi32> to vector<16xi32>
        %swap3A_651 = arith.constant 1 : i32
        %swap3A_652 = arith.index_cast %swap3A_651 : i32 to index
        %swap3A_653 = arith.constant 48 : index
        %swap3A_654 = tpu.vector_load %arg10[%swap3A_652, %swap3A_653] {strides = array<i32>} : memref<2x128xi32, #tpu.memory_space<vmem>>, vector<1x16xi32>,
        %swap3A_655 = vector.shape_cast %swap3A_654 : vector<1x16xi32> to vector<16xi32>
        %swap3A_656 = vector.shape_cast %get3A_650 : vector<16xi32> to vector<1x16xi32>
        tpu.vector_store %arg10[%swap3A_652, %swap3A_653], %swap3A_656 {strides = array<i32>} : memref<2x128xi32, #tpu.memory_space<vmem>>, vector<1x16xi32>,
        %get3A_657 = arith.constant 1 : i32
        %get3A_658 = arith.index_cast %get3A_657 : i32 to index
        %get3A_659 = arith.constant 64 : index
        %get3A_660 = tpu.vector_load %arg8[%get3A_658, %get3A_659] {strides = array<i32>} : memref<2x128xi32, #tpu.memory_space<vmem>>, vector<1x16xi32>,
        %get3A_661 = vector.shape_cast %get3A_660 : vector<1x16xi32> to vector<16xi32>
        %swap3A_662 = arith.constant 1 : i32
        %swap3A_663 = arith.index_cast %swap3A_662 : i32 to index
        %swap3A_664 = arith.constant 64 : index
        %swap3A_665 = tpu.vector_load %arg10[%swap3A_663, %swap3A_664] {strides = array<i32>} : memref<2x128xi32, #tpu.memory_space<vmem>>, vector<1x16xi32>,
        %swap3A_666 = vector.shape_cast %swap3A_665 : vector<1x16xi32> to vector<16xi32>
        %swap3A_667 = vector.shape_cast %get3A_661 : vector<16xi32> to vector<1x16xi32>
        tpu.vector_store %arg10[%swap3A_663, %swap3A_664], %swap3A_667 {strides = array<i32>} : memref<2x128xi32, #tpu.memory_space<vmem>>, vector<1x16xi32>,
        %get3A_668 = arith.constant 1 : i32
        %get3A_669 = arith.index_cast %get3A_668 : i32 to index
        %get3A_670 = arith.constant 80 : index
        %get3A_671 = tpu.vector_load %arg8[%get3A_669, %get3A_670] {strides = array<i32>} : memref<2x128xi32, #tpu.memory_space<vmem>>, vector<1x16xi32>,
        %get3A_672 = vector.shape_cast %get3A_671 : vector<1x16xi32> to vector<16xi32>
        %swap3A_673 = arith.constant 1 : i32
        %swap3A_674 = arith.index_cast %swap3A_673 : i32 to index
        %swap3A_675 = arith.constant 80 : index
        %swap3A_676 = tpu.vector_load %arg10[%swap3A_674, %swap3A_675] {strides = array<i32>} : memref<2x128xi32, #tpu.memory_space<vmem>>, vector<1x16xi32>,
        %swap3A_677 = vector.shape_cast %swap3A_676 : vector<1x16xi32> to vector<16xi32>
        %swap3A_678 = vector.shape_cast %get3A_672 : vector<16xi32> to vector<1x16xi32>
        tpu.vector_store %arg10[%swap3A_674, %swap3A_675], %swap3A_678 {strides = array<i32>} : memref<2x128xi32, #tpu.memory_space<vmem>>, vector<1x16xi32>,
        %get3A_679 = arith.constant 1 : i32
        %get3A_680 = arith.index_cast %get3A_679 : i32 to index
        %get3A_681 = arith.constant 96 : index
        %get3A_682 = tpu.vector_load %arg8[%get3A_680, %get3A_681] {strides = array<i32>} : memref<2x128xi32, #tpu.memory_space<vmem>>, vector<1x16xi32>,
        %get3A_683 = vector.shape_cast %get3A_682 : vector<1x16xi32> to vector<16xi32>
        %swap3A_684 = arith.constant 1 : i32
        %swap3A_685 = arith.index_cast %swap3A_684 : i32 to index
        %swap3A_686 = arith.constant 96 : index
        %swap3A_687 = tpu.vector_load %arg10[%swap3A_685, %swap3A_686] {strides = array<i32>} : memref<2x128xi32, #tpu.memory_space<vmem>>, vector<1x16xi32>,
        %swap3A_688 = vector.shape_cast %swap3A_687 : vector<1x16xi32> to vector<16xi32>
        %swap3A_689 = vector.shape_cast %get3A_683 : vector<16xi32> to vector<1x16xi32>
        tpu.vector_store %arg10[%swap3A_685, %swap3A_686], %swap3A_689 {strides = array<i32>} : memref<2x128xi32, #tpu.memory_space<vmem>>, vector<1x16xi32>,
        %get3A_690 = arith.constant 1 : i32
        %get3A_691 = arith.index_cast %get3A_690 : i32 to index
        %get3A_692 = arith.constant 112 : index
        %get3A_693 = tpu.vector_load %arg8[%get3A_691, %get3A_692] {strides = array<i32>} : memref<2x128xi32, #tpu.memory_space<vmem>>, vector<1x16xi32>,
        %get3A_694 = vector.shape_cast %get3A_693 : vector<1x16xi32> to vector<16xi32>
        %swap3A_695 = arith.constant 1 : i32
        %swap3A_696 = arith.index_cast %swap3A_695 : i32 to index
        %swap3A_697 = arith.constant 112 : index
        %swap3A_698 = tpu.vector_load %arg10[%swap3A_696, %swap3A_697] {strides = array<i32>} : memref<2x128xi32, #tpu.memory_space<vmem>>, vector<1x16xi32>,
        %swap3A_699 = vector.shape_cast %swap3A_698 : vector<1x16xi32> to vector<16xi32>
        %swap3A_700 = vector.shape_cast %get3A_694 : vector<16xi32> to vector<1x16xi32>
        tpu.vector_store %arg10[%swap3A_696, %swap3A_697], %swap3A_700 {strides = array<i32>} : memref<2x128xi32, #tpu.memory_space<vmem>>, vector<1x16xi32>,
        %add3A_701 = arith.constant 3 : i32
        %add3A_702 = arith.addi %add3A_495, %add3A_701 : i32
        %add3A_703 = arith.addi %mul3A_2, %add3A_702 : i32
        %dma_start3A_704 = arith.constant 0 : i32
        %dma_start3A_705 = arith.constant 0 : i32
        %dma_start3A_706 = tpu.memref_slice %arg4[%add3A_703, %dma_start3A_704, %dma_start3A_705] : memref<2564x2x128xi32, #tpu.memory_space<hbm>> -> memref<1x2x128xi32, #tpu.memory_space<hbm>>
        %dma_start3A_707 = tpu.memref_squeeze %dma_start3A_706 : memref<1x2x128xi32, #tpu.memory_space<hbm>> -> memref<2x128xi32, #tpu.memory_space<hbm>>
        %dma_start3A_708 = arith.constant 0 : i32
        %dma_start3A_709 = arith.constant 0 : i32
        %dma_start3A_710 = tpu.memref_slice %arg4[%add3A_703, %dma_start3A_708, %dma_start3A_709] : memref<2564x2x128xi32, #tpu.memory_space<hbm>> -> memref<1x2x128xi32, #tpu.memory_space<hbm>>
        %dma_start3A_711 = tpu.memref_squeeze %dma_start3A_710 : memref<1x2x128xi32, #tpu.memory_space<hbm>> -> memref<2x128xi32, #tpu.memory_space<hbm>>
        tpu.enqueue_dma source(%dma_start3A_711 : memref<2x128xi32, #tpu.memory_space<hbm>>) target(%arg8 : memref<2x128xi32, #tpu.memory_space<vmem>>) target_semaphore(%arg14 : memref<!tpu.dma_semaphore, #tpu.memory_space<semaphore_mem>>)
        %dma_start3A_712 = arith.constant 0 : i32
        %dma_start3A_713 = arith.constant 0 : i32
        %dma_start3A_714 = tpu.memref_slice %arg10[%dma_start3A_712, %dma_start3A_713] : memref<2x128xi32, #tpu.memory_space<vmem>> -> memref<1x128xi32, #tpu.memory_space<vmem>>
        %dma_start3A_715 = tpu.memref_squeeze %dma_start3A_714 : memref<1x128xi32, #tpu.memory_space<vmem>> -> memref<128xi32, #tpu.memory_space<vmem>>
        %dma_start3A_716 = arith.constant 0 : i32
        %dma_start3A_717 = arith.constant 0 : i32
        %dma_start3A_718 = tpu.memref_slice %arg3[%dma_start3A_716, %dma_start3A_717] : memref<10112x144xf32, #tpu.memory_space<hbm>> -> memref<10112x144xf32, #tpu.memory_space<hbm>>
        tpu.enqueue_indirect_dma source(%dma_start3A_718 : memref<10112x144xf32, #tpu.memory_space<hbm>>) target(%arg12 : memref<128x144xf32, #tpu.memory_space<vmem>>) offsets(%dma_start3A_715 : memref<128xi32, #tpu.memory_space<vmem>>) semaphore(%arg16 : memref<!tpu.dma_semaphore, #tpu.memory_space<semaphore_mem>>)
        %dma_wait3A_719 = arith.constant 0 : i32
        %dma_wait3A_720 = arith.constant 0 : i32
        %dma_wait3A_721 = tpu.memref_slice %arg10[%dma_wait3A_719, %dma_wait3A_720] : memref<2x128xi32, #tpu.memory_space<vmem>> -> memref<1x128xi32, #tpu.memory_space<vmem>>
        %dma_wait3A_722 = tpu.memref_squeeze %dma_wait3A_721 : memref<1x128xi32, #tpu.memory_space<vmem>> -> memref<128xi32, #tpu.memory_space<vmem>>
        %dma_wait3A_723 = arith.constant 0 : i32
        %dma_wait3A_724 = arith.constant 0 : i32
        %dma_wait3A_725 = tpu.memref_slice %arg3[%dma_wait3A_723, %dma_wait3A_724] : memref<10112x144xf32, #tpu.memory_space<hbm>> -> memref<10112x144xf32, #tpu.memory_space<hbm>>
        tpu.wait_indirect_dma semaphore(%arg16 : memref<!tpu.dma_semaphore, #tpu.memory_space<semaphore_mem>>) src(%dma_wait3A_725 : memref<10112x144xf32, #tpu.memory_space<hbm>>) dst(%arg12 : memref<128x144xf32, #tpu.memory_space<vmem>>)
        %dma_start3A_726 = arith.constant 1 : i32
        %dma_start3A_727 = arith.constant 0 : i32
        %dma_start3A_728 = tpu.memref_slice %arg10[%dma_start3A_726, %dma_start3A_727] : memref<2x128xi32, #tpu.memory_space<vmem>> -> memref<1x128xi32, #tpu.memory_space<vmem>>
        %dma_start3A_729 = tpu.memref_squeeze %dma_start3A_728 : memref<1x128xi32, #tpu.memory_space<vmem>> -> memref<128xi32, #tpu.memory_space<vmem>>
        %dma_start3A_730 = arith.constant 0 : i32
        %dma_start3A_731 = arith.constant 0 : i32
        %dma_start3A_732 = tpu.memref_slice %arg7[%dma_start3A_730, %dma_start3A_731] : memref<10112x144xf32, #tpu.memory_space<vmem_shared>> -> memref<10112x144xf32, #tpu.memory_space<vmem_shared>>
        tpu.enqueue_indirect_dma source(%arg12 : memref<128x144xf32, #tpu.memory_space<vmem>>) target(%dma_start3A_732 : memref<10112x144xf32, #tpu.memory_space<vmem_shared>>) offsets(%dma_start3A_729 : memref<128xi32, #tpu.memory_space<vmem>>) semaphore(%arg17 : memref<!tpu.dma_semaphore, #tpu.memory_space<semaphore_mem>>) {add = true}
        %dma_wait3A_733 = arith.constant 0 : i32
        %dma_wait3A_734 = arith.constant 0 : i32
        %dma_wait3A_735 = tpu.memref_slice %arg4[%mul3A_2, %dma_wait3A_733, %dma_wait3A_734] : memref<2564x2x128xi32, #tpu.memory_space<hbm>> -> memref<1x2x128xi32, #tpu.memory_space<hbm>>
        %dma_wait3A_736 = tpu.memref_squeeze %dma_wait3A_735 : memref<1x2x128xi32, #tpu.memory_space<hbm>> -> memref<2x128xi32, #tpu.memory_space<hbm>>
        %dma_wait3A_737 = arith.constant 0 : i32
        %dma_wait3A_738 = arith.constant 0 : i32
        %dma_wait3A_739 = tpu.memref_slice %arg4[%mul3A_2, %dma_wait3A_737, %dma_wait3A_738] : memref<2564x2x128xi32, #tpu.memory_space<hbm>> -> memref<1x2x128xi32, #tpu.memory_space<hbm>>
        %dma_wait3A_740 = tpu.memref_squeeze %dma_wait3A_739 : memref<1x2x128xi32, #tpu.memory_space<hbm>> -> memref<2x128xi32, #tpu.memory_space<hbm>>
        tpu.wait_dma2 semaphore(%arg15 : memref<!tpu.dma_semaphore, #tpu.memory_space<semaphore_mem>>) src(%dma_wait3A_740 : memref<2x128xi32, #tpu.memory_space<hbm>>) dst(%arg9 : memref<2x128xi32, #tpu.memory_space<vmem>>)
        %dma_wait3A_741 = arith.constant 1 : i32
        %dma_wait3A_742 = arith.constant 0 : i32
        %dma_wait3A_743 = tpu.memref_slice %arg11[%dma_wait3A_741, %dma_wait3A_742] : memref<2x128xi32, #tpu.memory_space<vmem>> -> memref<1x128xi32, #tpu.memory_space<vmem>>
        %dma_wait3A_744 = tpu.memref_squeeze %dma_wait3A_743 : memref<1x128xi32, #tpu.memory_space<vmem>> -> memref<128xi32, #tpu.memory_space<vmem>>
        %dma_wait3A_745 = arith.constant 0 : i32
        %dma_wait3A_746 = arith.constant 0 : i32
        %dma_wait3A_747 = tpu.memref_slice %arg7[%dma_wait3A_745, %dma_wait3A_746] : memref<10112x144xf32, #tpu.memory_space<vmem_shared>> -> memref<10112x144xf32, #tpu.memory_space<vmem_shared>>
        tpu.wait_indirect_dma semaphore(%arg18 : memref<!tpu.dma_semaphore, #tpu.memory_space<semaphore_mem>>) src(%arg13 : memref<128x144xf32, #tpu.memory_space<vmem>>) dst(%dma_wait3A_747 : memref<10112x144xf32, #tpu.memory_space<vmem_shared>>)
        %get3A_748 = arith.constant 0 : i32
        %get3A_749 = arith.index_cast %get3A_748 : i32 to index
        %get3A_750 = arith.constant 0 : index
        %get3A_751 = tpu.vector_load %arg9[%get3A_749, %get3A_750] {strides = array<i32>} : memref<2x128xi32, #tpu.memory_space<vmem>>, vector<1x16xi32>,
        %get3A_752 = vector.shape_cast %get3A_751 : vector<1x16xi32> to vector<16xi32>
        %swap3A_753 = arith.constant 0 : i32
        %swap3A_754 = arith.index_cast %swap3A_753 : i32 to index
        %swap3A_755 = arith.constant 0 : index
        %swap3A_756 = tpu.vector_load %arg11[%swap3A_754, %swap3A_755] {strides = array<i32>} : memref<2x128xi32, #tpu.memory_space<vmem>>, vector<1x16xi32>,
        %swap3A_757 = vector.shape_cast %swap3A_756 : vector<1x16xi32> to vector<16xi32>
        %swap3A_758 = vector.shape_cast %get3A_752 : vector<16xi32> to vector<1x16xi32>
        tpu.vector_store %arg11[%swap3A_754, %swap3A_755], %swap3A_758 {strides = array<i32>} : memref<2x128xi32, #tpu.memory_space<vmem>>, vector<1x16xi32>,
        %get3A_759 = arith.constant 0 : i32
        %get3A_760 = arith.index_cast %get3A_759 : i32 to index
        %get3A_761 = arith.constant 16 : index
        %get3A_762 = tpu.vector_load %arg9[%get3A_760, %get3A_761] {strides = array<i32>} : memref<2x128xi32, #tpu.memory_space<vmem>>, vector<1x16xi32>,
        %get3A_763 = vector.shape_cast %get3A_762 : vector<1x16xi32> to vector<16xi32>
        %swap3A_764 = arith.constant 0 : i32
        %swap3A_765 = arith.index_cast %swap3A_764 : i32 to index
        %swap3A_766 = arith.constant 16 : index
        %swap3A_767 = tpu.vector_load %arg11[%swap3A_765, %swap3A_766] {strides = array<i32>} : memref<2x128xi32, #tpu.memory_space<vmem>>, vector<1x16xi32>,
        %swap3A_768 = vector.shape_cast %swap3A_767 : vector<1x16xi32> to vector<16xi32>
        %swap3A_769 = vector.shape_cast %get3A_763 : vector<16xi32> to vector<1x16xi32>
        tpu.vector_store %arg11[%swap3A_765, %swap3A_766], %swap3A_769 {strides = array<i32>} : memref<2x128xi32, #tpu.memory_space<vmem>>, vector<1x16xi32>,
        %get3A_770 = arith.constant 0 : i32
        %get3A_771 = arith.index_cast %get3A_770 : i32 to index
        %get3A_772 = arith.constant 32 : index
        %get3A_773 = tpu.vector_load %arg9[%get3A_771, %get3A_772] {strides = array<i32>} : memref<2x128xi32, #tpu.memory_space<vmem>>, vector<1x16xi32>,
        %get3A_774 = vector.shape_cast %get3A_773 : vector<1x16xi32> to vector<16xi32>
        %swap3A_775 = arith.constant 0 : i32
        %swap3A_776 = arith.index_cast %swap3A_775 : i32 to index
        %swap3A_777 = arith.constant 32 : index
        %swap3A_778 = tpu.vector_load %arg11[%swap3A_776, %swap3A_777] {strides = array<i32>} : memref<2x128xi32, #tpu.memory_space<vmem>>, vector<1x16xi32>,
        %swap3A_779 = vector.shape_cast %swap3A_778 : vector<1x16xi32> to vector<16xi32>
        %swap3A_780 = vector.shape_cast %get3A_774 : vector<16xi32> to vector<1x16xi32>
        tpu.vector_store %arg11[%swap3A_776, %swap3A_777], %swap3A_780 {strides = array<i32>} : memref<2x128xi32, #tpu.memory_space<vmem>>, vector<1x16xi32>,
        %get3A_781 = arith.constant 0 : i32
        %get3A_782 = arith.index_cast %get3A_781 : i32 to index
        %get3A_783 = arith.constant 48 : index
        %get3A_784 = tpu.vector_load %arg9[%get3A_782, %get3A_783] {strides = array<i32>} : memref<2x128xi32, #tpu.memory_space<vmem>>, vector<1x16xi32>,
        %get3A_785 = vector.shape_cast %get3A_784 : vector<1x16xi32> to vector<16xi32>
        %swap3A_786 = arith.constant 0 : i32
        %swap3A_787 = arith.index_cast %swap3A_786 : i32 to index
        %swap3A_788 = arith.constant 48 : index
        %swap3A_789 = tpu.vector_load %arg11[%swap3A_787, %swap3A_788] {strides = array<i32>} : memref<2x128xi32, #tpu.memory_space<vmem>>, vector<1x16xi32>,
        %swap3A_790 = vector.shape_cast %swap3A_789 : vector<1x16xi32> to vector<16xi32>
        %swap3A_791 = vector.shape_cast %get3A_785 : vector<16xi32> to vector<1x16xi32>
        tpu.vector_store %arg11[%swap3A_787, %swap3A_788], %swap3A_791 {strides = array<i32>} : memref<2x128xi32, #tpu.memory_space<vmem>>, vector<1x16xi32>,
        %get3A_792 = arith.constant 0 : i32
        %get3A_793 = arith.index_cast %get3A_792 : i32 to index
        %get3A_794 = arith.constant 64 : index
        %get3A_795 = tpu.vector_load %arg9[%get3A_793, %get3A_794] {strides = array<i32>} : memref<2x128xi32, #tpu.memory_space<vmem>>, vector<1x16xi32>,
        %get3A_796 = vector.shape_cast %get3A_795 : vector<1x16xi32> to vector<16xi32>
        %swap3A_797 = arith.constant 0 : i32
        %swap3A_798 = arith.index_cast %swap3A_797 : i32 to index
        %swap3A_799 = arith.constant 64 : index
        %swap3A_800 = tpu.vector_load %arg11[%swap3A_798, %swap3A_799] {strides = array<i32>} : memref<2x128xi32, #tpu.memory_space<vmem>>, vector<1x16xi32>,
        %swap3A_801 = vector.shape_cast %swap3A_800 : vector<1x16xi32> to vector<16xi32>
        %swap3A_802 = vector.shape_cast %get3A_796 : vector<16xi32> to vector<1x16xi32>
        tpu.vector_store %arg11[%swap3A_798, %swap3A_799], %swap3A_802 {strides = array<i32>} : memref<2x128xi32, #tpu.memory_space<vmem>>, vector<1x16xi32>,
        %get3A_803 = arith.constant 0 : i32
        %get3A_804 = arith.index_cast %get3A_803 : i32 to index
        %get3A_805 = arith.constant 80 : index
        %get3A_806 = tpu.vector_load %arg9[%get3A_804, %get3A_805] {strides = array<i32>} : memref<2x128xi32, #tpu.memory_space<vmem>>, vector<1x16xi32>,
        %get3A_807 = vector.shape_cast %get3A_806 : vector<1x16xi32> to vector<16xi32>
        %swap3A_808 = arith.constant 0 : i32
        %swap3A_809 = arith.index_cast %swap3A_808 : i32 to index
        %swap3A_810 = arith.constant 80 : index
        %swap3A_811 = tpu.vector_load %arg11[%swap3A_809, %swap3A_810] {strides = array<i32>} : memref<2x128xi32, #tpu.memory_space<vmem>>, vector<1x16xi32>,
        %swap3A_812 = vector.shape_cast %swap3A_811 : vector<1x16xi32> to vector<16xi32>
        %swap3A_813 = vector.shape_cast %get3A_807 : vector<16xi32> to vector<1x16xi32>
        tpu.vector_store %arg11[%swap3A_809, %swap3A_810], %swap3A_813 {strides = array<i32>} : memref<2x128xi32, #tpu.memory_space<vmem>>, vector<1x16xi32>,
        %get3A_814 = arith.constant 0 : i32
        %get3A_815 = arith.index_cast %get3A_814 : i32 to index
        %get3A_816 = arith.constant 96 : index
        %get3A_817 = tpu.vector_load %arg9[%get3A_815, %get3A_816] {strides = array<i32>} : memref<2x128xi32, #tpu.memory_space<vmem>>, vector<1x16xi32>,
        %get3A_818 = vector.shape_cast %get3A_817 : vector<1x16xi32> to vector<16xi32>
        %swap3A_819 = arith.constant 0 : i32
        %swap3A_820 = arith.index_cast %swap3A_819 : i32 to index
        %swap3A_821 = arith.constant 96 : index
        %swap3A_822 = tpu.vector_load %arg11[%swap3A_820, %swap3A_821] {strides = array<i32>} : memref<2x128xi32, #tpu.memory_space<vmem>>, vector<1x16xi32>,
        %swap3A_823 = vector.shape_cast %swap3A_822 : vector<1x16xi32> to vector<16xi32>
        %swap3A_824 = vector.shape_cast %get3A_818 : vector<16xi32> to vector<1x16xi32>
        tpu.vector_store %arg11[%swap3A_820, %swap3A_821], %swap3A_824 {strides = array<i32>} : memref<2x128xi32, #tpu.memory_space<vmem>>, vector<1x16xi32>,
        %get3A_825 = arith.constant 0 : i32
        %get3A_826 = arith.index_cast %get3A_825 : i32 to index
        %get3A_827 = arith.constant 112 : index
        %get3A_828 = tpu.vector_load %arg9[%get3A_826, %get3A_827] {strides = array<i32>} : memref<2x128xi32, #tpu.memory_space<vmem>>, vector<1x16xi32>,
        %get3A_829 = vector.shape_cast %get3A_828 : vector<1x16xi32> to vector<16xi32>
        %swap3A_830 = arith.constant 0 : i32
        %swap3A_831 = arith.index_cast %swap3A_830 : i32 to index
        %swap3A_832 = arith.constant 112 : index
        %swap3A_833 = tpu.vector_load %arg11[%swap3A_831, %swap3A_832] {strides = array<i32>} : memref<2x128xi32, #tpu.memory_space<vmem>>, vector<1x16xi32>,
        %swap3A_834 = vector.shape_cast %swap3A_833 : vector<1x16xi32> to vector<16xi32>
        %swap3A_835 = vector.shape_cast %get3A_829 : vector<16xi32> to vector<1x16xi32>
        tpu.vector_store %arg11[%swap3A_831, %swap3A_832], %swap3A_835 {strides = array<i32>} : memref<2x128xi32, #tpu.memory_space<vmem>>, vector<1x16xi32>,
        %get3A_836 = arith.constant 1 : i32
        %get3A_837 = arith.index_cast %get3A_836 : i32 to index
        %get3A_838 = arith.constant 0 : index
        %get3A_839 = tpu.vector_load %arg9[%get3A_837, %get3A_838] {strides = array<i32>} : memref<2x128xi32, #tpu.memory_space<vmem>>, vector<1x16xi32>,
        %get3A_840 = vector.shape_cast %get3A_839 : vector<1x16xi32> to vector<16xi32>
        %swap3A_841 = arith.constant 1 : i32
        %swap3A_842 = arith.index_cast %swap3A_841 : i32 to index
        %swap3A_843 = arith.constant 0 : index
        %swap3A_844 = tpu.vector_load %arg11[%swap3A_842, %swap3A_843] {strides = array<i32>} : memref<2x128xi32, #tpu.memory_space<vmem>>, vector<1x16xi32>,
        %swap3A_845 = vector.shape_cast %swap3A_844 : vector<1x16xi32> to vector<16xi32>
        %swap3A_846 = vector.shape_cast %get3A_840 : vector<16xi32> to vector<1x16xi32>
        tpu.vector_store %arg11[%swap3A_842, %swap3A_843], %swap3A_846 {strides = array<i32>} : memref<2x128xi32, #tpu.memory_space<vmem>>, vector<1x16xi32>,
        %get3A_847 = arith.constant 1 : i32
        %get3A_848 = arith.index_cast %get3A_847 : i32 to index
        %get3A_849 = arith.constant 16 : index
        %get3A_850 = tpu.vector_load %arg9[%get3A_848, %get3A_849] {strides = array<i32>} : memref<2x128xi32, #tpu.memory_space<vmem>>, vector<1x16xi32>,
        %get3A_851 = vector.shape_cast %get3A_850 : vector<1x16xi32> to vector<16xi32>
        %swap3A_852 = arith.constant 1 : i32
        %swap3A_853 = arith.index_cast %swap3A_852 : i32 to index
        %swap3A_854 = arith.constant 16 : index
        %swap3A_855 = tpu.vector_load %arg11[%swap3A_853, %swap3A_854] {strides = array<i32>} : memref<2x128xi32, #tpu.memory_space<vmem>>, vector<1x16xi32>,
        %swap3A_856 = vector.shape_cast %swap3A_855 : vector<1x16xi32> to vector<16xi32>
        %swap3A_857 = vector.shape_cast %get3A_851 : vector<16xi32> to vector<1x16xi32>
        tpu.vector_store %arg11[%swap3A_853, %swap3A_854], %swap3A_857 {strides = array<i32>} : memref<2x128xi32, #tpu.memory_space<vmem>>, vector<1x16xi32>,
        %get3A_858 = arith.constant 1 : i32
        %get3A_859 = arith.index_cast %get3A_858 : i32 to index
        %get3A_860 = arith.constant 32 : index
        %get3A_861 = tpu.vector_load %arg9[%get3A_859, %get3A_860] {strides = array<i32>} : memref<2x128xi32, #tpu.memory_space<vmem>>, vector<1x16xi32>,
        %get3A_862 = vector.shape_cast %get3A_861 : vector<1x16xi32> to vector<16xi32>
        %swap3A_863 = arith.constant 1 : i32
        %swap3A_864 = arith.index_cast %swap3A_863 : i32 to index
        %swap3A_865 = arith.constant 32 : index
        %swap3A_866 = tpu.vector_load %arg11[%swap3A_864, %swap3A_865] {strides = array<i32>} : memref<2x128xi32, #tpu.memory_space<vmem>>, vector<1x16xi32>,
        %swap3A_867 = vector.shape_cast %swap3A_866 : vector<1x16xi32> to vector<16xi32>
        %swap3A_868 = vector.shape_cast %get3A_862 : vector<16xi32> to vector<1x16xi32>
        tpu.vector_store %arg11[%swap3A_864, %swap3A_865], %swap3A_868 {strides = array<i32>} : memref<2x128xi32, #tpu.memory_space<vmem>>, vector<1x16xi32>,
        %get3A_869 = arith.constant 1 : i32
        %get3A_870 = arith.index_cast %get3A_869 : i32 to index
        %get3A_871 = arith.constant 48 : index
        %get3A_872 = tpu.vector_load %arg9[%get3A_870, %get3A_871] {strides = array<i32>} : memref<2x128xi32, #tpu.memory_space<vmem>>, vector<1x16xi32>,
        %get3A_873 = vector.shape_cast %get3A_872 : vector<1x16xi32> to vector<16xi32>
        %swap3A_874 = arith.constant 1 : i32
        %swap3A_875 = arith.index_cast %swap3A_874 : i32 to index
        %swap3A_876 = arith.constant 48 : index
        %swap3A_877 = tpu.vector_load %arg11[%swap3A_875, %swap3A_876] {strides = array<i32>} : memref<2x128xi32, #tpu.memory_space<vmem>>, vector<1x16xi32>,
        %swap3A_878 = vector.shape_cast %swap3A_877 : vector<1x16xi32> to vector<16xi32>
        %swap3A_879 = vector.shape_cast %get3A_873 : vector<16xi32> to vector<1x16xi32>
        tpu.vector_store %arg11[%swap3A_875, %swap3A_876], %swap3A_879 {strides = array<i32>} : memref<2x128xi32, #tpu.memory_space<vmem>>, vector<1x16xi32>,
        %get3A_880 = arith.constant 1 : i32
        %get3A_881 = arith.index_cast %get3A_880 : i32 to index
        %get3A_882 = arith.constant 64 : index
        %get3A_883 = tpu.vector_load %arg9[%get3A_881, %get3A_882] {strides = array<i32>} : memref<2x128xi32, #tpu.memory_space<vmem>>, vector<1x16xi32>,
        %get3A_884 = vector.shape_cast %get3A_883 : vector<1x16xi32> to vector<16xi32>
        %swap3A_885 = arith.constant 1 : i32
        %swap3A_886 = arith.index_cast %swap3A_885 : i32 to index
        %swap3A_887 = arith.constant 64 : index
        %swap3A_888 = tpu.vector_load %arg11[%swap3A_886, %swap3A_887] {strides = array<i32>} : memref<2x128xi32, #tpu.memory_space<vmem>>, vector<1x16xi32>,
        %swap3A_889 = vector.shape_cast %swap3A_888 : vector<1x16xi32> to vector<16xi32>
        %swap3A_890 = vector.shape_cast %get3A_884 : vector<16xi32> to vector<1x16xi32>
        tpu.vector_store %arg11[%swap3A_886, %swap3A_887], %swap3A_890 {strides = array<i32>} : memref<2x128xi32, #tpu.memory_space<vmem>>, vector<1x16xi32>,
        %get3A_891 = arith.constant 1 : i32
        %get3A_892 = arith.index_cast %get3A_891 : i32 to index
        %get3A_893 = arith.constant 80 : index
        %get3A_894 = tpu.vector_load %arg9[%get3A_892, %get3A_893] {strides = array<i32>} : memref<2x128xi32, #tpu.memory_space<vmem>>, vector<1x16xi32>,
        %get3A_895 = vector.shape_cast %get3A_894 : vector<1x16xi32> to vector<16xi32>
        %swap3A_896 = arith.constant 1 : i32
        %swap3A_897 = arith.index_cast %swap3A_896 : i32 to index
        %swap3A_898 = arith.constant 80 : index
        %swap3A_899 = tpu.vector_load %arg11[%swap3A_897, %swap3A_898] {strides = array<i32>} : memref<2x128xi32, #tpu.memory_space<vmem>>, vector<1x16xi32>,
        %swap3A_900 = vector.shape_cast %swap3A_899 : vector<1x16xi32> to vector<16xi32>
        %swap3A_901 = vector.shape_cast %get3A_895 : vector<16xi32> to vector<1x16xi32>
        tpu.vector_store %arg11[%swap3A_897, %swap3A_898], %swap3A_901 {strides = array<i32>} : memref<2x128xi32, #tpu.memory_space<vmem>>, vector<1x16xi32>,
        %get3A_902 = arith.constant 1 : i32
        %get3A_903 = arith.index_cast %get3A_902 : i32 to index
        %get3A_904 = arith.constant 96 : index
        %get3A_905 = tpu.vector_load %arg9[%get3A_903, %get3A_904] {strides = array<i32>} : memref<2x128xi32, #tpu.memory_space<vmem>>, vector<1x16xi32>,
        %get3A_906 = vector.shape_cast %get3A_905 : vector<1x16xi32> to vector<16xi32>
        %swap3A_907 = arith.constant 1 : i32
        %swap3A_908 = arith.index_cast %swap3A_907 : i32 to index
        %swap3A_909 = arith.constant 96 : index
        %swap3A_910 = tpu.vector_load %arg11[%swap3A_908, %swap3A_909] {strides = array<i32>} : memref<2x128xi32, #tpu.memory_space<vmem>>, vector<1x16xi32>,
        %swap3A_911 = vector.shape_cast %swap3A_910 : vector<1x16xi32> to vector<16xi32>
        %swap3A_912 = vector.shape_cast %get3A_906 : vector<16xi32> to vector<1x16xi32>
        tpu.vector_store %arg11[%swap3A_908, %swap3A_909], %swap3A_912 {strides = array<i32>} : memref<2x128xi32, #tpu.memory_space<vmem>>, vector<1x16xi32>,
        %get3A_913 = arith.constant 1 : i32
        %get3A_914 = arith.index_cast %get3A_913 : i32 to index
        %get3A_915 = arith.constant 112 : index
        %get3A_916 = tpu.vector_load %arg9[%get3A_914, %get3A_915] {strides = array<i32>} : memref<2x128xi32, #tpu.memory_space<vmem>>, vector<1x16xi32>,
        %get3A_917 = vector.shape_cast %get3A_916 : vector<1x16xi32> to vector<16xi32>
        %swap3A_918 = arith.constant 1 : i32
        %swap3A_919 = arith.index_cast %swap3A_918 : i32 to index
        %swap3A_920 = arith.constant 112 : index
        %swap3A_921 = tpu.vector_load %arg11[%swap3A_919, %swap3A_920] {strides = array<i32>} : memref<2x128xi32, #tpu.memory_space<vmem>>, vector<1x16xi32>,
        %swap3A_922 = vector.shape_cast %swap3A_921 : vector<1x16xi32> to vector<16xi32>
        %swap3A_923 = vector.shape_cast %get3A_917 : vector<16xi32> to vector<1x16xi32>
        tpu.vector_store %arg11[%swap3A_919, %swap3A_920], %swap3A_923 {strides = array<i32>} : memref<2x128xi32, #tpu.memory_space<vmem>>, vector<1x16xi32>,
        %add3A_924 = arith.constant 4 : i32
        %add3A_925 = arith.addi %add3A_495, %add3A_924 : i32
        %add3A_926 = arith.addi %mul3A_2, %add3A_925 : i32
        %dma_start3A_927 = arith.constant 0 : i32
        %dma_start3A_928 = arith.constant 0 : i32
        %dma_start3A_929 = tpu.memref_slice %arg4[%add3A_926, %dma_start3A_927, %dma_start3A_928] : memref<2564x2x128xi32, #tpu.memory_space<hbm>> -> memref<1x2x128xi32, #tpu.memory_space<hbm>>
        %dma_start3A_930 = tpu.memref_squeeze %dma_start3A_929 : memref<1x2x128xi32, #tpu.memory_space<hbm>> -> memref<2x128xi32, #tpu.memory_space<hbm>>
        %dma_start3A_931 = arith.constant 0 : i32
        %dma_start3A_932 = arith.constant 0 : i32
        %dma_start3A_933 = tpu.memref_slice %arg4[%add3A_926, %dma_start3A_931, %dma_start3A_932] : memref<2564x2x128xi32, #tpu.memory_space<hbm>> -> memref<1x2x128xi32, #tpu.memory_space<hbm>>
        %dma_start3A_934 = tpu.memref_squeeze %dma_start3A_933 : memref<1x2x128xi32, #tpu.memory_space<hbm>> -> memref<2x128xi32, #tpu.memory_space<hbm>>
        tpu.enqueue_dma source(%dma_start3A_934 : memref<2x128xi32, #tpu.memory_space<hbm>>) target(%arg9 : memref<2x128xi32, #tpu.memory_space<vmem>>) target_semaphore(%arg15 : memref<!tpu.dma_semaphore, #tpu.memory_space<semaphore_mem>>)
        %dma_start3A_935 = arith.constant 0 : i32
        %dma_start3A_936 = arith.constant 0 : i32
        %dma_start3A_937 = tpu.memref_slice %arg11[%dma_start3A_935, %dma_start3A_936] : memref<2x128xi32, #tpu.memory_space<vmem>> -> memref<1x128xi32, #tpu.memory_space<vmem>>
        %dma_start3A_938 = tpu.memref_squeeze %dma_start3A_937 : memref<1x128xi32, #tpu.memory_space<vmem>> -> memref<128xi32, #tpu.memory_space<vmem>>
        %dma_start3A_939 = arith.constant 0 : i32
        %dma_start3A_940 = arith.constant 0 : i32
        %dma_start3A_941 = tpu.memref_slice %arg3[%dma_start3A_939, %dma_start3A_940] : memref<10112x144xf32, #tpu.memory_space<hbm>> -> memref<10112x144xf32, #tpu.memory_space<hbm>>
        tpu.enqueue_indirect_dma source(%dma_start3A_941 : memref<10112x144xf32, #tpu.memory_space<hbm>>) target(%arg13 : memref<128x144xf32, #tpu.memory_space<vmem>>) offsets(%dma_start3A_938 : memref<128xi32, #tpu.memory_space<vmem>>) semaphore(%arg16 : memref<!tpu.dma_semaphore, #tpu.memory_space<semaphore_mem>>)
      }
      %scan3A_446 = arith.constant 79 : i32
      %dma_wait3A_447 = arith.constant 0 : i32
      %dma_wait3A_448 = arith.constant 0 : i32
      %dma_wait3A_449 = tpu.memref_slice %arg11[%dma_wait3A_447, %dma_wait3A_448] : memref<2x128xi32, #tpu.memory_space<vmem>> -> memref<1x128xi32, #tpu.memory_space<vmem>>
      %dma_wait3A_450 = tpu.memref_squeeze %dma_wait3A_449 : memref<1x128xi32, #tpu.memory_space<vmem>> -> memref<128xi32, #tpu.memory_space<vmem>>
      %dma_wait3A_451 = arith.constant 0 : i32
      %dma_wait3A_452 = arith.constant 0 : i32
      %dma_wait3A_453 = tpu.memref_slice %arg3[%dma_wait3A_451, %dma_wait3A_452] : memref<10112x144xf32, #tpu.memory_space<hbm>> -> memref<10112x144xf32, #tpu.memory_space<hbm>>
      tpu.wait_indirect_dma semaphore(%arg16 : memref<!tpu.dma_semaphore, #tpu.memory_space<semaphore_mem>>) src(%dma_wait3A_453 : memref<10112x144xf32, #tpu.memory_space<hbm>>) dst(%arg13 : memref<128x144xf32, #tpu.memory_space<vmem>>)
      %dma_start3A_454 = arith.constant 1 : i32
      %dma_start3A_455 = arith.constant 0 : i32
      %dma_start3A_456 = tpu.memref_slice %arg11[%dma_start3A_454, %dma_start3A_455] : memref<2x128xi32, #tpu.memory_space<vmem>> -> memref<1x128xi32, #tpu.memory_space<vmem>>
      %dma_start3A_457 = tpu.memref_squeeze %dma_start3A_456 : memref<1x128xi32, #tpu.memory_space<vmem>> -> memref<128xi32, #tpu.memory_space<vmem>>
      %dma_start3A_458 = arith.constant 0 : i32
      %dma_start3A_459 = arith.constant 0 : i32
      %dma_start3A_460 = tpu.memref_slice %arg7[%dma_start3A_458, %dma_start3A_459] : memref<10112x144xf32, #tpu.memory_space<vmem_shared>> -> memref<10112x144xf32, #tpu.memory_space<vmem_shared>>
      tpu.enqueue_indirect_dma source(%arg13 : memref<128x144xf32, #tpu.memory_space<vmem>>) target(%dma_start3A_460 : memref<10112x144xf32, #tpu.memory_space<vmem_shared>>) offsets(%dma_start3A_457 : memref<128xi32, #tpu.memory_space<vmem>>) semaphore(%arg18 : memref<!tpu.dma_semaphore, #tpu.memory_space<semaphore_mem>>) {add = true}
      %dma_wait3A_461 = arith.constant 1 : i32
      %dma_wait3A_462 = arith.constant 0 : i32
      %dma_wait3A_463 = tpu.memref_slice %arg10[%dma_wait3A_461, %dma_wait3A_462] : memref<2x128xi32, #tpu.memory_space<vmem>> -> memref<1x128xi32, #tpu.memory_space<vmem>>
      %dma_wait3A_464 = tpu.memref_squeeze %dma_wait3A_463 : memref<1x128xi32, #tpu.memory_space<vmem>> -> memref<128xi32, #tpu.memory_space<vmem>>
      %dma_wait3A_465 = arith.constant 0 : i32
      %dma_wait3A_466 = arith.constant 0 : i32
      %dma_wait3A_467 = tpu.memref_slice %arg7[%dma_wait3A_465, %dma_wait3A_466] : memref<10112x144xf32, #tpu.memory_space<vmem_shared>> -> memref<10112x144xf32, #tpu.memory_space<vmem_shared>>
      tpu.wait_indirect_dma semaphore(%arg17 : memref<!tpu.dma_semaphore, #tpu.memory_space<semaphore_mem>>) src(%arg12 : memref<128x144xf32, #tpu.memory_space<vmem>>) dst(%dma_wait3A_467 : memref<10112x144xf32, #tpu.memory_space<vmem_shared>>)
      %dma_wait3A_468 = arith.constant 1 : i32
      %dma_wait3A_469 = arith.constant 0 : i32
      %dma_wait3A_470 = tpu.memref_slice %arg11[%dma_wait3A_468, %dma_wait3A_469] : memref<2x128xi32, #tpu.memory_space<vmem>> -> memref<1x128xi32, #tpu.memory_space<vmem>>
      %dma_wait3A_471 = tpu.memref_squeeze %dma_wait3A_470 : memref<1x128xi32, #tpu.memory_space<vmem>> -> memref<128xi32, #tpu.memory_space<vmem>>
      %dma_wait3A_472 = arith.constant 0 : i32
      %dma_wait3A_473 = arith.constant 0 : i32
      %dma_wait3A_474 = tpu.memref_slice %arg7[%dma_wait3A_472, %dma_wait3A_473] : memref<10112x144xf32, #tpu.memory_space<vmem_shared>> -> memref<10112x144xf32, #tpu.memory_space<vmem_shared>>
      tpu.wait_indirect_dma semaphore(%arg18 : memref<!tpu.dma_semaphore, #tpu.memory_space<semaphore_mem>>) src(%arg13 : memref<128x144xf32, #tpu.memory_space<vmem>>) dst(%dma_wait3A_474 : memref<10112x144xf32, #tpu.memory_space<vmem_shared>>)
      %dma_wait3A_475 = arith.constant 0 : i32
      %dma_wait3A_476 = arith.constant 0 : i32
      %dma_wait3A_477 = tpu.memref_slice %arg4[%mul3A_2, %dma_wait3A_475, %dma_wait3A_476] : memref<2564x2x128xi32, #tpu.memory_space<hbm>> -> memref<1x2x128xi32, #tpu.memory_space<hbm>>
      %dma_wait3A_478 = tpu.memref_squeeze %dma_wait3A_477 : memref<1x2x128xi32, #tpu.memory_space<hbm>> -> memref<2x128xi32, #tpu.memory_space<hbm>>
      %dma_wait3A_479 = arith.constant 0 : i32
      %dma_wait3A_480 = arith.constant 0 : i32
      %dma_wait3A_481 = tpu.memref_slice %arg4[%mul3A_2, %dma_wait3A_479, %dma_wait3A_480] : memref<2564x2x128xi32, #tpu.memory_space<hbm>> -> memref<1x2x128xi32, #tpu.memory_space<hbm>>
      %dma_wait3A_482 = tpu.memref_squeeze %dma_wait3A_481 : memref<1x2x128xi32, #tpu.memory_space<hbm>> -> memref<2x128xi32, #tpu.memory_space<hbm>>
      tpu.wait_dma2 semaphore(%arg14 : memref<!tpu.dma_semaphore, #tpu.memory_space<semaphore_mem>>) src(%dma_wait3A_482 : memref<2x128xi32, #tpu.memory_space<hbm>>) dst(%arg8 : memref<2x128xi32, #tpu.memory_space<vmem>>)
      %dma_wait3A_483 = arith.constant 0 : i32
      %dma_wait3A_484 = arith.constant 0 : i32
      %dma_wait3A_485 = tpu.memref_slice %arg4[%mul3A_2, %dma_wait3A_483, %dma_wait3A_484] : memref<2564x2x128xi32, #tpu.memory_space<hbm>> -> memref<1x2x128xi32, #tpu.memory_space<hbm>>
      %dma_wait3A_486 = tpu.memref_squeeze %dma_wait3A_485 : memref<1x2x128xi32, #tpu.memory_space<hbm>> -> memref<2x128xi32, #tpu.memory_space<hbm>>
      %dma_wait3A_487 = arith.constant 0 : i32
      %dma_wait3A_488 = arith.constant 0 : i32
      %dma_wait3A_489 = tpu.memref_slice %arg4[%mul3A_2, %dma_wait3A_487, %dma_wait3A_488] : memref<2564x2x128xi32, #tpu.memory_space<hbm>> -> memref<1x2x128xi32, #tpu.memory_space<hbm>>
      %dma_wait3A_490 = tpu.memref_squeeze %dma_wait3A_489 : memref<1x2x128xi32, #tpu.memory_space<hbm>> -> memref<2x128xi32, #tpu.memory_space<hbm>>
      tpu.wait_dma2 semaphore(%arg15 : memref<!tpu.dma_semaphore, #tpu.memory_space<semaphore_mem>>) src(%dma_wait3A_490 : memref<2x128xi32, #tpu.memory_space<hbm>>) dst(%arg9 : memref<2x128xi32, #tpu.memory_space<vmem>>)
    } else {
    }
    %barrier3A_10 = arith.constant 0 : index
    tpu.barrier barrier_id(%barrier3A_10)
    "tpu.region"() ({
      %run_scoped3A = tpu.sem_alloc : memref<!tpu.dma_semaphore, #tpu.memory_space<semaphore_mem>>
      %dma_start3A = arith.constant 0 : i32
      %dma_start3A_11 = tpu.memref_slice %arg6[%arg0, %mul3A_0, %dma_start3A] : memref<2x10112x144xf32, #tpu.memory_space<hbm>> -> memref<1x632x144xf32, #tpu.memory_space<hbm>>
      %dma_start3A_12 = tpu.memref_squeeze %dma_start3A_11 : memref<1x632x144xf32, #tpu.memory_space<hbm>> -> memref<632x144xf32, #tpu.memory_space<hbm>>
      %dma_start3A_13 = arith.constant 0 : i32
      %dma_start3A_14 = tpu.memref_slice %arg7[%mul3A_0, %dma_start3A_13] : memref<10112x144xf32, #tpu.memory_space<vmem_shared>> -> memref<632x144xf32, #tpu.memory_space<vmem_shared>>
      tpu.enqueue_dma source(%dma_start3A_14 : memref<632x144xf32, #tpu.memory_space<vmem_shared>>) target(%dma_start3A_12 : memref<632x144xf32, #tpu.memory_space<hbm>>) target_semaphore(%run_scoped3A : memref<!tpu.dma_semaphore, #tpu.memory_space<semaphore_mem>>)
      %dma_wait3A = arith.constant 0 : i32
      %dma_wait3A_15 = tpu.memref_slice %arg6[%arg0, %mul3A_0, %dma_wait3A] : memref<2x10112x144xf32, #tpu.memory_space<hbm>> -> memref<1x632x144xf32, #tpu.memory_space<hbm>>
      %dma_wait3A_16 = tpu.memref_squeeze %dma_wait3A_15 : memref<1x632x144xf32, #tpu.memory_space<hbm>> -> memref<632x144xf32, #tpu.memory_space<hbm>>
      %dma_wait3A_17 = arith.constant 0 : i32
      %dma_wait3A_18 = tpu.memref_slice %arg7[%mul3A_0, %dma_wait3A_17] : memref<10112x144xf32, #tpu.memory_space<vmem_shared>> -> memref<632x144xf32, #tpu.memory_space<vmem_shared>>
      tpu.wait_dma2 semaphore(%run_scoped3A : memref<!tpu.dma_semaphore, #tpu.memory_space<semaphore_mem>>) src(%dma_wait3A_18 : memref<632x144xf32, #tpu.memory_space<vmem_shared>>) dst(%dma_wait3A_16 : memref<632x144xf32, #tpu.memory_space<hbm>>)
      tpu.yield
    }) : () -> ()
    return
  }
}

module attributes {stable_mosaic.version = 14 : i64} {
  func.func @_tc_tables_body(%arg0: i32, %arg1: memref<80x128xf32, #tpu.memory_space<vmem>>, %arg2: memref<80x128xf32, #tpu.memory_space<vmem>>, %arg3: memref<2x80x16xf32, #tpu.memory_space<vmem>>, %arg4: memref<80x144xf32, #tpu.memory_space<vmem>>, %arg5: memref<80x144xf32, #tpu.memory_space<vmem>>) attributes {dimension_semantics = [#tpu.dimension_semantics<arbitrary>], iteration_bounds = array<i64: 126>, scalar_prefetch = 0 : i64, scratch_operands = 0 : i64, tpu.core_type = #tpu.core_type<tc>, window_params = [{transform_indices = @transform_0, window_bounds = array<i64: 80, 128>}, {transform_indices = @transform_1, window_bounds = array<i64: 80, 128>}, {transform_indices = @transform_2, window_bounds = array<i64: 2, 80, 16>}, {transform_indices = @transform_3, window_bounds = array<i64: 80, 144>}, {transform_indices = @transform_4, window_bounds = array<i64: 80, 144>}]} {
    %mul3A = arith.constant 80 : i32
    %mul3A_0 = arith.muli %arg0, %mul3A : i32
    %iota3A = tpu.iota {dimensions = array<i32: 0>} : vector<80x1xi32>
    %add3A = vector.broadcast %mul3A_0 : i32 to vector<80x1xi32>
    %add3A_1 = arith.addi %add3A, %iota3A : vector<80x1xi32>
    %lt3A = arith.constant 10000 : i32
    %lt3A_2 = vector.broadcast %lt3A : i32 to vector<80x1xi32>
    %lt3A_3 = arith.cmpi slt, %add3A_1, %lt3A_2 : vector<80x1xi32>
    %get3A = arith.constant 0 : index
    %get3A_4 = arith.constant 0 : index
    %get3A_5 = arith.constant 0 : index
    %get3A_6 = vector.load %arg3[%get3A, %get3A_4, %get3A_5] : memref<2x80x16xf32, #tpu.memory_space<vmem>>, vector<1x80x1xf32>
    %get3A_7 = vector.shape_cast %get3A_6 : vector<1x80x1xf32> to vector<80x1xf32>
    %get3A_8 = arith.constant 1 : index
    %get3A_9 = arith.constant 0 : index
    %get3A_10 = arith.constant 0 : index
    %get3A_11 = vector.load %arg3[%get3A_8, %get3A_9, %get3A_10] : memref<2x80x16xf32, #tpu.memory_space<vmem>>, vector<1x80x1xf32>
    %get3A_12 = vector.shape_cast %get3A_11 : vector<1x80x1xf32> to vector<80x1xf32>
    %add3A_13 = arith.addf %get3A_7, %get3A_12 : vector<80x1xf32>
    %gt3A = arith.constant 0.000000e+00 : f32
    %gt3A_14 = vector.broadcast %gt3A : f32 to vector<80x1xf32>
    %gt3A_15 = arith.cmpf ogt, %add3A_13, %gt3A_14 : vector<80x1xf32>
    %and3A = arith.andi %gt3A_15, %lt3A_3 : vector<80x1xi1>
    %max3A = arith.constant 1.000000e-30 : f32
    %max3A_16 = vector.broadcast %max3A : f32 to vector<80x1xf32>
    %max3A_17 = arith.maximumf %add3A_13, %max3A_16 : vector<80x1xf32>
    %rsqrt3A = math.rsqrt %max3A_17 : vector<80x1xf32>
    %jit3A = arith.constant 0.000000e+00 : f32
    %broadcast_in_dim3A = vector.broadcast %jit3A : f32 to vector<80x1xf32>
    %select_n3A = arith.select %and3A, %rsqrt3A, %broadcast_in_dim3A : vector<80x1xi1>, vector<80x1xf32>
    %get3A_18 = arith.constant 0 : index
    %get3A_19 = arith.constant 0 : index
    %get3A_20 = vector.load %arg1[%get3A_18, %get3A_19] : memref<80x128xf32, #tpu.memory_space<vmem>>, vector<80x128xf32>
    %ne3A = arith.cmpf one, %get3A_20, %get3A_20 : vector<80x128xf32>
    %jit3A_21 = arith.constant 0.000000e+00 : f32
    %broadcast_in_dim3A_22 = vector.broadcast %jit3A_21 : f32 to vector<80x128xf32>
    %select_n3A_23 = arith.select %ne3A, %broadcast_in_dim3A_22, %get3A_20 : vector<80x128xi1>, vector<80x128xf32>
    %get3A_24 = arith.constant 0 : index
    %get3A_25 = arith.constant 0 : index
    %get3A_26 = vector.load %arg2[%get3A_24, %get3A_25] : memref<80x128xf32, #tpu.memory_space<vmem>>, vector<80x128xf32>
    %mul3A_27 = vector.broadcast %select_n3A : vector<80x1xf32> to vector<80x128xf32>
    %mul3A_28 = arith.mulf %mul3A_27, %get3A_26 : vector<80x128xf32>
    %jit3A_29 = arith.constant 0.000000e+00 : f32
    %broadcast_in_dim3A_30 = vector.shape_cast %lt3A_3 : vector<80x1xi1> to vector<80x1xi1>
    %broadcast_in_dim3A_31 = vector.broadcast %broadcast_in_dim3A_30 : vector<80x1xi1> to vector<80x128xi1>
    %broadcast_in_dim3A_32 = vector.broadcast %jit3A_29 : f32 to vector<80x128xf32>
    %select_n3A_33 = arith.select %broadcast_in_dim3A_31, %mul3A_28, %broadcast_in_dim3A_32 : vector<80x128xi1>, vector<80x128xf32>
    %mul3A_34 = arith.mulf %select_n3A_33, %select_n3A_23 : vector<80x128xf32>
    %jit3A_35 = arith.constant 0.000000e+00 : f32
    %broadcast_in_dim3A_36 = vector.shape_cast %lt3A_3 : vector<80x1xi1> to vector<80x1xi1>
    %broadcast_in_dim3A_37 = vector.broadcast %broadcast_in_dim3A_36 : vector<80x1xi1> to vector<80x128xi1>
    %broadcast_in_dim3A_38 = vector.broadcast %jit3A_35 : f32 to vector<80x128xf32>
    %select_n3A_39 = arith.select %broadcast_in_dim3A_37, %mul3A_34, %broadcast_in_dim3A_38 : vector<80x128xi1>, vector<80x128xf32>
    %iota3A_40 = tpu.iota {dimensions = array<i32: 1>} : vector<80x16xi32>
    %broadcast_in_dim3A_41 = arith.constant 0.000000e+00 : f32
    %broadcast_in_dim3A_42 = vector.broadcast %broadcast_in_dim3A_41 : f32 to vector<80x16xf32>
    %eq3A = arith.constant 0 : i32
    %eq3A_43 = vector.broadcast %eq3A : i32 to vector<80x16xi32>
    %eq3A_44 = arith.cmpi eq, %iota3A_40, %eq3A_43 : vector<80x16xi32>
    %broadcast_in_dim3A_45 = vector.shape_cast %select_n3A : vector<80x1xf32> to vector<80x1xf32>
    %broadcast_in_dim3A_46 = vector.broadcast %broadcast_in_dim3A_45 : vector<80x1xf32> to vector<80x16xf32>
    %jit3A_47 = arith.constant 0.000000e+00 : f32
    %broadcast_in_dim3A_48 = vector.broadcast %jit3A_47 : f32 to vector<80x16xf32>
    %select_n3A_49 = arith.select %eq3A_44, %broadcast_in_dim3A_46, %broadcast_in_dim3A_48 : vector<80x16xi1>, vector<80x16xf32>
    %concatenate3A = tpu.concatenate %select_n3A_39, %broadcast_in_dim3A_42 in 1 : vector<80x128xf32>, vector<80x16xf32> -> vector<80x144xf32>
    %swap3A = arith.constant 0 : index
    %swap3A_50 = arith.constant 0 : index
    %swap3A_51 = vector.load %arg4[%swap3A, %swap3A_50] : memref<80x144xf32, #tpu.memory_space<vmem>>, vector<80x144xf32>
    tpu.vector_store %arg4[%swap3A, %swap3A_50], %concatenate3A {strides = array<i32>} : memref<80x144xf32, #tpu.memory_space<vmem>>, vector<80x144xf32>,
    %concatenate3A_52 = tpu.concatenate %select_n3A_33, %select_n3A_49 in 1 : vector<80x128xf32>, vector<80x16xf32> -> vector<80x144xf32>
    %swap3A_53 = arith.constant 0 : index
    %swap3A_54 = arith.constant 0 : index
    %swap3A_55 = vector.load %arg5[%swap3A_53, %swap3A_54] : memref<80x144xf32, #tpu.memory_space<vmem>>, vector<80x144xf32>
    tpu.vector_store %arg5[%swap3A_53, %swap3A_54], %concatenate3A_52 {strides = array<i32>} : memref<80x144xf32, #tpu.memory_space<vmem>>, vector<80x144xf32>,
    return
  }
  func.func @transform_0(%arg0: i32) -> (i32, i32) {
    %min3A = arith.constant 124 : i32
    %min3A_0 = arith.minsi %arg0, %min3A : i32
    %c0_i32 = arith.constant 0 : i32
    %c0_i32_1 = arith.constant 0 : i32
    return %min3A_0, %c0_i32 : i32, i32
  }
  func.func @transform_1(%arg0: i32) -> (i32, i32) {
    %min3A = arith.constant 124 : i32
    %min3A_0 = arith.minsi %arg0, %min3A : i32
    %c0_i32 = arith.constant 0 : i32
    %c0_i32_1 = arith.constant 0 : i32
    return %min3A_0, %c0_i32 : i32, i32
  }
  func.func @transform_2(%arg0: i32) -> (i32, i32, i32) {
    %c0_i32 = arith.constant 0 : i32
    %c0_i32_0 = arith.constant 0 : i32
    %c0_i32_1 = arith.constant 0 : i32
    return %c0_i32, %arg0, %c0_i32_0 : i32, i32, i32
  }
  func.func @transform_3(%arg0: i32) -> (i32, i32) {
    %c0_i32 = arith.constant 0 : i32
    %c0_i32_0 = arith.constant 0 : i32
    return %arg0, %c0_i32 : i32, i32
  }
  func.func @transform_4(%arg0: i32) -> (i32, i32) {
    %c0_i32 = arith.constant 0 : i32
    %c0_i32_0 = arith.constant 0 : i32
    return %arg0, %c0_i32 : i32, i32
  }
}

module attributes {stable_mosaic.version = 14 : i64} {
  func.func @_tc_mlp_body(%arg0: i32, %arg1: memref<2x640x144xf32, #tpu.memory_space<vmem>>, %arg2: memref<2x640x16xf32, #tpu.memory_space<vmem>>, %arg3: memref<128x128xf32, #tpu.memory_space<vmem>>, %arg4: memref<1x128xf32, #tpu.memory_space<vmem>>, %arg5: memref<128x16xf32, #tpu.memory_space<vmem>>, %arg6: memref<640x16xf32, #tpu.memory_space<vmem>>) attributes {dimension_semantics = [#tpu.dimension_semantics<arbitrary>], iteration_bounds = array<i64: 15>, scalar_prefetch = 0 : i64, scratch_operands = 0 : i64, tpu.core_type = #tpu.core_type<tc>, window_params = [{transform_indices = @transform_0, window_bounds = array<i64: 2, 640, 144>}, {transform_indices = @transform_1, window_bounds = array<i64: 2, 640, 16>}, {pipeline_mode = #tpu.pipeline_mode<synchronous>, transform_indices = @transform_2, window_bounds = array<i64: 128, 128>}, {pipeline_mode = #tpu.pipeline_mode<synchronous>, transform_indices = @transform_3, window_bounds = array<i64: 1, 128>}, {pipeline_mode = #tpu.pipeline_mode<synchronous>, transform_indices = @transform_4, window_bounds = array<i64: 128, 16>}, {transform_indices = @transform_5, window_bounds = array<i64: 640, 16>}]} {
    %mul3A = arith.constant 640 : i32
    %mul3A_0 = arith.muli %arg0, %mul3A : i32
    %iota3A = tpu.iota {dimensions = array<i32: 0>} : vector<640x1xi32>
    %add3A = vector.broadcast %mul3A_0 : i32 to vector<640x1xi32>
    %add3A_1 = arith.addi %add3A, %iota3A : vector<640x1xi32>
    %lt3A = arith.constant 10000 : i32
    %lt3A_2 = vector.broadcast %lt3A : i32 to vector<640x1xi32>
    %lt3A_3 = arith.cmpi slt, %add3A_1, %lt3A_2 : vector<640x1xi32>
    %get3A = arith.constant 0 : index
    %get3A_4 = arith.constant 0 : index
    %get3A_5 = arith.constant 0 : index
    %get3A_6 = vector.load %arg2[%get3A, %get3A_4, %get3A_5] : memref<2x640x16xf32, #tpu.memory_space<vmem>>, vector<1x640x1xf32>
    %get3A_7 = vector.shape_cast %get3A_6 : vector<1x640x1xf32> to vector<640x1xf32>
    %get3A_8 = arith.constant 1 : index
    %get3A_9 = arith.constant 0 : index
    %get3A_10 = arith.constant 0 : index
    %get3A_11 = vector.load %arg2[%get3A_8, %get3A_9, %get3A_10] : memref<2x640x16xf32, #tpu.memory_space<vmem>>, vector<1x640x1xf32>
    %get3A_12 = vector.shape_cast %get3A_11 : vector<1x640x1xf32> to vector<640x1xf32>
    %add3A_13 = arith.addf %get3A_7, %get3A_12 : vector<640x1xf32>
    %gt3A = arith.constant 0.000000e+00 : f32
    %gt3A_14 = vector.broadcast %gt3A : f32 to vector<640x1xf32>
    %gt3A_15 = arith.cmpf ogt, %add3A_13, %gt3A_14 : vector<640x1xf32>
    %max3A = arith.constant 1.000000e-30 : f32
    %max3A_16 = vector.broadcast %max3A : f32 to vector<640x1xf32>
    %max3A_17 = arith.maximumf %add3A_13, %max3A_16 : vector<640x1xf32>
    %rsqrt3A = math.rsqrt %max3A_17 : vector<640x1xf32>
    %jit3A = arith.constant 0.000000e+00 : f32
    %broadcast_in_dim3A = vector.broadcast %jit3A : f32 to vector<640x1xf32>
    %select_n3A = arith.select %gt3A_15, %rsqrt3A, %broadcast_in_dim3A : vector<640x1xi1>, vector<640x1xf32>
    %add3A_18 = arith.constant 1.000000e+00 : f32
    %add3A_19 = vector.broadcast %add3A_18 : f32 to vector<640x1xf32>
    %add3A_20 = arith.addf %add3A_13, %add3A_19 : vector<640x1xf32>
    %rsqrt3A_21 = math.rsqrt %add3A_20 : vector<640x1xf32>
    %get3A_22 = arith.constant 0 : index
    %get3A_23 = arith.constant 0 : index
    %get3A_24 = arith.constant 0 : index
    %get3A_25 = vector.load %arg1[%get3A_22, %get3A_23, %get3A_24] : memref<2x640x144xf32, #tpu.memory_space<vmem>>, vector<1x640x128xf32>
    %get3A_26 = vector.shape_cast %get3A_25 : vector<1x640x128xf32> to vector<640x128xf32>
    %get3A_27 = arith.constant 1 : index
    %get3A_28 = arith.constant 0 : index
    %get3A_29 = arith.constant 0 : index
    %get3A_30 = vector.load %arg1[%get3A_27, %get3A_28, %get3A_29] : memref<2x640x144xf32, #tpu.memory_space<vmem>>, vector<1x640x128xf32>
    %get3A_31 = vector.shape_cast %get3A_30 : vector<1x640x128xf32> to vector<640x128xf32>
    %get3A_32 = arith.constant 1 : index
    %get3A_33 = arith.constant 0 : index
    %get3A_34 = arith.constant 128 : index
    %get3A_35 = vector.load %arg1[%get3A_32, %get3A_33, %get3A_34] : memref<2x640x144xf32, #tpu.memory_space<vmem>>, vector<1x640x1xf32>
    %get3A_36 = vector.shape_cast %get3A_35 : vector<1x640x1xf32> to vector<640x1xf32>
    %mul3A_37 = arith.mulf %select_n3A, %get3A_36 : vector<640x1xf32>
    %mul3A_38 = vector.broadcast %mul3A_37 : vector<640x1xf32> to vector<640x128xf32>
    %mul3A_39 = arith.mulf %mul3A_38, %get3A_26 : vector<640x128xf32>
    %ne3A = arith.constant 0.000000e+00 : f32
    %ne3A_40 = vector.broadcast %ne3A : f32 to vector<640x128xf32>
    %ne3A_41 = arith.cmpf one, %get3A_31, %ne3A_40 : vector<640x128xf32>
    %ne3A_42 = arith.constant 0.000000e+00 : f32
    %ne3A_43 = vector.broadcast %ne3A_42 : f32 to vector<640x128xf32>
    %ne3A_44 = arith.cmpf one, %get3A_31, %ne3A_43 : vector<640x128xf32>
    %jit3A_45 = arith.constant 1.000000e+00 : f32
    %broadcast_in_dim3A_46 = vector.broadcast %jit3A_45 : f32 to vector<640x128xf32>
    %select_n3A_47 = arith.select %ne3A_44, %get3A_31, %broadcast_in_dim3A_46 : vector<640x128xi1>, vector<640x128xf32>
    %div3A = arith.divf %mul3A_39, %select_n3A_47 : vector<640x128xf32>
    %jit3A_48 = arith.constant 0.000000e+00 : f32
    %broadcast_in_dim3A_49 = vector.broadcast %jit3A_48 : f32 to vector<640x128xf32>
    %select_n3A_50 = arith.select %ne3A_41, %div3A, %broadcast_in_dim3A_49 : vector<640x128xi1>, vector<640x128xf32>
    %get3A_51 = arith.constant 0 : index
    %get3A_52 = arith.constant 0 : index
    %get3A_53 = vector.load %arg3[%get3A_51, %get3A_52] : memref<128x128xf32, #tpu.memory_space<vmem>>, vector<128x128xf32>
    %dot_general3A = arith.constant dense<0.000000e+00> : vector<640x128xf32>
    %dot_general3A_54 = tpu.matmul %select_n3A_50, %get3A_53, %dot_general3A {dimension_numbers = #tpu.dot_dimension_numbers<[1], [0], [0], [1], [0, 0, 1, 1], [], []>, transpose_lhs_hint = false} : vector<640x128xf32>, vector<128x128xf32>, vector<640x128xf32> -> vector<640x128xf32>
    %get3A_55 = arith.constant 0 : index
    %get3A_56 = arith.constant 0 : index
    %get3A_57 = vector.load %arg4[%get3A_55, %get3A_56] : memref<1x128xf32, #tpu.memory_space<vmem>>, vector<1x128xf32>
    %add3A_58 = vector.broadcast %get3A_57 : vector<1x128xf32> to vector<640x128xf32>
    %add3A_59 = arith.addf %dot_general3A_54, %add3A_58 : vector<640x128xf32>
    %max3A_60 = arith.constant 0.000000e+00 : f32
    %max3A_61 = vector.broadcast %max3A_60 : f32 to vector<640x128xf32>
    %max3A_62 = arith.maximumf %add3A_59, %max3A_61 : vector<640x128xf32>
    %get3A_63 = arith.constant 0 : index
    %get3A_64 = arith.constant 0 : index
    %get3A_65 = vector.load %arg5[%get3A_63, %get3A_64] : memref<128x16xf32, #tpu.memory_space<vmem>>, vector<128x16xf32>
    %dot_general3A_66 = arith.constant dense<0.000000e+00> : vector<640x16xf32>
    %dot_general3A_67 = tpu.matmul %max3A_62, %get3A_65, %dot_general3A_66 {dimension_numbers = #tpu.dot_dimension_numbers<[1], [0], [0], [1], [0, 0, 1, 1], [], []>, transpose_lhs_hint = false} : vector<640x128xf32>, vector<128x16xf32>, vector<640x16xf32> -> vector<640x16xf32>
    %mul3A_68 = vector.broadcast %rsqrt3A_21 : vector<640x1xf32> to vector<640x16xf32>
    %mul3A_69 = arith.mulf %mul3A_68, %dot_general3A_67 : vector<640x16xf32>
    %jit3A_70 = arith.constant 0.000000e+00 : f32
    %broadcast_in_dim3A_71 = vector.shape_cast %lt3A_3 : vector<640x1xi1> to vector<640x1xi1>
    %broadcast_in_dim3A_72 = vector.broadcast %broadcast_in_dim3A_71 : vector<640x1xi1> to vector<640x16xi1>
    %broadcast_in_dim3A_73 = vector.broadcast %jit3A_70 : f32 to vector<640x16xf32>
    %select_n3A_74 = arith.select %broadcast_in_dim3A_72, %mul3A_69, %broadcast_in_dim3A_73 : vector<640x16xi1>, vector<640x16xf32>
    %swap3A = arith.constant 0 : index
    %swap3A_75 = arith.constant 0 : index
    %swap3A_76 = vector.load %arg6[%swap3A, %swap3A_75] : memref<640x16xf32, #tpu.memory_space<vmem>>, vector<640x16xf32>
    tpu.vector_store %arg6[%swap3A, %swap3A_75], %select_n3A_74 {strides = array<i32>} : memref<640x16xf32, #tpu.memory_space<vmem>>, vector<640x16xf32>,
    return
  }
  func.func @transform_0(%arg0: i32) -> (i32, i32, i32) {
    %c0_i32 = arith.constant 0 : i32
    %c0_i32_0 = arith.constant 0 : i32
    %c0_i32_1 = arith.constant 0 : i32
    return %c0_i32, %arg0, %c0_i32_0 : i32, i32, i32
  }
  func.func @transform_1(%arg0: i32) -> (i32, i32, i32) {
    %c0_i32 = arith.constant 0 : i32
    %c0_i32_0 = arith.constant 0 : i32
    %c0_i32_1 = arith.constant 0 : i32
    return %c0_i32, %arg0, %c0_i32_0 : i32, i32, i32
  }
  func.func @transform_2(%arg0: i32) -> (i32, i32) {
    %c0_i32 = arith.constant 0 : i32
    %c0_i32_0 = arith.constant 0 : i32
    %c0_i32_1 = arith.constant 0 : i32
    return %c0_i32, %c0_i32_0 : i32, i32
  }
  func.func @transform_3(%arg0: i32) -> (i32, i32) {
    %c0_i32 = arith.constant 0 : i32
    %c0_i32_0 = arith.constant 0 : i32
    %c0_i32_1 = arith.constant 0 : i32
    return %c0_i32, %c0_i32_0 : i32, i32
  }
  func.func @transform_4(%arg0: i32) -> (i32, i32) {
    %c0_i32 = arith.constant 0 : i32
    %c0_i32_0 = arith.constant 0 : i32
    %c0_i32_1 = arith.constant 0 : i32
    return %c0_i32, %c0_i32_0 : i32, i32
  }
  func.func @transform_5(%arg0: i32) -> (i32, i32) {
    %c0_i32 = arith.constant 0 : i32
    %c0_i32_0 = arith.constant 0 : i32
    return %arg0, %c0_i32 : i32, i32
  }
}

module attributes {stable_mosaic.version = 14 : i64} {
  func.func @_tc_final_body(%arg0: i32, %arg1: memref<2x1000x16xf32, #tpu.memory_space<vmem>>, %arg2: memref<1000x16xf32, #tpu.memory_space<vmem>>, %arg3: memref<2x1000x16xf32, #tpu.memory_space<vmem>>, %arg4: memref<1x16xf32, #tpu.memory_space<vmem>>, %arg5: memref<1000x16xf32, #tpu.memory_space<vmem>>) attributes {dimension_semantics = [#tpu.dimension_semantics<arbitrary>], iteration_bounds = array<i64: 10>, scalar_prefetch = 0 : i64, scratch_operands = 0 : i64, tpu.core_type = #tpu.core_type<tc>, window_params = [{transform_indices = @transform_0, window_bounds = array<i64: 2, 1000, 16>}, {transform_indices = @transform_1, window_bounds = array<i64: 1000, 16>}, {transform_indices = @transform_2, window_bounds = array<i64: 2, 1000, 16>}, {pipeline_mode = #tpu.pipeline_mode<synchronous>, transform_indices = @transform_3, window_bounds = array<i64: 1, 16>}, {transform_indices = @transform_4, window_bounds = array<i64: 1000, 16>}]} {
    %get3A = arith.constant 0 : index
    %get3A_0 = arith.constant 0 : index
    %get3A_1 = arith.constant 0 : index
    %get3A_2 = vector.load %arg3[%get3A, %get3A_0, %get3A_1] : memref<2x1000x16xf32, #tpu.memory_space<vmem>>, vector<1x1000x1xf32>
    %get3A_3 = vector.shape_cast %get3A_2 : vector<1x1000x1xf32> to vector<1000x1xf32>
    %get3A_4 = arith.constant 1 : index
    %get3A_5 = arith.constant 0 : index
    %get3A_6 = arith.constant 0 : index
    %get3A_7 = vector.load %arg3[%get3A_4, %get3A_5, %get3A_6] : memref<2x1000x16xf32, #tpu.memory_space<vmem>>, vector<1x1000x1xf32>
    %get3A_8 = vector.shape_cast %get3A_7 : vector<1x1000x1xf32> to vector<1000x1xf32>
    %add3A = arith.addf %get3A_3, %get3A_8 : vector<1000x1xf32>
    %add3A_9 = arith.constant 1.000000e+00 : f32
    %add3A_10 = vector.broadcast %add3A_9 : f32 to vector<1000x1xf32>
    %add3A_11 = arith.addf %add3A, %add3A_10 : vector<1000x1xf32>
    %rsqrt3A = math.rsqrt %add3A_11 : vector<1000x1xf32>
    %get3A_12 = arith.constant 0 : index
    %get3A_13 = arith.constant 0 : index
    %get3A_14 = arith.constant 0 : index
    %get3A_15 = vector.load %arg1[%get3A_12, %get3A_13, %get3A_14] : memref<2x1000x16xf32, #tpu.memory_space<vmem>>, vector<1x1000x16xf32>
    %get3A_16 = vector.shape_cast %get3A_15 : vector<1x1000x16xf32> to vector<1000x16xf32>
    %get3A_17 = arith.constant 1 : index
    %get3A_18 = arith.constant 0 : index
    %get3A_19 = arith.constant 0 : index
    %get3A_20 = vector.load %arg1[%get3A_17, %get3A_18, %get3A_19] : memref<2x1000x16xf32, #tpu.memory_space<vmem>>, vector<1x1000x16xf32>
    %get3A_21 = vector.shape_cast %get3A_20 : vector<1x1000x16xf32> to vector<1000x16xf32>
    %add3A_22 = arith.addf %get3A_16, %get3A_21 : vector<1000x16xf32>
    %get3A_23 = arith.constant 0 : index
    %get3A_24 = arith.constant 0 : index
    %get3A_25 = vector.load %arg2[%get3A_23, %get3A_24] : memref<1000x16xf32, #tpu.memory_space<vmem>>, vector<1000x16xf32>
    %add3A_26 = arith.addf %add3A_22, %get3A_25 : vector<1000x16xf32>
    %mul3A = vector.broadcast %rsqrt3A : vector<1000x1xf32> to vector<1000x16xf32>
    %mul3A_27 = arith.mulf %mul3A, %add3A_26 : vector<1000x16xf32>
    %get3A_28 = arith.constant 0 : index
    %get3A_29 = arith.constant 0 : index
    %get3A_30 = vector.load %arg4[%get3A_28, %get3A_29] : memref<1x16xf32, #tpu.memory_space<vmem>>, vector<1x16xf32>
    %add3A_31 = vector.broadcast %get3A_30 : vector<1x16xf32> to vector<1000x16xf32>
    %add3A_32 = arith.addf %mul3A_27, %add3A_31 : vector<1000x16xf32>
    %reduce_max3A = arith.constant dense<0xFF800000> : vector<1000xf32>
    %reduce_max3A_33 = vector.multi_reduction <maximumf>, %add3A_32, %reduce_max3A [1] : vector<1000x16xf32> to vector<1000xf32>
    %broadcast_in_dim3A = vector.shape_cast %reduce_max3A_33 : vector<1000xf32> to vector<1000x1xf32>
    %sub3A = vector.broadcast %broadcast_in_dim3A : vector<1000x1xf32> to vector<1000x16xf32>
    %sub3A_34 = arith.subf %add3A_32, %sub3A : vector<1000x16xf32>
    %exp3A = math.exp %sub3A_34 : vector<1000x16xf32>
    %reduce_sum3A = arith.constant dense<0.000000e+00> : vector<1000xf32>
    %reduce_sum3A_35 = vector.multi_reduction <add>, %exp3A, %reduce_sum3A [1] : vector<1000x16xf32> to vector<1000xf32>
    %broadcast_in_dim3A_36 = vector.shape_cast %reduce_sum3A_35 : vector<1000xf32> to vector<1000x1xf32>
    %log3A = math.log %broadcast_in_dim3A_36 : vector<1000x1xf32>
    %sub3A_37 = vector.broadcast %log3A : vector<1000x1xf32> to vector<1000x16xf32>
    %sub3A_38 = arith.subf %sub3A_34, %sub3A_37 : vector<1000x16xf32>
    %swap3A = arith.constant 0 : index
    %swap3A_39 = arith.constant 0 : index
    %swap3A_40 = vector.load %arg5[%swap3A, %swap3A_39] : memref<1000x16xf32, #tpu.memory_space<vmem>>, vector<1000x16xf32>
    tpu.vector_store %arg5[%swap3A, %swap3A_39], %sub3A_38 {strides = array<i32>} : memref<1000x16xf32, #tpu.memory_space<vmem>>, vector<1000x16xf32>,
    return
  }
  func.func @transform_0(%arg0: i32) -> (i32, i32, i32) {
    %c0_i32 = arith.constant 0 : i32
    %c0_i32_0 = arith.constant 0 : i32
    %c0_i32_1 = arith.constant 0 : i32
    return %c0_i32, %arg0, %c0_i32_0 : i32, i32, i32
  }
  func.func @transform_1(%arg0: i32) -> (i32, i32) {
    %c0_i32 = arith.constant 0 : i32
    %c0_i32_0 = arith.constant 0 : i32
    return %arg0, %c0_i32 : i32, i32
  }
  func.func @transform_2(%arg0: i32) -> (i32, i32, i32) {
    %c0_i32 = arith.constant 0 : i32
    %c0_i32_0 = arith.constant 0 : i32
    %c0_i32_1 = arith.constant 0 : i32
    return %c0_i32, %arg0, %c0_i32_0 : i32, i32, i32
  }
  func.func @transform_3(%arg0: i32) -> (i32, i32) {
    %c0_i32 = arith.constant 0 : i32
    %c0_i32_0 = arith.constant 0 : i32
    %c0_i32_1 = arith.constant 0 : i32
    return %c0_i32, %c0_i32_0 : i32, i32
  }
  func.func @transform_4(%arg0: i32) -> (i32, i32) {
    %c0_i32 = arith.constant 0 : i32
    %c0_i32_0 = arith.constant 0 : i32
    return %arg0, %c0_i32 : i32, i32
  }
}

</mosaic_0001>

<sc_bundles>
// kernel: kernel.11.cloned.1.call-start
scs
__scs_entry_jumppad:
0x0: {  	(pc) =	sbr.rel $0x88, $3  }
0x1: {  	(tag) =	ssettag $0x0;
	lr =	simm.s32 $0x1  }
0x2: {  	[smem:$0x3F9A] =	sst lr;
	_ =	strace $0xD0000000  }
0x3: {  	_ = 	snop  }
0x4: {  	_ = 	snop  }
0x5: {  	_ = 	snop  }
0x6: {  	_ = 	snop  }
0x7: {  	_ = 	snop  }
__scs_overlays_trampoline_lowered:
0x8: {  	[smem:$0x3FA9] =	sst s0  }
0x9: {  	[smem:$0x3FAA] =	sst s1  }
0xa: {  	[smem:$0x3FAB] =	sst s2  }
0xb: {  	[smem:$0x3FAC] =	sst s3  }
0xc: {  	[smem:$0x3FAD] =	sst s4  }
0xd: {  	[smem:$0x3FAE] =	sst s5  }
0xe: {  	[smem:$0x3FAF] =	sst s6  }
0xf: {  	[smem:$0x3FB0] =	sst s7  }
0x10: {  	[smem:$0x3FB1] =	sst s8  }
0x11: {  	[smem:$0x3FB2] =	sst s9;
	s0 =	simm.s32 @!p0 $0x0  }
0x12: {  	s1 =	sld [smem:$0x3F98];
	s0 =	simm.s32 @p0 $0x1  }
0x13: {  	[smem:$0x3FB3] =	sst s0;
	s0 =	simm.s32 @!p1 $0x0  }
0x14: {  	s2 =	sld [smem:$0x3F97];
	s0 =	simm.s32 @p1 $0x1  }
0x15: {  	[smem:$0x3FB4] =	sst s0;
	s0 =	simm.s32 @!p2 $0x0  }
0x16: {  	s3 =	sld [smem:$0x3FDB];
	s0 =	simm.s32 @p2 $0x1  }
0x17: {  	s4 =	simm.s32 $0x1BF5;
	[smem:$0x3FB6] =	sst s0  }
0x18: {  	s0 =	sld [smem:$0x3F99];
	_ =	swait.ge [sflag:s4], $0x0  }
0x19: {  	s7 =	sld [smem:$0x3F9A]  }
0x1a: {  	s8 =	sadd.s32 $0xFFFFE003, lr  }
0x1b: {  	s9 =	sadd.s32 $0xFFFFFEF7, lr;
	s5 =	simm.s32 $0xFFFFFFFF;
	p2 =	slt.u32 s8, $0xFFFFF086  }
0x1c: {  	p1 =	slt.u32 s9, $0xF7A;
	s5 =	simm.s32 @!p2 $0x0  }
0x1d: {  	s5 =	simm.s32 @p1 $0x1;
	p0 =	seq.s32 s7, s2  }
0x1e: {  	s7 =	smul.u32 @!p0 $0xF7A, s2;
	p2 =	seq.s32 @!p0 s5, $0x0  }
0x1f: {  	s9 =	smul.u32 $0xF7A, s1;
	s8 =	simm.s32 @!p0 $0x1BF5;
	p2 =	por !p2, p0  }
0x20: {  	[sflag:s8] =	ssyncset.s32 @!p0 $0xFFFFF086;
	s6 =	sadd.s32 @!p0 s3, s7;
	s7 =	simm.s32 @!p0 $0x108  }
0x21: {  	s3 =	sadd.s32 s3, s9;
	s6 =	sadd.s32 @!p0 $0x88, s6;
	s7 =	simm.s32 @p2 $0x1082  }
0x22: {  	[simem:s7], [sflag:s8] =	dma.local @!p0 [hbm:s6], $0xF7A  }
0x23: {  	s9 =	sor.u32 $0xD0000000, s2;
	s6 =	simm.s32 $0x108;
	_ =	swait.ge @!p0 [sflag:s8], $0x0  }
0x24: {  	s3 =	sadd.s32 $0x88, s3;
	s6 =	simm.s32 @!p1 $0x1082;
	[sflag:s4] =	ssyncset.s32 $0xFFFFF086  }
0x25: {  	[simem:s6], [sflag:s4] =	dma.local [hbm:s3], $0xF7A  }
0x26: {  	[smem:$0x3F9A] =	sst s1;
	(tag) =	ssettag s2;
	_ =	strace s9  }
0x27: {  	s1 =	sld [smem:$0x3FAA]  }
0x28: {  	s2 =	sld [smem:$0x3FAB]  }
0x29: {  	s4 =	sld [smem:$0x3FAD]  }
0x2a: {  	p0 =	seq.s32 s5, $0x0;
	s5 =	sld [smem:$0x3FAE]  }
0x2b: {  	s6 =	sld [smem:$0x3FAF]  }
0x2c: {  	s7 =	sld [smem:$0x3FB0]  }
0x2d: {  	s3 =	simm.s32 $0x108;
	s8 =	sld [smem:$0x3FB1]  }
0x2e: {  	s3 =	simm.s32 @!p0 $0x1082;
	s9 =	sld [smem:$0x3FB2]  }
0x2f: {  	lr =	sadd.s32 s0, s3;
	s0 =	sld [smem:$0x3FA9]  }
0x30: {  	s3 =	sld [smem:$0x3FAC]  }
0x31: {  	[smem:$0x3FB5] =	sst s10  }
0x32: {  	s10 =	sld [smem:$0x3FB3];
	_ =	sdelay $0x3  }
0x33: {  	p0 =	seq.s32 s10, $0x1;
	s10 =	sld [smem:$0x3FB5];
	_ =	sdelay $0x3  }
0x34: {  	[smem:$0x3FB5] =	sst s10  }
0x35: {  	s10 =	sld [smem:$0x3FB4];
	_ =	sdelay $0x3  }
0x36: {  	p1 =	seq.s32 s10, $0x1;
	s10 =	sld [smem:$0x3FB5];
	_ =	sdelay $0x3  }
0x37: {  	[smem:$0x3FB5] =	sst s10  }
0x38: {  	s10 =	sld [smem:$0x3FB6]  }
0x39: {  	_ = 	snop;
	(pc) =	sbr.ind lr, $3  }
0x3a: {  	_ = 	snop  }
0x3b: {  	_ = 	snop  }
0x3c: {  	p2 =	seq.s32 s10, $0x1;
	s10 =	sld [smem:$0x3FB5]  }
0x3d: {  	_ =	shalt  }
0x3e: {  	_ =	shalt  }
0x3f: {  	_ =	shalt  }
0x40: {  	_ =	shalt  }
0x41: {  	_ =	shalt  }
0x42: {  	_ =	shalt  }
0x43: {  	_ =	shalt  }
0x44: {  	_ =	shalt  }
0x45: {  	_ =	shalt  }
0x46: {  	_ =	shalt  }
0x47: {  	_ =	shalt  }
0x48: {  	_ =	shalt  }
0x49: {  	_ =	shalt  }
0x4a: {  	_ =	shalt  }
0x4b: {  	_ =	shalt  }
0x4c: {  	_ =	shalt  }
0x4d: {  	_ =	shalt  }
0x4e: {  	_ =	shalt  }
0x4f: {  	_ =	shalt  }
0x50: {  	_ =	shalt  }
0x51: {  	_ =	shalt  }
0x52: {  	_ =	shalt  }
0x53: {  	_ =	shalt  }
0x54: {  	_ =	shalt  }
0x55: {  	_ =	shalt  }
0x56: {  	_ =	shalt  }
0x57: {  	_ =	shalt  }
0x58: {  	_ =	shalt  }
0x59: {  	_ =	shalt  }
0x5a: {  	_ =	shalt  }
0x5b: {  	_ =	shalt  }
0x5c: {  	_ =	shalt  }
0x5d: {  	_ =	shalt  }
0x5e: {  	_ =	shalt  }
0x5f: {  	_ =	shalt  }
0x60: {  	_ =	shalt  }
0x61: {  	_ =	shalt  }
0x62: {  	_ =	shalt  }
0x63: {  	_ =	shalt  }
0x64: {  	_ =	shalt  }
0x65: {  	_ =	shalt  }
0x66: {  	_ =	shalt  }
0x67: {  	_ =	shalt  }
0x68: {  	_ =	shalt  }
0x69: {  	_ =	shalt  }
0x6a: {  	_ =	shalt  }
0x6b: {  	_ =	shalt  }
0x6c: {  	_ =	shalt  }
0x6d: {  	_ =	shalt  }
0x6e: {  	_ =	shalt  }
0x6f: {  	_ =	shalt  }
0x70: {  	_ =	shalt  }
0x71: {  	_ =	shalt  }
0x72: {  	_ =	shalt  }
0x73: {  	_ =	shalt  }
0x74: {  	_ =	shalt  }
0x75: {  	_ =	shalt  }
0x76: {  	_ =	shalt  }
0x77: {  	_ =	shalt  }
0x78: {  	_ =	shalt  }
0x79: {  	_ =	shalt  }
0x7a: {  	_ =	shalt  }
0x7b: {  	_ =	shalt  }
0x7c: {  	_ =	shalt  }
0x7d: {  	_ =	shalt  }
0x7e: {  	_ =	shalt  }
0x7f: {  	_ =	shalt  }
0x80: {  	_ =	shalt  }
0x81: {  	_ =	shalt  }
0x82: {  	_ =	shalt  }
0x83: {  	_ =	shalt  }
0x84: {  	_ =	shalt  }
0x85: {  	_ =	shalt  }
0x86: {  	_ =	shalt  }
0x87: {  	_ =	shalt  }
.Lfunc_end0:
.L_simem_size_0:
called_computation.1_lowered:
.L_overlay_start_0:
0x88: {  	s2 =	sld [smem:$0x3FD9]  }
0x89: {  	s3 =	sld [smem:$0x3FFE];
	_ =	sdelay $0x1  }
0x8a: {  	s1 =	srdreg.scid  }
0x8b: {  	s0 =	sand.u32 $0x1, s1  }
0x8c: {  	s17 =	sshll.u32 s0, $0xA;
	s2 =	sadd.s32 s3, s2  }
0x8d: {  	s2 =	sadd.s32 s2, s17  }
0x8e: {  	[smem:$0x3FC1] =	sst s2  }
0x8f: {  	_ = 	snop  }
0x90: {  	s2 =	sld [smem:$0x3FD0];
	(tm) =	ssettm $0x1  }
0x91: {  	s18 =	sld [smem:$0x3FFB];
	_ =	sdelay $0x3  }
0x92: {  	_ =	strace s18  }
0x93: {  	s3 =	sld [smem:$0x3FFC];
	_ =	sdelay $0x3  }
0x94: {  	_ =	strace s3  }
0x95: {  	s3 =	sld [smem:$0x3FFD];
	_ =	sdelay $0x3  }
0x96: {  	_ =	strace s3  }
0x97: {  	_ =	strace $0x8FFFFFFF  }
0x98: {  	s19 =	sld [smem:$0x3FDB];
	_ =	sdelay $0x1  }
0x99: {  	s4 =	simm.s32 $_scs_section_size  }
0x9a: {  	s5 =	simm.s32 $_size__tile_overlayer_lowered;
	s6 =	simm.s32 $_tile_overlayer_lowered  }
0x9b: {  	s22 =	simm.s32 $0x1BFF;
	s21 =	sshll.u32 s6, $0x1;
	s3 =	sadd.s32 s4, s19  }
0x9c: {  	s7 =	simm.s32 $0x0;
	s20 =	sshll.u32 s5, $0x1;
	s5 =	sadd.s32 s21, s3  }
0x9d: {  	[timem:s7], [sflag:s22] =	dma.local [hbm:s5], s20  }
0x9e: {  	_ =	swait.ge [sflag:s22], s20  }
0x9f: {  	s4 =	ssub.s32 $0x0, s20;
	[sflag:s22] =	ssyncset.done $0x0  }
0xa0: {  	[sflag:s22] =	ssyncadd.s32 s4;
	_ =	sdelay $0x1  }
0xa1: {  	s23 =	simm.s32 $0x1B8B  }
0xa2: {  	_ =	swait.ge [sflag:s23], $0x1  }
0xa3: {  	[sflag:s23] =	ssyncset.done $0x0  }
0xa4: {  	s25 =	simm.s32 $0x1B8E;
	s24 =	sld [smem:$0x3FFE];
	[sflag:s23] =	ssyncadd.s32 $0xFFFFFFFF  }
0xa5: {  	s26 =	simm.s32 $execute0_lowered;
	[smem:$0x3FD2] =	sst s25  }
0xa6: {  	s5 =	sshll.u32 s26, $0x1;
	_ =	strace $0x80000049;
	[dreg:$0x1] =	wrdreg $0xFFFFFFFF  }
0xa7: {  	s28 =	simm.s32 $_size_execute0_lowered;
	s3 =	sadd.s32 s3, s5;
	[dreg:$0x0] =	wrdreg $0x0  }
0xa8: {  	s5 =	sshll.u32 s28, $0x1;
	[dreg:$0x2] =	wrdreg s3  }
0xa9: {  	[dreg:$0x3] =	wrdreg s5  }
0xaa: {  	[dreg:$0x4] =	wrdreg $0xC0  }
0xab: {  	_ =	task [dreg:s7], $0x5FFFF  }
0xac: {  	[dreg:$0x1] =	wrdreg $0xFFFFFFFF  }
0xad: {  	[dreg:$0x0] =	wrdreg $0x60  }
0xae: {  	[dreg:$0x2] =	wrdreg s24  }
0xaf: {  	[dreg:$0x3] =	wrdreg s2  }
0xb0: {  	[dreg:$0x4] =	wrdreg $0x0  }
0xb1: {  	[dreg:$0x5] =	wrdreg $0x9  }
0xb2: {  	_ =	task.clear_ibuf [dreg:s7], $0x6FFFF;
	_ =	strace $0x90000049  }
0xb3: {  	s29 =	simm.s32 $0x9;
	_ =	strace $0x8000004B  }
0xb4: {  	_ =	swait.ge [sflag:s29], $0x1  }
0xb5: {  	[sflag:s29] =	ssyncadd.s32 $0xFFFFFFFF  }
0xb6: {  	_ =	strace $0x9000004B  }
0xb7: {  	_ =	sfence  }
0xb8: {  	s30 =	sld [smem:$0x0];
	_ =	sdelay $0x2  }
0xb9: {  	s31 =	sshll.u32 s1, $0xD;
	s1 =	sshrl.u32 s1, $0x2  }
0xba: {  	s3 =	sand.u32 $0x4000, s31;
	s1 =	sadd.s32 s1, s30  }
0xbb: {  	s0 =	sor.u32 s3, s0;
	s1 =	sshll.u32 s1, $0x11  }
0xbc: {  	s0 =	sor.u32 s1, s0  }
0xbd: {  	s0 =	sadd.s32 $0x8F2B, s0  }
0xbe: {  	[sflag:s0] =	ssyncadd.remote.s32 $0x1  }
0xbf: {  	_ =	sfence.sel $0xFFFF  }
0xc0: {  	[dreg:$0x0] =	wrdreg $0xFFFFFFFF;
	(pc) =	sbr.abs _section_cstart, $3  }
0xc1: {  	[dreg:$0x1] =	wrdreg $0xFFFFFFFF  }
0xc2: {  	_ =	task.clear_ibuf [dreg:s7], $0x2FFFF;
	_ =	strace $0x9FFFFFFF  }
0xc3: {  	(tm) =	ssettm $0x7FFFFFFF  }
tec
execute0_lowered:
.L_overlay_start_1:
0x0: {  	(tag) =	ssettag $0x1  }
0x1: {  	s0 =	rddreg [dreg:$0x0]  }
0x2: {  	s3 =	rddreg [dreg:$0x2];
	s1 =	stileid.u32  }
0x3: {  	s5 =	srdreg.scid;
	s4 =	simm.s32 $0x0;
	s15 =	simm.s32 $0x6  }
0x4: {  	s16 =	simm.s32 $0x16380;
	s17 =	simm.s32 $0x16480;
	s18 =	simm.s32 $0x1  }
0x5: {  	s19 =	simm.s32 $0x80;
	s20 =	simm.s32 $0x16580;
	s21 =	simm.s32 $0x16780  }
0x6: {  	s22 =	simm.s32 $0x3;
	s23 =	simm.s32 $0x16600;
	s24 =	simm.s32 $0x2  }
0x7: {  	s28 =	simm.s32 $0x16700;
	s29 =	simm.s32 $0x4;
	s30 =	simm.s32 $0x5  }
0x8: {  	s31 =	simm.s32 $0x0;
	s8 =	sand.u32 $0x1, s5;
	s7 =	smul.u32 $0x16380, s1  }
0x9: {  	[smem:$0x7FF] =	sst s4;
	s10 =	smul.u32 $0x1400, s1;
	s5 =	sadd.s32 $0xBF800, s0  }
0xa: {  	s6 =	sadd.s32 $0x70800, s0;
	s12 =	sshll.u32 s1, $0x6;
	s9 =	smul.u32 $0x163800, s8  }
0xb: {  	_ =	strace $0x8000004A;
	s25 =	ssub.s32 $0x2, s8;
	p0 =	seq.s32 s8, $0x1  }
0xc: {  	s11 =	sadd.s32 s10, s0;
	s26 =	sshrl.u32 s25, $0x1;
	s14 =	sadd.s32 s7, s3  }
.Ltmp0:
0xd: {  	s9 =	sadd.s32 s7, s9;
	s13 =	ssub.s32 s25, s26;
	(pc) =	sbr.rel .LBB2_1-.Ltmp0, $4  }
0xe: {  	s7 =	sor.u32 $0x1C06, s12;
	s8 =	sadd.s32 $0x3200, s11;
	s10 =	sadd.s32 $0x3240, s11  }
0xf: {  	s14 =	sshrl.u32 s14, $0x3;
	s25 =	simm.s32 $0x16680;
	s9 =	sshrl.u32 s9, $0x3  }
0x10: {  	s26 =	simm.s32 $0x1AF80;
	s13 =	smax.u32 s13, $0x1;
	s0 =	sadd.s32 s9, s0  }
0x11: {  	s9 =	sadd.s32 $0x3220, s11;
	s11 =	sadd.s32 $0x3260, s11;
	s12 =	sadd.s32 $0xEC000, s0  }
.LBB2_6:
0x12: {  	_ =	swait.ge [sflag:s22], $0x4800  }
0x13: {  	[sflag:s22] =	ssyncset.done $0x0  }
0x14: {  	[sflag:s22] =	ssyncadd.s32 $0xFFFFB800  }
0x15: {  	[spmem:s3] =	stream.indirect.scatter.add.f32 [tilespmem:s26], [sflag:$0x5], $0x90, s28, s19, $0xb8;
	[tilespmem:$0x1F780] =	vst v63  }
0x16: {  	_ =	swait.ge [sflag:s29], $0x4800  }
0x17: {  	[sflag:s29] =	ssyncset.done $0x0  }
0x18: {  	[sflag:s29] =	ssyncadd.s32 $0xFFFFB800  }
0x19: {  	_ =	swait.ge [sflag:s30], $0x4800  }
0x1a: {  	[sflag:s30] =	ssyncset.done $0x0  }
0x1b: {  	[sflag:s30] =	ssyncadd.s32 $0xFFFFB800  }
0x1c: {  	_ =	swait.ge [sflag:s18], $0x100  }
0x1d: {  	[sflag:s18] =	ssyncset.done $0x0  }
0x1e: {  	[sflag:s18] =	ssyncadd.s32 $0xFFFFFF00  }
0x1f: {  	_ =	swait.ge [sflag:s24], $0x100  }
0x20: {  	s31 =	sadd.s32 $0x1, s31;
	[sflag:s24] =	ssyncset.done $0x0  }
0x21: {  	p1 =	sne.s32 s31, s13;
	[sflag:s24] =	ssyncadd.s32 $0xFFFFFF00  }
.Ltmp1:
0x22: {  	[bflag:$0x0] =	sbarrier.arrive $0xFFFF;
	(pc) =	sbr.rel @!p1 .LBB2_7-.Ltmp1, $4  }
0x23: {  	[hbm:s12], [sflag:s7] =	dma.local [spmem:s14], $0x2C70  }
0x24: {  	_ =	swait.ge [sflag:s15], $0x2C70  }
0x25: {  	[sflag:s15] =	ssyncset.done $0x0  }
0x26: {  	[sflag:s15] =	ssyncadd.s32 $0xFFFFD390  }
.LBB2_1:
0x27: {  	s0 =	rddreg [dreg:$0x1]  }
0x28: {  	[spmem:s14], [sflag:s7] =	dma.local [hbm:s0], $0x2C70  }
0x29: {  	_ =	swait.ge [sflag:s15], $0x2C70  }
0x2a: {  	[sflag:s15] =	ssyncset.done $0x0  }
0x2b: {  	[sflag:s15] =	ssyncadd.s32 $0xFFFFD390  }
0x2c: {  	[bflag:$0x0] =	sbarrier.arrive $0xFFFF  }
0x2d: {  	[tilespmem:s16], [sflag:$0x1] =	stream.linear.gather [hbm4b:s8+s4], $0x100, $0x38;
	[tilespmem:$0x1F780] =	vst v63  }
0x2e: {  	_ = 	snop  }
0x2f: {  	[tilespmem:s17], [sflag:$0x2] =	stream.linear.gather [hbm4b:s9+s4], $0x100, $0x38;
	[tilespmem:$0x1F780] =	vst v63  }
0x30: {  	_ =	swait.ge [sflag:s18], $0x100  }
0x31: {  	[sflag:s18] =	ssyncset.done $0x0  }
0x32: {  	[sflag:s18] =	ssyncadd.s32 $0xFFFFFF00  }
0x33: {  	v0 =	vld [tilespmem:$0x16380]  }
0x34: {  	v1 =	vld [tilespmem:$0x16390]  }
0x35: {  	v2 =	vld [tilespmem:$0x163A0]  }
0x36: {  	v3 =	vld [tilespmem:$0x163B0]  }
0x37: {  	v4 =	vld [tilespmem:$0x163C0]  }
0x38: {  	v53 =	vld [tilespmem:$0x163D0];
	[tilespmem:$0x16580] =	vst v0  }
0x39: {  	v54 =	vld [tilespmem:$0x163E0];
	[tilespmem:$0x16590] =	vst v1  }
0x3a: {  	v55 =	vld [tilespmem:$0x163F0];
	[tilespmem:$0x165A0] =	vst v2  }
0x3b: {  	v56 =	vld [tilespmem:$0x16400];
	[tilespmem:$0x165B0] =	vst v3  }
0x3c: {  	v57 =	vld [tilespmem:$0x16410];
	[tilespmem:$0x165C0] =	vst v4  }
0x3d: {  	v58 =	vld [tilespmem:$0x16420];
	[tilespmem:$0x165D0] =	vst v53  }
0x3e: {  	v59 =	vld [tilespmem:$0x16430];
	[tilespmem:$0x165E0] =	vst v54  }
0x3f: {  	v60 =	vld [tilespmem:$0x16440];
	[tilespmem:$0x165F0] =	vst v55  }
0x40: {  	v61 =	vld [tilespmem:$0x16450];
	[tilespmem:$0x16600] =	vst v56  }
0x41: {  	v62 =	vld [tilespmem:$0x16460];
	[tilespmem:$0x16610] =	vst v57  }
0x42: {  	v63 =	vld [tilespmem:$0x16470];
	[tilespmem:$0x16620] =	vst v58  }
0x43: {  	[tilespmem:$0x16630] =	vst v59  }
.Ltmp2:
0x44: {  	[tilespmem:$0x16640] =	vst v60;
	(pc) =	sbr.rel @!p0 .LBB2_2-.Ltmp2, $4  }
0x45: {  	[tilespmem:$0x16650] =	vst v61  }
0x46: {  	[tilespmem:$0x16660] =	vst v62  }
0x47: {  	[tilespmem:$0x16670] =	vst v63  }
0x48: {  	[tilespmem:s16], [sflag:$0x1] =	stream.linear.gather [hbm4b:s10+s4], $0x100, $0x38;
	[tilespmem:$0x1F780] =	vst v63  }
0x49: {  	[tilespmem:s21], [sflag:$0x3] =	stream.indirect.gather [hbm4b:s6+s19], $0x90, s20, s19, $0xb8;
	[tilespmem:$0x1F780] =	vst v63  }
0x4a: {  	_ =	swait.ge [sflag:s22], $0x4800  }
0x4b: {  	[sflag:s22] =	ssyncset.done $0x0  }
0x4c: {  	[sflag:s22] =	ssyncadd.s32 $0xFFFFB800  }
0x4d: {  	[spmem:s3] =	stream.indirect.scatter.add.f32 [tilespmem:s21], [sflag:$0x4], $0x90, s23, s19, $0xb8;
	[tilespmem:$0x1F780] =	vst v63  }
0x4e: {  	_ =	swait.ge [sflag:s24], $0x100  }
0x4f: {  	[sflag:s24] =	ssyncset.done $0x0  }
0x50: {  	[sflag:s24] =	ssyncadd.s32 $0xFFFFFF00  }
0x51: {  	v0 =	vld [tilespmem:$0x16480]  }
0x52: {  	v1 =	vld [tilespmem:$0x16490]  }
0x53: {  	v2 =	vld [tilespmem:$0x164A0]  }
0x54: {  	v3 =	vld [tilespmem:$0x164B0]  }
0x55: {  	v4 =	vld [tilespmem:$0x164C0]  }
0x56: {  	v53 =	vld [tilespmem:$0x164D0];
	[tilespmem:$0x16680] =	vst v0  }
0x57: {  	v54 =	vld [tilespmem:$0x164E0];
	[tilespmem:$0x16690] =	vst v1  }
0x58: {  	v55 =	vld [tilespmem:$0x164F0];
	[tilespmem:$0x166A0] =	vst v2  }
0x59: {  	v56 =	vld [tilespmem:$0x16500];
	[tilespmem:$0x166B0] =	vst v3  }
0x5a: {  	v57 =	vld [tilespmem:$0x16510];
	[tilespmem:$0x166C0] =	vst v4  }
0x5b: {  	v58 =	vld [tilespmem:$0x16520];
	[tilespmem:$0x166D0] =	vst v53  }
0x5c: {  	v59 =	vld [tilespmem:$0x16530];
	[tilespmem:$0x166E0] =	vst v54  }
0x5d: {  	v60 =	vld [tilespmem:$0x16540];
	[tilespmem:$0x166F0] =	vst v55  }
0x5e: {  	v61 =	vld [tilespmem:$0x16550];
	[tilespmem:$0x16700] =	vst v56  }
0x5f: {  	v62 =	vld [tilespmem:$0x16560];
	[tilespmem:$0x16710] =	vst v57  }
0x60: {  	v63 =	vld [tilespmem:$0x16570];
	[tilespmem:$0x16720] =	vst v58  }
0x61: {  	[tilespmem:$0x16730] =	vst v59  }
0x62: {  	[tilespmem:$0x16740] =	vst v60  }
0x63: {  	[tilespmem:$0x16750] =	vst v61  }
0x64: {  	[tilespmem:$0x16760] =	vst v62  }
0x65: {  	[tilespmem:$0x16770] =	vst v63  }
0x66: {  	[tilespmem:s17], [sflag:$0x2] =	stream.linear.gather [hbm4b:s11+s4], $0x100, $0x38;
	[tilespmem:$0x1F780] =	vst v63  }
0x67: {  	s0 =	simm.s32 $0xFFFFEC40  }
0x68: {  	[tilespmem:s26], [sflag:$0x3] =	stream.indirect.gather [hbm4b:s6+s19], $0x90, s25, s19, $0xb8;
	[tilespmem:$0x1F780] =	vst v63  }
.LBB2_5:
0x69: {  	_ =	swait.ge [sflag:s22], $0x4800  }
0x6a: {  	[sflag:s22] =	ssyncset.done $0x0  }
0x6b: {  	[sflag:s22] =	ssyncadd.s32 $0xFFFFB800  }
0x6c: {  	[spmem:s3] =	stream.indirect.scatter.add.f32 [tilespmem:s26], [sflag:$0x5], $0x90, s28, s19, $0xb8;
	[tilespmem:$0x1F780] =	vst v63  }
0x6d: {  	_ =	swait.ge [sflag:s18], $0x100  }
0x6e: {  	[sflag:s18] =	ssyncset.done $0x0  }
0x6f: {  	[sflag:s18] =	ssyncadd.s32 $0xFFFFFF00  }
0x70: {  	_ =	swait.ge [sflag:s29], $0x4800  }
0x71: {  	[sflag:s29] =	ssyncset.done $0x0  }
0x72: {  	[sflag:s29] =	ssyncadd.s32 $0xFFFFB800  }
0x73: {  	v0 =	vld [tilespmem:$0x16380]  }
0x74: {  	v1 =	vld [tilespmem:$0x16390]  }
0x75: {  	v2 =	vld [tilespmem:$0x163A0]  }
0x76: {  	v3 =	vld [tilespmem:$0x163B0]  }
0x77: {  	v4 =	vld [tilespmem:$0x163C0]  }
0x78: {  	v37 =	vld [tilespmem:$0x163D0];
	[tilespmem:$0x16580] =	vst v0  }
0x79: {  	v38 =	vld [tilespmem:$0x163E0];
	[tilespmem:$0x16590] =	vst v1  }
0x7a: {  	v39 =	vld [tilespmem:$0x163F0];
	[tilespmem:$0x165A0] =	vst v2  }
0x7b: {  	v40 =	vld [tilespmem:$0x16400];
	[tilespmem:$0x165B0] =	vst v3  }
0x7c: {  	v41 =	vld [tilespmem:$0x16410];
	[tilespmem:$0x165C0] =	vst v4  }
0x7d: {  	v42 =	vld [tilespmem:$0x16420];
	[tilespmem:$0x165D0] =	vst v37  }
0x7e: {  	v43 =	vld [tilespmem:$0x16430];
	[tilespmem:$0x165E0] =	vst v38  }
0x7f: {  	v44 =	vld [tilespmem:$0x16440];
	[tilespmem:$0x165F0] =	vst v39  }
0x80: {  	v45 =	vld [tilespmem:$0x16450];
	[tilespmem:$0x16600] =	vst v40  }
0x81: {  	v46 =	vld [tilespmem:$0x16460];
	[tilespmem:$0x16610] =	vst v41  }
0x82: {  	v47 =	vld [tilespmem:$0x16470];
	[tilespmem:$0x16620] =	vst v42  }
0x83: {  	[tilespmem:$0x16630] =	vst v43  }
0x84: {  	[tilespmem:$0x16640] =	vst v44  }
0x85: {  	[tilespmem:$0x16650] =	vst v45  }
0x86: {  	s1 =	sadd.s32 s0, s8;
	[tilespmem:$0x16660] =	vst v46  }
0x87: {  	s2 =	sadd.s32 $0x1440, s1;
	[tilespmem:$0x16670] =	vst v47  }
0x88: {  	[tilespmem:s16], [sflag:$0x1] =	stream.linear.gather [hbm4b:s2+s4], $0x100, $0x38;
	[tilespmem:$0x1F780] =	vst v63  }
0x89: {  	_ = 	snop  }
0x8a: {  	[tilespmem:s21], [sflag:$0x3] =	stream.indirect.gather [hbm4b:s6+s19], $0x90, s20, s19, $0xb8;
	[tilespmem:$0x1F780] =	vst v63  }
0x8b: {  	_ =	swait.ge [sflag:s22], $0x4800  }
0x8c: {  	[sflag:s22] =	ssyncset.done $0x0  }
0x8d: {  	[sflag:s22] =	ssyncadd.s32 $0xFFFFB800  }
0x8e: {  	[spmem:s3] =	stream.indirect.scatter.add.f32 [tilespmem:s21], [sflag:$0x4], $0x90, s23, s19, $0xb8;
	[tilespmem:$0x1F780] =	vst v63  }
0x8f: {  	_ =	swait.ge [sflag:s24], $0x100  }
0x90: {  	[sflag:s24] =	ssyncset.done $0x0  }
0x91: {  	[sflag:s24] =	ssyncadd.s32 $0xFFFFFF00  }
0x92: {  	_ =	swait.ge [sflag:s30], $0x4800  }
0x93: {  	[sflag:s30] =	ssyncset.done $0x0  }
0x94: {  	[sflag:s30] =	ssyncadd.s32 $0xFFFFB800  }
0x95: {  	v48 =	vld [tilespmem:$0x16480]  }
0x96: {  	v49 =	vld [tilespmem:$0x16490]  }
0x97: {  	v50 =	vld [tilespmem:$0x164A0]  }
0x98: {  	v51 =	vld [tilespmem:$0x164B0]  }
0x99: {  	v52 =	vld [tilespmem:$0x164C0]  }
0x9a: {  	v53 =	vld [tilespmem:$0x164D0];
	[tilespmem:$0x16680] =	vst v48  }
0x9b: {  	v54 =	vld [tilespmem:$0x164E0];
	[tilespmem:$0x16690] =	vst v49  }
0x9c: {  	v55 =	vld [tilespmem:$0x164F0];
	[tilespmem:$0x166A0] =	vst v50  }
0x9d: {  	v56 =	vld [tilespmem:$0x16500];
	[tilespmem:$0x166B0] =	vst v51  }
0x9e: {  	v57 =	vld [tilespmem:$0x16510];
	[tilespmem:$0x166C0] =	vst v52  }
0x9f: {  	v58 =	vld [tilespmem:$0x16520];
	[tilespmem:$0x166D0] =	vst v53  }
0xa0: {  	v59 =	vld [tilespmem:$0x16530];
	[tilespmem:$0x166E0] =	vst v54  }
0xa1: {  	v60 =	vld [tilespmem:$0x16540];
	[tilespmem:$0x166F0] =	vst v55  }
0xa2: {  	v61 =	vld [tilespmem:$0x16550];
	[tilespmem:$0x16700] =	vst v56  }
0xa3: {  	v62 =	vld [tilespmem:$0x16560];
	[tilespmem:$0x16710] =	vst v57  }
0xa4: {  	v63 =	vld [tilespmem:$0x16570];
	[tilespmem:$0x16720] =	vst v58  }
0xa5: {  	[tilespmem:$0x16730] =	vst v59  }
0xa6: {  	[tilespmem:$0x16740] =	vst v60  }
0xa7: {  	p1 =	sne.s32 s0, $0xFFFFFFC0;
	[tilespmem:$0x16750] =	vst v61  }
.Ltmp3:
0xa8: {  	[tilespmem:$0x16760] =	vst v62;
	(pc) =	sbr.rel @p1 .LBB2_5-.Ltmp3, $4  }
0xa9: {  	s1 =	sadd.s32 $0x1460, s1;
	[tilespmem:$0x16770] =	vst v63  }
0xaa: {  	[tilespmem:s17], [sflag:$0x2] =	stream.linear.gather [hbm4b:s1+s4], $0x100, $0x38;
	[tilespmem:$0x1F780] =	vst v63  }
0xab: {  	s0 =	sadd.s32 $0x40, s0  }
0xac: {  	[tilespmem:s26], [sflag:$0x3] =	stream.indirect.gather [hbm4b:s6+s19], $0x90, s25, s19, $0xb8;
	[tilespmem:$0x1F780] =	vst v63  }
.Ltmp4:
0xad: {  	_ = 	snop;
	(pc) =	sbr.rel .LBB2_6-.Ltmp4, $1  }
0xae: {  	_ =	sdelay $0x3  }
.LBB2_2:
0xaf: {  	[tilespmem:s21], [sflag:$0x3] =	stream.indirect.gather [hbm4b:s5+s19], $0x90, s20, s19, $0xb8;
	[tilespmem:$0x1F780] =	vst v63  }
0xb0: {  	_ =	swait.ge [sflag:s22], $0x4800  }
0xb1: {  	[sflag:s22] =	ssyncset.done $0x0  }
0xb2: {  	[sflag:s22] =	ssyncadd.s32 $0xFFFFB800  }
0xb3: {  	[spmem:s3] =	stream.indirect.scatter.add.f32 [tilespmem:s21], [sflag:$0x4], $0x90, s23, s19, $0xb8;
	[tilespmem:$0x1F780] =	vst v63  }
0xb4: {  	_ =	swait.ge [sflag:s24], $0x100  }
0xb5: {  	[sflag:s24] =	ssyncset.done $0x0  }
0xb6: {  	[sflag:s24] =	ssyncadd.s32 $0xFFFFFF00  }
0xb7: {  	v0 =	vld [tilespmem:$0x16480]  }
0xb8: {  	v1 =	vld [tilespmem:$0x16490]  }
0xb9: {  	v2 =	vld [tilespmem:$0x164A0]  }
0xba: {  	v3 =	vld [tilespmem:$0x164B0]  }
0xbb: {  	v4 =	vld [tilespmem:$0x164C0]  }
0xbc: {  	v53 =	vld [tilespmem:$0x164D0];
	[tilespmem:$0x16680] =	vst v0  }
0xbd: {  	v54 =	vld [tilespmem:$0x164E0];
	[tilespmem:$0x16690] =	vst v1  }
0xbe: {  	v55 =	vld [tilespmem:$0x164F0];
	[tilespmem:$0x166A0] =	vst v2  }
0xbf: {  	v56 =	vld [tilespmem:$0x16500];
	[tilespmem:$0x166B0] =	vst v3  }
0xc0: {  	v57 =	vld [tilespmem:$0x16510];
	[tilespmem:$0x166C0] =	vst v4  }
0xc1: {  	v58 =	vld [tilespmem:$0x16520];
	[tilespmem:$0x166D0] =	vst v53  }
0xc2: {  	v59 =	vld [tilespmem:$0x16530];
	[tilespmem:$0x166E0] =	vst v54  }
0xc3: {  	v60 =	vld [tilespmem:$0x16540];
	[tilespmem:$0x166F0] =	vst v55  }
0xc4: {  	v61 =	vld [tilespmem:$0x16550];
	[tilespmem:$0x16700] =	vst v56  }
0xc5: {  	v62 =	vld [tilespmem:$0x16560];
	[tilespmem:$0x16710] =	vst v57  }
0xc6: {  	v63 =	vld [tilespmem:$0x16570];
	[tilespmem:$0x16720] =	vst v58  }
0xc7: {  	[tilespmem:$0x16730] =	vst v59  }
0xc8: {  	[tilespmem:$0x16740] =	vst v60  }
0xc9: {  	[tilespmem:$0x16750] =	vst v61  }
0xca: {  	[tilespmem:$0x16760] =	vst v62  }
0xcb: {  	[tilespmem:$0x16770] =	vst v63  }
0xcc: {  	[tilespmem:s17], [sflag:$0x2] =	stream.linear.gather [hbm4b:s11+s4], $0x100, $0x38;
	[tilespmem:$0x1F780] =	vst v63  }
0xcd: {  	s0 =	simm.s32 $0xFFFFEC40  }
0xce: {  	[tilespmem:s26], [sflag:$0x3] =	stream.indirect.gather [hbm4b:s5+s19], $0x90, s25, s19, $0xb8;
	[tilespmem:$0x1F780] =	vst v63  }
.LBB2_3:
0xcf: {  	_ =	swait.ge [sflag:s22], $0x4800  }
0xd0: {  	[sflag:s22] =	ssyncset.done $0x0  }
0xd1: {  	[sflag:s22] =	ssyncadd.s32 $0xFFFFB800  }
0xd2: {  	[spmem:s3] =	stream.indirect.scatter.add.f32 [tilespmem:s26], [sflag:$0x5], $0x90, s28, s19, $0xb8;
	[tilespmem:$0x1F780] =	vst v63  }
0xd3: {  	_ =	swait.ge [sflag:s18], $0x100  }
0xd4: {  	[sflag:s18] =	ssyncset.done $0x0  }
0xd5: {  	[sflag:s18] =	ssyncadd.s32 $0xFFFFFF00  }
0xd6: {  	_ =	swait.ge [sflag:s29], $0x4800  }
0xd7: {  	[sflag:s29] =	ssyncset.done $0x0  }
0xd8: {  	[sflag:s29] =	ssyncadd.s32 $0xFFFFB800  }
0xd9: {  	v0 =	vld [tilespmem:$0x16380]  }
0xda: {  	v1 =	vld [tilespmem:$0x16390]  }
0xdb: {  	v2 =	vld [tilespmem:$0x163A0]  }
0xdc: {  	v3 =	vld [tilespmem:$0x163B0]  }
0xdd: {  	v4 =	vld [tilespmem:$0x163C0]  }
0xde: {  	v37 =	vld [tilespmem:$0x163D0];
	[tilespmem:$0x16580] =	vst v0  }
0xdf: {  	v38 =	vld [tilespmem:$0x163E0];
	[tilespmem:$0x16590] =	vst v1  }
0xe0: {  	v39 =	vld [tilespmem:$0x163F0];
	[tilespmem:$0x165A0] =	vst v2  }
0xe1: {  	v40 =	vld [tilespmem:$0x16400];
	[tilespmem:$0x165B0] =	vst v3  }
0xe2: {  	v41 =	vld [tilespmem:$0x16410];
	[tilespmem:$0x165C0] =	vst v4  }
0xe3: {  	v42 =	vld [tilespmem:$0x16420];
	[tilespmem:$0x165D0] =	vst v37  }
0xe4: {  	v43 =	vld [tilespmem:$0x16430];
	[tilespmem:$0x165E0] =	vst v38  }
0xe5: {  	v44 =	vld [tilespmem:$0x16440];
	[tilespmem:$0x165F0] =	vst v39  }
0xe6: {  	v45 =	vld [tilespmem:$0x16450];
	[tilespmem:$0x16600] =	vst v40  }
0xe7: {  	v46 =	vld [tilespmem:$0x16460];
	[tilespmem:$0x16610] =	vst v41  }
0xe8: {  	v47 =	vld [tilespmem:$0x16470];
	[tilespmem:$0x16620] =	vst v42  }
0xe9: {  	[tilespmem:$0x16630] =	vst v43  }
0xea: {  	[tilespmem:$0x16640] =	vst v44  }
0xeb: {  	[tilespmem:$0x16650] =	vst v45  }
0xec: {  	s1 =	sadd.s32 s0, s8;
	[tilespmem:$0x16660] =	vst v46  }
0xed: {  	s2 =	sadd.s32 $0x1440, s1;
	[tilespmem:$0x16670] =	vst v47  }
0xee: {  	[tilespmem:s16], [sflag:$0x1] =	stream.linear.gather [hbm4b:s2+s4], $0x100, $0x38;
	[tilespmem:$0x1F780] =	vst v63  }
0xef: {  	_ = 	snop  }
0xf0: {  	[tilespmem:s21], [sflag:$0x3] =	stream.indirect.gather [hbm4b:s5+s19], $0x90, s20, s19, $0xb8;
	[tilespmem:$0x1F780] =	vst v63  }
0xf1: {  	_ =	swait.ge [sflag:s22], $0x4800  }
0xf2: {  	[sflag:s22] =	ssyncset.done $0x0  }
0xf3: {  	[sflag:s22] =	ssyncadd.s32 $0xFFFFB800  }
0xf4: {  	[spmem:s3] =	stream.indirect.scatter.add.f32 [tilespmem:s21], [sflag:$0x4], $0x90, s23, s19, $0xb8;
	[tilespmem:$0x1F780] =	vst v63  }
0xf5: {  	_ =	swait.ge [sflag:s24], $0x100  }
0xf6: {  	[sflag:s24] =	ssyncset.done $0x0  }
0xf7: {  	[sflag:s24] =	ssyncadd.s32 $0xFFFFFF00  }
0xf8: {  	_ =	swait.ge [sflag:s30], $0x4800  }
0xf9: {  	[sflag:s30] =	ssyncset.done $0x0  }
0xfa: {  	[sflag:s30] =	ssyncadd.s32 $0xFFFFB800  }
0xfb: {  	v48 =	vld [tilespmem:$0x16480]  }
0xfc: {  	v49 =	vld [tilespmem:$0x16490]  }
0xfd: {  	v50 =	vld [tilespmem:$0x164A0]  }
0xfe: {  	v51 =	vld [tilespmem:$0x164B0]  }
0xff: {  	v52 =	vld [tilespmem:$0x164C0]  }
0x100: {  	v53 =	vld [tilespmem:$0x164D0];
	[tilespmem:$0x16680] =	vst v48  }
0x101: {  	v54 =	vld [tilespmem:$0x164E0];
	[tilespmem:$0x16690] =	vst v49  }
0x102: {  	v55 =	vld [tilespmem:$0x164F0];
	[tilespmem:$0x166A0] =	vst v50  }
0x103: {  	v56 =	vld [tilespmem:$0x16500];
	[tilespmem:$0x166B0] =	vst v51  }
0x104: {  	v57 =	vld [tilespmem:$0x16510];
	[tilespmem:$0x166C0] =	vst v52  }
0x105: {  	v58 =	vld [tilespmem:$0x16520];
	[tilespmem:$0x166D0] =	vst v53  }
0x106: {  	v59 =	vld [tilespmem:$0x16530];
	[tilespmem:$0x166E0] =	vst v54  }
0x107: {  	v60 =	vld [tilespmem:$0x16540];
	[tilespmem:$0x166F0] =	vst v55  }
0x108: {  	v61 =	vld [tilespmem:$0x16550];
	[tilespmem:$0x16700] =	vst v56  }
0x109: {  	v62 =	vld [tilespmem:$0x16560];
	[tilespmem:$0x16710] =	vst v57  }
0x10a: {  	v63 =	vld [tilespmem:$0x16570];
	[tilespmem:$0x16720] =	vst v58  }
0x10b: {  	[tilespmem:$0x16730] =	vst v59  }
0x10c: {  	[tilespmem:$0x16740] =	vst v60  }
0x10d: {  	p1 =	seq.s32 s0, $0xFFFFFFC0;
	[tilespmem:$0x16750] =	vst v61  }
.Ltmp5:
0x10e: {  	[tilespmem:$0x16760] =	vst v62;
	(pc) =	sbr.rel @!p1 .LBB2_3-.Ltmp5, $4  }
0x10f: {  	s1 =	sadd.s32 $0x1460, s1;
	[tilespmem:$0x16770] =	vst v63  }
0x110: {  	[tilespmem:s17], [sflag:$0x2] =	stream.linear.gather [hbm4b:s1+s4], $0x100, $0x38;
	[tilespmem:$0x1F780] =	vst v63  }
0x111: {  	s0 =	sadd.s32 $0x40, s0  }
0x112: {  	[tilespmem:s26], [sflag:$0x3] =	stream.indirect.gather [hbm4b:s5+s19], $0x90, s25, s19, $0xb8;
	[tilespmem:$0x1F780] =	vst v63  }
.Ltmp6:
0x113: {  	_ = 	snop;
	(pc) =	sbr.rel .LBB2_6-.Ltmp6, $1  }
0x114: {  	_ =	sdelay $0x3  }
.LBB2_7:
0x115: {  	_ =	sfence.sel $0x180000  }
0x116: {  	[bflag:$0x0] =	sbarrier.arrive $0xFFFF  }
0x117: {  	_ =	strace $0x9000004A  }
0x118: {  	s0 =	stileid.u32;
	[bflag:$0x2] =	sbarrier.arrive $0xFFFF  }
0x119: {  	p0 =	sne.s32 s0, $0x0;
	s0 =	rddreg [dreg:$0x3]  }
0x11a: {  	s0 =	sadd.s32 @!p0 $0x100000, s0  }
0x11b: {  	[sflag:s0] =	ssyncadd.tile.s32 @!p0 $0x1;
	_ =	shalt  }
.Lfunc_end2:
_tile_overlayer_lowered:
.L_overlay_start_2:
0x11c: {  	(tag) =	ssettag $0x2  }
0x11d: {  	s0 =	rddreg [dreg:$0x0];
	s2 =	stileid.u32  }
0x11e: {  	s1 =	rddreg [dreg:$0x1];
	p0 =	sne.s32 s2, $0x0  }
0x11f: {  	s3 =	rddreg [dreg:$0x2];
	[bflag:$0x3] =	sbarrier.arrive $0xFFFF;
	s2 =	simm.s32 @!p0 $0x1C06  }
0x120: {  	[timem:s3], [sflag:s2] =	dma.local @!p0 [hbm:s0], s1  }
0x121: {  	s0 =	simm.s32 @!p0 $0x6  }
0x122: {  	_ =	swait.ge @!p0 [sflag:s0], s1  }
0x123: {  	s1 =	ssub.s32 @!p0 $0x0, s1;
	[sflag:s0] =	ssyncset.done @!p0 $0x0  }
0x124: {  	[sflag:s0] =	ssyncadd.s32 @!p0 s1  }
0x125: {  	[bflag:$0x3] =	sbarrier.arrive $0xFFFF  }
0x126: {  	_ =	shalt  }

// kernel: kernel.14.cloned.1.call-start
scs
__scs_entry_jumppad:
0x0: {  	(pc) =	sbr.rel $0x88, $3  }
0x1: {  	(tag) =	ssettag $0x0;
	lr =	simm.s32 $0x1  }
0x2: {  	[smem:$0x3F9A] =	sst lr;
	_ =	strace $0xD0000000  }
0x3: {  	_ = 	snop  }
0x4: {  	_ = 	snop  }
0x5: {  	_ = 	snop  }
0x6: {  	_ = 	snop  }
0x7: {  	_ = 	snop  }
__scs_overlays_trampoline_lowered:
0x8: {  	[smem:$0x3FA9] =	sst s0  }
0x9: {  	[smem:$0x3FAA] =	sst s1  }
0xa: {  	[smem:$0x3FAB] =	sst s2  }
0xb: {  	[smem:$0x3FAC] =	sst s3  }
0xc: {  	[smem:$0x3FAD] =	sst s4  }
0xd: {  	[smem:$0x3FAE] =	sst s5  }
0xe: {  	[smem:$0x3FAF] =	sst s6  }
0xf: {  	[smem:$0x3FB0] =	sst s7  }
0x10: {  	[smem:$0x3FB1] =	sst s8  }
0x11: {  	[smem:$0x3FB2] =	sst s9;
	s0 =	simm.s32 @!p0 $0x0  }
0x12: {  	s1 =	sld [smem:$0x3F98];
	s0 =	simm.s32 @p0 $0x1  }
0x13: {  	[smem:$0x3FB3] =	sst s0;
	s0 =	simm.s32 @!p1 $0x0  }
0x14: {  	s2 =	sld [smem:$0x3F97];
	s0 =	simm.s32 @p1 $0x1  }
0x15: {  	[smem:$0x3FB4] =	sst s0;
	s0 =	simm.s32 @!p2 $0x0  }
0x16: {  	s3 =	sld [smem:$0x3FDB];
	s0 =	simm.s32 @p2 $0x1  }
0x17: {  	s4 =	simm.s32 $0x1BF5;
	[smem:$0x3FB6] =	sst s0  }
0x18: {  	s0 =	sld [smem:$0x3F99];
	_ =	swait.ge [sflag:s4], $0x0  }
0x19: {  	s7 =	sld [smem:$0x3F9A]  }
0x1a: {  	s8 =	sadd.s32 $0xFFFFE003, lr  }
0x1b: {  	s9 =	sadd.s32 $0xFFFFFEF7, lr;
	s5 =	simm.s32 $0xFFFFFFFF;
	p2 =	slt.u32 s8, $0xFFFFF086  }
0x1c: {  	p1 =	slt.u32 s9, $0xF7A;
	s5 =	simm.s32 @!p2 $0x0  }
0x1d: {  	s5 =	simm.s32 @p1 $0x1;
	p0 =	seq.s32 s7, s2  }
0x1e: {  	s7 =	smul.u32 @!p0 $0xF7A, s2;
	p2 =	seq.s32 @!p0 s5, $0x0  }
0x1f: {  	s9 =	smul.u32 $0xF7A, s1;
	s8 =	simm.s32 @!p0 $0x1BF5;
	p2 =	por !p2, p0  }
0x20: {  	[sflag:s8] =	ssyncset.s32 @!p0 $0xFFFFF086;
	s6 =	sadd.s32 @!p0 s3, s7;
	s7 =	simm.s32 @!p0 $0x108  }
0x21: {  	s3 =	sadd.s32 s3, s9;
	s6 =	sadd.s32 @!p0 $0x88, s6;
	s7 =	simm.s32 @p2 $0x1082  }
0x22: {  	[simem:s7], [sflag:s8] =	dma.local @!p0 [hbm:s6], $0xF7A  }
0x23: {  	s9 =	sor.u32 $0xD0000000, s2;
	s6 =	simm.s32 $0x108;
	_ =	swait.ge @!p0 [sflag:s8], $0x0  }
0x24: {  	s3 =	sadd.s32 $0x88, s3;
	s6 =	simm.s32 @!p1 $0x1082;
	[sflag:s4] =	ssyncset.s32 $0xFFFFF086  }
0x25: {  	[simem:s6], [sflag:s4] =	dma.local [hbm:s3], $0xF7A  }
0x26: {  	[smem:$0x3F9A] =	sst s1;
	(tag) =	ssettag s2;
	_ =	strace s9  }
0x27: {  	s1 =	sld [smem:$0x3FAA]  }
0x28: {  	s2 =	sld [smem:$0x3FAB]  }
0x29: {  	s4 =	sld [smem:$0x3FAD]  }
0x2a: {  	p0 =	seq.s32 s5, $0x0;
	s5 =	sld [smem:$0x3FAE]  }
0x2b: {  	s6 =	sld [smem:$0x3FAF]  }
0x2c: {  	s7 =	sld [smem:$0x3FB0]  }
0x2d: {  	s3 =	simm.s32 $0x108;
	s8 =	sld [smem:$0x3FB1]  }
0x2e: {  	s3 =	simm.s32 @!p0 $0x1082;
	s9 =	sld [smem:$0x3FB2]  }
0x2f: {  	lr =	sadd.s32 s0, s3;
	s0 =	sld [smem:$0x3FA9]  }
0x30: {  	s3 =	sld [smem:$0x3FAC]  }
0x31: {  	[smem:$0x3FB5] =	sst s10  }
0x32: {  	s10 =	sld [smem:$0x3FB3];
	_ =	sdelay $0x3  }
0x33: {  	p0 =	seq.s32 s10, $0x1;
	s10 =	sld [smem:$0x3FB5];
	_ =	sdelay $0x3  }
0x34: {  	[smem:$0x3FB5] =	sst s10  }
0x35: {  	s10 =	sld [smem:$0x3FB4];
	_ =	sdelay $0x3  }
0x36: {  	p1 =	seq.s32 s10, $0x1;
	s10 =	sld [smem:$0x3FB5];
	_ =	sdelay $0x3  }
0x37: {  	[smem:$0x3FB5] =	sst s10  }
0x38: {  	s10 =	sld [smem:$0x3FB6]  }
0x39: {  	_ = 	snop;
	(pc) =	sbr.ind lr, $3  }
0x3a: {  	_ = 	snop  }
0x3b: {  	_ = 	snop  }
0x3c: {  	p2 =	seq.s32 s10, $0x1;
	s10 =	sld [smem:$0x3FB5]  }
0x3d: {  	_ =	shalt  }
0x3e: {  	_ =	shalt  }
0x3f: {  	_ =	shalt  }
0x40: {  	_ =	shalt  }
0x41: {  	_ =	shalt  }
0x42: {  	_ =	shalt  }
0x43: {  	_ =	shalt  }
0x44: {  	_ =	shalt  }
0x45: {  	_ =	shalt  }
0x46: {  	_ =	shalt  }
0x47: {  	_ =	shalt  }
0x48: {  	_ =	shalt  }
0x49: {  	_ =	shalt  }
0x4a: {  	_ =	shalt  }
0x4b: {  	_ =	shalt  }
0x4c: {  	_ =	shalt  }
0x4d: {  	_ =	shalt  }
0x4e: {  	_ =	shalt  }
0x4f: {  	_ =	shalt  }
0x50: {  	_ =	shalt  }
0x51: {  	_ =	shalt  }
0x52: {  	_ =	shalt  }
0x53: {  	_ =	shalt  }
0x54: {  	_ =	shalt  }
0x55: {  	_ =	shalt  }
0x56: {  	_ =	shalt  }
0x57: {  	_ =	shalt  }
0x58: {  	_ =	shalt  }
0x59: {  	_ =	shalt  }
0x5a: {  	_ =	shalt  }
0x5b: {  	_ =	shalt  }
0x5c: {  	_ =	shalt  }
0x5d: {  	_ =	shalt  }
0x5e: {  	_ =	shalt  }
0x5f: {  	_ =	shalt  }
0x60: {  	_ =	shalt  }
0x61: {  	_ =	shalt  }
0x62: {  	_ =	shalt  }
0x63: {  	_ =	shalt  }
0x64: {  	_ =	shalt  }
0x65: {  	_ =	shalt  }
0x66: {  	_ =	shalt  }
0x67: {  	_ =	shalt  }
0x68: {  	_ =	shalt  }
0x69: {  	_ =	shalt  }
0x6a: {  	_ =	shalt  }
0x6b: {  	_ =	shalt  }
0x6c: {  	_ =	shalt  }
0x6d: {  	_ =	shalt  }
0x6e: {  	_ =	shalt  }
0x6f: {  	_ =	shalt  }
0x70: {  	_ =	shalt  }
0x71: {  	_ =	shalt  }
0x72: {  	_ =	shalt  }
0x73: {  	_ =	shalt  }
0x74: {  	_ =	shalt  }
0x75: {  	_ =	shalt  }
0x76: {  	_ =	shalt  }
0x77: {  	_ =	shalt  }
0x78: {  	_ =	shalt  }
0x79: {  	_ =	shalt  }
0x7a: {  	_ =	shalt  }
0x7b: {  	_ =	shalt  }
0x7c: {  	_ =	shalt  }
0x7d: {  	_ =	shalt  }
0x7e: {  	_ =	shalt  }
0x7f: {  	_ =	shalt  }
0x80: {  	_ =	shalt  }
0x81: {  	_ =	shalt  }
0x82: {  	_ =	shalt  }
0x83: {  	_ =	shalt  }
0x84: {  	_ =	shalt  }
0x85: {  	_ =	shalt  }
0x86: {  	_ =	shalt  }
0x87: {  	_ =	shalt  }
.Lfunc_end0:
.L_simem_size_0:
called_computation.2_lowered:
.L_overlay_start_0:
0x88: {  	s2 =	sld [smem:$0x3FD9]  }
0x89: {  	s3 =	sld [smem:$0x3FFE];
	_ =	sdelay $0x1  }
0x8a: {  	s1 =	srdreg.scid  }
0x8b: {  	s0 =	sand.u32 $0x1, s1  }
0x8c: {  	s17 =	sshll.u32 s0, $0xA;
	s2 =	sadd.s32 s3, s2  }
0x8d: {  	s2 =	sadd.s32 s2, s17  }
0x8e: {  	[smem:$0x3FC1] =	sst s2  }
0x8f: {  	_ = 	snop  }
0x90: {  	s2 =	sld [smem:$0x3FD0];
	(tm) =	ssettm $0x1  }
0x91: {  	s18 =	sld [smem:$0x3FFB];
	_ =	sdelay $0x3  }
0x92: {  	_ =	strace s18  }
0x93: {  	s3 =	sld [smem:$0x3FFC];
	_ =	sdelay $0x3  }
0x94: {  	_ =	strace s3  }
0x95: {  	s3 =	sld [smem:$0x3FFD];
	_ =	sdelay $0x3  }
0x96: {  	_ =	strace s3  }
0x97: {  	_ =	strace $0x8FFFFFFF  }
0x98: {  	s19 =	sld [smem:$0x3FDB];
	_ =	sdelay $0x1  }
0x99: {  	s4 =	simm.s32 $_scs_section_size  }
0x9a: {  	s5 =	simm.s32 $_size__tile_overlayer_lowered;
	s6 =	simm.s32 $_tile_overlayer_lowered  }
0x9b: {  	s22 =	simm.s32 $0x1BFF;
	s21 =	sshll.u32 s6, $0x1;
	s3 =	sadd.s32 s4, s19  }
0x9c: {  	s7 =	simm.s32 $0x0;
	s20 =	sshll.u32 s5, $0x1;
	s5 =	sadd.s32 s21, s3  }
0x9d: {  	[timem:s7], [sflag:s22] =	dma.local [hbm:s5], s20  }
0x9e: {  	_ =	swait.ge [sflag:s22], s20  }
0x9f: {  	s4 =	ssub.s32 $0x0, s20;
	[sflag:s22] =	ssyncset.done $0x0  }
0xa0: {  	[sflag:s22] =	ssyncadd.s32 s4;
	_ =	sdelay $0x1  }
0xa1: {  	s23 =	simm.s32 $0x1B8B  }
0xa2: {  	_ =	swait.ge [sflag:s23], $0x1  }
0xa3: {  	[sflag:s23] =	ssyncset.done $0x0  }
0xa4: {  	s25 =	simm.s32 $0x1B8E;
	s24 =	sld [smem:$0x3FFE];
	[sflag:s23] =	ssyncadd.s32 $0xFFFFFFFF  }
0xa5: {  	s26 =	simm.s32 $execute0_lowered;
	[smem:$0x3FD2] =	sst s25  }
0xa6: {  	s5 =	sshll.u32 s26, $0x1;
	_ =	strace $0x8000004C;
	[dreg:$0x1] =	wrdreg $0xFFFFFFFF  }
0xa7: {  	s28 =	simm.s32 $_size_execute0_lowered;
	s3 =	sadd.s32 s3, s5;
	[dreg:$0x0] =	wrdreg $0x0  }
0xa8: {  	s5 =	sshll.u32 s28, $0x1;
	[dreg:$0x2] =	wrdreg s3  }
0xa9: {  	[dreg:$0x3] =	wrdreg s5  }
0xaa: {  	[dreg:$0x4] =	wrdreg $0xC0  }
0xab: {  	_ =	task [dreg:s7], $0x5FFFF  }
0xac: {  	[dreg:$0x1] =	wrdreg $0xFFFFFFFF  }
0xad: {  	[dreg:$0x0] =	wrdreg $0x60  }
0xae: {  	[dreg:$0x2] =	wrdreg s2  }
0xaf: {  	[dreg:$0x3] =	wrdreg s24  }
0xb0: {  	[dreg:$0x4] =	wrdreg $0x0  }
0xb1: {  	[dreg:$0x5] =	wrdreg $0x9  }
0xb2: {  	_ =	task.clear_ibuf [dreg:s7], $0x6FFFF;
	_ =	strace $0x9000004C  }
0xb3: {  	s29 =	simm.s32 $0x9;
	_ =	strace $0x8000004E  }
0xb4: {  	_ =	swait.ge [sflag:s29], $0x1  }
0xb5: {  	[sflag:s29] =	ssyncadd.s32 $0xFFFFFFFF  }
0xb6: {  	_ =	strace $0x9000004E  }
0xb7: {  	_ =	sfence  }
0xb8: {  	s30 =	sld [smem:$0x0];
	_ =	sdelay $0x2  }
0xb9: {  	s31 =	sshll.u32 s1, $0xD;
	s1 =	sshrl.u32 s1, $0x2  }
0xba: {  	s3 =	sand.u32 $0x4000, s31;
	s1 =	sadd.s32 s1, s30  }
0xbb: {  	s0 =	sor.u32 s3, s0;
	s1 =	sshll.u32 s1, $0x11  }
0xbc: {  	s0 =	sor.u32 s1, s0  }
0xbd: {  	s0 =	sadd.s32 $0x8F2B, s0  }
0xbe: {  	[sflag:s0] =	ssyncadd.remote.s32 $0x1  }
0xbf: {  	_ =	sfence.sel $0xFFFF  }
0xc0: {  	[dreg:$0x0] =	wrdreg $0xFFFFFFFF;
	(pc) =	sbr.abs _section_cstart, $3  }
0xc1: {  	[dreg:$0x1] =	wrdreg $0xFFFFFFFF  }
0xc2: {  	_ =	task.clear_ibuf [dreg:s7], $0x2FFFF;
	_ =	strace $0x9FFFFFFF  }
0xc3: {  	(tm) =	ssettm $0x7FFFFFFF  }
tec
execute0_lowered:
.L_overlay_start_1:
0x0: {  	(tag) =	ssettag $0x1  }
0x1: {  	s1 =	rddreg [dreg:$0x0]  }
0x2: {  	s0 =	rddreg [dreg:$0x1]  }
0x3: {  	s3 =	rddreg [dreg:$0x2];
	s2 =	srdreg.scid;
	s4 =	simm.s32 $0x0  }
0x4: {  	s14 =	stileid.u32;
	s16 =	simm.s32 $0x6;
	s17 =	simm.s32 $0x2780  }
0x5: {  	s18 =	simm.s32 $0x2880;
	s19 =	simm.s32 $0x1;
	s20 =	simm.s32 $0x80  }
0x6: {  	s21 =	simm.s32 $0x2980;
	s22 =	simm.s32 $0x2B80;
	s23 =	simm.s32 $0x3  }
0x7: {  	s24 =	simm.s32 $0x2A00;
	s28 =	simm.s32 $0x3380;
	s29 =	simm.s32 $0x2B00  }
0x8: {  	s30 =	simm.s32 $0x4;
	s31 =	simm.s32 $0x5;
	s2 =	sand.u32 $0x1, s2  }
0x9: {  	[smem:$0x7FF] =	sst s4;
	s6 =	smul.u32 $0x2780, s14;
	s11 =	sadd.s32 $0x3200, s0  }
0xa: {  	s25 =	sadd.s32 $0x17400, s0;
	s12 =	smul.u32 $0x50, s14;
	s26 =	sshll.u32 s14, $0x6  }
0xb: {  	s5 =	sshll.u32 s2, $0x4;
	_ =	strace $0x8000004D;
	s7 =	smul.u32 $0x27800, s2  }
0xc: {  	[dreg:$0x4] =	wrdreg s25;
	s9 =	ssub.s32 $0x2, s2;
	s2 =	smul.u32 $0x500, s2  }
0xd: {  	s25 =	simm.s32 $0x2;
	s8 =	sor.u32 s14, s5;
	s10 =	sshrl.u32 s9, $0x1  }
0xe: {  	s15 =	sadd.s32 s6, s3;
	s8 =	smul.u32 $0xA00, s8;
	s7 =	sadd.s32 s6, s7  }
0xf: {  	s13 =	ssub.s32 s9, s10;
	s2 =	sadd.s32 s12, s2;
	s15 =	sshrl.u32 s15, $0x3  }
0x10: {  	s7 =	sshrl.u32 s7, $0x3;
	s2 =	sshll.u32 s2, $0x5;
	s12 =	smax.u32 s13, $0x1  }
0x11: {  	s0 =	sadd.s32 s7, s0;
	s6 =	sadd.s32 s11, s8;
	s7 =	sor.u32 $0x1C06, s26  }
0x12: {  	s2 =	sadd.s32 s2, s11;
	s26 =	simm.s32 $0x2A80;
	s8 =	sadd.s32 $0x20, s6  }
0x13: {  	s9 =	sadd.s32 $0x40, s6;
	s10 =	sadd.s32 $0x60, s6;
	s11 =	sadd.s32 $0x17A00, s0  }
0x14: {  	s13 =	sadd.s32 $0xA0, s2;
	s14 =	sadd.s32 $0x80, s2;
	s0 =	simm.s32 $0x0  }
.LBB2_1:
0x15: {  	s2 =	rddreg [dreg:$0x4]  }
0x16: {  	[spmem:s15], [sflag:s7] =	dma.local [hbm:s2], $0x4F0  }
0x17: {  	_ =	swait.ge [sflag:s16], $0x4F0  }
0x18: {  	[sflag:s16] =	ssyncset.done $0x0  }
0x19: {  	[sflag:s16] =	ssyncadd.s32 $0xFFFFFB10  }
0x1a: {  	[bflag:$0x0] =	sbarrier.arrive $0xFFFF  }
0x1b: {  	[tilespmem:s17], [sflag:$0x1] =	stream.linear.gather [hbm4b:s6+s4], $0x100, $0x38;
	[tilespmem:$0x3B80] =	vst v63  }
0x1c: {  	_ = 	snop  }
0x1d: {  	[tilespmem:s18], [sflag:$0x2] =	stream.linear.gather [hbm4b:s8+s4], $0x100, $0x38;
	[tilespmem:$0x3B80] =	vst v63  }
0x1e: {  	_ =	swait.ge [sflag:s19], $0x100  }
0x1f: {  	[sflag:s19] =	ssyncset.done $0x0  }
0x20: {  	[sflag:s19] =	ssyncadd.s32 $0xFFFFFF00  }
0x21: {  	v0 =	vld [tilespmem:$0x2780]  }
0x22: {  	v1 =	vld [tilespmem:$0x2790]  }
0x23: {  	v2 =	vld [tilespmem:$0x27A0]  }
0x24: {  	v3 =	vld [tilespmem:$0x27B0]  }
0x25: {  	v4 =	vld [tilespmem:$0x27C0]  }
0x26: {  	v37 =	vld [tilespmem:$0x27D0];
	[tilespmem:$0x2980] =	vst v0  }
0x27: {  	v38 =	vld [tilespmem:$0x27E0];
	[tilespmem:$0x2990] =	vst v1  }
0x28: {  	v39 =	vld [tilespmem:$0x27F0];
	[tilespmem:$0x29A0] =	vst v2  }
0x29: {  	v40 =	vld [tilespmem:$0x2800];
	[tilespmem:$0x29B0] =	vst v3  }
0x2a: {  	v41 =	vld [tilespmem:$0x2810];
	[tilespmem:$0x29C0] =	vst v4  }
0x2b: {  	v42 =	vld [tilespmem:$0x2820];
	[tilespmem:$0x29D0] =	vst v37  }
0x2c: {  	v43 =	vld [tilespmem:$0x2830];
	[tilespmem:$0x29E0] =	vst v38  }
0x2d: {  	v44 =	vld [tilespmem:$0x2840];
	[tilespmem:$0x29F0] =	vst v39  }
0x2e: {  	v45 =	vld [tilespmem:$0x2850];
	[tilespmem:$0x2A00] =	vst v40  }
0x2f: {  	v46 =	vld [tilespmem:$0x2860];
	[tilespmem:$0x2A10] =	vst v41  }
0x30: {  	v47 =	vld [tilespmem:$0x2870];
	[tilespmem:$0x2A20] =	vst v42  }
0x31: {  	[tilespmem:$0x2A30] =	vst v43  }
0x32: {  	[tilespmem:$0x2A40] =	vst v44  }
0x33: {  	[tilespmem:$0x2A50] =	vst v45  }
0x34: {  	[tilespmem:$0x2A60] =	vst v46  }
0x35: {  	[tilespmem:$0x2A70] =	vst v47  }
0x36: {  	[tilespmem:s17], [sflag:$0x1] =	stream.linear.gather [hbm4b:s9+s4], $0x100, $0x38;
	[tilespmem:$0x3B80] =	vst v63  }
0x37: {  	_ = 	snop  }
0x38: {  	[tilespmem:s22], [sflag:$0x3] =	stream.indirect.gather [hbm4b:s1+s20], $0x10, s21, s20, $0xb8;
	[tilespmem:$0x3B80] =	vst v63  }
0x39: {  	_ =	swait.ge [sflag:s23], $0x800  }
0x3a: {  	[sflag:s23] =	ssyncset.done $0x0  }
0x3b: {  	[sflag:s23] =	ssyncadd.s32 $0xFFFFF800  }
0x3c: {  	[spmem:s3] =	stream.indirect.scatter.add.f32 [tilespmem:s22], [sflag:$0x4], $0x10, s24, s20, $0xb8;
	[tilespmem:$0x3B80] =	vst v63  }
0x3d: {  	_ =	swait.ge [sflag:s25], $0x100  }
0x3e: {  	[sflag:s25] =	ssyncset.done $0x0  }
0x3f: {  	[sflag:s25] =	ssyncadd.s32 $0xFFFFFF00  }
0x40: {  	v48 =	vld [tilespmem:$0x2880]  }
0x41: {  	v49 =	vld [tilespmem:$0x2890]  }
0x42: {  	v50 =	vld [tilespmem:$0x28A0]  }
0x43: {  	v51 =	vld [tilespmem:$0x28B0]  }
0x44: {  	v52 =	vld [tilespmem:$0x28C0]  }
0x45: {  	v53 =	vld [tilespmem:$0x28D0];
	[tilespmem:$0x2A80] =	vst v48  }
0x46: {  	v54 =	vld [tilespmem:$0x28E0];
	[tilespmem:$0x2A90] =	vst v49  }
0x47: {  	v55 =	vld [tilespmem:$0x28F0];
	[tilespmem:$0x2AA0] =	vst v50  }
0x48: {  	v56 =	vld [tilespmem:$0x2900];
	[tilespmem:$0x2AB0] =	vst v51  }
0x49: {  	v57 =	vld [tilespmem:$0x2910];
	[tilespmem:$0x2AC0] =	vst v52  }
0x4a: {  	v58 =	vld [tilespmem:$0x2920];
	[tilespmem:$0x2AD0] =	vst v53  }
0x4b: {  	v59 =	vld [tilespmem:$0x2930];
	[tilespmem:$0x2AE0] =	vst v54  }
0x4c: {  	v60 =	vld [tilespmem:$0x2940];
	[tilespmem:$0x2AF0] =	vst v55  }
0x4d: {  	v61 =	vld [tilespmem:$0x2950];
	[tilespmem:$0x2B00] =	vst v56  }
0x4e: {  	v62 =	vld [tilespmem:$0x2960];
	[tilespmem:$0x2B10] =	vst v57  }
0x4f: {  	v63 =	vld [tilespmem:$0x2970];
	[tilespmem:$0x2B20] =	vst v58  }
0x50: {  	[tilespmem:$0x2B30] =	vst v59  }
0x51: {  	[tilespmem:$0x2B40] =	vst v60  }
0x52: {  	[tilespmem:$0x2B50] =	vst v61  }
0x53: {  	[tilespmem:$0x2B60] =	vst v62  }
0x54: {  	[tilespmem:$0x2B70] =	vst v63  }
0x55: {  	[tilespmem:s18], [sflag:$0x2] =	stream.linear.gather [hbm4b:s10+s4], $0x100, $0x38;
	[tilespmem:$0x3B80] =	vst v63  }
0x56: {  	s2 =	simm.s32 $0x0  }
0x57: {  	[tilespmem:s28], [sflag:$0x3] =	stream.indirect.gather [hbm4b:s1+s20], $0x10, s26, s20, $0xb8;
	[tilespmem:$0x3B80] =	vst v63  }
.LBB2_2:
0x58: {  	_ =	swait.ge [sflag:s23], $0x800  }
0x59: {  	[sflag:s23] =	ssyncset.done $0x0  }
0x5a: {  	[sflag:s23] =	ssyncadd.s32 $0xFFFFF800  }
0x5b: {  	[spmem:s3] =	stream.indirect.scatter.add.f32 [tilespmem:s28], [sflag:$0x5], $0x10, s29, s20, $0xb8;
	[tilespmem:$0x3B80] =	vst v63  }
0x5c: {  	_ =	swait.ge [sflag:s19], $0x100  }
0x5d: {  	[sflag:s19] =	ssyncset.done $0x0  }
0x5e: {  	[sflag:s19] =	ssyncadd.s32 $0xFFFFFF00  }
0x5f: {  	_ =	swait.ge [sflag:s30], $0x800  }
0x60: {  	[sflag:s30] =	ssyncset.done $0x0  }
0x61: {  	[sflag:s30] =	ssyncadd.s32 $0xFFFFF800  }
0x62: {  	v0 =	vld [tilespmem:$0x2780]  }
0x63: {  	v1 =	vld [tilespmem:$0x2790]  }
0x64: {  	v2 =	vld [tilespmem:$0x27A0]  }
0x65: {  	v3 =	vld [tilespmem:$0x27B0]  }
0x66: {  	v4 =	vld [tilespmem:$0x27C0]  }
0x67: {  	v37 =	vld [tilespmem:$0x27D0];
	[tilespmem:$0x2980] =	vst v0  }
0x68: {  	v38 =	vld [tilespmem:$0x27E0];
	[tilespmem:$0x2990] =	vst v1  }
0x69: {  	v39 =	vld [tilespmem:$0x27F0];
	[tilespmem:$0x29A0] =	vst v2  }
0x6a: {  	v40 =	vld [tilespmem:$0x2800];
	[tilespmem:$0x29B0] =	vst v3  }
0x6b: {  	v41 =	vld [tilespmem:$0x2810];
	[tilespmem:$0x29C0] =	vst v4  }
0x6c: {  	v42 =	vld [tilespmem:$0x2820];
	[tilespmem:$0x29D0] =	vst v37  }
0x6d: {  	v43 =	vld [tilespmem:$0x2830];
	[tilespmem:$0x29E0] =	vst v38  }
0x6e: {  	v44 =	vld [tilespmem:$0x2840];
	[tilespmem:$0x29F0] =	vst v39  }
0x6f: {  	v45 =	vld [tilespmem:$0x2850];
	[tilespmem:$0x2A00] =	vst v40  }
0x70: {  	v46 =	vld [tilespmem:$0x2860];
	[tilespmem:$0x2A10] =	vst v41  }
0x71: {  	v47 =	vld [tilespmem:$0x2870];
	[tilespmem:$0x2A20] =	vst v42  }
0x72: {  	[tilespmem:$0x2A30] =	vst v43  }
0x73: {  	[tilespmem:$0x2A40] =	vst v44  }
0x74: {  	[tilespmem:$0x2A50] =	vst v45  }
0x75: {  	[tilespmem:$0x2A60] =	vst v46  }
0x76: {  	s5 =	sadd.s32 s2, s14;
	[tilespmem:$0x2A70] =	vst v47  }
0x77: {  	[tilespmem:s17], [sflag:$0x1] =	stream.linear.gather [hbm4b:s5+s4], $0x100, $0x38;
	[tilespmem:$0x3B80] =	vst v63  }
0x78: {  	_ = 	snop  }
0x79: {  	[tilespmem:s22], [sflag:$0x3] =	stream.indirect.gather [hbm4b:s1+s20], $0x10, s21, s20, $0xb8;
	[tilespmem:$0x3B80] =	vst v63  }
0x7a: {  	_ =	swait.ge [sflag:s23], $0x800  }
0x7b: {  	[sflag:s23] =	ssyncset.done $0x0  }
0x7c: {  	[sflag:s23] =	ssyncadd.s32 $0xFFFFF800  }
0x7d: {  	[spmem:s3] =	stream.indirect.scatter.add.f32 [tilespmem:s22], [sflag:$0x4], $0x10, s24, s20, $0xb8;
	[tilespmem:$0x3B80] =	vst v63  }
0x7e: {  	_ =	swait.ge [sflag:s25], $0x100  }
0x7f: {  	[sflag:s25] =	ssyncset.done $0x0  }
0x80: {  	[sflag:s25] =	ssyncadd.s32 $0xFFFFFF00  }
0x81: {  	_ =	swait.ge [sflag:s31], $0x800  }
0x82: {  	[sflag:s31] =	ssyncset.done $0x0  }
0x83: {  	[sflag:s31] =	ssyncadd.s32 $0xFFFFF800  }
0x84: {  	v48 =	vld [tilespmem:$0x2880]  }
0x85: {  	v49 =	vld [tilespmem:$0x2890]  }
0x86: {  	v50 =	vld [tilespmem:$0x28A0]  }
0x87: {  	v51 =	vld [tilespmem:$0x28B0]  }
0x88: {  	v52 =	vld [tilespmem:$0x28C0]  }
0x89: {  	v53 =	vld [tilespmem:$0x28D0];
	[tilespmem:$0x2A80] =	vst v48  }
0x8a: {  	v54 =	vld [tilespmem:$0x28E0];
	[tilespmem:$0x2A90] =	vst v49  }
0x8b: {  	v55 =	vld [tilespmem:$0x28F0];
	[tilespmem:$0x2AA0] =	vst v50  }
0x8c: {  	v56 =	vld [tilespmem:$0x2900];
	[tilespmem:$0x2AB0] =	vst v51  }
0x8d: {  	v57 =	vld [tilespmem:$0x2910];
	[tilespmem:$0x2AC0] =	vst v52  }
0x8e: {  	v58 =	vld [tilespmem:$0x2920];
	[tilespmem:$0x2AD0] =	vst v53  }
0x8f: {  	v59 =	vld [tilespmem:$0x2930];
	[tilespmem:$0x2AE0] =	vst v54  }
0x90: {  	v60 =	vld [tilespmem:$0x2940];
	[tilespmem:$0x2AF0] =	vst v55  }
0x91: {  	v61 =	vld [tilespmem:$0x2950];
	[tilespmem:$0x2B00] =	vst v56  }
0x92: {  	v62 =	vld [tilespmem:$0x2960];
	[tilespmem:$0x2B10] =	vst v57  }
0x93: {  	v63 =	vld [tilespmem:$0x2970];
	[tilespmem:$0x2B20] =	vst v58  }
0x94: {  	[tilespmem:$0x2B30] =	vst v59  }
0x95: {  	[tilespmem:$0x2B40] =	vst v60  }
0x96: {  	p0 =	sne.s32 s2, $0x980;
	[tilespmem:$0x2B50] =	vst v61  }
.Ltmp0:
0x97: {  	[tilespmem:$0x2B60] =	vst v62;
	(pc) =	sbr.rel @p0 .LBB2_2-.Ltmp0, $4  }
0x98: {  	s5 =	sadd.s32 s2, s13;
	[tilespmem:$0x2B70] =	vst v63  }
0x99: {  	[tilespmem:s18], [sflag:$0x2] =	stream.linear.gather [hbm4b:s5+s4], $0x100, $0x38;
	[tilespmem:$0x3B80] =	vst v63  }
0x9a: {  	s2 =	sadd.s32 $0x40, s2  }
0x9b: {  	[tilespmem:s28], [sflag:$0x3] =	stream.indirect.gather [hbm4b:s1+s20], $0x10, s26, s20, $0xb8;
	[tilespmem:$0x3B80] =	vst v63  }
0x9c: {  	_ =	swait.ge [sflag:s23], $0x800  }
0x9d: {  	[sflag:s23] =	ssyncset.done $0x0  }
0x9e: {  	[sflag:s23] =	ssyncadd.s32 $0xFFFFF800  }
0x9f: {  	[spmem:s3] =	stream.indirect.scatter.add.f32 [tilespmem:s28], [sflag:$0x5], $0x10, s29, s20, $0xb8;
	[tilespmem:$0x3B80] =	vst v63  }
0xa0: {  	_ =	swait.ge [sflag:s30], $0x800  }
0xa1: {  	[sflag:s30] =	ssyncset.done $0x0  }
0xa2: {  	[sflag:s30] =	ssyncadd.s32 $0xFFFFF800  }
0xa3: {  	_ =	swait.ge [sflag:s31], $0x800  }
0xa4: {  	[sflag:s31] =	ssyncset.done $0x0  }
0xa5: {  	[sflag:s31] =	ssyncadd.s32 $0xFFFFF800  }
0xa6: {  	_ =	swait.ge [sflag:s19], $0x100  }
0xa7: {  	[sflag:s19] =	ssyncset.done $0x0  }
0xa8: {  	[sflag:s19] =	ssyncadd.s32 $0xFFFFFF00  }
0xa9: {  	_ =	swait.ge [sflag:s25], $0x100  }
0xaa: {  	s0 =	sadd.s32 $0x1, s0;
	[sflag:s25] =	ssyncset.done $0x0  }
0xab: {  	p0 =	sne.s32 s0, s12;
	[sflag:s25] =	ssyncadd.s32 $0xFFFFFF00  }
.Ltmp1:
0xac: {  	[bflag:$0x0] =	sbarrier.arrive $0xFFFF;
	(pc) =	sbr.rel @p0 .LBB2_1-.Ltmp1, $4  }
0xad: {  	[hbm:s11], [sflag:s7] =	dma.local [spmem:s15], $0x4F0  }
0xae: {  	_ =	swait.ge [sflag:s16], $0x4F0  }
0xaf: {  	[sflag:s16] =	ssyncset.done $0x0  }
0xb0: {  	[sflag:s16] =	ssyncadd.s32 $0xFFFFFB10  }
0xb1: {  	_ =	sfence.sel $0x180000  }
0xb2: {  	[bflag:$0x0] =	sbarrier.arrive $0xFFFF  }
0xb3: {  	_ =	strace $0x9000004D  }
0xb4: {  	s0 =	stileid.u32;
	[bflag:$0x2] =	sbarrier.arrive $0xFFFF  }
0xb5: {  	p0 =	sne.s32 s0, $0x0;
	s0 =	rddreg [dreg:$0x3]  }
0xb6: {  	s0 =	sadd.s32 @!p0 $0x100000, s0  }
0xb7: {  	[sflag:s0] =	ssyncadd.tile.s32 @!p0 $0x1;
	_ =	shalt  }
.Lfunc_end2:
_tile_overlayer_lowered:
.L_overlay_start_2:
0xb8: {  	(tag) =	ssettag $0x2  }
0xb9: {  	s0 =	rddreg [dreg:$0x0];
	s2 =	stileid.u32  }
0xba: {  	s1 =	rddreg [dreg:$0x1];
	p0 =	sne.s32 s2, $0x0  }
0xbb: {  	s3 =	rddreg [dreg:$0x2];
	[bflag:$0x3] =	sbarrier.arrive $0xFFFF;
	s2 =	simm.s32 @!p0 $0x1C06  }
0xbc: {  	[timem:s3], [sflag:s2] =	dma.local @!p0 [hbm:s0], s1  }
0xbd: {  	s0 =	simm.s32 @!p0 $0x6  }
0xbe: {  	_ =	swait.ge @!p0 [sflag:s0], s1  }
0xbf: {  	s1 =	ssub.s32 @!p0 $0x0, s1;
	[sflag:s0] =	ssyncset.done @!p0 $0x0  }
0xc0: {  	[sflag:s0] =	ssyncadd.s32 @!p0 s1  }
0xc1: {  	[bflag:$0x3] =	sbarrier.arrive $0xFFFF  }
0xc2: {  	_ =	shalt  }

// kernel: kernel.8.cloned.1.call-start
scs
__scs_entry_jumppad:
0x0: {  	(pc) =	sbr.rel $0x88, $3  }
0x1: {  	(tag) =	ssettag $0x0;
	lr =	simm.s32 $0x1  }
0x2: {  	[smem:$0x3F9A] =	sst lr;
	_ =	strace $0xD0000000  }
0x3: {  	_ = 	snop  }
0x4: {  	_ = 	snop  }
0x5: {  	_ = 	snop  }
0x6: {  	_ = 	snop  }
0x7: {  	_ = 	snop  }
__scs_overlays_trampoline_lowered:
0x8: {  	[smem:$0x3FA9] =	sst s0  }
0x9: {  	[smem:$0x3FAA] =	sst s1  }
0xa: {  	[smem:$0x3FAB] =	sst s2  }
0xb: {  	[smem:$0x3FAC] =	sst s3  }
0xc: {  	[smem:$0x3FAD] =	sst s4  }
0xd: {  	[smem:$0x3FAE] =	sst s5  }
0xe: {  	[smem:$0x3FAF] =	sst s6  }
0xf: {  	[smem:$0x3FB0] =	sst s7  }
0x10: {  	[smem:$0x3FB1] =	sst s8  }
0x11: {  	[smem:$0x3FB2] =	sst s9;
	s0 =	simm.s32 @!p0 $0x0  }
0x12: {  	s1 =	sld [smem:$0x3F98];
	s0 =	simm.s32 @p0 $0x1  }
0x13: {  	[smem:$0x3FB3] =	sst s0;
	s0 =	simm.s32 @!p1 $0x0  }
0x14: {  	s2 =	sld [smem:$0x3F97];
	s0 =	simm.s32 @p1 $0x1  }
0x15: {  	[smem:$0x3FB4] =	sst s0;
	s0 =	simm.s32 @!p2 $0x0  }
0x16: {  	s3 =	sld [smem:$0x3FDB];
	s0 =	simm.s32 @p2 $0x1  }
0x17: {  	s4 =	simm.s32 $0x1BF5;
	[smem:$0x3FB6] =	sst s0  }
0x18: {  	s0 =	sld [smem:$0x3F99];
	_ =	swait.ge [sflag:s4], $0x0  }
0x19: {  	s7 =	sld [smem:$0x3F9A]  }
0x1a: {  	s8 =	sadd.s32 $0xFFFFE003, lr  }
0x1b: {  	s9 =	sadd.s32 $0xFFFFFEF7, lr;
	s5 =	simm.s32 $0xFFFFFFFF;
	p2 =	slt.u32 s8, $0xFFFFF086  }
0x1c: {  	p1 =	slt.u32 s9, $0xF7A;
	s5 =	simm.s32 @!p2 $0x0  }
0x1d: {  	s5 =	simm.s32 @p1 $0x1;
	p0 =	seq.s32 s7, s2  }
0x1e: {  	s7 =	smul.u32 @!p0 $0xF7A, s2;
	p2 =	seq.s32 @!p0 s5, $0x0  }
0x1f: {  	s9 =	smul.u32 $0xF7A, s1;
	s8 =	simm.s32 @!p0 $0x1BF5;
	p2 =	por !p2, p0  }
0x20: {  	[sflag:s8] =	ssyncset.s32 @!p0 $0xFFFFF086;
	s6 =	sadd.s32 @!p0 s3, s7;
	s7 =	simm.s32 @!p0 $0x108  }
0x21: {  	s3 =	sadd.s32 s3, s9;
	s6 =	sadd.s32 @!p0 $0x88, s6;
	s7 =	simm.s32 @p2 $0x1082  }
0x22: {  	[simem:s7], [sflag:s8] =	dma.local @!p0 [hbm:s6], $0xF7A  }
0x23: {  	s9 =	sor.u32 $0xD0000000, s2;
	s6 =	simm.s32 $0x108;
	_ =	swait.ge @!p0 [sflag:s8], $0x0  }
0x24: {  	s3 =	sadd.s32 $0x88, s3;
	s6 =	simm.s32 @!p1 $0x1082;
	[sflag:s4] =	ssyncset.s32 $0xFFFFF086  }
0x25: {  	[simem:s6], [sflag:s4] =	dma.local [hbm:s3], $0xF7A  }
0x26: {  	[smem:$0x3F9A] =	sst s1;
	(tag) =	ssettag s2;
	_ =	strace s9  }
0x27: {  	s1 =	sld [smem:$0x3FAA]  }
0x28: {  	s2 =	sld [smem:$0x3FAB]  }
0x29: {  	s4 =	sld [smem:$0x3FAD]  }
0x2a: {  	p0 =	seq.s32 s5, $0x0;
	s5 =	sld [smem:$0x3FAE]  }
0x2b: {  	s6 =	sld [smem:$0x3FAF]  }
0x2c: {  	s7 =	sld [smem:$0x3FB0]  }
0x2d: {  	s3 =	simm.s32 $0x108;
	s8 =	sld [smem:$0x3FB1]  }
0x2e: {  	s3 =	simm.s32 @!p0 $0x1082;
	s9 =	sld [smem:$0x3FB2]  }
0x2f: {  	lr =	sadd.s32 s0, s3;
	s0 =	sld [smem:$0x3FA9]  }
0x30: {  	s3 =	sld [smem:$0x3FAC]  }
0x31: {  	[smem:$0x3FB5] =	sst s10  }
0x32: {  	s10 =	sld [smem:$0x3FB3];
	_ =	sdelay $0x3  }
0x33: {  	p0 =	seq.s32 s10, $0x1;
	s10 =	sld [smem:$0x3FB5];
	_ =	sdelay $0x3  }
0x34: {  	[smem:$0x3FB5] =	sst s10  }
0x35: {  	s10 =	sld [smem:$0x3FB4];
	_ =	sdelay $0x3  }
0x36: {  	p1 =	seq.s32 s10, $0x1;
	s10 =	sld [smem:$0x3FB5];
	_ =	sdelay $0x3  }
0x37: {  	[smem:$0x3FB5] =	sst s10  }
0x38: {  	s10 =	sld [smem:$0x3FB6]  }
0x39: {  	_ = 	snop;
	(pc) =	sbr.ind lr, $3  }
0x3a: {  	_ = 	snop  }
0x3b: {  	_ = 	snop  }
0x3c: {  	p2 =	seq.s32 s10, $0x1;
	s10 =	sld [smem:$0x3FB5]  }
0x3d: {  	_ =	shalt  }
0x3e: {  	_ =	shalt  }
0x3f: {  	_ =	shalt  }
0x40: {  	_ =	shalt  }
0x41: {  	_ =	shalt  }
0x42: {  	_ =	shalt  }
0x43: {  	_ =	shalt  }
0x44: {  	_ =	shalt  }
0x45: {  	_ =	shalt  }
0x46: {  	_ =	shalt  }
0x47: {  	_ =	shalt  }
0x48: {  	_ =	shalt  }
0x49: {  	_ =	shalt  }
0x4a: {  	_ =	shalt  }
0x4b: {  	_ =	shalt  }
0x4c: {  	_ =	shalt  }
0x4d: {  	_ =	shalt  }
0x4e: {  	_ =	shalt  }
0x4f: {  	_ =	shalt  }
0x50: {  	_ =	shalt  }
0x51: {  	_ =	shalt  }
0x52: {  	_ =	shalt  }
0x53: {  	_ =	shalt  }
0x54: {  	_ =	shalt  }
0x55: {  	_ =	shalt  }
0x56: {  	_ =	shalt  }
0x57: {  	_ =	shalt  }
0x58: {  	_ =	shalt  }
0x59: {  	_ =	shalt  }
0x5a: {  	_ =	shalt  }
0x5b: {  	_ =	shalt  }
0x5c: {  	_ =	shalt  }
0x5d: {  	_ =	shalt  }
0x5e: {  	_ =	shalt  }
0x5f: {  	_ =	shalt  }
0x60: {  	_ =	shalt  }
0x61: {  	_ =	shalt  }
0x62: {  	_ =	shalt  }
0x63: {  	_ =	shalt  }
0x64: {  	_ =	shalt  }
0x65: {  	_ =	shalt  }
0x66: {  	_ =	shalt  }
0x67: {  	_ =	shalt  }
0x68: {  	_ =	shalt  }
0x69: {  	_ =	shalt  }
0x6a: {  	_ =	shalt  }
0x6b: {  	_ =	shalt  }
0x6c: {  	_ =	shalt  }
0x6d: {  	_ =	shalt  }
0x6e: {  	_ =	shalt  }
0x6f: {  	_ =	shalt  }
0x70: {  	_ =	shalt  }
0x71: {  	_ =	shalt  }
0x72: {  	_ =	shalt  }
0x73: {  	_ =	shalt  }
0x74: {  	_ =	shalt  }
0x75: {  	_ =	shalt  }
0x76: {  	_ =	shalt  }
0x77: {  	_ =	shalt  }
0x78: {  	_ =	shalt  }
0x79: {  	_ =	shalt  }
0x7a: {  	_ =	shalt  }
0x7b: {  	_ =	shalt  }
0x7c: {  	_ =	shalt  }
0x7d: {  	_ =	shalt  }
0x7e: {  	_ =	shalt  }
0x7f: {  	_ =	shalt  }
0x80: {  	_ =	shalt  }
0x81: {  	_ =	shalt  }
0x82: {  	_ =	shalt  }
0x83: {  	_ =	shalt  }
0x84: {  	_ =	shalt  }
0x85: {  	_ =	shalt  }
0x86: {  	_ =	shalt  }
0x87: {  	_ =	shalt  }
.Lfunc_end0:
.L_simem_size_0:
called_computation_lowered:
.L_overlay_start_0:
0x88: {  	s2 =	sld [smem:$0x3FD9]  }
0x89: {  	s3 =	sld [smem:$0x3FFE];
	_ =	sdelay $0x1  }
0x8a: {  	s1 =	srdreg.scid  }
0x8b: {  	s0 =	sand.u32 $0x1, s1  }
0x8c: {  	s17 =	sshll.u32 s0, $0xA;
	s2 =	sadd.s32 s3, s2  }
0x8d: {  	s2 =	sadd.s32 s2, s17  }
0x8e: {  	[smem:$0x3FC1] =	sst s2  }
0x8f: {  	_ = 	snop  }
0x90: {  	s2 =	sld [smem:$0x3FD0];
	(tm) =	ssettm $0x1  }
0x91: {  	s18 =	sld [smem:$0x3FFB];
	_ =	sdelay $0x3  }
0x92: {  	_ =	strace s18  }
0x93: {  	s3 =	sld [smem:$0x3FFC];
	_ =	sdelay $0x3  }
0x94: {  	_ =	strace s3  }
0x95: {  	s3 =	sld [smem:$0x3FFD];
	_ =	sdelay $0x3  }
0x96: {  	_ =	strace s3  }
0x97: {  	_ =	strace $0x8FFFFFFF  }
0x98: {  	s19 =	sld [smem:$0x3FDB];
	_ =	sdelay $0x1  }
0x99: {  	s4 =	simm.s32 $_scs_section_size  }
0x9a: {  	s5 =	simm.s32 $_size__tile_overlayer_lowered;
	s6 =	simm.s32 $_tile_overlayer_lowered  }
0x9b: {  	s22 =	simm.s32 $0x1BFF;
	s21 =	sshll.u32 s6, $0x1;
	s3 =	sadd.s32 s4, s19  }
0x9c: {  	s7 =	simm.s32 $0x0;
	s20 =	sshll.u32 s5, $0x1;
	s5 =	sadd.s32 s21, s3  }
0x9d: {  	[timem:s7], [sflag:s22] =	dma.local [hbm:s5], s20  }
0x9e: {  	_ =	swait.ge [sflag:s22], s20  }
0x9f: {  	s4 =	ssub.s32 $0x0, s20;
	[sflag:s22] =	ssyncset.done $0x0  }
0xa0: {  	[sflag:s22] =	ssyncadd.s32 s4;
	_ =	sdelay $0x1  }
0xa1: {  	s23 =	simm.s32 $0x1B8B  }
0xa2: {  	_ =	swait.ge [sflag:s23], $0x1  }
0xa3: {  	[sflag:s23] =	ssyncset.done $0x0  }
0xa4: {  	s25 =	simm.s32 $0x1B8E;
	s24 =	sld [smem:$0x3FFE];
	[sflag:s23] =	ssyncadd.s32 $0xFFFFFFFF  }
0xa5: {  	s26 =	simm.s32 $execute0_lowered;
	[smem:$0x3FD2] =	sst s25  }
0xa6: {  	s5 =	sshll.u32 s26, $0x1;
	_ =	strace $0x80000046;
	[dreg:$0x1] =	wrdreg $0xFFFFFFFF  }
0xa7: {  	s28 =	simm.s32 $_size_execute0_lowered;
	s3 =	sadd.s32 s3, s5;
	[dreg:$0x0] =	wrdreg $0x0  }
0xa8: {  	s5 =	sshll.u32 s28, $0x1;
	[dreg:$0x2] =	wrdreg s3  }
0xa9: {  	[dreg:$0x3] =	wrdreg s5  }
0xaa: {  	[dreg:$0x4] =	wrdreg $0xC0  }
0xab: {  	_ =	task [dreg:s7], $0x5FFFF  }
0xac: {  	[dreg:$0x1] =	wrdreg $0xFFFFFFFF  }
0xad: {  	[dreg:$0x0] =	wrdreg $0x60  }
0xae: {  	[dreg:$0x2] =	wrdreg s24  }
0xaf: {  	[dreg:$0x3] =	wrdreg s2  }
0xb0: {  	[dreg:$0x4] =	wrdreg $0x0  }
0xb1: {  	[dreg:$0x5] =	wrdreg $0x9  }
0xb2: {  	_ =	task.clear_ibuf [dreg:s7], $0x6FFFF;
	_ =	strace $0x90000046  }
0xb3: {  	s29 =	simm.s32 $0x9;
	_ =	strace $0x80000048  }
0xb4: {  	_ =	swait.ge [sflag:s29], $0x1  }
0xb5: {  	[sflag:s29] =	ssyncadd.s32 $0xFFFFFFFF  }
0xb6: {  	_ =	strace $0x90000048  }
0xb7: {  	_ =	sfence  }
0xb8: {  	s30 =	sld [smem:$0x0];
	_ =	sdelay $0x2  }
0xb9: {  	s31 =	sshll.u32 s1, $0xD;
	s1 =	sshrl.u32 s1, $0x2  }
0xba: {  	s3 =	sand.u32 $0x4000, s31;
	s1 =	sadd.s32 s1, s30  }
0xbb: {  	s0 =	sor.u32 s3, s0;
	s1 =	sshll.u32 s1, $0x11  }
0xbc: {  	s0 =	sor.u32 s1, s0  }
0xbd: {  	s0 =	sadd.s32 $0x8F2B, s0  }
0xbe: {  	[sflag:s0] =	ssyncadd.remote.s32 $0x1  }
0xbf: {  	_ =	sfence.sel $0xFFFF  }
0xc0: {  	[dreg:$0x0] =	wrdreg $0xFFFFFFFF;
	(pc) =	sbr.abs _section_cstart, $3  }
0xc1: {  	[dreg:$0x1] =	wrdreg $0xFFFFFFFF  }
0xc2: {  	_ =	task.clear_ibuf [dreg:s7], $0x2FFFF;
	_ =	strace $0x9FFFFFFF  }
0xc3: {  	(tm) =	ssettm $0x7FFFFFFF  }
tec
execute0_lowered:
.L_overlay_start_1:
0x0: {  	(tag) =	ssettag $0x1  }
0x1: {  	s6 =	rddreg [dreg:$0x0]  }
0x2: {  	s1 =	rddreg [dreg:$0x1]  }
0x3: {  	s3 =	rddreg [dreg:$0x2]  }
0x4: {  	s0 =	rddreg [dreg:$0x3]  }
0x5: {  	s4 =	simm.s32 $0x0;
	s5 =	srdreg.scid;
	s2 =	stileid.u32  }
0x6: {  	s17 =	simm.s32 $0x2B80;
	s18 =	simm.s32 $0x2780;
	s19 =	simm.s32 $0x2880  }
0x7: {  	s20 =	simm.s32 $0x1;
	s21 =	simm.s32 $0x80;
	s22 =	simm.s32 $0x2980  }
0x8: {  	s23 =	simm.s32 $0x2;
	s24 =	simm.s32 $0x2A80;
	s25 =	simm.s32 $0x3  }
0x9: {  	s26 =	simm.s32 $0x4;
	s28 =	simm.s32 $0x0;
	[smem:$0x7FF] =	sst s4  }
0xa: {  	s7 =	sand.u32 $0x1, s5;
	s8 =	smul.u32 $0x2780, s2;
	s13 =	sadd.s32 $0x3200, s6  }
0xb: {  	s5 =	sadd.s32 $0x17400, s6;
	s29 =	smul.u32 $0x50, s2;
	s30 =	sshll.u32 s2, $0x6  }
0xc: {  	_ =	strace $0x80000047;
	s9 =	smul.u32 $0x27800, s7;
	s10 =	sshll.u32 s7, $0x4  }
0xd: {  	s11 =	ssub.s32 $0x2, s7;
	s14 =	smul.u32 $0x500, s7;
	s7 =	sor.u32 $0x1C05, s30  }
0xe: {  	s10 =	sor.u32 s2, s10;
	s12 =	sshrl.u32 s11, $0x1;
	s16 =	sadd.s32 s8, s3  }
0xf: {  	s9 =	sadd.s32 s8, s9;
	s10 =	smul.u32 $0xA00, s10;
	s31 =	sadd.s32 s29, s14  }
0x10: {  	s12 =	ssub.s32 s11, s12;
	s9 =	sshrl.u32 s9, $0x3;
	s14 =	sshll.u32 s31, $0x5  }
0x11: {  	s12 =	smax.u32 s12, $0x1;
	s15 =	sadd.s32 s9, s6;
	s6 =	sadd.s32 s13, s10  }
0x12: {  	s14 =	sadd.s32 s14, s13;
	s8 =	sadd.s32 $0x20, s6;
	s9 =	sadd.s32 $0x40, s6  }
0x13: {  	s10 =	sadd.s32 $0x60, s6;
	s11 =	sadd.s32 $0x17A00, s15;
	s13 =	sadd.s32 $0xA0, s14  }
0x14: {  	s14 =	sadd.s32 $0x80, s14;
	s15 =	sshrl.u32 s16, $0x3;
	s16 =	simm.s32 $0x5  }
.LBB2_1:
0x15: {  	[spmem:s15], [sflag:s7] =	dma.local [hbm:s5], $0x4F0  }
0x16: {  	_ =	swait.ge [sflag:s16], $0x4F0  }
0x17: {  	[sflag:s16] =	ssyncset.done $0x0  }
0x18: {  	[sflag:s16] =	ssyncadd.s32 $0xFFFFFB10  }
0x19: {  	[tilespmem:s17], [sflag:$0x5] =	stream.linear.gather [hbm4b:s1+s4], $0x800, $0x38;
	[tilespmem:$0x3380] =	vst v63  }
0x1a: {  	_ =	swait.ge [sflag:s16], $0x800  }
0x1b: {  	[sflag:s16] =	ssyncset.done $0x0  }
0x1c: {  	[sflag:s16] =	ssyncadd.s32 $0xFFFFF800  }
0x1d: {  	[bflag:$0x0] =	sbarrier.arrive $0xFFFF  }
0x1e: {  	[tilespmem:s18], [sflag:$0x1] =	stream.linear.gather [hbm4b:s6+s4], $0x100, $0x38;
	[tilespmem:$0x3380] =	vst v63  }
0x1f: {  	_ = 	snop  }
0x20: {  	[tilespmem:s19], [sflag:$0x2] =	stream.linear.gather [hbm4b:s8+s4], $0x100, $0x38;
	[tilespmem:$0x3380] =	vst v63  }
0x21: {  	_ =	swait.ge [sflag:s20], $0x100  }
0x22: {  	[sflag:s20] =	ssyncset.done $0x0  }
0x23: {  	[sflag:s20] =	ssyncadd.s32 $0xFFFFFF00  }
0x24: {  	v0 =	vld [tilespmem:$0x2780]  }
0x25: {  	v1 =	vld [tilespmem:$0x2790]  }
0x26: {  	v2 =	vld [tilespmem:$0x27A0]  }
0x27: {  	v3 =	vld [tilespmem:$0x27B0]  }
0x28: {  	v4 =	vld [tilespmem:$0x27C0]  }
0x29: {  	v37 =	vld [tilespmem:$0x27D0];
	[tilespmem:$0x2980] =	vst v0  }
0x2a: {  	v38 =	vld [tilespmem:$0x27E0];
	[tilespmem:$0x2990] =	vst v1  }
0x2b: {  	v39 =	vld [tilespmem:$0x27F0];
	[tilespmem:$0x29A0] =	vst v2  }
0x2c: {  	v40 =	vld [tilespmem:$0x2800];
	[tilespmem:$0x29B0] =	vst v3  }
0x2d: {  	v41 =	vld [tilespmem:$0x2810];
	[tilespmem:$0x29C0] =	vst v4  }
0x2e: {  	v42 =	vld [tilespmem:$0x2820];
	[tilespmem:$0x29D0] =	vst v37  }
0x2f: {  	v43 =	vld [tilespmem:$0x2830];
	[tilespmem:$0x29E0] =	vst v38  }
0x30: {  	v44 =	vld [tilespmem:$0x2840];
	[tilespmem:$0x29F0] =	vst v39  }
0x31: {  	v45 =	vld [tilespmem:$0x2850];
	[tilespmem:$0x2A00] =	vst v40  }
0x32: {  	v46 =	vld [tilespmem:$0x2860];
	[tilespmem:$0x2A10] =	vst v41  }
0x33: {  	v47 =	vld [tilespmem:$0x2870];
	[tilespmem:$0x2A20] =	vst v42  }
0x34: {  	[tilespmem:$0x2A30] =	vst v43  }
0x35: {  	[tilespmem:$0x2A40] =	vst v44  }
0x36: {  	[tilespmem:$0x2A50] =	vst v45  }
0x37: {  	[tilespmem:$0x2A60] =	vst v46  }
0x38: {  	[tilespmem:$0x2A70] =	vst v47  }
0x39: {  	[tilespmem:s18], [sflag:$0x1] =	stream.linear.gather [hbm4b:s9+s4], $0x100, $0x38;
	[tilespmem:$0x3380] =	vst v63  }
0x3a: {  	_ = 	snop  }
0x3b: {  	[spmem:s3] =	stream.indirect.scatter.add.f32 [tilespmem:s17], [sflag:$0x3], $0x10, s22, s21, $0xb8;
	[tilespmem:$0x3380] =	vst v63  }
0x3c: {  	_ =	swait.ge [sflag:s23], $0x100  }
0x3d: {  	[sflag:s23] =	ssyncset.done $0x0  }
0x3e: {  	[sflag:s23] =	ssyncadd.s32 $0xFFFFFF00  }
0x3f: {  	v48 =	vld [tilespmem:$0x2880]  }
0x40: {  	v49 =	vld [tilespmem:$0x2890]  }
0x41: {  	v50 =	vld [tilespmem:$0x28A0]  }
0x42: {  	v51 =	vld [tilespmem:$0x28B0]  }
0x43: {  	v52 =	vld [tilespmem:$0x28C0]  }
0x44: {  	v53 =	vld [tilespmem:$0x28D0];
	[tilespmem:$0x2A80] =	vst v48  }
0x45: {  	v54 =	vld [tilespmem:$0x28E0];
	[tilespmem:$0x2A90] =	vst v49  }
0x46: {  	v55 =	vld [tilespmem:$0x28F0];
	[tilespmem:$0x2AA0] =	vst v50  }
0x47: {  	v56 =	vld [tilespmem:$0x2900];
	[tilespmem:$0x2AB0] =	vst v51  }
0x48: {  	v57 =	vld [tilespmem:$0x2910];
	[tilespmem:$0x2AC0] =	vst v52  }
0x49: {  	v58 =	vld [tilespmem:$0x2920];
	[tilespmem:$0x2AD0] =	vst v53  }
0x4a: {  	v59 =	vld [tilespmem:$0x2930];
	[tilespmem:$0x2AE0] =	vst v54  }
0x4b: {  	v60 =	vld [tilespmem:$0x2940];
	[tilespmem:$0x2AF0] =	vst v55  }
0x4c: {  	v61 =	vld [tilespmem:$0x2950];
	[tilespmem:$0x2B00] =	vst v56  }
0x4d: {  	v62 =	vld [tilespmem:$0x2960];
	[tilespmem:$0x2B10] =	vst v57  }
0x4e: {  	v63 =	vld [tilespmem:$0x2970];
	[tilespmem:$0x2B20] =	vst v58  }
0x4f: {  	[tilespmem:$0x2B30] =	vst v59  }
0x50: {  	[tilespmem:$0x2B40] =	vst v60  }
0x51: {  	[tilespmem:$0x2B50] =	vst v61  }
0x52: {  	[tilespmem:$0x2B60] =	vst v62  }
0x53: {  	s29 =	simm.s32 $0x0;
	[tilespmem:$0x2B70] =	vst v63  }
0x54: {  	[tilespmem:s19], [sflag:$0x2] =	stream.linear.gather [hbm4b:s10+s4], $0x100, $0x38;
	[tilespmem:$0x3380] =	vst v63  }
.LBB2_2:
0x55: {  	[spmem:s3] =	stream.indirect.scatter.add.f32 [tilespmem:s17], [sflag:$0x4], $0x10, s24, s21, $0xb8;
	[tilespmem:$0x3380] =	vst v63  }
0x56: {  	_ =	swait.ge [sflag:s20], $0x100  }
0x57: {  	[sflag:s20] =	ssyncset.done $0x0  }
0x58: {  	[sflag:s20] =	ssyncadd.s32 $0xFFFFFF00  }
0x59: {  	_ =	swait.ge [sflag:s25], $0x800  }
0x5a: {  	[sflag:s25] =	ssyncset.done $0x0  }
0x5b: {  	[sflag:s25] =	ssyncadd.s32 $0xFFFFF800  }
0x5c: {  	v0 =	vld [tilespmem:$0x2780]  }
0x5d: {  	v1 =	vld [tilespmem:$0x2790]  }
0x5e: {  	v2 =	vld [tilespmem:$0x27A0]  }
0x5f: {  	v3 =	vld [tilespmem:$0x27B0]  }
0x60: {  	v4 =	vld [tilespmem:$0x27C0]  }
0x61: {  	v37 =	vld [tilespmem:$0x27D0];
	[tilespmem:$0x2980] =	vst v0  }
0x62: {  	v38 =	vld [tilespmem:$0x27E0];
	[tilespmem:$0x2990] =	vst v1  }
0x63: {  	v39 =	vld [tilespmem:$0x27F0];
	[tilespmem:$0x29A0] =	vst v2  }
0x64: {  	v40 =	vld [tilespmem:$0x2800];
	[tilespmem:$0x29B0] =	vst v3  }
0x65: {  	v41 =	vld [tilespmem:$0x2810];
	[tilespmem:$0x29C0] =	vst v4  }
0x66: {  	v42 =	vld [tilespmem:$0x2820];
	[tilespmem:$0x29D0] =	vst v37  }
0x67: {  	v43 =	vld [tilespmem:$0x2830];
	[tilespmem:$0x29E0] =	vst v38  }
0x68: {  	v44 =	vld [tilespmem:$0x2840];
	[tilespmem:$0x29F0] =	vst v39  }
0x69: {  	v45 =	vld [tilespmem:$0x2850];
	[tilespmem:$0x2A00] =	vst v40  }
0x6a: {  	v46 =	vld [tilespmem:$0x2860];
	[tilespmem:$0x2A10] =	vst v41  }
0x6b: {  	v47 =	vld [tilespmem:$0x2870];
	[tilespmem:$0x2A20] =	vst v42  }
0x6c: {  	[tilespmem:$0x2A30] =	vst v43  }
0x6d: {  	[tilespmem:$0x2A40] =	vst v44  }
0x6e: {  	[tilespmem:$0x2A50] =	vst v45  }
0x6f: {  	[tilespmem:$0x2A60] =	vst v46  }
0x70: {  	s30 =	sadd.s32 s29, s14;
	[tilespmem:$0x2A70] =	vst v47  }
0x71: {  	[tilespmem:s18], [sflag:$0x1] =	stream.linear.gather [hbm4b:s30+s4], $0x100, $0x38;
	[tilespmem:$0x3380] =	vst v63  }
0x72: {  	_ = 	snop  }
0x73: {  	[spmem:s3] =	stream.indirect.scatter.add.f32 [tilespmem:s17], [sflag:$0x3], $0x10, s22, s21, $0xb8;
	[tilespmem:$0x3380] =	vst v63  }
0x74: {  	_ =	swait.ge [sflag:s23], $0x100  }
0x75: {  	[sflag:s23] =	ssyncset.done $0x0  }
0x76: {  	[sflag:s23] =	ssyncadd.s32 $0xFFFFFF00  }
0x77: {  	_ =	swait.ge [sflag:s26], $0x800  }
0x78: {  	[sflag:s26] =	ssyncset.done $0x0  }
0x79: {  	[sflag:s26] =	ssyncadd.s32 $0xFFFFF800  }
0x7a: {  	v48 =	vld [tilespmem:$0x2880]  }
0x7b: {  	v49 =	vld [tilespmem:$0x2890]  }
0x7c: {  	v50 =	vld [tilespmem:$0x28A0]  }
0x7d: {  	v51 =	vld [tilespmem:$0x28B0]  }
0x7e: {  	v52 =	vld [tilespmem:$0x28C0]  }
0x7f: {  	v53 =	vld [tilespmem:$0x28D0];
	[tilespmem:$0x2A80] =	vst v48  }
0x80: {  	v54 =	vld [tilespmem:$0x28E0];
	[tilespmem:$0x2A90] =	vst v49  }
0x81: {  	v55 =	vld [tilespmem:$0x28F0];
	[tilespmem:$0x2AA0] =	vst v50  }
0x82: {  	v56 =	vld [tilespmem:$0x2900];
	[tilespmem:$0x2AB0] =	vst v51  }
0x83: {  	v57 =	vld [tilespmem:$0x2910];
	[tilespmem:$0x2AC0] =	vst v52  }
0x84: {  	v58 =	vld [tilespmem:$0x2920];
	[tilespmem:$0x2AD0] =	vst v53  }
0x85: {  	v59 =	vld [tilespmem:$0x2930];
	[tilespmem:$0x2AE0] =	vst v54  }
0x86: {  	v60 =	vld [tilespmem:$0x2940];
	[tilespmem:$0x2AF0] =	vst v55  }
0x87: {  	v61 =	vld [tilespmem:$0x2950];
	[tilespmem:$0x2B00] =	vst v56  }
0x88: {  	v62 =	vld [tilespmem:$0x2960];
	[tilespmem:$0x2B10] =	vst v57  }
0x89: {  	v63 =	vld [tilespmem:$0x2970];
	[tilespmem:$0x2B20] =	vst v58  }
0x8a: {  	p0 =	sne.s32 s29, $0x980;
	[tilespmem:$0x2B30] =	vst v59  }
.Ltmp0:
0x8b: {  	[tilespmem:$0x2B40] =	vst v60;
	(pc) =	sbr.rel @p0 .LBB2_2-.Ltmp0, $4  }
0x8c: {  	[tilespmem:$0x2B50] =	vst v61  }
0x8d: {  	[tilespmem:$0x2B60] =	vst v62  }
0x8e: {  	s31 =	sadd.s32 s29, s13;
	s29 =	sadd.s32 $0x40, s29;
	[tilespmem:$0x2B70] =	vst v63  }
0x8f: {  	[tilespmem:s19], [sflag:$0x2] =	stream.linear.gather [hbm4b:s31+s4], $0x100, $0x38;
	[tilespmem:$0x3380] =	vst v63  }
0x90: {  	[spmem:s3] =	stream.indirect.scatter.add.f32 [tilespmem:s17], [sflag:$0x4], $0x10, s24, s21, $0xb8;
	[tilespmem:$0x3380] =	vst v63  }
0x91: {  	_ =	swait.ge [sflag:s25], $0x800  }
0x92: {  	[sflag:s25] =	ssyncset.done $0x0  }
0x93: {  	[sflag:s25] =	ssyncadd.s32 $0xFFFFF800  }
0x94: {  	_ =	swait.ge [sflag:s26], $0x800  }
0x95: {  	[sflag:s26] =	ssyncset.done $0x0  }
0x96: {  	[sflag:s26] =	ssyncadd.s32 $0xFFFFF800  }
0x97: {  	_ =	swait.ge [sflag:s20], $0x100  }
0x98: {  	[sflag:s20] =	ssyncset.done $0x0  }
0x99: {  	[sflag:s20] =	ssyncadd.s32 $0xFFFFFF00  }
0x9a: {  	_ =	swait.ge [sflag:s23], $0x100  }
0x9b: {  	s28 =	sadd.s32 $0x1, s28;
	[sflag:s23] =	ssyncset.done $0x0  }
0x9c: {  	p0 =	sne.s32 s28, s12;
	[sflag:s23] =	ssyncadd.s32 $0xFFFFFF00  }
.Ltmp1:
0x9d: {  	[bflag:$0x0] =	sbarrier.arrive $0xFFFF;
	(pc) =	sbr.rel @p0 .LBB2_1-.Ltmp1, $4  }
0x9e: {  	[hbm:s11], [sflag:s7] =	dma.local [spmem:s15], $0x4F0  }
0x9f: {  	_ =	swait.ge [sflag:s16], $0x4F0  }
0xa0: {  	[sflag:s16] =	ssyncset.done $0x0  }
0xa1: {  	[sflag:s16] =	ssyncadd.s32 $0xFFFFFB10  }
0xa2: {  	_ =	sfence.sel $0x180000  }
0xa3: {  	[bflag:$0x0] =	sbarrier.arrive $0xFFFF  }
0xa4: {  	p0 =	sne.s32 s2, $0x0;
	_ =	strace $0x90000047  }
0xa5: {  	s0 =	sadd.s32 @!p0 $0x100000, s0;
	[bflag:$0x2] =	sbarrier.arrive $0xFFFF  }
0xa6: {  	[sflag:s0] =	ssyncadd.tile.s32 @!p0 $0x1;
	_ =	shalt  }
.Lfunc_end2:
_tile_overlayer_lowered:
.L_overlay_start_2:
0xa7: {  	(tag) =	ssettag $0x2  }
0xa8: {  	s0 =	rddreg [dreg:$0x0];
	s2 =	stileid.u32  }
0xa9: {  	s1 =	rddreg [dreg:$0x1];
	p0 =	sne.s32 s2, $0x0  }
0xaa: {  	s3 =	rddreg [dreg:$0x2];
	[bflag:$0x3] =	sbarrier.arrive $0xFFFF;
	s2 =	simm.s32 @!p0 $0x1C05  }
0xab: {  	[timem:s3], [sflag:s2] =	dma.local @!p0 [hbm:s0], s1  }
0xac: {  	s0 =	simm.s32 @!p0 $0x5  }
0xad: {  	_ =	swait.ge @!p0 [sflag:s0], s1  }
0xae: {  	s1 =	ssub.s32 @!p0 $0x0, s1;
	[sflag:s0] =	ssyncset.done @!p0 $0x0  }
0xaf: {  	[sflag:s0] =	ssyncadd.s32 @!p0 s1  }
0xb0: {  	[bflag:$0x3] =	sbarrier.arrive $0xFFFF  }
0xb1: {  	_ =	shalt  }

</sc_bundles>
